<compile_context>
chip_gen: v7x
topology: tpu7x:2x2x1
jax: 0.10.2.dev20260603
libtpu: 0.0.44.dev20260713+nightly
codegen_flags: <defaults>
</compile_context>

<pallas_src>
import functools

import jax
import jax.numpy as jnp
from jax import lax
from jax.experimental import pallas as pl
from jax.experimental.pallas import tpu as pltpu
from jax.experimental.pallas import tpu_sc as plsc

NT = 2_000_000
NP = 2_000_000
NN = 500_000

N_PAD = 524_288
NC = 2
NS = 16
NW = NC * NS

UNITS = NT // 64
U_HI = 977
U_LO = 976
N_HI = UNITS - U_LO * NW
CHUNK_U = 16
FULL_CHUNKS = U_LO // CHUNK_U

PER_SUB = N_PAD // NS


def _sc_body(w_hbm, pins_hbm, p2n_hbm, out_hbm, acc, pins_v, w_v, nodes_v,
             wexp_v, zbuf, sem):
  c = lax.axis_index("c")
  s = lax.axis_index("s")
  wid = s * NC + c

  iota = lax.iota(jnp.int32, 16)
  half = iota >> 1
  zero16 = jnp.zeros((16,), jnp.float32)

  for g in range(2048 // 16):
    zbuf[pl.ds(g * 16, 16)] = zero16
  zb = s * PER_SUB
  for k in range(PER_SUB // 2048):
    pltpu.sync_copy(zbuf, acc.at[pl.ds(zb + k * 2048, 2048)])
  plsc.subcore_barrier()

  u0 = jnp.where(wid < N_HI, wid * U_HI, N_HI * U_HI + (wid - N_HI) * U_LO)

  def do_units(ubase, nu):
    t0 = pl.multiple_of(ubase * 64, 64)
    npins = nu * 128
    ntn = nu * 64
    pltpu.sync_copy(pins_hbm.at[pl.ds(t0 * 2, npins)],
                    pins_v.at[pl.ds(0, npins)])
    pltpu.sync_copy(w_hbm.at[pl.ds(t0, ntn)], w_v.at[pl.ds(0, ntn)])
    cps = []
    for j in range(nu):
      cp = pltpu.async_copy(
          p2n_hbm.at[pins_v.at[pl.ds(j * 128, 128)]], nodes_v.at[j], sem)
      cps.append(cp)
    for j in range(nu):
      for g in range(8):
        widx = j * 64 + g * 8 + half
        wexp_v[j, pl.ds(g * 16, 16)] = plsc.load_gather(w_v, [widx])
    for cp in cps:
      cp.wait()
    for j in range(nu):
      pltpu.sync_copy(wexp_v.at[j], acc.at[nodes_v.at[j]], add=True)

  def chunk_body(i, carry):
    do_units(u0 + i * CHUNK_U, CHUNK_U)
    return carry

  lax.fori_loop(0, FULL_CHUNKS, chunk_body, 0)

  @pl.when(wid < N_HI)
  def _tail():
    do_units(u0 + FULL_CHUNKS * CHUNK_U, 1)

  plsc.subcore_barrier()
  pltpu.sync_copy(acc.at[pl.ds(zb, PER_SUB)],
                  out_hbm.at[c].at[pl.ds(zb, PER_SUB)])


@jax.jit
def _sc_scatter(tnet_weights, flat_tnet2pin, pin2node_map):
  mesh = plsc.VectorSubcoreMesh(core_axis_name="c", subcore_axis_name="s")
  f = pl.kernel(
      _sc_body,
      out_type=jax.ShapeDtypeStruct((NC, N_PAD), jnp.float32),
      mesh=mesh,
      compiler_params=pltpu.CompilerParams(needs_layout_passes=False),
      scratch_types=[
          pltpu.VMEM_SHARED((N_PAD,), jnp.float32),
          pltpu.VMEM((CHUNK_U * 128,), jnp.int32),
          pltpu.VMEM((CHUNK_U * 64,), jnp.float32),
          pltpu.VMEM((CHUNK_U, 128), jnp.int32),
          pltpu.VMEM((CHUNK_U, 128), jnp.float32),
          pltpu.VMEM((2048,), jnp.float32),
          pltpu.SemaphoreType.DMA,
      ],
  )
  return f(tnet_weights, flat_tnet2pin, pin2node_map)


def _combine_body(beta_ref, p_ref, o_ref):
  o_ref[...] = (p_ref[0] + p_ref[1]) * beta_ref[0]


@jax.jit
def _combine(partials, beta):
  f = pl.pallas_call(
      _combine_body,
      out_shape=jax.ShapeDtypeStruct((N_PAD // 128, 128), jnp.float32),
      in_specs=[
          pl.BlockSpec(memory_space=pltpu.SMEM),
          pl.BlockSpec(memory_space=pltpu.VMEM),
      ],
      out_specs=pl.BlockSpec(memory_space=pltpu.VMEM),
  )
  return f(beta, partials.reshape(NC, N_PAD // 128, 128))


def kernel(beta, tnet_weights, flat_tnet2pin, pin2node_map):
  partials = _sc_scatter(tnet_weights, flat_tnet2pin, pin2node_map)
  out = _combine(partials, beta)
  return out.reshape(-1)[:NN]

# --- scband reference (transcript-rebuilt; emitter-appended) ---
"""Pipeline reference for scband-precond-timing-50474455663126 (READ-ONLY COPY).

The authoritative reference and input builder live on the scoring server;
editing this copy changes nothing except your own understanding.
"""

import jax, jax.numpy as jnp
import numpy as np

NUM_TNETS = 2000000
NUM_PINS = 2000000
NUM_NODES = 500000


def setup_inputs(seed: int = 0) -> dict:
    key = jax.random.key(seed)
    k1, k2, k3, k4 = jax.random.split(key, 4)
    beta = jax.random.uniform(k1, (1,), dtype=jnp.float32)
    tnet_weights = jax.random.uniform(k2, (NUM_TNETS,), dtype=jnp.float32)
    flat_tnet2pin = jax.random.randint(k3, (2 * NUM_TNETS,), 0, NUM_PINS, dtype=jnp.int32)
    pin2node_map = jax.random.randint(k4, (NUM_PINS,), 0, NUM_NODES, dtype=jnp.int32)
    return {
        "beta": beta,
        "tnet_weights": tnet_weights,
        "flat_tnet2pin": flat_tnet2pin,
        "pin2node_map": pin2node_map,
    }


def reference(beta, tnet_weights, flat_tnet2pin, pin2node_map):
    # Each timing net (arc) i references two pins: flat_tnet2pin[2*i] (src)
    # and flat_tnet2pin[2*i+1] (dst). The preconditioner scatter-adds the
    # tnet weight onto the owning node of each pin, then scales by beta.
    nodes = jnp.take(pin2node_map, flat_tnet2pin, axis=0)  # [2*num_tnets]
    w = jnp.repeat(tnet_weights, 2)  # [w0,w0,w1,w1,...] matches interleaved pin order
    out = jnp.zeros(NUM_NODES, dtype=jnp.float32).at[nodes].add(w)
    out = out * beta[0]
    return out

if __name__ == "__main__":
    import jax
    _d = setup_inputs()
    print(jax.jit(kernel)(*tuple(_d.values())))

</pallas_src>

<mosaic_0001>
#map = affine_map<(d0, d1) -> (0)>
#map1 = affine_map<(d0, d1) -> (0, 0)>
module attributes {stable_mosaic.version = 14 : i64} {
  func.func @_sc_body(%arg0: i32, %arg1: i32, %arg2: memref<2000000xf32, #tpu.memory_space<hbm>>, %arg3: memref<4000000xi32, #tpu.memory_space<hbm>>, %arg4: memref<2000000xi32, #tpu.memory_space<hbm>>, %arg5: memref<2x524288xf32, #tpu.memory_space<hbm>>, %arg6: memref<524288xf32, #tpu.memory_space<vmem_shared>>, %arg7: memref<2048xi32, #tpu.memory_space<vmem>>, %arg8: memref<1024xf32, #tpu.memory_space<vmem>>, %arg9: memref<16x128xi32, #tpu.memory_space<vmem>>, %arg10: memref<16x128xf32, #tpu.memory_space<vmem>>, %arg11: memref<2048xf32, #tpu.memory_space<vmem>>, %arg12: memref<!tpu.dma_semaphore, #tpu.memory_space<semaphore_mem>>) attributes {dimension_semantics = [#tpu.dimension_semantics<core_parallel>, #tpu.dimension_semantics<subcore_parallel>], iteration_bounds = array<i64: 2, 16>, scalar_prefetch = 0 : i64, scratch_operands = 7 : i64, tpu.core_type = #tpu.core_type<sc_vector_subcore>, window_params = [{transform_indices = #map}, {transform_indices = #map}, {transform_indices = #map}, {transform_indices = #map1}]} {
    %mul3A = arith.constant 2 : i32
    %mul3A_0 = arith.muli %arg1, %mul3A : i32
    %add3A = arith.addi %mul3A_0, %arg0 : i32
    %iota3A = tpu.iota {dimensions = array<i32: 0>} : vector<16xi32>
    %shift_right_arithmetic3A = arith.constant 1 : i32
    %shift_right_arithmetic3A_1 = vector.broadcast %shift_right_arithmetic3A : i32 to vector<16xi32>
    %shift_right_arithmetic3A_2 = arith.shrsi %iota3A, %shift_right_arithmetic3A_1 : vector<16xi32>
    %broadcast_in_dim3A = arith.constant 0.000000e+00 : f32
    %broadcast_in_dim3A_3 = vector.broadcast %broadcast_in_dim3A : f32 to vector<16xf32>
    %swap3A = arith.constant 0 : index
    %swap3A_4 = tpu.vector_load %arg11[%swap3A] {strides = array<i32>} : memref<2048xf32, #tpu.memory_space<vmem>>, vector<16xf32>,
    tpu.vector_store %arg11[%swap3A], %broadcast_in_dim3A_3 {strides = array<i32>} : memref<2048xf32, #tpu.memory_space<vmem>>, vector<16xf32>,
    %swap3A_5 = arith.constant 16 : index
    %swap3A_6 = tpu.vector_load %arg11[%swap3A_5] {strides = array<i32>} : memref<2048xf32, #tpu.memory_space<vmem>>, vector<16xf32>,
    tpu.vector_store %arg11[%swap3A_5], %broadcast_in_dim3A_3 {strides = array<i32>} : memref<2048xf32, #tpu.memory_space<vmem>>, vector<16xf32>,
    %swap3A_7 = arith.constant 32 : index
    %swap3A_8 = tpu.vector_load %arg11[%swap3A_7] {strides = array<i32>} : memref<2048xf32, #tpu.memory_space<vmem>>, vector<16xf32>,
    tpu.vector_store %arg11[%swap3A_7], %broadcast_in_dim3A_3 {strides = array<i32>} : memref<2048xf32, #tpu.memory_space<vmem>>, vector<16xf32>,
    %swap3A_9 = arith.constant 48 : index
    %swap3A_10 = tpu.vector_load %arg11[%swap3A_9] {strides = array<i32>} : memref<2048xf32, #tpu.memory_space<vmem>>, vector<16xf32>,
    tpu.vector_store %arg11[%swap3A_9], %broadcast_in_dim3A_3 {strides = array<i32>} : memref<2048xf32, #tpu.memory_space<vmem>>, vector<16xf32>,
    %swap3A_11 = arith.constant 64 : index
    %swap3A_12 = tpu.vector_load %arg11[%swap3A_11] {strides = array<i32>} : memref<2048xf32, #tpu.memory_space<vmem>>, vector<16xf32>,
    tpu.vector_store %arg11[%swap3A_11], %broadcast_in_dim3A_3 {strides = array<i32>} : memref<2048xf32, #tpu.memory_space<vmem>>, vector<16xf32>,
    %swap3A_13 = arith.constant 80 : index
    %swap3A_14 = tpu.vector_load %arg11[%swap3A_13] {strides = array<i32>} : memref<2048xf32, #tpu.memory_space<vmem>>, vector<16xf32>,
    tpu.vector_store %arg11[%swap3A_13], %broadcast_in_dim3A_3 {strides = array<i32>} : memref<2048xf32, #tpu.memory_space<vmem>>, vector<16xf32>,
    %swap3A_15 = arith.constant 96 : index
    %swap3A_16 = tpu.vector_load %arg11[%swap3A_15] {strides = array<i32>} : memref<2048xf32, #tpu.memory_space<vmem>>, vector<16xf32>,
    tpu.vector_store %arg11[%swap3A_15], %broadcast_in_dim3A_3 {strides = array<i32>} : memref<2048xf32, #tpu.memory_space<vmem>>, vector<16xf32>,
    %swap3A_17 = arith.constant 112 : index
    %swap3A_18 = tpu.vector_load %arg11[%swap3A_17] {strides = array<i32>} : memref<2048xf32, #tpu.memory_space<vmem>>, vector<16xf32>,
    tpu.vector_store %arg11[%swap3A_17], %broadcast_in_dim3A_3 {strides = array<i32>} : memref<2048xf32, #tpu.memory_space<vmem>>, vector<16xf32>,
    %swap3A_19 = arith.constant 128 : index
    %swap3A_20 = tpu.vector_load %arg11[%swap3A_19] {strides = array<i32>} : memref<2048xf32, #tpu.memory_space<vmem>>, vector<16xf32>,
    tpu.vector_store %arg11[%swap3A_19], %broadcast_in_dim3A_3 {strides = array<i32>} : memref<2048xf32, #tpu.memory_space<vmem>>, vector<16xf32>,
    %swap3A_21 = arith.constant 144 : index
    %swap3A_22 = tpu.vector_load %arg11[%swap3A_21] {strides = array<i32>} : memref<2048xf32, #tpu.memory_space<vmem>>, vector<16xf32>,
    tpu.vector_store %arg11[%swap3A_21], %broadcast_in_dim3A_3 {strides = array<i32>} : memref<2048xf32, #tpu.memory_space<vmem>>, vector<16xf32>,
    %swap3A_23 = arith.constant 160 : index
    %swap3A_24 = tpu.vector_load %arg11[%swap3A_23] {strides = array<i32>} : memref<2048xf32, #tpu.memory_space<vmem>>, vector<16xf32>,
    tpu.vector_store %arg11[%swap3A_23], %broadcast_in_dim3A_3 {strides = array<i32>} : memref<2048xf32, #tpu.memory_space<vmem>>, vector<16xf32>,
    %swap3A_25 = arith.constant 176 : index
    %swap3A_26 = tpu.vector_load %arg11[%swap3A_25] {strides = array<i32>} : memref<2048xf32, #tpu.memory_space<vmem>>, vector<16xf32>,
    tpu.vector_store %arg11[%swap3A_25], %broadcast_in_dim3A_3 {strides = array<i32>} : memref<2048xf32, #tpu.memory_space<vmem>>, vector<16xf32>,
    %swap3A_27 = arith.constant 192 : index
    %swap3A_28 = tpu.vector_load %arg11[%swap3A_27] {strides = array<i32>} : memref<2048xf32, #tpu.memory_space<vmem>>, vector<16xf32>,
    tpu.vector_store %arg11[%swap3A_27], %broadcast_in_dim3A_3 {strides = array<i32>} : memref<2048xf32, #tpu.memory_space<vmem>>, vector<16xf32>,
    %swap3A_29 = arith.constant 208 : index
    %swap3A_30 = tpu.vector_load %arg11[%swap3A_29] {strides = array<i32>} : memref<2048xf32, #tpu.memory_space<vmem>>, vector<16xf32>,
    tpu.vector_store %arg11[%swap3A_29], %broadcast_in_dim3A_3 {strides = array<i32>} : memref<2048xf32, #tpu.memory_space<vmem>>, vector<16xf32>,
    %swap3A_31 = arith.constant 224 : index
    %swap3A_32 = tpu.vector_load %arg11[%swap3A_31] {strides = array<i32>} : memref<2048xf32, #tpu.memory_space<vmem>>, vector<16xf32>,
    tpu.vector_store %arg11[%swap3A_31], %broadcast_in_dim3A_3 {strides = array<i32>} : memref<2048xf32, #tpu.memory_space<vmem>>, vector<16xf32>,
    %swap3A_33 = arith.constant 240 : index
    %swap3A_34 = tpu.vector_load %arg11[%swap3A_33] {strides = array<i32>} : memref<2048xf32, #tpu.memory_space<vmem>>, vector<16xf32>,
    tpu.vector_store %arg11[%swap3A_33], %broadcast_in_dim3A_3 {strides = array<i32>} : memref<2048xf32, #tpu.memory_space<vmem>>, vector<16xf32>,
    %swap3A_35 = arith.constant 256 : index
    %swap3A_36 = tpu.vector_load %arg11[%swap3A_35] {strides = array<i32>} : memref<2048xf32, #tpu.memory_space<vmem>>, vector<16xf32>,
    tpu.vector_store %arg11[%swap3A_35], %broadcast_in_dim3A_3 {strides = array<i32>} : memref<2048xf32, #tpu.memory_space<vmem>>, vector<16xf32>,
    %swap3A_37 = arith.constant 272 : index
    %swap3A_38 = tpu.vector_load %arg11[%swap3A_37] {strides = array<i32>} : memref<2048xf32, #tpu.memory_space<vmem>>, vector<16xf32>,
    tpu.vector_store %arg11[%swap3A_37], %broadcast_in_dim3A_3 {strides = array<i32>} : memref<2048xf32, #tpu.memory_space<vmem>>, vector<16xf32>,
    %swap3A_39 = arith.constant 288 : index
    %swap3A_40 = tpu.vector_load %arg11[%swap3A_39] {strides = array<i32>} : memref<2048xf32, #tpu.memory_space<vmem>>, vector<16xf32>,
    tpu.vector_store %arg11[%swap3A_39], %broadcast_in_dim3A_3 {strides = array<i32>} : memref<2048xf32, #tpu.memory_space<vmem>>, vector<16xf32>,
    %swap3A_41 = arith.constant 304 : index
    %swap3A_42 = tpu.vector_load %arg11[%swap3A_41] {strides = array<i32>} : memref<2048xf32, #tpu.memory_space<vmem>>, vector<16xf32>,
    tpu.vector_store %arg11[%swap3A_41], %broadcast_in_dim3A_3 {strides = array<i32>} : memref<2048xf32, #tpu.memory_space<vmem>>, vector<16xf32>,
    %swap3A_43 = arith.constant 320 : index
    %swap3A_44 = tpu.vector_load %arg11[%swap3A_43] {strides = array<i32>} : memref<2048xf32, #tpu.memory_space<vmem>>, vector<16xf32>,
    tpu.vector_store %arg11[%swap3A_43], %broadcast_in_dim3A_3 {strides = array<i32>} : memref<2048xf32, #tpu.memory_space<vmem>>, vector<16xf32>,
    %swap3A_45 = arith.constant 336 : index
    %swap3A_46 = tpu.vector_load %arg11[%swap3A_45] {strides = array<i32>} : memref<2048xf32, #tpu.memory_space<vmem>>, vector<16xf32>,
    tpu.vector_store %arg11[%swap3A_45], %broadcast_in_dim3A_3 {strides = array<i32>} : memref<2048xf32, #tpu.memory_space<vmem>>, vector<16xf32>,
    %swap3A_47 = arith.constant 352 : index
    %swap3A_48 = tpu.vector_load %arg11[%swap3A_47] {strides = array<i32>} : memref<2048xf32, #tpu.memory_space<vmem>>, vector<16xf32>,
    tpu.vector_store %arg11[%swap3A_47], %broadcast_in_dim3A_3 {strides = array<i32>} : memref<2048xf32, #tpu.memory_space<vmem>>, vector<16xf32>,
    %swap3A_49 = arith.constant 368 : index
    %swap3A_50 = tpu.vector_load %arg11[%swap3A_49] {strides = array<i32>} : memref<2048xf32, #tpu.memory_space<vmem>>, vector<16xf32>,
    tpu.vector_store %arg11[%swap3A_49], %broadcast_in_dim3A_3 {strides = array<i32>} : memref<2048xf32, #tpu.memory_space<vmem>>, vector<16xf32>,
    %swap3A_51 = arith.constant 384 : index
    %swap3A_52 = tpu.vector_load %arg11[%swap3A_51] {strides = array<i32>} : memref<2048xf32, #tpu.memory_space<vmem>>, vector<16xf32>,
    tpu.vector_store %arg11[%swap3A_51], %broadcast_in_dim3A_3 {strides = array<i32>} : memref<2048xf32, #tpu.memory_space<vmem>>, vector<16xf32>,
    %swap3A_53 = arith.constant 400 : index
    %swap3A_54 = tpu.vector_load %arg11[%swap3A_53] {strides = array<i32>} : memref<2048xf32, #tpu.memory_space<vmem>>, vector<16xf32>,
    tpu.vector_store %arg11[%swap3A_53], %broadcast_in_dim3A_3 {strides = array<i32>} : memref<2048xf32, #tpu.memory_space<vmem>>, vector<16xf32>,
    %swap3A_55 = arith.constant 416 : index
    %swap3A_56 = tpu.vector_load %arg11[%swap3A_55] {strides = array<i32>} : memref<2048xf32, #tpu.memory_space<vmem>>, vector<16xf32>,
    tpu.vector_store %arg11[%swap3A_55], %broadcast_in_dim3A_3 {strides = array<i32>} : memref<2048xf32, #tpu.memory_space<vmem>>, vector<16xf32>,
    %swap3A_57 = arith.constant 432 : index
    %swap3A_58 = tpu.vector_load %arg11[%swap3A_57] {strides = array<i32>} : memref<2048xf32, #tpu.memory_space<vmem>>, vector<16xf32>,
    tpu.vector_store %arg11[%swap3A_57], %broadcast_in_dim3A_3 {strides = array<i32>} : memref<2048xf32, #tpu.memory_space<vmem>>, vector<16xf32>,
    %swap3A_59 = arith.constant 448 : index
    %swap3A_60 = tpu.vector_load %arg11[%swap3A_59] {strides = array<i32>} : memref<2048xf32, #tpu.memory_space<vmem>>, vector<16xf32>,
    tpu.vector_store %arg11[%swap3A_59], %broadcast_in_dim3A_3 {strides = array<i32>} : memref<2048xf32, #tpu.memory_space<vmem>>, vector<16xf32>,
    %swap3A_61 = arith.constant 464 : index
    %swap3A_62 = tpu.vector_load %arg11[%swap3A_61] {strides = array<i32>} : memref<2048xf32, #tpu.memory_space<vmem>>, vector<16xf32>,
    tpu.vector_store %arg11[%swap3A_61], %broadcast_in_dim3A_3 {strides = array<i32>} : memref<2048xf32, #tpu.memory_space<vmem>>, vector<16xf32>,
    %swap3A_63 = arith.constant 480 : index
    %swap3A_64 = tpu.vector_load %arg11[%swap3A_63] {strides = array<i32>} : memref<2048xf32, #tpu.memory_space<vmem>>, vector<16xf32>,
    tpu.vector_store %arg11[%swap3A_63], %broadcast_in_dim3A_3 {strides = array<i32>} : memref<2048xf32, #tpu.memory_space<vmem>>, vector<16xf32>,
    %swap3A_65 = arith.constant 496 : index
    %swap3A_66 = tpu.vector_load %arg11[%swap3A_65] {strides = array<i32>} : memref<2048xf32, #tpu.memory_space<vmem>>, vector<16xf32>,
    tpu.vector_store %arg11[%swap3A_65], %broadcast_in_dim3A_3 {strides = array<i32>} : memref<2048xf32, #tpu.memory_space<vmem>>, vector<16xf32>,
    %swap3A_67 = arith.constant 512 : index
    %swap3A_68 = tpu.vector_load %arg11[%swap3A_67] {strides = array<i32>} : memref<2048xf32, #tpu.memory_space<vmem>>, vector<16xf32>,
    tpu.vector_store %arg11[%swap3A_67], %broadcast_in_dim3A_3 {strides = array<i32>} : memref<2048xf32, #tpu.memory_space<vmem>>, vector<16xf32>,
    %swap3A_69 = arith.constant 528 : index
    %swap3A_70 = tpu.vector_load %arg11[%swap3A_69] {strides = array<i32>} : memref<2048xf32, #tpu.memory_space<vmem>>, vector<16xf32>,
    tpu.vector_store %arg11[%swap3A_69], %broadcast_in_dim3A_3 {strides = array<i32>} : memref<2048xf32, #tpu.memory_space<vmem>>, vector<16xf32>,
    %swap3A_71 = arith.constant 544 : index
    %swap3A_72 = tpu.vector_load %arg11[%swap3A_71] {strides = array<i32>} : memref<2048xf32, #tpu.memory_space<vmem>>, vector<16xf32>,
    tpu.vector_store %arg11[%swap3A_71], %broadcast_in_dim3A_3 {strides = array<i32>} : memref<2048xf32, #tpu.memory_space<vmem>>, vector<16xf32>,
    %swap3A_73 = arith.constant 560 : index
    %swap3A_74 = tpu.vector_load %arg11[%swap3A_73] {strides = array<i32>} : memref<2048xf32, #tpu.memory_space<vmem>>, vector<16xf32>,
    tpu.vector_store %arg11[%swap3A_73], %broadcast_in_dim3A_3 {strides = array<i32>} : memref<2048xf32, #tpu.memory_space<vmem>>, vector<16xf32>,
    %swap3A_75 = arith.constant 576 : index
    %swap3A_76 = tpu.vector_load %arg11[%swap3A_75] {strides = array<i32>} : memref<2048xf32, #tpu.memory_space<vmem>>, vector<16xf32>,
    tpu.vector_store %arg11[%swap3A_75], %broadcast_in_dim3A_3 {strides = array<i32>} : memref<2048xf32, #tpu.memory_space<vmem>>, vector<16xf32>,
    %swap3A_77 = arith.constant 592 : index
    %swap3A_78 = tpu.vector_load %arg11[%swap3A_77] {strides = array<i32>} : memref<2048xf32, #tpu.memory_space<vmem>>, vector<16xf32>,
    tpu.vector_store %arg11[%swap3A_77], %broadcast_in_dim3A_3 {strides = array<i32>} : memref<2048xf32, #tpu.memory_space<vmem>>, vector<16xf32>,
    %swap3A_79 = arith.constant 608 : index
    %swap3A_80 = tpu.vector_load %arg11[%swap3A_79] {strides = array<i32>} : memref<2048xf32, #tpu.memory_space<vmem>>, vector<16xf32>,
    tpu.vector_store %arg11[%swap3A_79], %broadcast_in_dim3A_3 {strides = array<i32>} : memref<2048xf32, #tpu.memory_space<vmem>>, vector<16xf32>,
    %swap3A_81 = arith.constant 624 : index
    %swap3A_82 = tpu.vector_load %arg11[%swap3A_81] {strides = array<i32>} : memref<2048xf32, #tpu.memory_space<vmem>>, vector<16xf32>,
    tpu.vector_store %arg11[%swap3A_81], %broadcast_in_dim3A_3 {strides = array<i32>} : memref<2048xf32, #tpu.memory_space<vmem>>, vector<16xf32>,
    %swap3A_83 = arith.constant 640 : index
    %swap3A_84 = tpu.vector_load %arg11[%swap3A_83] {strides = array<i32>} : memref<2048xf32, #tpu.memory_space<vmem>>, vector<16xf32>,
    tpu.vector_store %arg11[%swap3A_83], %broadcast_in_dim3A_3 {strides = array<i32>} : memref<2048xf32, #tpu.memory_space<vmem>>, vector<16xf32>,
    %swap3A_85 = arith.constant 656 : index
    %swap3A_86 = tpu.vector_load %arg11[%swap3A_85] {strides = array<i32>} : memref<2048xf32, #tpu.memory_space<vmem>>, vector<16xf32>,
    tpu.vector_store %arg11[%swap3A_85], %broadcast_in_dim3A_3 {strides = array<i32>} : memref<2048xf32, #tpu.memory_space<vmem>>, vector<16xf32>,
    %swap3A_87 = arith.constant 672 : index
    %swap3A_88 = tpu.vector_load %arg11[%swap3A_87] {strides = array<i32>} : memref<2048xf32, #tpu.memory_space<vmem>>, vector<16xf32>,
    tpu.vector_store %arg11[%swap3A_87], %broadcast_in_dim3A_3 {strides = array<i32>} : memref<2048xf32, #tpu.memory_space<vmem>>, vector<16xf32>,
    %swap3A_89 = arith.constant 688 : index
    %swap3A_90 = tpu.vector_load %arg11[%swap3A_89] {strides = array<i32>} : memref<2048xf32, #tpu.memory_space<vmem>>, vector<16xf32>,
    tpu.vector_store %arg11[%swap3A_89], %broadcast_in_dim3A_3 {strides = array<i32>} : memref<2048xf32, #tpu.memory_space<vmem>>, vector<16xf32>,
    %swap3A_91 = arith.constant 704 : index
    %swap3A_92 = tpu.vector_load %arg11[%swap3A_91] {strides = array<i32>} : memref<2048xf32, #tpu.memory_space<vmem>>, vector<16xf32>,
    tpu.vector_store %arg11[%swap3A_91], %broadcast_in_dim3A_3 {strides = array<i32>} : memref<2048xf32, #tpu.memory_space<vmem>>, vector<16xf32>,
    %swap3A_93 = arith.constant 720 : index
    %swap3A_94 = tpu.vector_load %arg11[%swap3A_93] {strides = array<i32>} : memref<2048xf32, #tpu.memory_space<vmem>>, vector<16xf32>,
    tpu.vector_store %arg11[%swap3A_93], %broadcast_in_dim3A_3 {strides = array<i32>} : memref<2048xf32, #tpu.memory_space<vmem>>, vector<16xf32>,
    %swap3A_95 = arith.constant 736 : index
    %swap3A_96 = tpu.vector_load %arg11[%swap3A_95] {strides = array<i32>} : memref<2048xf32, #tpu.memory_space<vmem>>, vector<16xf32>,
    tpu.vector_store %arg11[%swap3A_95], %broadcast_in_dim3A_3 {strides = array<i32>} : memref<2048xf32, #tpu.memory_space<vmem>>, vector<16xf32>,
    %swap3A_97 = arith.constant 752 : index
    %swap3A_98 = tpu.vector_load %arg11[%swap3A_97] {strides = array<i32>} : memref<2048xf32, #tpu.memory_space<vmem>>, vector<16xf32>,
    tpu.vector_store %arg11[%swap3A_97], %broadcast_in_dim3A_3 {strides = array<i32>} : memref<2048xf32, #tpu.memory_space<vmem>>, vector<16xf32>,
    %swap3A_99 = arith.constant 768 : index
    %swap3A_100 = tpu.vector_load %arg11[%swap3A_99] {strides = array<i32>} : memref<2048xf32, #tpu.memory_space<vmem>>, vector<16xf32>,
    tpu.vector_store %arg11[%swap3A_99], %broadcast_in_dim3A_3 {strides = array<i32>} : memref<2048xf32, #tpu.memory_space<vmem>>, vector<16xf32>,
    %swap3A_101 = arith.constant 784 : index
    %swap3A_102 = tpu.vector_load %arg11[%swap3A_101] {strides = array<i32>} : memref<2048xf32, #tpu.memory_space<vmem>>, vector<16xf32>,
    tpu.vector_store %arg11[%swap3A_101], %broadcast_in_dim3A_3 {strides = array<i32>} : memref<2048xf32, #tpu.memory_space<vmem>>, vector<16xf32>,
    %swap3A_103 = arith.constant 800 : index
    %swap3A_104 = tpu.vector_load %arg11[%swap3A_103] {strides = array<i32>} : memref<2048xf32, #tpu.memory_space<vmem>>, vector<16xf32>,
    tpu.vector_store %arg11[%swap3A_103], %broadcast_in_dim3A_3 {strides = array<i32>} : memref<2048xf32, #tpu.memory_space<vmem>>, vector<16xf32>,
    %swap3A_105 = arith.constant 816 : index
    %swap3A_106 = tpu.vector_load %arg11[%swap3A_105] {strides = array<i32>} : memref<2048xf32, #tpu.memory_space<vmem>>, vector<16xf32>,
    tpu.vector_store %arg11[%swap3A_105], %broadcast_in_dim3A_3 {strides = array<i32>} : memref<2048xf32, #tpu.memory_space<vmem>>, vector<16xf32>,
    %swap3A_107 = arith.constant 832 : index
    %swap3A_108 = tpu.vector_load %arg11[%swap3A_107] {strides = array<i32>} : memref<2048xf32, #tpu.memory_space<vmem>>, vector<16xf32>,
    tpu.vector_store %arg11[%swap3A_107], %broadcast_in_dim3A_3 {strides = array<i32>} : memref<2048xf32, #tpu.memory_space<vmem>>, vector<16xf32>,
    %swap3A_109 = arith.constant 848 : index
    %swap3A_110 = tpu.vector_load %arg11[%swap3A_109] {strides = array<i32>} : memref<2048xf32, #tpu.memory_space<vmem>>, vector<16xf32>,
    tpu.vector_store %arg11[%swap3A_109], %broadcast_in_dim3A_3 {strides = array<i32>} : memref<2048xf32, #tpu.memory_space<vmem>>, vector<16xf32>,
    %swap3A_111 = arith.constant 864 : index
    %swap3A_112 = tpu.vector_load %arg11[%swap3A_111] {strides = array<i32>} : memref<2048xf32, #tpu.memory_space<vmem>>, vector<16xf32>,
    tpu.vector_store %arg11[%swap3A_111], %broadcast_in_dim3A_3 {strides = array<i32>} : memref<2048xf32, #tpu.memory_space<vmem>>, vector<16xf32>,
    %swap3A_113 = arith.constant 880 : index
    %swap3A_114 = tpu.vector_load %arg11[%swap3A_113] {strides = array<i32>} : memref<2048xf32, #tpu.memory_space<vmem>>, vector<16xf32>,
    tpu.vector_store %arg11[%swap3A_113], %broadcast_in_dim3A_3 {strides = array<i32>} : memref<2048xf32, #tpu.memory_space<vmem>>, vector<16xf32>,
    %swap3A_115 = arith.constant 896 : index
    %swap3A_116 = tpu.vector_load %arg11[%swap3A_115] {strides = array<i32>} : memref<2048xf32, #tpu.memory_space<vmem>>, vector<16xf32>,
    tpu.vector_store %arg11[%swap3A_115], %broadcast_in_dim3A_3 {strides = array<i32>} : memref<2048xf32, #tpu.memory_space<vmem>>, vector<16xf32>,
    %swap3A_117 = arith.constant 912 : index
    %swap3A_118 = tpu.vector_load %arg11[%swap3A_117] {strides = array<i32>} : memref<2048xf32, #tpu.memory_space<vmem>>, vector<16xf32>,
    tpu.vector_store %arg11[%swap3A_117], %broadcast_in_dim3A_3 {strides = array<i32>} : memref<2048xf32, #tpu.memory_space<vmem>>, vector<16xf32>,
    %swap3A_119 = arith.constant 928 : index
    %swap3A_120 = tpu.vector_load %arg11[%swap3A_119] {strides = array<i32>} : memref<2048xf32, #tpu.memory_space<vmem>>, vector<16xf32>,
    tpu.vector_store %arg11[%swap3A_119], %broadcast_in_dim3A_3 {strides = array<i32>} : memref<2048xf32, #tpu.memory_space<vmem>>, vector<16xf32>,
    %swap3A_121 = arith.constant 944 : index
    %swap3A_122 = tpu.vector_load %arg11[%swap3A_121] {strides = array<i32>} : memref<2048xf32, #tpu.memory_space<vmem>>, vector<16xf32>,
    tpu.vector_store %arg11[%swap3A_121], %broadcast_in_dim3A_3 {strides = array<i32>} : memref<2048xf32, #tpu.memory_space<vmem>>, vector<16xf32>,
    %swap3A_123 = arith.constant 960 : index
    %swap3A_124 = tpu.vector_load %arg11[%swap3A_123] {strides = array<i32>} : memref<2048xf32, #tpu.memory_space<vmem>>, vector<16xf32>,
    tpu.vector_store %arg11[%swap3A_123], %broadcast_in_dim3A_3 {strides = array<i32>} : memref<2048xf32, #tpu.memory_space<vmem>>, vector<16xf32>,
    %swap3A_125 = arith.constant 976 : index
    %swap3A_126 = tpu.vector_load %arg11[%swap3A_125] {strides = array<i32>} : memref<2048xf32, #tpu.memory_space<vmem>>, vector<16xf32>,
    tpu.vector_store %arg11[%swap3A_125], %broadcast_in_dim3A_3 {strides = array<i32>} : memref<2048xf32, #tpu.memory_space<vmem>>, vector<16xf32>,
    %swap3A_127 = arith.constant 992 : index
    %swap3A_128 = tpu.vector_load %arg11[%swap3A_127] {strides = array<i32>} : memref<2048xf32, #tpu.memory_space<vmem>>, vector<16xf32>,
    tpu.vector_store %arg11[%swap3A_127], %broadcast_in_dim3A_3 {strides = array<i32>} : memref<2048xf32, #tpu.memory_space<vmem>>, vector<16xf32>,
    %swap3A_129 = arith.constant 1008 : index
    %swap3A_130 = tpu.vector_load %arg11[%swap3A_129] {strides = array<i32>} : memref<2048xf32, #tpu.memory_space<vmem>>, vector<16xf32>,
    tpu.vector_store %arg11[%swap3A_129], %broadcast_in_dim3A_3 {strides = array<i32>} : memref<2048xf32, #tpu.memory_space<vmem>>, vector<16xf32>,
    %swap3A_131 = arith.constant 1024 : index
    %swap3A_132 = tpu.vector_load %arg11[%swap3A_131] {strides = array<i32>} : memref<2048xf32, #tpu.memory_space<vmem>>, vector<16xf32>,
    tpu.vector_store %arg11[%swap3A_131], %broadcast_in_dim3A_3 {strides = array<i32>} : memref<2048xf32, #tpu.memory_space<vmem>>, vector<16xf32>,
    %swap3A_133 = arith.constant 1040 : index
    %swap3A_134 = tpu.vector_load %arg11[%swap3A_133] {strides = array<i32>} : memref<2048xf32, #tpu.memory_space<vmem>>, vector<16xf32>,
    tpu.vector_store %arg11[%swap3A_133], %broadcast_in_dim3A_3 {strides = array<i32>} : memref<2048xf32, #tpu.memory_space<vmem>>, vector<16xf32>,
    %swap3A_135 = arith.constant 1056 : index
    %swap3A_136 = tpu.vector_load %arg11[%swap3A_135] {strides = array<i32>} : memref<2048xf32, #tpu.memory_space<vmem>>, vector<16xf32>,
    tpu.vector_store %arg11[%swap3A_135], %broadcast_in_dim3A_3 {strides = array<i32>} : memref<2048xf32, #tpu.memory_space<vmem>>, vector<16xf32>,
    %swap3A_137 = arith.constant 1072 : index
    %swap3A_138 = tpu.vector_load %arg11[%swap3A_137] {strides = array<i32>} : memref<2048xf32, #tpu.memory_space<vmem>>, vector<16xf32>,
    tpu.vector_store %arg11[%swap3A_137], %broadcast_in_dim3A_3 {strides = array<i32>} : memref<2048xf32, #tpu.memory_space<vmem>>, vector<16xf32>,
    %swap3A_139 = arith.constant 1088 : index
    %swap3A_140 = tpu.vector_load %arg11[%swap3A_139] {strides = array<i32>} : memref<2048xf32, #tpu.memory_space<vmem>>, vector<16xf32>,
    tpu.vector_store %arg11[%swap3A_139], %broadcast_in_dim3A_3 {strides = array<i32>} : memref<2048xf32, #tpu.memory_space<vmem>>, vector<16xf32>,
    %swap3A_141 = arith.constant 1104 : index
    %swap3A_142 = tpu.vector_load %arg11[%swap3A_141] {strides = array<i32>} : memref<2048xf32, #tpu.memory_space<vmem>>, vector<16xf32>,
    tpu.vector_store %arg11[%swap3A_141], %broadcast_in_dim3A_3 {strides = array<i32>} : memref<2048xf32, #tpu.memory_space<vmem>>, vector<16xf32>,
    %swap3A_143 = arith.constant 1120 : index
    %swap3A_144 = tpu.vector_load %arg11[%swap3A_143] {strides = array<i32>} : memref<2048xf32, #tpu.memory_space<vmem>>, vector<16xf32>,
    tpu.vector_store %arg11[%swap3A_143], %broadcast_in_dim3A_3 {strides = array<i32>} : memref<2048xf32, #tpu.memory_space<vmem>>, vector<16xf32>,
    %swap3A_145 = arith.constant 1136 : index
    %swap3A_146 = tpu.vector_load %arg11[%swap3A_145] {strides = array<i32>} : memref<2048xf32, #tpu.memory_space<vmem>>, vector<16xf32>,
    tpu.vector_store %arg11[%swap3A_145], %broadcast_in_dim3A_3 {strides = array<i32>} : memref<2048xf32, #tpu.memory_space<vmem>>, vector<16xf32>,
    %swap3A_147 = arith.constant 1152 : index
    %swap3A_148 = tpu.vector_load %arg11[%swap3A_147] {strides = array<i32>} : memref<2048xf32, #tpu.memory_space<vmem>>, vector<16xf32>,
    tpu.vector_store %arg11[%swap3A_147], %broadcast_in_dim3A_3 {strides = array<i32>} : memref<2048xf32, #tpu.memory_space<vmem>>, vector<16xf32>,
    %swap3A_149 = arith.constant 1168 : index
    %swap3A_150 = tpu.vector_load %arg11[%swap3A_149] {strides = array<i32>} : memref<2048xf32, #tpu.memory_space<vmem>>, vector<16xf32>,
    tpu.vector_store %arg11[%swap3A_149], %broadcast_in_dim3A_3 {strides = array<i32>} : memref<2048xf32, #tpu.memory_space<vmem>>, vector<16xf32>,
    %swap3A_151 = arith.constant 1184 : index
    %swap3A_152 = tpu.vector_load %arg11[%swap3A_151] {strides = array<i32>} : memref<2048xf32, #tpu.memory_space<vmem>>, vector<16xf32>,
    tpu.vector_store %arg11[%swap3A_151], %broadcast_in_dim3A_3 {strides = array<i32>} : memref<2048xf32, #tpu.memory_space<vmem>>, vector<16xf32>,
    %swap3A_153 = arith.constant 1200 : index
    %swap3A_154 = tpu.vector_load %arg11[%swap3A_153] {strides = array<i32>} : memref<2048xf32, #tpu.memory_space<vmem>>, vector<16xf32>,
    tpu.vector_store %arg11[%swap3A_153], %broadcast_in_dim3A_3 {strides = array<i32>} : memref<2048xf32, #tpu.memory_space<vmem>>, vector<16xf32>,
    %swap3A_155 = arith.constant 1216 : index
    %swap3A_156 = tpu.vector_load %arg11[%swap3A_155] {strides = array<i32>} : memref<2048xf32, #tpu.memory_space<vmem>>, vector<16xf32>,
    tpu.vector_store %arg11[%swap3A_155], %broadcast_in_dim3A_3 {strides = array<i32>} : memref<2048xf32, #tpu.memory_space<vmem>>, vector<16xf32>,
    %swap3A_157 = arith.constant 1232 : index
    %swap3A_158 = tpu.vector_load %arg11[%swap3A_157] {strides = array<i32>} : memref<2048xf32, #tpu.memory_space<vmem>>, vector<16xf32>,
    tpu.vector_store %arg11[%swap3A_157], %broadcast_in_dim3A_3 {strides = array<i32>} : memref<2048xf32, #tpu.memory_space<vmem>>, vector<16xf32>,
    %swap3A_159 = arith.constant 1248 : index
    %swap3A_160 = tpu.vector_load %arg11[%swap3A_159] {strides = array<i32>} : memref<2048xf32, #tpu.memory_space<vmem>>, vector<16xf32>,
    tpu.vector_store %arg11[%swap3A_159], %broadcast_in_dim3A_3 {strides = array<i32>} : memref<2048xf32, #tpu.memory_space<vmem>>, vector<16xf32>,
    %swap3A_161 = arith.constant 1264 : index
    %swap3A_162 = tpu.vector_load %arg11[%swap3A_161] {strides = array<i32>} : memref<2048xf32, #tpu.memory_space<vmem>>, vector<16xf32>,
    tpu.vector_store %arg11[%swap3A_161], %broadcast_in_dim3A_3 {strides = array<i32>} : memref<2048xf32, #tpu.memory_space<vmem>>, vector<16xf32>,
    %swap3A_163 = arith.constant 1280 : index
    %swap3A_164 = tpu.vector_load %arg11[%swap3A_163] {strides = array<i32>} : memref<2048xf32, #tpu.memory_space<vmem>>, vector<16xf32>,
    tpu.vector_store %arg11[%swap3A_163], %broadcast_in_dim3A_3 {strides = array<i32>} : memref<2048xf32, #tpu.memory_space<vmem>>, vector<16xf32>,
    %swap3A_165 = arith.constant 1296 : index
    %swap3A_166 = tpu.vector_load %arg11[%swap3A_165] {strides = array<i32>} : memref<2048xf32, #tpu.memory_space<vmem>>, vector<16xf32>,
    tpu.vector_store %arg11[%swap3A_165], %broadcast_in_dim3A_3 {strides = array<i32>} : memref<2048xf32, #tpu.memory_space<vmem>>, vector<16xf32>,
    %swap3A_167 = arith.constant 1312 : index
    %swap3A_168 = tpu.vector_load %arg11[%swap3A_167] {strides = array<i32>} : memref<2048xf32, #tpu.memory_space<vmem>>, vector<16xf32>,
    tpu.vector_store %arg11[%swap3A_167], %broadcast_in_dim3A_3 {strides = array<i32>} : memref<2048xf32, #tpu.memory_space<vmem>>, vector<16xf32>,
    %swap3A_169 = arith.constant 1328 : index
    %swap3A_170 = tpu.vector_load %arg11[%swap3A_169] {strides = array<i32>} : memref<2048xf32, #tpu.memory_space<vmem>>, vector<16xf32>,
    tpu.vector_store %arg11[%swap3A_169], %broadcast_in_dim3A_3 {strides = array<i32>} : memref<2048xf32, #tpu.memory_space<vmem>>, vector<16xf32>,
    %swap3A_171 = arith.constant 1344 : index
    %swap3A_172 = tpu.vector_load %arg11[%swap3A_171] {strides = array<i32>} : memref<2048xf32, #tpu.memory_space<vmem>>, vector<16xf32>,
    tpu.vector_store %arg11[%swap3A_171], %broadcast_in_dim3A_3 {strides = array<i32>} : memref<2048xf32, #tpu.memory_space<vmem>>, vector<16xf32>,
    %swap3A_173 = arith.constant 1360 : index
    %swap3A_174 = tpu.vector_load %arg11[%swap3A_173] {strides = array<i32>} : memref<2048xf32, #tpu.memory_space<vmem>>, vector<16xf32>,
    tpu.vector_store %arg11[%swap3A_173], %broadcast_in_dim3A_3 {strides = array<i32>} : memref<2048xf32, #tpu.memory_space<vmem>>, vector<16xf32>,
    %swap3A_175 = arith.constant 1376 : index
    %swap3A_176 = tpu.vector_load %arg11[%swap3A_175] {strides = array<i32>} : memref<2048xf32, #tpu.memory_space<vmem>>, vector<16xf32>,
    tpu.vector_store %arg11[%swap3A_175], %broadcast_in_dim3A_3 {strides = array<i32>} : memref<2048xf32, #tpu.memory_space<vmem>>, vector<16xf32>,
    %swap3A_177 = arith.constant 1392 : index
    %swap3A_178 = tpu.vector_load %arg11[%swap3A_177] {strides = array<i32>} : memref<2048xf32, #tpu.memory_space<vmem>>, vector<16xf32>,
    tpu.vector_store %arg11[%swap3A_177], %broadcast_in_dim3A_3 {strides = array<i32>} : memref<2048xf32, #tpu.memory_space<vmem>>, vector<16xf32>,
    %swap3A_179 = arith.constant 1408 : index
    %swap3A_180 = tpu.vector_load %arg11[%swap3A_179] {strides = array<i32>} : memref<2048xf32, #tpu.memory_space<vmem>>, vector<16xf32>,
    tpu.vector_store %arg11[%swap3A_179], %broadcast_in_dim3A_3 {strides = array<i32>} : memref<2048xf32, #tpu.memory_space<vmem>>, vector<16xf32>,
    %swap3A_181 = arith.constant 1424 : index
    %swap3A_182 = tpu.vector_load %arg11[%swap3A_181] {strides = array<i32>} : memref<2048xf32, #tpu.memory_space<vmem>>, vector<16xf32>,
    tpu.vector_store %arg11[%swap3A_181], %broadcast_in_dim3A_3 {strides = array<i32>} : memref<2048xf32, #tpu.memory_space<vmem>>, vector<16xf32>,
    %swap3A_183 = arith.constant 1440 : index
    %swap3A_184 = tpu.vector_load %arg11[%swap3A_183] {strides = array<i32>} : memref<2048xf32, #tpu.memory_space<vmem>>, vector<16xf32>,
    tpu.vector_store %arg11[%swap3A_183], %broadcast_in_dim3A_3 {strides = array<i32>} : memref<2048xf32, #tpu.memory_space<vmem>>, vector<16xf32>,
    %swap3A_185 = arith.constant 1456 : index
    %swap3A_186 = tpu.vector_load %arg11[%swap3A_185] {strides = array<i32>} : memref<2048xf32, #tpu.memory_space<vmem>>, vector<16xf32>,
    tpu.vector_store %arg11[%swap3A_185], %broadcast_in_dim3A_3 {strides = array<i32>} : memref<2048xf32, #tpu.memory_space<vmem>>, vector<16xf32>,
    %swap3A_187 = arith.constant 1472 : index
    %swap3A_188 = tpu.vector_load %arg11[%swap3A_187] {strides = array<i32>} : memref<2048xf32, #tpu.memory_space<vmem>>, vector<16xf32>,
    tpu.vector_store %arg11[%swap3A_187], %broadcast_in_dim3A_3 {strides = array<i32>} : memref<2048xf32, #tpu.memory_space<vmem>>, vector<16xf32>,
    %swap3A_189 = arith.constant 1488 : index
    %swap3A_190 = tpu.vector_load %arg11[%swap3A_189] {strides = array<i32>} : memref<2048xf32, #tpu.memory_space<vmem>>, vector<16xf32>,
    tpu.vector_store %arg11[%swap3A_189], %broadcast_in_dim3A_3 {strides = array<i32>} : memref<2048xf32, #tpu.memory_space<vmem>>, vector<16xf32>,
    %swap3A_191 = arith.constant 1504 : index
    %swap3A_192 = tpu.vector_load %arg11[%swap3A_191] {strides = array<i32>} : memref<2048xf32, #tpu.memory_space<vmem>>, vector<16xf32>,
    tpu.vector_store %arg11[%swap3A_191], %broadcast_in_dim3A_3 {strides = array<i32>} : memref<2048xf32, #tpu.memory_space<vmem>>, vector<16xf32>,
    %swap3A_193 = arith.constant 1520 : index
    %swap3A_194 = tpu.vector_load %arg11[%swap3A_193] {strides = array<i32>} : memref<2048xf32, #tpu.memory_space<vmem>>, vector<16xf32>,
    tpu.vector_store %arg11[%swap3A_193], %broadcast_in_dim3A_3 {strides = array<i32>} : memref<2048xf32, #tpu.memory_space<vmem>>, vector<16xf32>,
    %swap3A_195 = arith.constant 1536 : index
    %swap3A_196 = tpu.vector_load %arg11[%swap3A_195] {strides = array<i32>} : memref<2048xf32, #tpu.memory_space<vmem>>, vector<16xf32>,
    tpu.vector_store %arg11[%swap3A_195], %broadcast_in_dim3A_3 {strides = array<i32>} : memref<2048xf32, #tpu.memory_space<vmem>>, vector<16xf32>,
    %swap3A_197 = arith.constant 1552 : index
    %swap3A_198 = tpu.vector_load %arg11[%swap3A_197] {strides = array<i32>} : memref<2048xf32, #tpu.memory_space<vmem>>, vector<16xf32>,
    tpu.vector_store %arg11[%swap3A_197], %broadcast_in_dim3A_3 {strides = array<i32>} : memref<2048xf32, #tpu.memory_space<vmem>>, vector<16xf32>,
    %swap3A_199 = arith.constant 1568 : index
    %swap3A_200 = tpu.vector_load %arg11[%swap3A_199] {strides = array<i32>} : memref<2048xf32, #tpu.memory_space<vmem>>, vector<16xf32>,
    tpu.vector_store %arg11[%swap3A_199], %broadcast_in_dim3A_3 {strides = array<i32>} : memref<2048xf32, #tpu.memory_space<vmem>>, vector<16xf32>,
    %swap3A_201 = arith.constant 1584 : index
    %swap3A_202 = tpu.vector_load %arg11[%swap3A_201] {strides = array<i32>} : memref<2048xf32, #tpu.memory_space<vmem>>, vector<16xf32>,
    tpu.vector_store %arg11[%swap3A_201], %broadcast_in_dim3A_3 {strides = array<i32>} : memref<2048xf32, #tpu.memory_space<vmem>>, vector<16xf32>,
    %swap3A_203 = arith.constant 1600 : index
    %swap3A_204 = tpu.vector_load %arg11[%swap3A_203] {strides = array<i32>} : memref<2048xf32, #tpu.memory_space<vmem>>, vector<16xf32>,
    tpu.vector_store %arg11[%swap3A_203], %broadcast_in_dim3A_3 {strides = array<i32>} : memref<2048xf32, #tpu.memory_space<vmem>>, vector<16xf32>,
    %swap3A_205 = arith.constant 1616 : index
    %swap3A_206 = tpu.vector_load %arg11[%swap3A_205] {strides = array<i32>} : memref<2048xf32, #tpu.memory_space<vmem>>, vector<16xf32>,
    tpu.vector_store %arg11[%swap3A_205], %broadcast_in_dim3A_3 {strides = array<i32>} : memref<2048xf32, #tpu.memory_space<vmem>>, vector<16xf32>,
    %swap3A_207 = arith.constant 1632 : index
    %swap3A_208 = tpu.vector_load %arg11[%swap3A_207] {strides = array<i32>} : memref<2048xf32, #tpu.memory_space<vmem>>, vector<16xf32>,
    tpu.vector_store %arg11[%swap3A_207], %broadcast_in_dim3A_3 {strides = array<i32>} : memref<2048xf32, #tpu.memory_space<vmem>>, vector<16xf32>,
    %swap3A_209 = arith.constant 1648 : index
    %swap3A_210 = tpu.vector_load %arg11[%swap3A_209] {strides = array<i32>} : memref<2048xf32, #tpu.memory_space<vmem>>, vector<16xf32>,
    tpu.vector_store %arg11[%swap3A_209], %broadcast_in_dim3A_3 {strides = array<i32>} : memref<2048xf32, #tpu.memory_space<vmem>>, vector<16xf32>,
    %swap3A_211 = arith.constant 1664 : index
    %swap3A_212 = tpu.vector_load %arg11[%swap3A_211] {strides = array<i32>} : memref<2048xf32, #tpu.memory_space<vmem>>, vector<16xf32>,
    tpu.vector_store %arg11[%swap3A_211], %broadcast_in_dim3A_3 {strides = array<i32>} : memref<2048xf32, #tpu.memory_space<vmem>>, vector<16xf32>,
    %swap3A_213 = arith.constant 1680 : index
    %swap3A_214 = tpu.vector_load %arg11[%swap3A_213] {strides = array<i32>} : memref<2048xf32, #tpu.memory_space<vmem>>, vector<16xf32>,
    tpu.vector_store %arg11[%swap3A_213], %broadcast_in_dim3A_3 {strides = array<i32>} : memref<2048xf32, #tpu.memory_space<vmem>>, vector<16xf32>,
    %swap3A_215 = arith.constant 1696 : index
    %swap3A_216 = tpu.vector_load %arg11[%swap3A_215] {strides = array<i32>} : memref<2048xf32, #tpu.memory_space<vmem>>, vector<16xf32>,
    tpu.vector_store %arg11[%swap3A_215], %broadcast_in_dim3A_3 {strides = array<i32>} : memref<2048xf32, #tpu.memory_space<vmem>>, vector<16xf32>,
    %swap3A_217 = arith.constant 1712 : index
    %swap3A_218 = tpu.vector_load %arg11[%swap3A_217] {strides = array<i32>} : memref<2048xf32, #tpu.memory_space<vmem>>, vector<16xf32>,
    tpu.vector_store %arg11[%swap3A_217], %broadcast_in_dim3A_3 {strides = array<i32>} : memref<2048xf32, #tpu.memory_space<vmem>>, vector<16xf32>,
    %swap3A_219 = arith.constant 1728 : index
    %swap3A_220 = tpu.vector_load %arg11[%swap3A_219] {strides = array<i32>} : memref<2048xf32, #tpu.memory_space<vmem>>, vector<16xf32>,
    tpu.vector_store %arg11[%swap3A_219], %broadcast_in_dim3A_3 {strides = array<i32>} : memref<2048xf32, #tpu.memory_space<vmem>>, vector<16xf32>,
    %swap3A_221 = arith.constant 1744 : index
    %swap3A_222 = tpu.vector_load %arg11[%swap3A_221] {strides = array<i32>} : memref<2048xf32, #tpu.memory_space<vmem>>, vector<16xf32>,
    tpu.vector_store %arg11[%swap3A_221], %broadcast_in_dim3A_3 {strides = array<i32>} : memref<2048xf32, #tpu.memory_space<vmem>>, vector<16xf32>,
    %swap3A_223 = arith.constant 1760 : index
    %swap3A_224 = tpu.vector_load %arg11[%swap3A_223] {strides = array<i32>} : memref<2048xf32, #tpu.memory_space<vmem>>, vector<16xf32>,
    tpu.vector_store %arg11[%swap3A_223], %broadcast_in_dim3A_3 {strides = array<i32>} : memref<2048xf32, #tpu.memory_space<vmem>>, vector<16xf32>,
    %swap3A_225 = arith.constant 1776 : index
    %swap3A_226 = tpu.vector_load %arg11[%swap3A_225] {strides = array<i32>} : memref<2048xf32, #tpu.memory_space<vmem>>, vector<16xf32>,
    tpu.vector_store %arg11[%swap3A_225], %broadcast_in_dim3A_3 {strides = array<i32>} : memref<2048xf32, #tpu.memory_space<vmem>>, vector<16xf32>,
    %swap3A_227 = arith.constant 1792 : index
    %swap3A_228 = tpu.vector_load %arg11[%swap3A_227] {strides = array<i32>} : memref<2048xf32, #tpu.memory_space<vmem>>, vector<16xf32>,
    tpu.vector_store %arg11[%swap3A_227], %broadcast_in_dim3A_3 {strides = array<i32>} : memref<2048xf32, #tpu.memory_space<vmem>>, vector<16xf32>,
    %swap3A_229 = arith.constant 1808 : index
    %swap3A_230 = tpu.vector_load %arg11[%swap3A_229] {strides = array<i32>} : memref<2048xf32, #tpu.memory_space<vmem>>, vector<16xf32>,
    tpu.vector_store %arg11[%swap3A_229], %broadcast_in_dim3A_3 {strides = array<i32>} : memref<2048xf32, #tpu.memory_space<vmem>>, vector<16xf32>,
    %swap3A_231 = arith.constant 1824 : index
    %swap3A_232 = tpu.vector_load %arg11[%swap3A_231] {strides = array<i32>} : memref<2048xf32, #tpu.memory_space<vmem>>, vector<16xf32>,
    tpu.vector_store %arg11[%swap3A_231], %broadcast_in_dim3A_3 {strides = array<i32>} : memref<2048xf32, #tpu.memory_space<vmem>>, vector<16xf32>,
    %swap3A_233 = arith.constant 1840 : index
    %swap3A_234 = tpu.vector_load %arg11[%swap3A_233] {strides = array<i32>} : memref<2048xf32, #tpu.memory_space<vmem>>, vector<16xf32>,
    tpu.vector_store %arg11[%swap3A_233], %broadcast_in_dim3A_3 {strides = array<i32>} : memref<2048xf32, #tpu.memory_space<vmem>>, vector<16xf32>,
    %swap3A_235 = arith.constant 1856 : index
    %swap3A_236 = tpu.vector_load %arg11[%swap3A_235] {strides = array<i32>} : memref<2048xf32, #tpu.memory_space<vmem>>, vector<16xf32>,
    tpu.vector_store %arg11[%swap3A_235], %broadcast_in_dim3A_3 {strides = array<i32>} : memref<2048xf32, #tpu.memory_space<vmem>>, vector<16xf32>,
    %swap3A_237 = arith.constant 1872 : index
    %swap3A_238 = tpu.vector_load %arg11[%swap3A_237] {strides = array<i32>} : memref<2048xf32, #tpu.memory_space<vmem>>, vector<16xf32>,
    tpu.vector_store %arg11[%swap3A_237], %broadcast_in_dim3A_3 {strides = array<i32>} : memref<2048xf32, #tpu.memory_space<vmem>>, vector<16xf32>,
    %swap3A_239 = arith.constant 1888 : index
    %swap3A_240 = tpu.vector_load %arg11[%swap3A_239] {strides = array<i32>} : memref<2048xf32, #tpu.memory_space<vmem>>, vector<16xf32>,
    tpu.vector_store %arg11[%swap3A_239], %broadcast_in_dim3A_3 {strides = array<i32>} : memref<2048xf32, #tpu.memory_space<vmem>>, vector<16xf32>,
    %swap3A_241 = arith.constant 1904 : index
    %swap3A_242 = tpu.vector_load %arg11[%swap3A_241] {strides = array<i32>} : memref<2048xf32, #tpu.memory_space<vmem>>, vector<16xf32>,
    tpu.vector_store %arg11[%swap3A_241], %broadcast_in_dim3A_3 {strides = array<i32>} : memref<2048xf32, #tpu.memory_space<vmem>>, vector<16xf32>,
    %swap3A_243 = arith.constant 1920 : index
    %swap3A_244 = tpu.vector_load %arg11[%swap3A_243] {strides = array<i32>} : memref<2048xf32, #tpu.memory_space<vmem>>, vector<16xf32>,
    tpu.vector_store %arg11[%swap3A_243], %broadcast_in_dim3A_3 {strides = array<i32>} : memref<2048xf32, #tpu.memory_space<vmem>>, vector<16xf32>,
    %swap3A_245 = arith.constant 1936 : index
    %swap3A_246 = tpu.vector_load %arg11[%swap3A_245] {strides = array<i32>} : memref<2048xf32, #tpu.memory_space<vmem>>, vector<16xf32>,
    tpu.vector_store %arg11[%swap3A_245], %broadcast_in_dim3A_3 {strides = array<i32>} : memref<2048xf32, #tpu.memory_space<vmem>>, vector<16xf32>,
    %swap3A_247 = arith.constant 1952 : index
    %swap3A_248 = tpu.vector_load %arg11[%swap3A_247] {strides = array<i32>} : memref<2048xf32, #tpu.memory_space<vmem>>, vector<16xf32>,
    tpu.vector_store %arg11[%swap3A_247], %broadcast_in_dim3A_3 {strides = array<i32>} : memref<2048xf32, #tpu.memory_space<vmem>>, vector<16xf32>,
    %swap3A_249 = arith.constant 1968 : index
    %swap3A_250 = tpu.vector_load %arg11[%swap3A_249] {strides = array<i32>} : memref<2048xf32, #tpu.memory_space<vmem>>, vector<16xf32>,
    tpu.vector_store %arg11[%swap3A_249], %broadcast_in_dim3A_3 {strides = array<i32>} : memref<2048xf32, #tpu.memory_space<vmem>>, vector<16xf32>,
    %swap3A_251 = arith.constant 1984 : index
    %swap3A_252 = tpu.vector_load %arg11[%swap3A_251] {strides = array<i32>} : memref<2048xf32, #tpu.memory_space<vmem>>, vector<16xf32>,
    tpu.vector_store %arg11[%swap3A_251], %broadcast_in_dim3A_3 {strides = array<i32>} : memref<2048xf32, #tpu.memory_space<vmem>>, vector<16xf32>,
    %swap3A_253 = arith.constant 2000 : index
    %swap3A_254 = tpu.vector_load %arg11[%swap3A_253] {strides = array<i32>} : memref<2048xf32, #tpu.memory_space<vmem>>, vector<16xf32>,
    tpu.vector_store %arg11[%swap3A_253], %broadcast_in_dim3A_3 {strides = array<i32>} : memref<2048xf32, #tpu.memory_space<vmem>>, vector<16xf32>,
    %swap3A_255 = arith.constant 2016 : index
    %swap3A_256 = tpu.vector_load %arg11[%swap3A_255] {strides = array<i32>} : memref<2048xf32, #tpu.memory_space<vmem>>, vector<16xf32>,
    tpu.vector_store %arg11[%swap3A_255], %broadcast_in_dim3A_3 {strides = array<i32>} : memref<2048xf32, #tpu.memory_space<vmem>>, vector<16xf32>,
    %swap3A_257 = arith.constant 2032 : index
    %swap3A_258 = tpu.vector_load %arg11[%swap3A_257] {strides = array<i32>} : memref<2048xf32, #tpu.memory_space<vmem>>, vector<16xf32>,
    tpu.vector_store %arg11[%swap3A_257], %broadcast_in_dim3A_3 {strides = array<i32>} : memref<2048xf32, #tpu.memory_space<vmem>>, vector<16xf32>,
    %mul3A_259 = arith.constant 32768 : i32
    %mul3A_260 = arith.muli %arg1, %mul3A_259 : i32
    %add3A_261 = arith.constant 0 : i32
    %add3A_262 = arith.addi %mul3A_260, %add3A_261 : i32
    "tpu.region"() ({
      %run_scoped3A = tpu.sem_alloc : memref<!tpu.dma_semaphore, #tpu.memory_space<semaphore_mem>>
      %dma_start3A = tpu.memref_slice %arg6[%add3A_262] : memref<524288xf32, #tpu.memory_space<vmem_shared>> -> memref<2048xf32, #tpu.memory_space<vmem_shared>>
      %dma_start3A_310 = tpu.memref_slice %arg6[%add3A_262] : memref<524288xf32, #tpu.memory_space<vmem_shared>> -> memref<2048xf32, #tpu.memory_space<vmem_shared>>
      tpu.enqueue_dma source(%arg11 : memref<2048xf32, #tpu.memory_space<vmem>>) target(%dma_start3A_310 : memref<2048xf32, #tpu.memory_space<vmem_shared>>) target_semaphore(%run_scoped3A : memref<!tpu.dma_semaphore, #tpu.memory_space<semaphore_mem>>)
      %dma_wait3A = tpu.memref_slice %arg6[%add3A_262] : memref<524288xf32, #tpu.memory_space<vmem_shared>> -> memref<2048xf32, #tpu.memory_space<vmem_shared>>
      %dma_wait3A_311 = tpu.memref_slice %arg6[%add3A_262] : memref<524288xf32, #tpu.memory_space<vmem_shared>> -> memref<2048xf32, #tpu.memory_space<vmem_shared>>
      tpu.wait_dma2 semaphore(%run_scoped3A : memref<!tpu.dma_semaphore, #tpu.memory_space<semaphore_mem>>) src(%arg11 : memref<2048xf32, #tpu.memory_space<vmem>>) dst(%dma_wait3A_311 : memref<2048xf32, #tpu.memory_space<vmem_shared>>)
      tpu.yield
    }) : () -> ()
    %add3A_263 = arith.constant 2048 : i32
    %add3A_264 = arith.addi %mul3A_260, %add3A_263 : i32
    "tpu.region"() ({
      %run_scoped3A = tpu.sem_alloc : memref<!tpu.dma_semaphore, #tpu.memory_space<semaphore_mem>>
      %dma_start3A = tpu.memref_slice %arg6[%add3A_264] : memref<524288xf32, #tpu.memory_space<vmem_shared>> -> memref<2048xf32, #tpu.memory_space<vmem_shared>>
      %dma_start3A_310 = tpu.memref_slice %arg6[%add3A_264] : memref<524288xf32, #tpu.memory_space<vmem_shared>> -> memref<2048xf32, #tpu.memory_space<vmem_shared>>
      tpu.enqueue_dma source(%arg11 : memref<2048xf32, #tpu.memory_space<vmem>>) target(%dma_start3A_310 : memref<2048xf32, #tpu.memory_space<vmem_shared>>) target_semaphore(%run_scoped3A : memref<!tpu.dma_semaphore, #tpu.memory_space<semaphore_mem>>)
      %dma_wait3A = tpu.memref_slice %arg6[%add3A_264] : memref<524288xf32, #tpu.memory_space<vmem_shared>> -> memref<2048xf32, #tpu.memory_space<vmem_shared>>
      %dma_wait3A_311 = tpu.memref_slice %arg6[%add3A_264] : memref<524288xf32, #tpu.memory_space<vmem_shared>> -> memref<2048xf32, #tpu.memory_space<vmem_shared>>
      tpu.wait_dma2 semaphore(%run_scoped3A : memref<!tpu.dma_semaphore, #tpu.memory_space<semaphore_mem>>) src(%arg11 : memref<2048xf32, #tpu.memory_space<vmem>>) dst(%dma_wait3A_311 : memref<2048xf32, #tpu.memory_space<vmem_shared>>)
      tpu.yield
    }) : () -> ()
    %add3A_265 = arith.constant 4096 : i32
    %add3A_266 = arith.addi %mul3A_260, %add3A_265 : i32
    "tpu.region"() ({
      %run_scoped3A = tpu.sem_alloc : memref<!tpu.dma_semaphore, #tpu.memory_space<semaphore_mem>>
      %dma_start3A = tpu.memref_slice %arg6[%add3A_266] : memref<524288xf32, #tpu.memory_space<vmem_shared>> -> memref<2048xf32, #tpu.memory_space<vmem_shared>>
      %dma_start3A_310 = tpu.memref_slice %arg6[%add3A_266] : memref<524288xf32, #tpu.memory_space<vmem_shared>> -> memref<2048xf32, #tpu.memory_space<vmem_shared>>
      tpu.enqueue_dma source(%arg11 : memref<2048xf32, #tpu.memory_space<vmem>>) target(%dma_start3A_310 : memref<2048xf32, #tpu.memory_space<vmem_shared>>) target_semaphore(%run_scoped3A : memref<!tpu.dma_semaphore, #tpu.memory_space<semaphore_mem>>)
      %dma_wait3A = tpu.memref_slice %arg6[%add3A_266] : memref<524288xf32, #tpu.memory_space<vmem_shared>> -> memref<2048xf32, #tpu.memory_space<vmem_shared>>
      %dma_wait3A_311 = tpu.memref_slice %arg6[%add3A_266] : memref<524288xf32, #tpu.memory_space<vmem_shared>> -> memref<2048xf32, #tpu.memory_space<vmem_shared>>
      tpu.wait_dma2 semaphore(%run_scoped3A : memref<!tpu.dma_semaphore, #tpu.memory_space<semaphore_mem>>) src(%arg11 : memref<2048xf32, #tpu.memory_space<vmem>>) dst(%dma_wait3A_311 : memref<2048xf32, #tpu.memory_space<vmem_shared>>)
      tpu.yield
    }) : () -> ()
    %add3A_267 = arith.constant 6144 : i32
    %add3A_268 = arith.addi %mul3A_260, %add3A_267 : i32
    "tpu.region"() ({
      %run_scoped3A = tpu.sem_alloc : memref<!tpu.dma_semaphore, #tpu.memory_space<semaphore_mem>>
      %dma_start3A = tpu.memref_slice %arg6[%add3A_268] : memref<524288xf32, #tpu.memory_space<vmem_shared>> -> memref<2048xf32, #tpu.memory_space<vmem_shared>>
      %dma_start3A_310 = tpu.memref_slice %arg6[%add3A_268] : memref<524288xf32, #tpu.memory_space<vmem_shared>> -> memref<2048xf32, #tpu.memory_space<vmem_shared>>
      tpu.enqueue_dma source(%arg11 : memref<2048xf32, #tpu.memory_space<vmem>>) target(%dma_start3A_310 : memref<2048xf32, #tpu.memory_space<vmem_shared>>) target_semaphore(%run_scoped3A : memref<!tpu.dma_semaphore, #tpu.memory_space<semaphore_mem>>)
      %dma_wait3A = tpu.memref_slice %arg6[%add3A_268] : memref<524288xf32, #tpu.memory_space<vmem_shared>> -> memref<2048xf32, #tpu.memory_space<vmem_shared>>
      %dma_wait3A_311 = tpu.memref_slice %arg6[%add3A_268] : memref<524288xf32, #tpu.memory_space<vmem_shared>> -> memref<2048xf32, #tpu.memory_space<vmem_shared>>
      tpu.wait_dma2 semaphore(%run_scoped3A : memref<!tpu.dma_semaphore, #tpu.memory_space<semaphore_mem>>) src(%arg11 : memref<2048xf32, #tpu.memory_space<vmem>>) dst(%dma_wait3A_311 : memref<2048xf32, #tpu.memory_space<vmem_shared>>)
      tpu.yield
    }) : () -> ()
    %add3A_269 = arith.constant 8192 : i32
    %add3A_270 = arith.addi %mul3A_260, %add3A_269 : i32
    "tpu.region"() ({
      %run_scoped3A = tpu.sem_alloc : memref<!tpu.dma_semaphore, #tpu.memory_space<semaphore_mem>>
      %dma_start3A = tpu.memref_slice %arg6[%add3A_270] : memref<524288xf32, #tpu.memory_space<vmem_shared>> -> memref<2048xf32, #tpu.memory_space<vmem_shared>>
      %dma_start3A_310 = tpu.memref_slice %arg6[%add3A_270] : memref<524288xf32, #tpu.memory_space<vmem_shared>> -> memref<2048xf32, #tpu.memory_space<vmem_shared>>
      tpu.enqueue_dma source(%arg11 : memref<2048xf32, #tpu.memory_space<vmem>>) target(%dma_start3A_310 : memref<2048xf32, #tpu.memory_space<vmem_shared>>) target_semaphore(%run_scoped3A : memref<!tpu.dma_semaphore, #tpu.memory_space<semaphore_mem>>)
      %dma_wait3A = tpu.memref_slice %arg6[%add3A_270] : memref<524288xf32, #tpu.memory_space<vmem_shared>> -> memref<2048xf32, #tpu.memory_space<vmem_shared>>
      %dma_wait3A_311 = tpu.memref_slice %arg6[%add3A_270] : memref<524288xf32, #tpu.memory_space<vmem_shared>> -> memref<2048xf32, #tpu.memory_space<vmem_shared>>
      tpu.wait_dma2 semaphore(%run_scoped3A : memref<!tpu.dma_semaphore, #tpu.memory_space<semaphore_mem>>) src(%arg11 : memref<2048xf32, #tpu.memory_space<vmem>>) dst(%dma_wait3A_311 : memref<2048xf32, #tpu.memory_space<vmem_shared>>)
      tpu.yield
    }) : () -> ()
    %add3A_271 = arith.constant 10240 : i32
    %add3A_272 = arith.addi %mul3A_260, %add3A_271 : i32
    "tpu.region"() ({
      %run_scoped3A = tpu.sem_alloc : memref<!tpu.dma_semaphore, #tpu.memory_space<semaphore_mem>>
      %dma_start3A = tpu.memref_slice %arg6[%add3A_272] : memref<524288xf32, #tpu.memory_space<vmem_shared>> -> memref<2048xf32, #tpu.memory_space<vmem_shared>>
      %dma_start3A_310 = tpu.memref_slice %arg6[%add3A_272] : memref<524288xf32, #tpu.memory_space<vmem_shared>> -> memref<2048xf32, #tpu.memory_space<vmem_shared>>
      tpu.enqueue_dma source(%arg11 : memref<2048xf32, #tpu.memory_space<vmem>>) target(%dma_start3A_310 : memref<2048xf32, #tpu.memory_space<vmem_shared>>) target_semaphore(%run_scoped3A : memref<!tpu.dma_semaphore, #tpu.memory_space<semaphore_mem>>)
      %dma_wait3A = tpu.memref_slice %arg6[%add3A_272] : memref<524288xf32, #tpu.memory_space<vmem_shared>> -> memref<2048xf32, #tpu.memory_space<vmem_shared>>
      %dma_wait3A_311 = tpu.memref_slice %arg6[%add3A_272] : memref<524288xf32, #tpu.memory_space<vmem_shared>> -> memref<2048xf32, #tpu.memory_space<vmem_shared>>
      tpu.wait_dma2 semaphore(%run_scoped3A : memref<!tpu.dma_semaphore, #tpu.memory_space<semaphore_mem>>) src(%arg11 : memref<2048xf32, #tpu.memory_space<vmem>>) dst(%dma_wait3A_311 : memref<2048xf32, #tpu.memory_space<vmem_shared>>)
      tpu.yield
    }) : () -> ()
    %add3A_273 = arith.constant 12288 : i32
    %add3A_274 = arith.addi %mul3A_260, %add3A_273 : i32
    "tpu.region"() ({
      %run_scoped3A = tpu.sem_alloc : memref<!tpu.dma_semaphore, #tpu.memory_space<semaphore_mem>>
      %dma_start3A = tpu.memref_slice %arg6[%add3A_274] : memref<524288xf32, #tpu.memory_space<vmem_shared>> -> memref<2048xf32, #tpu.memory_space<vmem_shared>>
      %dma_start3A_310 = tpu.memref_slice %arg6[%add3A_274] : memref<524288xf32, #tpu.memory_space<vmem_shared>> -> memref<2048xf32, #tpu.memory_space<vmem_shared>>
      tpu.enqueue_dma source(%arg11 : memref<2048xf32, #tpu.memory_space<vmem>>) target(%dma_start3A_310 : memref<2048xf32, #tpu.memory_space<vmem_shared>>) target_semaphore(%run_scoped3A : memref<!tpu.dma_semaphore, #tpu.memory_space<semaphore_mem>>)
      %dma_wait3A = tpu.memref_slice %arg6[%add3A_274] : memref<524288xf32, #tpu.memory_space<vmem_shared>> -> memref<2048xf32, #tpu.memory_space<vmem_shared>>
      %dma_wait3A_311 = tpu.memref_slice %arg6[%add3A_274] : memref<524288xf32, #tpu.memory_space<vmem_shared>> -> memref<2048xf32, #tpu.memory_space<vmem_shared>>
      tpu.wait_dma2 semaphore(%run_scoped3A : memref<!tpu.dma_semaphore, #tpu.memory_space<semaphore_mem>>) src(%arg11 : memref<2048xf32, #tpu.memory_space<vmem>>) dst(%dma_wait3A_311 : memref<2048xf32, #tpu.memory_space<vmem_shared>>)
      tpu.yield
    }) : () -> ()
    %add3A_275 = arith.constant 14336 : i32
    %add3A_276 = arith.addi %mul3A_260, %add3A_275 : i32
    "tpu.region"() ({
      %run_scoped3A = tpu.sem_alloc : memref<!tpu.dma_semaphore, #tpu.memory_space<semaphore_mem>>
      %dma_start3A = tpu.memref_slice %arg6[%add3A_276] : memref<524288xf32, #tpu.memory_space<vmem_shared>> -> memref<2048xf32, #tpu.memory_space<vmem_shared>>
      %dma_start3A_310 = tpu.memref_slice %arg6[%add3A_276] : memref<524288xf32, #tpu.memory_space<vmem_shared>> -> memref<2048xf32, #tpu.memory_space<vmem_shared>>
      tpu.enqueue_dma source(%arg11 : memref<2048xf32, #tpu.memory_space<vmem>>) target(%dma_start3A_310 : memref<2048xf32, #tpu.memory_space<vmem_shared>>) target_semaphore(%run_scoped3A : memref<!tpu.dma_semaphore, #tpu.memory_space<semaphore_mem>>)
      %dma_wait3A = tpu.memref_slice %arg6[%add3A_276] : memref<524288xf32, #tpu.memory_space<vmem_shared>> -> memref<2048xf32, #tpu.memory_space<vmem_shared>>
      %dma_wait3A_311 = tpu.memref_slice %arg6[%add3A_276] : memref<524288xf32, #tpu.memory_space<vmem_shared>> -> memref<2048xf32, #tpu.memory_space<vmem_shared>>
      tpu.wait_dma2 semaphore(%run_scoped3A : memref<!tpu.dma_semaphore, #tpu.memory_space<semaphore_mem>>) src(%arg11 : memref<2048xf32, #tpu.memory_space<vmem>>) dst(%dma_wait3A_311 : memref<2048xf32, #tpu.memory_space<vmem_shared>>)
      tpu.yield
    }) : () -> ()
    %add3A_277 = arith.constant 16384 : i32
    %add3A_278 = arith.addi %mul3A_260, %add3A_277 : i32
    "tpu.region"() ({
      %run_scoped3A = tpu.sem_alloc : memref<!tpu.dma_semaphore, #tpu.memory_space<semaphore_mem>>
      %dma_start3A = tpu.memref_slice %arg6[%add3A_278] : memref<524288xf32, #tpu.memory_space<vmem_shared>> -> memref<2048xf32, #tpu.memory_space<vmem_shared>>
      %dma_start3A_310 = tpu.memref_slice %arg6[%add3A_278] : memref<524288xf32, #tpu.memory_space<vmem_shared>> -> memref<2048xf32, #tpu.memory_space<vmem_shared>>
      tpu.enqueue_dma source(%arg11 : memref<2048xf32, #tpu.memory_space<vmem>>) target(%dma_start3A_310 : memref<2048xf32, #tpu.memory_space<vmem_shared>>) target_semaphore(%run_scoped3A : memref<!tpu.dma_semaphore, #tpu.memory_space<semaphore_mem>>)
      %dma_wait3A = tpu.memref_slice %arg6[%add3A_278] : memref<524288xf32, #tpu.memory_space<vmem_shared>> -> memref<2048xf32, #tpu.memory_space<vmem_shared>>
      %dma_wait3A_311 = tpu.memref_slice %arg6[%add3A_278] : memref<524288xf32, #tpu.memory_space<vmem_shared>> -> memref<2048xf32, #tpu.memory_space<vmem_shared>>
      tpu.wait_dma2 semaphore(%run_scoped3A : memref<!tpu.dma_semaphore, #tpu.memory_space<semaphore_mem>>) src(%arg11 : memref<2048xf32, #tpu.memory_space<vmem>>) dst(%dma_wait3A_311 : memref<2048xf32, #tpu.memory_space<vmem_shared>>)
      tpu.yield
    }) : () -> ()
    %add3A_279 = arith.constant 18432 : i32
    %add3A_280 = arith.addi %mul3A_260, %add3A_279 : i32
    "tpu.region"() ({
      %run_scoped3A = tpu.sem_alloc : memref<!tpu.dma_semaphore, #tpu.memory_space<semaphore_mem>>
      %dma_start3A = tpu.memref_slice %arg6[%add3A_280] : memref<524288xf32, #tpu.memory_space<vmem_shared>> -> memref<2048xf32, #tpu.memory_space<vmem_shared>>
      %dma_start3A_310 = tpu.memref_slice %arg6[%add3A_280] : memref<524288xf32, #tpu.memory_space<vmem_shared>> -> memref<2048xf32, #tpu.memory_space<vmem_shared>>
      tpu.enqueue_dma source(%arg11 : memref<2048xf32, #tpu.memory_space<vmem>>) target(%dma_start3A_310 : memref<2048xf32, #tpu.memory_space<vmem_shared>>) target_semaphore(%run_scoped3A : memref<!tpu.dma_semaphore, #tpu.memory_space<semaphore_mem>>)
      %dma_wait3A = tpu.memref_slice %arg6[%add3A_280] : memref<524288xf32, #tpu.memory_space<vmem_shared>> -> memref<2048xf32, #tpu.memory_space<vmem_shared>>
      %dma_wait3A_311 = tpu.memref_slice %arg6[%add3A_280] : memref<524288xf32, #tpu.memory_space<vmem_shared>> -> memref<2048xf32, #tpu.memory_space<vmem_shared>>
      tpu.wait_dma2 semaphore(%run_scoped3A : memref<!tpu.dma_semaphore, #tpu.memory_space<semaphore_mem>>) src(%arg11 : memref<2048xf32, #tpu.memory_space<vmem>>) dst(%dma_wait3A_311 : memref<2048xf32, #tpu.memory_space<vmem_shared>>)
      tpu.yield
    }) : () -> ()
    %add3A_281 = arith.constant 20480 : i32
    %add3A_282 = arith.addi %mul3A_260, %add3A_281 : i32
    "tpu.region"() ({
      %run_scoped3A = tpu.sem_alloc : memref<!tpu.dma_semaphore, #tpu.memory_space<semaphore_mem>>
      %dma_start3A = tpu.memref_slice %arg6[%add3A_282] : memref<524288xf32, #tpu.memory_space<vmem_shared>> -> memref<2048xf32, #tpu.memory_space<vmem_shared>>
      %dma_start3A_310 = tpu.memref_slice %arg6[%add3A_282] : memref<524288xf32, #tpu.memory_space<vmem_shared>> -> memref<2048xf32, #tpu.memory_space<vmem_shared>>
      tpu.enqueue_dma source(%arg11 : memref<2048xf32, #tpu.memory_space<vmem>>) target(%dma_start3A_310 : memref<2048xf32, #tpu.memory_space<vmem_shared>>) target_semaphore(%run_scoped3A : memref<!tpu.dma_semaphore, #tpu.memory_space<semaphore_mem>>)
      %dma_wait3A = tpu.memref_slice %arg6[%add3A_282] : memref<524288xf32, #tpu.memory_space<vmem_shared>> -> memref<2048xf32, #tpu.memory_space<vmem_shared>>
      %dma_wait3A_311 = tpu.memref_slice %arg6[%add3A_282] : memref<524288xf32, #tpu.memory_space<vmem_shared>> -> memref<2048xf32, #tpu.memory_space<vmem_shared>>
      tpu.wait_dma2 semaphore(%run_scoped3A : memref<!tpu.dma_semaphore, #tpu.memory_space<semaphore_mem>>) src(%arg11 : memref<2048xf32, #tpu.memory_space<vmem>>) dst(%dma_wait3A_311 : memref<2048xf32, #tpu.memory_space<vmem_shared>>)
      tpu.yield
    }) : () -> ()
    %add3A_283 = arith.constant 22528 : i32
    %add3A_284 = arith.addi %mul3A_260, %add3A_283 : i32
    "tpu.region"() ({
      %run_scoped3A = tpu.sem_alloc : memref<!tpu.dma_semaphore, #tpu.memory_space<semaphore_mem>>
      %dma_start3A = tpu.memref_slice %arg6[%add3A_284] : memref<524288xf32, #tpu.memory_space<vmem_shared>> -> memref<2048xf32, #tpu.memory_space<vmem_shared>>
      %dma_start3A_310 = tpu.memref_slice %arg6[%add3A_284] : memref<524288xf32, #tpu.memory_space<vmem_shared>> -> memref<2048xf32, #tpu.memory_space<vmem_shared>>
      tpu.enqueue_dma source(%arg11 : memref<2048xf32, #tpu.memory_space<vmem>>) target(%dma_start3A_310 : memref<2048xf32, #tpu.memory_space<vmem_shared>>) target_semaphore(%run_scoped3A : memref<!tpu.dma_semaphore, #tpu.memory_space<semaphore_mem>>)
      %dma_wait3A = tpu.memref_slice %arg6[%add3A_284] : memref<524288xf32, #tpu.memory_space<vmem_shared>> -> memref<2048xf32, #tpu.memory_space<vmem_shared>>
      %dma_wait3A_311 = tpu.memref_slice %arg6[%add3A_284] : memref<524288xf32, #tpu.memory_space<vmem_shared>> -> memref<2048xf32, #tpu.memory_space<vmem_shared>>
      tpu.wait_dma2 semaphore(%run_scoped3A : memref<!tpu.dma_semaphore, #tpu.memory_space<semaphore_mem>>) src(%arg11 : memref<2048xf32, #tpu.memory_space<vmem>>) dst(%dma_wait3A_311 : memref<2048xf32, #tpu.memory_space<vmem_shared>>)
      tpu.yield
    }) : () -> ()
    %add3A_285 = arith.constant 24576 : i32
    %add3A_286 = arith.addi %mul3A_260, %add3A_285 : i32
    "tpu.region"() ({
      %run_scoped3A = tpu.sem_alloc : memref<!tpu.dma_semaphore, #tpu.memory_space<semaphore_mem>>
      %dma_start3A = tpu.memref_slice %arg6[%add3A_286] : memref<524288xf32, #tpu.memory_space<vmem_shared>> -> memref<2048xf32, #tpu.memory_space<vmem_shared>>
      %dma_start3A_310 = tpu.memref_slice %arg6[%add3A_286] : memref<524288xf32, #tpu.memory_space<vmem_shared>> -> memref<2048xf32, #tpu.memory_space<vmem_shared>>
      tpu.enqueue_dma source(%arg11 : memref<2048xf32, #tpu.memory_space<vmem>>) target(%dma_start3A_310 : memref<2048xf32, #tpu.memory_space<vmem_shared>>) target_semaphore(%run_scoped3A : memref<!tpu.dma_semaphore, #tpu.memory_space<semaphore_mem>>)
      %dma_wait3A = tpu.memref_slice %arg6[%add3A_286] : memref<524288xf32, #tpu.memory_space<vmem_shared>> -> memref<2048xf32, #tpu.memory_space<vmem_shared>>
      %dma_wait3A_311 = tpu.memref_slice %arg6[%add3A_286] : memref<524288xf32, #tpu.memory_space<vmem_shared>> -> memref<2048xf32, #tpu.memory_space<vmem_shared>>
      tpu.wait_dma2 semaphore(%run_scoped3A : memref<!tpu.dma_semaphore, #tpu.memory_space<semaphore_mem>>) src(%arg11 : memref<2048xf32, #tpu.memory_space<vmem>>) dst(%dma_wait3A_311 : memref<2048xf32, #tpu.memory_space<vmem_shared>>)
      tpu.yield
    }) : () -> ()
    %add3A_287 = arith.constant 26624 : i32
    %add3A_288 = arith.addi %mul3A_260, %add3A_287 : i32
    "tpu.region"() ({
      %run_scoped3A = tpu.sem_alloc : memref<!tpu.dma_semaphore, #tpu.memory_space<semaphore_mem>>
      %dma_start3A = tpu.memref_slice %arg6[%add3A_288] : memref<524288xf32, #tpu.memory_space<vmem_shared>> -> memref<2048xf32, #tpu.memory_space<vmem_shared>>
      %dma_start3A_310 = tpu.memref_slice %arg6[%add3A_288] : memref<524288xf32, #tpu.memory_space<vmem_shared>> -> memref<2048xf32, #tpu.memory_space<vmem_shared>>
      tpu.enqueue_dma source(%arg11 : memref<2048xf32, #tpu.memory_space<vmem>>) target(%dma_start3A_310 : memref<2048xf32, #tpu.memory_space<vmem_shared>>) target_semaphore(%run_scoped3A : memref<!tpu.dma_semaphore, #tpu.memory_space<semaphore_mem>>)
      %dma_wait3A = tpu.memref_slice %arg6[%add3A_288] : memref<524288xf32, #tpu.memory_space<vmem_shared>> -> memref<2048xf32, #tpu.memory_space<vmem_shared>>
      %dma_wait3A_311 = tpu.memref_slice %arg6[%add3A_288] : memref<524288xf32, #tpu.memory_space<vmem_shared>> -> memref<2048xf32, #tpu.memory_space<vmem_shared>>
      tpu.wait_dma2 semaphore(%run_scoped3A : memref<!tpu.dma_semaphore, #tpu.memory_space<semaphore_mem>>) src(%arg11 : memref<2048xf32, #tpu.memory_space<vmem>>) dst(%dma_wait3A_311 : memref<2048xf32, #tpu.memory_space<vmem_shared>>)
      tpu.yield
    }) : () -> ()
    %add3A_289 = arith.constant 28672 : i32
    %add3A_290 = arith.addi %mul3A_260, %add3A_289 : i32
    "tpu.region"() ({
      %run_scoped3A = tpu.sem_alloc : memref<!tpu.dma_semaphore, #tpu.memory_space<semaphore_mem>>
      %dma_start3A = tpu.memref_slice %arg6[%add3A_290] : memref<524288xf32, #tpu.memory_space<vmem_shared>> -> memref<2048xf32, #tpu.memory_space<vmem_shared>>
      %dma_start3A_310 = tpu.memref_slice %arg6[%add3A_290] : memref<524288xf32, #tpu.memory_space<vmem_shared>> -> memref<2048xf32, #tpu.memory_space<vmem_shared>>
      tpu.enqueue_dma source(%arg11 : memref<2048xf32, #tpu.memory_space<vmem>>) target(%dma_start3A_310 : memref<2048xf32, #tpu.memory_space<vmem_shared>>) target_semaphore(%run_scoped3A : memref<!tpu.dma_semaphore, #tpu.memory_space<semaphore_mem>>)
      %dma_wait3A = tpu.memref_slice %arg6[%add3A_290] : memref<524288xf32, #tpu.memory_space<vmem_shared>> -> memref<2048xf32, #tpu.memory_space<vmem_shared>>
      %dma_wait3A_311 = tpu.memref_slice %arg6[%add3A_290] : memref<524288xf32, #tpu.memory_space<vmem_shared>> -> memref<2048xf32, #tpu.memory_space<vmem_shared>>
      tpu.wait_dma2 semaphore(%run_scoped3A : memref<!tpu.dma_semaphore, #tpu.memory_space<semaphore_mem>>) src(%arg11 : memref<2048xf32, #tpu.memory_space<vmem>>) dst(%dma_wait3A_311 : memref<2048xf32, #tpu.memory_space<vmem_shared>>)
      tpu.yield
    }) : () -> ()
    %add3A_291 = arith.constant 30720 : i32
    %add3A_292 = arith.addi %mul3A_260, %add3A_291 : i32
    "tpu.region"() ({
      %run_scoped3A = tpu.sem_alloc : memref<!tpu.dma_semaphore, #tpu.memory_space<semaphore_mem>>
      %dma_start3A = tpu.memref_slice %arg6[%add3A_292] : memref<524288xf32, #tpu.memory_space<vmem_shared>> -> memref<2048xf32, #tpu.memory_space<vmem_shared>>
      %dma_start3A_310 = tpu.memref_slice %arg6[%add3A_292] : memref<524288xf32, #tpu.memory_space<vmem_shared>> -> memref<2048xf32, #tpu.memory_space<vmem_shared>>
      tpu.enqueue_dma source(%arg11 : memref<2048xf32, #tpu.memory_space<vmem>>) target(%dma_start3A_310 : memref<2048xf32, #tpu.memory_space<vmem_shared>>) target_semaphore(%run_scoped3A : memref<!tpu.dma_semaphore, #tpu.memory_space<semaphore_mem>>)
      %dma_wait3A = tpu.memref_slice %arg6[%add3A_292] : memref<524288xf32, #tpu.memory_space<vmem_shared>> -> memref<2048xf32, #tpu.memory_space<vmem_shared>>
      %dma_wait3A_311 = tpu.memref_slice %arg6[%add3A_292] : memref<524288xf32, #tpu.memory_space<vmem_shared>> -> memref<2048xf32, #tpu.memory_space<vmem_shared>>
      tpu.wait_dma2 semaphore(%run_scoped3A : memref<!tpu.dma_semaphore, #tpu.memory_space<semaphore_mem>>) src(%arg11 : memref<2048xf32, #tpu.memory_space<vmem>>) dst(%dma_wait3A_311 : memref<2048xf32, #tpu.memory_space<vmem_shared>>)
      tpu.yield
    }) : () -> ()
    %barrier3A = arith.constant 0 : index
    tpu.barrier barrier_id(%barrier3A)
    %lt3A = arith.constant 18 : i32
    %lt3A_293 = arith.cmpi slt, %add3A, %lt3A : i32
    %mul3A_294 = arith.constant 977 : i32
    %mul3A_295 = arith.muli %add3A, %mul3A_294 : i32
    %sub3A = arith.constant 18 : i32
    %sub3A_296 = arith.subi %add3A, %sub3A : i32
    %mul3A_297 = arith.constant 976 : i32
    %mul3A_298 = arith.muli %sub3A_296, %mul3A_297 : i32
    %add3A_299 = arith.constant 17586 : i32
    %add3A_300 = arith.addi %add3A_299, %mul3A_298 : i32
    %select_n3A = arith.select %lt3A_293, %mul3A_295, %add3A_300 : i32
    %scan3A = arith.constant 0 : i32
    %scan3A_301 = arith.constant 0 : i32
    %scan3A_302 = arith.constant 61 : i32
    %scan3A_303 = arith.addi %scan3A_301, %scan3A_302 : i32
    %scan3A_304 = arith.constant 1 : i32
    scf.for %scan3A_310 = %scan3A_301 to %scan3A_303 step %scan3A_304  : i32 {
      %mul3A_311 = arith.constant 16 : i32
      %mul3A_312 = arith.muli %scan3A_310, %mul3A_311 : i32
      %add3A_313 = arith.addi %select_n3A, %mul3A_312 : i32
      %mul3A_314 = arith.constant 64 : i32
      %mul3A_315 = arith.muli %add3A_313, %mul3A_314 : i32
      %multiple_of3A = tpu.assume_multiple %mul3A_315, 64 : i32
      %mul3A_316 = arith.constant 2 : i32
      %mul3A_317 = arith.muli %multiple_of3A, %mul3A_316 : i32
      "tpu.region"() ({
        %run_scoped3A_1626 = tpu.sem_alloc : memref<!tpu.dma_semaphore, #tpu.memory_space<semaphore_mem>>
        %dma_start3A_1627 = arith.constant 0 : i32
        %dma_start3A_1628 = tpu.memref_slice %arg7[%dma_start3A_1627] : memref<2048xi32, #tpu.memory_space<vmem>> -> memref<2048xi32, #tpu.memory_space<vmem>>
        %dma_start3A_1629 = tpu.memref_slice %arg3[%mul3A_317] : memref<4000000xi32, #tpu.memory_space<hbm>> -> memref<2048xi32, #tpu.memory_space<hbm>>
        %dma_start3A_1630 = arith.constant 0 : i32
        %dma_start3A_1631 = tpu.memref_slice %arg7[%dma_start3A_1630] : memref<2048xi32, #tpu.memory_space<vmem>> -> memref<2048xi32, #tpu.memory_space<vmem>>
        %dma_start3A_1632 = tpu.memref_slice %arg3[%mul3A_317] : memref<4000000xi32, #tpu.memory_space<hbm>> -> memref<2048xi32, #tpu.memory_space<hbm>>
        tpu.enqueue_dma source(%dma_start3A_1632 : memref<2048xi32, #tpu.memory_space<hbm>>) target(%dma_start3A_1631 : memref<2048xi32, #tpu.memory_space<vmem>>) target_semaphore(%run_scoped3A_1626 : memref<!tpu.dma_semaphore, #tpu.memory_space<semaphore_mem>>)
        %dma_wait3A_1633 = arith.constant 0 : i32
        %dma_wait3A_1634 = tpu.memref_slice %arg7[%dma_wait3A_1633] : memref<2048xi32, #tpu.memory_space<vmem>> -> memref<2048xi32, #tpu.memory_space<vmem>>
        %dma_wait3A_1635 = tpu.memref_slice %arg3[%mul3A_317] : memref<4000000xi32, #tpu.memory_space<hbm>> -> memref<2048xi32, #tpu.memory_space<hbm>>
        %dma_wait3A_1636 = arith.constant 0 : i32
        %dma_wait3A_1637 = tpu.memref_slice %arg7[%dma_wait3A_1636] : memref<2048xi32, #tpu.memory_space<vmem>> -> memref<2048xi32, #tpu.memory_space<vmem>>
        %dma_wait3A_1638 = tpu.memref_slice %arg3[%mul3A_317] : memref<4000000xi32, #tpu.memory_space<hbm>> -> memref<2048xi32, #tpu.memory_space<hbm>>
        tpu.wait_dma2 semaphore(%run_scoped3A_1626 : memref<!tpu.dma_semaphore, #tpu.memory_space<semaphore_mem>>) src(%dma_wait3A_1638 : memref<2048xi32, #tpu.memory_space<hbm>>) dst(%dma_wait3A_1637 : memref<2048xi32, #tpu.memory_space<vmem>>)
        tpu.yield
      }) : () -> ()
      "tpu.region"() ({
        %run_scoped3A_1626 = tpu.sem_alloc : memref<!tpu.dma_semaphore, #tpu.memory_space<semaphore_mem>>
        %dma_start3A_1627 = arith.constant 0 : i32
        %dma_start3A_1628 = tpu.memref_slice %arg8[%dma_start3A_1627] : memref<1024xf32, #tpu.memory_space<vmem>> -> memref<1024xf32, #tpu.memory_space<vmem>>
        %dma_start3A_1629 = tpu.memref_slice %arg2[%multiple_of3A] : memref<2000000xf32, #tpu.memory_space<hbm>> -> memref<1024xf32, #tpu.memory_space<hbm>>
        %dma_start3A_1630 = arith.constant 0 : i32
        %dma_start3A_1631 = tpu.memref_slice %arg8[%dma_start3A_1630] : memref<1024xf32, #tpu.memory_space<vmem>> -> memref<1024xf32, #tpu.memory_space<vmem>>
        %dma_start3A_1632 = tpu.memref_slice %arg2[%multiple_of3A] : memref<2000000xf32, #tpu.memory_space<hbm>> -> memref<1024xf32, #tpu.memory_space<hbm>>
        tpu.enqueue_dma source(%dma_start3A_1632 : memref<1024xf32, #tpu.memory_space<hbm>>) target(%dma_start3A_1631 : memref<1024xf32, #tpu.memory_space<vmem>>) target_semaphore(%run_scoped3A_1626 : memref<!tpu.dma_semaphore, #tpu.memory_space<semaphore_mem>>)
        %dma_wait3A_1633 = arith.constant 0 : i32
        %dma_wait3A_1634 = tpu.memref_slice %arg8[%dma_wait3A_1633] : memref<1024xf32, #tpu.memory_space<vmem>> -> memref<1024xf32, #tpu.memory_space<vmem>>
        %dma_wait3A_1635 = tpu.memref_slice %arg2[%multiple_of3A] : memref<2000000xf32, #tpu.memory_space<hbm>> -> memref<1024xf32, #tpu.memory_space<hbm>>
        %dma_wait3A_1636 = arith.constant 0 : i32
        %dma_wait3A_1637 = tpu.memref_slice %arg8[%dma_wait3A_1636] : memref<1024xf32, #tpu.memory_space<vmem>> -> memref<1024xf32, #tpu.memory_space<vmem>>
        %dma_wait3A_1638 = tpu.memref_slice %arg2[%multiple_of3A] : memref<2000000xf32, #tpu.memory_space<hbm>> -> memref<1024xf32, #tpu.memory_space<hbm>>
        tpu.wait_dma2 semaphore(%run_scoped3A_1626 : memref<!tpu.dma_semaphore, #tpu.memory_space<semaphore_mem>>) src(%dma_wait3A_1638 : memref<1024xf32, #tpu.memory_space<hbm>>) dst(%dma_wait3A_1637 : memref<1024xf32, #tpu.memory_space<vmem>>)
        tpu.yield
      }) : () -> ()
      %dma_start3A = arith.constant 0 : i32
      %dma_start3A_318 = arith.constant 0 : i32
      %dma_start3A_319 = tpu.memref_slice %arg9[%dma_start3A, %dma_start3A_318] : memref<16x128xi32, #tpu.memory_space<vmem>> -> memref<1x128xi32, #tpu.memory_space<vmem>>
      %dma_start3A_320 = tpu.memref_squeeze %dma_start3A_319 : memref<1x128xi32, #tpu.memory_space<vmem>> -> memref<128xi32, #tpu.memory_space<vmem>>
      %dma_start3A_321 = arith.constant 0 : i32
      %dma_start3A_322 = tpu.memref_slice %arg7[%dma_start3A_321] : memref<2048xi32, #tpu.memory_space<vmem>> -> memref<128xi32, #tpu.memory_space<vmem>>
      %dma_start3A_323 = arith.constant 0 : i32
      %dma_start3A_324 = tpu.memref_slice %arg4[%dma_start3A_323] : memref<2000000xi32, #tpu.memory_space<hbm>> -> memref<2000000xi32, #tpu.memory_space<hbm>>
      tpu.enqueue_indirect_dma source(%dma_start3A_324 : memref<2000000xi32, #tpu.memory_space<hbm>>) target(%dma_start3A_320 : memref<128xi32, #tpu.memory_space<vmem>>) offsets(%dma_start3A_322 : memref<128xi32, #tpu.memory_space<vmem>>) semaphore(%arg12 : memref<!tpu.dma_semaphore, #tpu.memory_space<semaphore_mem>>)
      %dma_start3A_325 = arith.constant 1 : i32
      %dma_start3A_326 = arith.constant 0 : i32
      %dma_start3A_327 = tpu.memref_slice %arg9[%dma_start3A_325, %dma_start3A_326] : memref<16x128xi32, #tpu.memory_space<vmem>> -> memref<1x128xi32, #tpu.memory_space<vmem>>
      %dma_start3A_328 = tpu.memref_squeeze %dma_start3A_327 : memref<1x128xi32, #tpu.memory_space<vmem>> -> memref<128xi32, #tpu.memory_space<vmem>>
      %dma_start3A_329 = arith.constant 128 : i32
      %dma_start3A_330 = tpu.memref_slice %arg7[%dma_start3A_329] : memref<2048xi32, #tpu.memory_space<vmem>> -> memref<128xi32, #tpu.memory_space<vmem>>
      %dma_start3A_331 = arith.constant 0 : i32
      %dma_start3A_332 = tpu.memref_slice %arg4[%dma_start3A_331] : memref<2000000xi32, #tpu.memory_space<hbm>> -> memref<2000000xi32, #tpu.memory_space<hbm>>
      tpu.enqueue_indirect_dma source(%dma_start3A_332 : memref<2000000xi32, #tpu.memory_space<hbm>>) target(%dma_start3A_328 : memref<128xi32, #tpu.memory_space<vmem>>) offsets(%dma_start3A_330 : memref<128xi32, #tpu.memory_space<vmem>>) semaphore(%arg12 : memref<!tpu.dma_semaphore, #tpu.memory_space<semaphore_mem>>)
      %dma_start3A_333 = arith.constant 2 : i32
      %dma_start3A_334 = arith.constant 0 : i32
      %dma_start3A_335 = tpu.memref_slice %arg9[%dma_start3A_333, %dma_start3A_334] : memref<16x128xi32, #tpu.memory_space<vmem>> -> memref<1x128xi32, #tpu.memory_space<vmem>>
      %dma_start3A_336 = tpu.memref_squeeze %dma_start3A_335 : memref<1x128xi32, #tpu.memory_space<vmem>> -> memref<128xi32, #tpu.memory_space<vmem>>
      %dma_start3A_337 = arith.constant 256 : i32
      %dma_start3A_338 = tpu.memref_slice %arg7[%dma_start3A_337] : memref<2048xi32, #tpu.memory_space<vmem>> -> memref<128xi32, #tpu.memory_space<vmem>>
      %dma_start3A_339 = arith.constant 0 : i32
      %dma_start3A_340 = tpu.memref_slice %arg4[%dma_start3A_339] : memref<2000000xi32, #tpu.memory_space<hbm>> -> memref<2000000xi32, #tpu.memory_space<hbm>>
      tpu.enqueue_indirect_dma source(%dma_start3A_340 : memref<2000000xi32, #tpu.memory_space<hbm>>) target(%dma_start3A_336 : memref<128xi32, #tpu.memory_space<vmem>>) offsets(%dma_start3A_338 : memref<128xi32, #tpu.memory_space<vmem>>) semaphore(%arg12 : memref<!tpu.dma_semaphore, #tpu.memory_space<semaphore_mem>>)
      %dma_start3A_341 = arith.constant 3 : i32
      %dma_start3A_342 = arith.constant 0 : i32
      %dma_start3A_343 = tpu.memref_slice %arg9[%dma_start3A_341, %dma_start3A_342] : memref<16x128xi32, #tpu.memory_space<vmem>> -> memref<1x128xi32, #tpu.memory_space<vmem>>
      %dma_start3A_344 = tpu.memref_squeeze %dma_start3A_343 : memref<1x128xi32, #tpu.memory_space<vmem>> -> memref<128xi32, #tpu.memory_space<vmem>>
      %dma_start3A_345 = arith.constant 384 : i32
      %dma_start3A_346 = tpu.memref_slice %arg7[%dma_start3A_345] : memref<2048xi32, #tpu.memory_space<vmem>> -> memref<128xi32, #tpu.memory_space<vmem>>
      %dma_start3A_347 = arith.constant 0 : i32
      %dma_start3A_348 = tpu.memref_slice %arg4[%dma_start3A_347] : memref<2000000xi32, #tpu.memory_space<hbm>> -> memref<2000000xi32, #tpu.memory_space<hbm>>
      tpu.enqueue_indirect_dma source(%dma_start3A_348 : memref<2000000xi32, #tpu.memory_space<hbm>>) target(%dma_start3A_344 : memref<128xi32, #tpu.memory_space<vmem>>) offsets(%dma_start3A_346 : memref<128xi32, #tpu.memory_space<vmem>>) semaphore(%arg12 : memref<!tpu.dma_semaphore, #tpu.memory_space<semaphore_mem>>)
      %dma_start3A_349 = arith.constant 4 : i32
      %dma_start3A_350 = arith.constant 0 : i32
      %dma_start3A_351 = tpu.memref_slice %arg9[%dma_start3A_349, %dma_start3A_350] : memref<16x128xi32, #tpu.memory_space<vmem>> -> memref<1x128xi32, #tpu.memory_space<vmem>>
      %dma_start3A_352 = tpu.memref_squeeze %dma_start3A_351 : memref<1x128xi32, #tpu.memory_space<vmem>> -> memref<128xi32, #tpu.memory_space<vmem>>
      %dma_start3A_353 = arith.constant 512 : i32
      %dma_start3A_354 = tpu.memref_slice %arg7[%dma_start3A_353] : memref<2048xi32, #tpu.memory_space<vmem>> -> memref<128xi32, #tpu.memory_space<vmem>>
      %dma_start3A_355 = arith.constant 0 : i32
      %dma_start3A_356 = tpu.memref_slice %arg4[%dma_start3A_355] : memref<2000000xi32, #tpu.memory_space<hbm>> -> memref<2000000xi32, #tpu.memory_space<hbm>>
      tpu.enqueue_indirect_dma source(%dma_start3A_356 : memref<2000000xi32, #tpu.memory_space<hbm>>) target(%dma_start3A_352 : memref<128xi32, #tpu.memory_space<vmem>>) offsets(%dma_start3A_354 : memref<128xi32, #tpu.memory_space<vmem>>) semaphore(%arg12 : memref<!tpu.dma_semaphore, #tpu.memory_space<semaphore_mem>>)
      %dma_start3A_357 = arith.constant 5 : i32
      %dma_start3A_358 = arith.constant 0 : i32
      %dma_start3A_359 = tpu.memref_slice %arg9[%dma_start3A_357, %dma_start3A_358] : memref<16x128xi32, #tpu.memory_space<vmem>> -> memref<1x128xi32, #tpu.memory_space<vmem>>
      %dma_start3A_360 = tpu.memref_squeeze %dma_start3A_359 : memref<1x128xi32, #tpu.memory_space<vmem>> -> memref<128xi32, #tpu.memory_space<vmem>>
      %dma_start3A_361 = arith.constant 640 : i32
      %dma_start3A_362 = tpu.memref_slice %arg7[%dma_start3A_361] : memref<2048xi32, #tpu.memory_space<vmem>> -> memref<128xi32, #tpu.memory_space<vmem>>
      %dma_start3A_363 = arith.constant 0 : i32
      %dma_start3A_364 = tpu.memref_slice %arg4[%dma_start3A_363] : memref<2000000xi32, #tpu.memory_space<hbm>> -> memref<2000000xi32, #tpu.memory_space<hbm>>
      tpu.enqueue_indirect_dma source(%dma_start3A_364 : memref<2000000xi32, #tpu.memory_space<hbm>>) target(%dma_start3A_360 : memref<128xi32, #tpu.memory_space<vmem>>) offsets(%dma_start3A_362 : memref<128xi32, #tpu.memory_space<vmem>>) semaphore(%arg12 : memref<!tpu.dma_semaphore, #tpu.memory_space<semaphore_mem>>)
      %dma_start3A_365 = arith.constant 6 : i32
      %dma_start3A_366 = arith.constant 0 : i32
      %dma_start3A_367 = tpu.memref_slice %arg9[%dma_start3A_365, %dma_start3A_366] : memref<16x128xi32, #tpu.memory_space<vmem>> -> memref<1x128xi32, #tpu.memory_space<vmem>>
      %dma_start3A_368 = tpu.memref_squeeze %dma_start3A_367 : memref<1x128xi32, #tpu.memory_space<vmem>> -> memref<128xi32, #tpu.memory_space<vmem>>
      %dma_start3A_369 = arith.constant 768 : i32
      %dma_start3A_370 = tpu.memref_slice %arg7[%dma_start3A_369] : memref<2048xi32, #tpu.memory_space<vmem>> -> memref<128xi32, #tpu.memory_space<vmem>>
      %dma_start3A_371 = arith.constant 0 : i32
      %dma_start3A_372 = tpu.memref_slice %arg4[%dma_start3A_371] : memref<2000000xi32, #tpu.memory_space<hbm>> -> memref<2000000xi32, #tpu.memory_space<hbm>>
      tpu.enqueue_indirect_dma source(%dma_start3A_372 : memref<2000000xi32, #tpu.memory_space<hbm>>) target(%dma_start3A_368 : memref<128xi32, #tpu.memory_space<vmem>>) offsets(%dma_start3A_370 : memref<128xi32, #tpu.memory_space<vmem>>) semaphore(%arg12 : memref<!tpu.dma_semaphore, #tpu.memory_space<semaphore_mem>>)
      %dma_start3A_373 = arith.constant 7 : i32
      %dma_start3A_374 = arith.constant 0 : i32
      %dma_start3A_375 = tpu.memref_slice %arg9[%dma_start3A_373, %dma_start3A_374] : memref<16x128xi32, #tpu.memory_space<vmem>> -> memref<1x128xi32, #tpu.memory_space<vmem>>
      %dma_start3A_376 = tpu.memref_squeeze %dma_start3A_375 : memref<1x128xi32, #tpu.memory_space<vmem>> -> memref<128xi32, #tpu.memory_space<vmem>>
      %dma_start3A_377 = arith.constant 896 : i32
      %dma_start3A_378 = tpu.memref_slice %arg7[%dma_start3A_377] : memref<2048xi32, #tpu.memory_space<vmem>> -> memref<128xi32, #tpu.memory_space<vmem>>
      %dma_start3A_379 = arith.constant 0 : i32
      %dma_start3A_380 = tpu.memref_slice %arg4[%dma_start3A_379] : memref<2000000xi32, #tpu.memory_space<hbm>> -> memref<2000000xi32, #tpu.memory_space<hbm>>
      tpu.enqueue_indirect_dma source(%dma_start3A_380 : memref<2000000xi32, #tpu.memory_space<hbm>>) target(%dma_start3A_376 : memref<128xi32, #tpu.memory_space<vmem>>) offsets(%dma_start3A_378 : memref<128xi32, #tpu.memory_space<vmem>>) semaphore(%arg12 : memref<!tpu.dma_semaphore, #tpu.memory_space<semaphore_mem>>)
      %dma_start3A_381 = arith.constant 8 : i32
      %dma_start3A_382 = arith.constant 0 : i32
      %dma_start3A_383 = tpu.memref_slice %arg9[%dma_start3A_381, %dma_start3A_382] : memref<16x128xi32, #tpu.memory_space<vmem>> -> memref<1x128xi32, #tpu.memory_space<vmem>>
      %dma_start3A_384 = tpu.memref_squeeze %dma_start3A_383 : memref<1x128xi32, #tpu.memory_space<vmem>> -> memref<128xi32, #tpu.memory_space<vmem>>
      %dma_start3A_385 = arith.constant 1024 : i32
      %dma_start3A_386 = tpu.memref_slice %arg7[%dma_start3A_385] : memref<2048xi32, #tpu.memory_space<vmem>> -> memref<128xi32, #tpu.memory_space<vmem>>
      %dma_start3A_387 = arith.constant 0 : i32
      %dma_start3A_388 = tpu.memref_slice %arg4[%dma_start3A_387] : memref<2000000xi32, #tpu.memory_space<hbm>> -> memref<2000000xi32, #tpu.memory_space<hbm>>
      tpu.enqueue_indirect_dma source(%dma_start3A_388 : memref<2000000xi32, #tpu.memory_space<hbm>>) target(%dma_start3A_384 : memref<128xi32, #tpu.memory_space<vmem>>) offsets(%dma_start3A_386 : memref<128xi32, #tpu.memory_space<vmem>>) semaphore(%arg12 : memref<!tpu.dma_semaphore, #tpu.memory_space<semaphore_mem>>)
      %dma_start3A_389 = arith.constant 9 : i32
      %dma_start3A_390 = arith.constant 0 : i32
      %dma_start3A_391 = tpu.memref_slice %arg9[%dma_start3A_389, %dma_start3A_390] : memref<16x128xi32, #tpu.memory_space<vmem>> -> memref<1x128xi32, #tpu.memory_space<vmem>>
      %dma_start3A_392 = tpu.memref_squeeze %dma_start3A_391 : memref<1x128xi32, #tpu.memory_space<vmem>> -> memref<128xi32, #tpu.memory_space<vmem>>
      %dma_start3A_393 = arith.constant 1152 : i32
      %dma_start3A_394 = tpu.memref_slice %arg7[%dma_start3A_393] : memref<2048xi32, #tpu.memory_space<vmem>> -> memref<128xi32, #tpu.memory_space<vmem>>
      %dma_start3A_395 = arith.constant 0 : i32
      %dma_start3A_396 = tpu.memref_slice %arg4[%dma_start3A_395] : memref<2000000xi32, #tpu.memory_space<hbm>> -> memref<2000000xi32, #tpu.memory_space<hbm>>
      tpu.enqueue_indirect_dma source(%dma_start3A_396 : memref<2000000xi32, #tpu.memory_space<hbm>>) target(%dma_start3A_392 : memref<128xi32, #tpu.memory_space<vmem>>) offsets(%dma_start3A_394 : memref<128xi32, #tpu.memory_space<vmem>>) semaphore(%arg12 : memref<!tpu.dma_semaphore, #tpu.memory_space<semaphore_mem>>)
      %dma_start3A_397 = arith.constant 10 : i32
      %dma_start3A_398 = arith.constant 0 : i32
      %dma_start3A_399 = tpu.memref_slice %arg9[%dma_start3A_397, %dma_start3A_398] : memref<16x128xi32, #tpu.memory_space<vmem>> -> memref<1x128xi32, #tpu.memory_space<vmem>>
      %dma_start3A_400 = tpu.memref_squeeze %dma_start3A_399 : memref<1x128xi32, #tpu.memory_space<vmem>> -> memref<128xi32, #tpu.memory_space<vmem>>
      %dma_start3A_401 = arith.constant 1280 : i32
      %dma_start3A_402 = tpu.memref_slice %arg7[%dma_start3A_401] : memref<2048xi32, #tpu.memory_space<vmem>> -> memref<128xi32, #tpu.memory_space<vmem>>
      %dma_start3A_403 = arith.constant 0 : i32
      %dma_start3A_404 = tpu.memref_slice %arg4[%dma_start3A_403] : memref<2000000xi32, #tpu.memory_space<hbm>> -> memref<2000000xi32, #tpu.memory_space<hbm>>
      tpu.enqueue_indirect_dma source(%dma_start3A_404 : memref<2000000xi32, #tpu.memory_space<hbm>>) target(%dma_start3A_400 : memref<128xi32, #tpu.memory_space<vmem>>) offsets(%dma_start3A_402 : memref<128xi32, #tpu.memory_space<vmem>>) semaphore(%arg12 : memref<!tpu.dma_semaphore, #tpu.memory_space<semaphore_mem>>)
      %dma_start3A_405 = arith.constant 11 : i32
      %dma_start3A_406 = arith.constant 0 : i32
      %dma_start3A_407 = tpu.memref_slice %arg9[%dma_start3A_405, %dma_start3A_406] : memref<16x128xi32, #tpu.memory_space<vmem>> -> memref<1x128xi32, #tpu.memory_space<vmem>>
      %dma_start3A_408 = tpu.memref_squeeze %dma_start3A_407 : memref<1x128xi32, #tpu.memory_space<vmem>> -> memref<128xi32, #tpu.memory_space<vmem>>
      %dma_start3A_409 = arith.constant 1408 : i32
      %dma_start3A_410 = tpu.memref_slice %arg7[%dma_start3A_409] : memref<2048xi32, #tpu.memory_space<vmem>> -> memref<128xi32, #tpu.memory_space<vmem>>
      %dma_start3A_411 = arith.constant 0 : i32
      %dma_start3A_412 = tpu.memref_slice %arg4[%dma_start3A_411] : memref<2000000xi32, #tpu.memory_space<hbm>> -> memref<2000000xi32, #tpu.memory_space<hbm>>
      tpu.enqueue_indirect_dma source(%dma_start3A_412 : memref<2000000xi32, #tpu.memory_space<hbm>>) target(%dma_start3A_408 : memref<128xi32, #tpu.memory_space<vmem>>) offsets(%dma_start3A_410 : memref<128xi32, #tpu.memory_space<vmem>>) semaphore(%arg12 : memref<!tpu.dma_semaphore, #tpu.memory_space<semaphore_mem>>)
      %dma_start3A_413 = arith.constant 12 : i32
      %dma_start3A_414 = arith.constant 0 : i32
      %dma_start3A_415 = tpu.memref_slice %arg9[%dma_start3A_413, %dma_start3A_414] : memref<16x128xi32, #tpu.memory_space<vmem>> -> memref<1x128xi32, #tpu.memory_space<vmem>>
      %dma_start3A_416 = tpu.memref_squeeze %dma_start3A_415 : memref<1x128xi32, #tpu.memory_space<vmem>> -> memref<128xi32, #tpu.memory_space<vmem>>
      %dma_start3A_417 = arith.constant 1536 : i32
      %dma_start3A_418 = tpu.memref_slice %arg7[%dma_start3A_417] : memref<2048xi32, #tpu.memory_space<vmem>> -> memref<128xi32, #tpu.memory_space<vmem>>
      %dma_start3A_419 = arith.constant 0 : i32
      %dma_start3A_420 = tpu.memref_slice %arg4[%dma_start3A_419] : memref<2000000xi32, #tpu.memory_space<hbm>> -> memref<2000000xi32, #tpu.memory_space<hbm>>
      tpu.enqueue_indirect_dma source(%dma_start3A_420 : memref<2000000xi32, #tpu.memory_space<hbm>>) target(%dma_start3A_416 : memref<128xi32, #tpu.memory_space<vmem>>) offsets(%dma_start3A_418 : memref<128xi32, #tpu.memory_space<vmem>>) semaphore(%arg12 : memref<!tpu.dma_semaphore, #tpu.memory_space<semaphore_mem>>)
      %dma_start3A_421 = arith.constant 13 : i32
      %dma_start3A_422 = arith.constant 0 : i32
      %dma_start3A_423 = tpu.memref_slice %arg9[%dma_start3A_421, %dma_start3A_422] : memref<16x128xi32, #tpu.memory_space<vmem>> -> memref<1x128xi32, #tpu.memory_space<vmem>>
      %dma_start3A_424 = tpu.memref_squeeze %dma_start3A_423 : memref<1x128xi32, #tpu.memory_space<vmem>> -> memref<128xi32, #tpu.memory_space<vmem>>
      %dma_start3A_425 = arith.constant 1664 : i32
      %dma_start3A_426 = tpu.memref_slice %arg7[%dma_start3A_425] : memref<2048xi32, #tpu.memory_space<vmem>> -> memref<128xi32, #tpu.memory_space<vmem>>
      %dma_start3A_427 = arith.constant 0 : i32
      %dma_start3A_428 = tpu.memref_slice %arg4[%dma_start3A_427] : memref<2000000xi32, #tpu.memory_space<hbm>> -> memref<2000000xi32, #tpu.memory_space<hbm>>
      tpu.enqueue_indirect_dma source(%dma_start3A_428 : memref<2000000xi32, #tpu.memory_space<hbm>>) target(%dma_start3A_424 : memref<128xi32, #tpu.memory_space<vmem>>) offsets(%dma_start3A_426 : memref<128xi32, #tpu.memory_space<vmem>>) semaphore(%arg12 : memref<!tpu.dma_semaphore, #tpu.memory_space<semaphore_mem>>)
      %dma_start3A_429 = arith.constant 14 : i32
      %dma_start3A_430 = arith.constant 0 : i32
      %dma_start3A_431 = tpu.memref_slice %arg9[%dma_start3A_429, %dma_start3A_430] : memref<16x128xi32, #tpu.memory_space<vmem>> -> memref<1x128xi32, #tpu.memory_space<vmem>>
      %dma_start3A_432 = tpu.memref_squeeze %dma_start3A_431 : memref<1x128xi32, #tpu.memory_space<vmem>> -> memref<128xi32, #tpu.memory_space<vmem>>
      %dma_start3A_433 = arith.constant 1792 : i32
      %dma_start3A_434 = tpu.memref_slice %arg7[%dma_start3A_433] : memref<2048xi32, #tpu.memory_space<vmem>> -> memref<128xi32, #tpu.memory_space<vmem>>
      %dma_start3A_435 = arith.constant 0 : i32
      %dma_start3A_436 = tpu.memref_slice %arg4[%dma_start3A_435] : memref<2000000xi32, #tpu.memory_space<hbm>> -> memref<2000000xi32, #tpu.memory_space<hbm>>
      tpu.enqueue_indirect_dma source(%dma_start3A_436 : memref<2000000xi32, #tpu.memory_space<hbm>>) target(%dma_start3A_432 : memref<128xi32, #tpu.memory_space<vmem>>) offsets(%dma_start3A_434 : memref<128xi32, #tpu.memory_space<vmem>>) semaphore(%arg12 : memref<!tpu.dma_semaphore, #tpu.memory_space<semaphore_mem>>)
      %dma_start3A_437 = arith.constant 15 : i32
      %dma_start3A_438 = arith.constant 0 : i32
      %dma_start3A_439 = tpu.memref_slice %arg9[%dma_start3A_437, %dma_start3A_438] : memref<16x128xi32, #tpu.memory_space<vmem>> -> memref<1x128xi32, #tpu.memory_space<vmem>>
      %dma_start3A_440 = tpu.memref_squeeze %dma_start3A_439 : memref<1x128xi32, #tpu.memory_space<vmem>> -> memref<128xi32, #tpu.memory_space<vmem>>
      %dma_start3A_441 = arith.constant 1920 : i32
      %dma_start3A_442 = tpu.memref_slice %arg7[%dma_start3A_441] : memref<2048xi32, #tpu.memory_space<vmem>> -> memref<128xi32, #tpu.memory_space<vmem>>
      %dma_start3A_443 = arith.constant 0 : i32
      %dma_start3A_444 = tpu.memref_slice %arg4[%dma_start3A_443] : memref<2000000xi32, #tpu.memory_space<hbm>> -> memref<2000000xi32, #tpu.memory_space<hbm>>
      tpu.enqueue_indirect_dma source(%dma_start3A_444 : memref<2000000xi32, #tpu.memory_space<hbm>>) target(%dma_start3A_440 : memref<128xi32, #tpu.memory_space<vmem>>) offsets(%dma_start3A_442 : memref<128xi32, #tpu.memory_space<vmem>>) semaphore(%arg12 : memref<!tpu.dma_semaphore, #tpu.memory_space<semaphore_mem>>)
      %add3A_445 = arith.constant 0 : i32
      %add3A_446 = vector.broadcast %add3A_445 : i32 to vector<16xi32>
      %add3A_447 = arith.addi %add3A_446, %shift_right_arithmetic3A_2 : vector<16xi32>
      %gather3A = tpu.vector_load_idx %arg8[%add3A_447] : memref<1024xf32, #tpu.memory_space<vmem>>[vector<16xi32>], vector<16xf32>,
      %swap3A_448 = arith.constant 0 : i32
      %swap3A_449 = arith.index_cast %swap3A_448 : i32 to index
      %swap3A_450 = arith.constant 0 : index
      %swap3A_451 = tpu.vector_load %arg10[%swap3A_449, %swap3A_450] {strides = array<i32>} : memref<16x128xf32, #tpu.memory_space<vmem>>, vector<16xf32>,
      tpu.vector_store %arg10[%swap3A_449, %swap3A_450], %gather3A {strides = array<i32>} : memref<16x128xf32, #tpu.memory_space<vmem>>, vector<16xf32>,
      %add3A_452 = arith.constant 8 : i32
      %add3A_453 = vector.broadcast %add3A_452 : i32 to vector<16xi32>
      %add3A_454 = arith.addi %add3A_453, %shift_right_arithmetic3A_2 : vector<16xi32>
      %gather3A_455 = tpu.vector_load_idx %arg8[%add3A_454] : memref<1024xf32, #tpu.memory_space<vmem>>[vector<16xi32>], vector<16xf32>,
      %swap3A_456 = arith.constant 0 : i32
      %swap3A_457 = arith.index_cast %swap3A_456 : i32 to index
      %swap3A_458 = arith.constant 16 : index
      %swap3A_459 = tpu.vector_load %arg10[%swap3A_457, %swap3A_458] {strides = array<i32>} : memref<16x128xf32, #tpu.memory_space<vmem>>, vector<16xf32>,
      tpu.vector_store %arg10[%swap3A_457, %swap3A_458], %gather3A_455 {strides = array<i32>} : memref<16x128xf32, #tpu.memory_space<vmem>>, vector<16xf32>,
      %add3A_460 = arith.constant 16 : i32
      %add3A_461 = vector.broadcast %add3A_460 : i32 to vector<16xi32>
      %add3A_462 = arith.addi %add3A_461, %shift_right_arithmetic3A_2 : vector<16xi32>
      %gather3A_463 = tpu.vector_load_idx %arg8[%add3A_462] : memref<1024xf32, #tpu.memory_space<vmem>>[vector<16xi32>], vector<16xf32>,
      %swap3A_464 = arith.constant 0 : i32
      %swap3A_465 = arith.index_cast %swap3A_464 : i32 to index
      %swap3A_466 = arith.constant 32 : index
      %swap3A_467 = tpu.vector_load %arg10[%swap3A_465, %swap3A_466] {strides = array<i32>} : memref<16x128xf32, #tpu.memory_space<vmem>>, vector<16xf32>,
      tpu.vector_store %arg10[%swap3A_465, %swap3A_466], %gather3A_463 {strides = array<i32>} : memref<16x128xf32, #tpu.memory_space<vmem>>, vector<16xf32>,
      %add3A_468 = arith.constant 24 : i32
      %add3A_469 = vector.broadcast %add3A_468 : i32 to vector<16xi32>
      %add3A_470 = arith.addi %add3A_469, %shift_right_arithmetic3A_2 : vector<16xi32>
      %gather3A_471 = tpu.vector_load_idx %arg8[%add3A_470] : memref<1024xf32, #tpu.memory_space<vmem>>[vector<16xi32>], vector<16xf32>,
      %swap3A_472 = arith.constant 0 : i32
      %swap3A_473 = arith.index_cast %swap3A_472 : i32 to index
      %swap3A_474 = arith.constant 48 : index
      %swap3A_475 = tpu.vector_load %arg10[%swap3A_473, %swap3A_474] {strides = array<i32>} : memref<16x128xf32, #tpu.memory_space<vmem>>, vector<16xf32>,
      tpu.vector_store %arg10[%swap3A_473, %swap3A_474], %gather3A_471 {strides = array<i32>} : memref<16x128xf32, #tpu.memory_space<vmem>>, vector<16xf32>,
      %add3A_476 = arith.constant 32 : i32
      %add3A_477 = vector.broadcast %add3A_476 : i32 to vector<16xi32>
      %add3A_478 = arith.addi %add3A_477, %shift_right_arithmetic3A_2 : vector<16xi32>
      %gather3A_479 = tpu.vector_load_idx %arg8[%add3A_478] : memref<1024xf32, #tpu.memory_space<vmem>>[vector<16xi32>], vector<16xf32>,
      %swap3A_480 = arith.constant 0 : i32
      %swap3A_481 = arith.index_cast %swap3A_480 : i32 to index
      %swap3A_482 = arith.constant 64 : index
      %swap3A_483 = tpu.vector_load %arg10[%swap3A_481, %swap3A_482] {strides = array<i32>} : memref<16x128xf32, #tpu.memory_space<vmem>>, vector<16xf32>,
      tpu.vector_store %arg10[%swap3A_481, %swap3A_482], %gather3A_479 {strides = array<i32>} : memref<16x128xf32, #tpu.memory_space<vmem>>, vector<16xf32>,
      %add3A_484 = arith.constant 40 : i32
      %add3A_485 = vector.broadcast %add3A_484 : i32 to vector<16xi32>
      %add3A_486 = arith.addi %add3A_485, %shift_right_arithmetic3A_2 : vector<16xi32>
      %gather3A_487 = tpu.vector_load_idx %arg8[%add3A_486] : memref<1024xf32, #tpu.memory_space<vmem>>[vector<16xi32>], vector<16xf32>,
      %swap3A_488 = arith.constant 0 : i32
      %swap3A_489 = arith.index_cast %swap3A_488 : i32 to index
      %swap3A_490 = arith.constant 80 : index
      %swap3A_491 = tpu.vector_load %arg10[%swap3A_489, %swap3A_490] {strides = array<i32>} : memref<16x128xf32, #tpu.memory_space<vmem>>, vector<16xf32>,
      tpu.vector_store %arg10[%swap3A_489, %swap3A_490], %gather3A_487 {strides = array<i32>} : memref<16x128xf32, #tpu.memory_space<vmem>>, vector<16xf32>,
      %add3A_492 = arith.constant 48 : i32
      %add3A_493 = vector.broadcast %add3A_492 : i32 to vector<16xi32>
      %add3A_494 = arith.addi %add3A_493, %shift_right_arithmetic3A_2 : vector<16xi32>
      %gather3A_495 = tpu.vector_load_idx %arg8[%add3A_494] : memref<1024xf32, #tpu.memory_space<vmem>>[vector<16xi32>], vector<16xf32>,
      %swap3A_496 = arith.constant 0 : i32
      %swap3A_497 = arith.index_cast %swap3A_496 : i32 to index
      %swap3A_498 = arith.constant 96 : index
      %swap3A_499 = tpu.vector_load %arg10[%swap3A_497, %swap3A_498] {strides = array<i32>} : memref<16x128xf32, #tpu.memory_space<vmem>>, vector<16xf32>,
      tpu.vector_store %arg10[%swap3A_497, %swap3A_498], %gather3A_495 {strides = array<i32>} : memref<16x128xf32, #tpu.memory_space<vmem>>, vector<16xf32>,
      %add3A_500 = arith.constant 56 : i32
      %add3A_501 = vector.broadcast %add3A_500 : i32 to vector<16xi32>
      %add3A_502 = arith.addi %add3A_501, %shift_right_arithmetic3A_2 : vector<16xi32>
      %gather3A_503 = tpu.vector_load_idx %arg8[%add3A_502] : memref<1024xf32, #tpu.memory_space<vmem>>[vector<16xi32>], vector<16xf32>,
      %swap3A_504 = arith.constant 0 : i32
      %swap3A_505 = arith.index_cast %swap3A_504 : i32 to index
      %swap3A_506 = arith.constant 112 : index
      %swap3A_507 = tpu.vector_load %arg10[%swap3A_505, %swap3A_506] {strides = array<i32>} : memref<16x128xf32, #tpu.memory_space<vmem>>, vector<16xf32>,
      tpu.vector_store %arg10[%swap3A_505, %swap3A_506], %gather3A_503 {strides = array<i32>} : memref<16x128xf32, #tpu.memory_space<vmem>>, vector<16xf32>,
      %add3A_508 = arith.constant 64 : i32
      %add3A_509 = vector.broadcast %add3A_508 : i32 to vector<16xi32>
      %add3A_510 = arith.addi %add3A_509, %shift_right_arithmetic3A_2 : vector<16xi32>
      %gather3A_511 = tpu.vector_load_idx %arg8[%add3A_510] : memref<1024xf32, #tpu.memory_space<vmem>>[vector<16xi32>], vector<16xf32>,
      %swap3A_512 = arith.constant 1 : i32
      %swap3A_513 = arith.index_cast %swap3A_512 : i32 to index
      %swap3A_514 = arith.constant 0 : index
      %swap3A_515 = tpu.vector_load %arg10[%swap3A_513, %swap3A_514] {strides = array<i32>} : memref<16x128xf32, #tpu.memory_space<vmem>>, vector<16xf32>,
      tpu.vector_store %arg10[%swap3A_513, %swap3A_514], %gather3A_511 {strides = array<i32>} : memref<16x128xf32, #tpu.memory_space<vmem>>, vector<16xf32>,
      %add3A_516 = arith.constant 72 : i32
      %add3A_517 = vector.broadcast %add3A_516 : i32 to vector<16xi32>
      %add3A_518 = arith.addi %add3A_517, %shift_right_arithmetic3A_2 : vector<16xi32>
      %gather3A_519 = tpu.vector_load_idx %arg8[%add3A_518] : memref<1024xf32, #tpu.memory_space<vmem>>[vector<16xi32>], vector<16xf32>,
      %swap3A_520 = arith.constant 1 : i32
      %swap3A_521 = arith.index_cast %swap3A_520 : i32 to index
      %swap3A_522 = arith.constant 16 : index
      %swap3A_523 = tpu.vector_load %arg10[%swap3A_521, %swap3A_522] {strides = array<i32>} : memref<16x128xf32, #tpu.memory_space<vmem>>, vector<16xf32>,
      tpu.vector_store %arg10[%swap3A_521, %swap3A_522], %gather3A_519 {strides = array<i32>} : memref<16x128xf32, #tpu.memory_space<vmem>>, vector<16xf32>,
      %add3A_524 = arith.constant 80 : i32
      %add3A_525 = vector.broadcast %add3A_524 : i32 to vector<16xi32>
      %add3A_526 = arith.addi %add3A_525, %shift_right_arithmetic3A_2 : vector<16xi32>
      %gather3A_527 = tpu.vector_load_idx %arg8[%add3A_526] : memref<1024xf32, #tpu.memory_space<vmem>>[vector<16xi32>], vector<16xf32>,
      %swap3A_528 = arith.constant 1 : i32
      %swap3A_529 = arith.index_cast %swap3A_528 : i32 to index
      %swap3A_530 = arith.constant 32 : index
      %swap3A_531 = tpu.vector_load %arg10[%swap3A_529, %swap3A_530] {strides = array<i32>} : memref<16x128xf32, #tpu.memory_space<vmem>>, vector<16xf32>,
      tpu.vector_store %arg10[%swap3A_529, %swap3A_530], %gather3A_527 {strides = array<i32>} : memref<16x128xf32, #tpu.memory_space<vmem>>, vector<16xf32>,
      %add3A_532 = arith.constant 88 : i32
      %add3A_533 = vector.broadcast %add3A_532 : i32 to vector<16xi32>
      %add3A_534 = arith.addi %add3A_533, %shift_right_arithmetic3A_2 : vector<16xi32>
      %gather3A_535 = tpu.vector_load_idx %arg8[%add3A_534] : memref<1024xf32, #tpu.memory_space<vmem>>[vector<16xi32>], vector<16xf32>,
      %swap3A_536 = arith.constant 1 : i32
      %swap3A_537 = arith.index_cast %swap3A_536 : i32 to index
      %swap3A_538 = arith.constant 48 : index
      %swap3A_539 = tpu.vector_load %arg10[%swap3A_537, %swap3A_538] {strides = array<i32>} : memref<16x128xf32, #tpu.memory_space<vmem>>, vector<16xf32>,
      tpu.vector_store %arg10[%swap3A_537, %swap3A_538], %gather3A_535 {strides = array<i32>} : memref<16x128xf32, #tpu.memory_space<vmem>>, vector<16xf32>,
      %add3A_540 = arith.constant 96 : i32
      %add3A_541 = vector.broadcast %add3A_540 : i32 to vector<16xi32>
      %add3A_542 = arith.addi %add3A_541, %shift_right_arithmetic3A_2 : vector<16xi32>
      %gather3A_543 = tpu.vector_load_idx %arg8[%add3A_542] : memref<1024xf32, #tpu.memory_space<vmem>>[vector<16xi32>], vector<16xf32>,
      %swap3A_544 = arith.constant 1 : i32
      %swap3A_545 = arith.index_cast %swap3A_544 : i32 to index
      %swap3A_546 = arith.constant 64 : index
      %swap3A_547 = tpu.vector_load %arg10[%swap3A_545, %swap3A_546] {strides = array<i32>} : memref<16x128xf32, #tpu.memory_space<vmem>>, vector<16xf32>,
      tpu.vector_store %arg10[%swap3A_545, %swap3A_546], %gather3A_543 {strides = array<i32>} : memref<16x128xf32, #tpu.memory_space<vmem>>, vector<16xf32>,
      %add3A_548 = arith.constant 104 : i32
      %add3A_549 = vector.broadcast %add3A_548 : i32 to vector<16xi32>
      %add3A_550 = arith.addi %add3A_549, %shift_right_arithmetic3A_2 : vector<16xi32>
      %gather3A_551 = tpu.vector_load_idx %arg8[%add3A_550] : memref<1024xf32, #tpu.memory_space<vmem>>[vector<16xi32>], vector<16xf32>,
      %swap3A_552 = arith.constant 1 : i32
      %swap3A_553 = arith.index_cast %swap3A_552 : i32 to index
      %swap3A_554 = arith.constant 80 : index
      %swap3A_555 = tpu.vector_load %arg10[%swap3A_553, %swap3A_554] {strides = array<i32>} : memref<16x128xf32, #tpu.memory_space<vmem>>, vector<16xf32>,
      tpu.vector_store %arg10[%swap3A_553, %swap3A_554], %gather3A_551 {strides = array<i32>} : memref<16x128xf32, #tpu.memory_space<vmem>>, vector<16xf32>,
      %add3A_556 = arith.constant 112 : i32
      %add3A_557 = vector.broadcast %add3A_556 : i32 to vector<16xi32>
      %add3A_558 = arith.addi %add3A_557, %shift_right_arithmetic3A_2 : vector<16xi32>
      %gather3A_559 = tpu.vector_load_idx %arg8[%add3A_558] : memref<1024xf32, #tpu.memory_space<vmem>>[vector<16xi32>], vector<16xf32>,
      %swap3A_560 = arith.constant 1 : i32
      %swap3A_561 = arith.index_cast %swap3A_560 : i32 to index
      %swap3A_562 = arith.constant 96 : index
      %swap3A_563 = tpu.vector_load %arg10[%swap3A_561, %swap3A_562] {strides = array<i32>} : memref<16x128xf32, #tpu.memory_space<vmem>>, vector<16xf32>,
      tpu.vector_store %arg10[%swap3A_561, %swap3A_562], %gather3A_559 {strides = array<i32>} : memref<16x128xf32, #tpu.memory_space<vmem>>, vector<16xf32>,
      %add3A_564 = arith.constant 120 : i32
      %add3A_565 = vector.broadcast %add3A_564 : i32 to vector<16xi32>
      %add3A_566 = arith.addi %add3A_565, %shift_right_arithmetic3A_2 : vector<16xi32>
      %gather3A_567 = tpu.vector_load_idx %arg8[%add3A_566] : memref<1024xf32, #tpu.memory_space<vmem>>[vector<16xi32>], vector<16xf32>,
      %swap3A_568 = arith.constant 1 : i32
      %swap3A_569 = arith.index_cast %swap3A_568 : i32 to index
      %swap3A_570 = arith.constant 112 : index
      %swap3A_571 = tpu.vector_load %arg10[%swap3A_569, %swap3A_570] {strides = array<i32>} : memref<16x128xf32, #tpu.memory_space<vmem>>, vector<16xf32>,
      tpu.vector_store %arg10[%swap3A_569, %swap3A_570], %gather3A_567 {strides = array<i32>} : memref<16x128xf32, #tpu.memory_space<vmem>>, vector<16xf32>,
      %add3A_572 = arith.constant 128 : i32
      %add3A_573 = vector.broadcast %add3A_572 : i32 to vector<16xi32>
      %add3A_574 = arith.addi %add3A_573, %shift_right_arithmetic3A_2 : vector<16xi32>
      %gather3A_575 = tpu.vector_load_idx %arg8[%add3A_574] : memref<1024xf32, #tpu.memory_space<vmem>>[vector<16xi32>], vector<16xf32>,
      %swap3A_576 = arith.constant 2 : i32
      %swap3A_577 = arith.index_cast %swap3A_576 : i32 to index
      %swap3A_578 = arith.constant 0 : index
      %swap3A_579 = tpu.vector_load %arg10[%swap3A_577, %swap3A_578] {strides = array<i32>} : memref<16x128xf32, #tpu.memory_space<vmem>>, vector<16xf32>,
      tpu.vector_store %arg10[%swap3A_577, %swap3A_578], %gather3A_575 {strides = array<i32>} : memref<16x128xf32, #tpu.memory_space<vmem>>, vector<16xf32>,
      %add3A_580 = arith.constant 136 : i32
      %add3A_581 = vector.broadcast %add3A_580 : i32 to vector<16xi32>
      %add3A_582 = arith.addi %add3A_581, %shift_right_arithmetic3A_2 : vector<16xi32>
      %gather3A_583 = tpu.vector_load_idx %arg8[%add3A_582] : memref<1024xf32, #tpu.memory_space<vmem>>[vector<16xi32>], vector<16xf32>,
      %swap3A_584 = arith.constant 2 : i32
      %swap3A_585 = arith.index_cast %swap3A_584 : i32 to index
      %swap3A_586 = arith.constant 16 : index
      %swap3A_587 = tpu.vector_load %arg10[%swap3A_585, %swap3A_586] {strides = array<i32>} : memref<16x128xf32, #tpu.memory_space<vmem>>, vector<16xf32>,
      tpu.vector_store %arg10[%swap3A_585, %swap3A_586], %gather3A_583 {strides = array<i32>} : memref<16x128xf32, #tpu.memory_space<vmem>>, vector<16xf32>,
      %add3A_588 = arith.constant 144 : i32
      %add3A_589 = vector.broadcast %add3A_588 : i32 to vector<16xi32>
      %add3A_590 = arith.addi %add3A_589, %shift_right_arithmetic3A_2 : vector<16xi32>
      %gather3A_591 = tpu.vector_load_idx %arg8[%add3A_590] : memref<1024xf32, #tpu.memory_space<vmem>>[vector<16xi32>], vector<16xf32>,
      %swap3A_592 = arith.constant 2 : i32
      %swap3A_593 = arith.index_cast %swap3A_592 : i32 to index
      %swap3A_594 = arith.constant 32 : index
      %swap3A_595 = tpu.vector_load %arg10[%swap3A_593, %swap3A_594] {strides = array<i32>} : memref<16x128xf32, #tpu.memory_space<vmem>>, vector<16xf32>,
      tpu.vector_store %arg10[%swap3A_593, %swap3A_594], %gather3A_591 {strides = array<i32>} : memref<16x128xf32, #tpu.memory_space<vmem>>, vector<16xf32>,
      %add3A_596 = arith.constant 152 : i32
      %add3A_597 = vector.broadcast %add3A_596 : i32 to vector<16xi32>
      %add3A_598 = arith.addi %add3A_597, %shift_right_arithmetic3A_2 : vector<16xi32>
      %gather3A_599 = tpu.vector_load_idx %arg8[%add3A_598] : memref<1024xf32, #tpu.memory_space<vmem>>[vector<16xi32>], vector<16xf32>,
      %swap3A_600 = arith.constant 2 : i32
      %swap3A_601 = arith.index_cast %swap3A_600 : i32 to index
      %swap3A_602 = arith.constant 48 : index
      %swap3A_603 = tpu.vector_load %arg10[%swap3A_601, %swap3A_602] {strides = array<i32>} : memref<16x128xf32, #tpu.memory_space<vmem>>, vector<16xf32>,
      tpu.vector_store %arg10[%swap3A_601, %swap3A_602], %gather3A_599 {strides = array<i32>} : memref<16x128xf32, #tpu.memory_space<vmem>>, vector<16xf32>,
      %add3A_604 = arith.constant 160 : i32
      %add3A_605 = vector.broadcast %add3A_604 : i32 to vector<16xi32>
      %add3A_606 = arith.addi %add3A_605, %shift_right_arithmetic3A_2 : vector<16xi32>
      %gather3A_607 = tpu.vector_load_idx %arg8[%add3A_606] : memref<1024xf32, #tpu.memory_space<vmem>>[vector<16xi32>], vector<16xf32>,
      %swap3A_608 = arith.constant 2 : i32
      %swap3A_609 = arith.index_cast %swap3A_608 : i32 to index
      %swap3A_610 = arith.constant 64 : index
      %swap3A_611 = tpu.vector_load %arg10[%swap3A_609, %swap3A_610] {strides = array<i32>} : memref<16x128xf32, #tpu.memory_space<vmem>>, vector<16xf32>,
      tpu.vector_store %arg10[%swap3A_609, %swap3A_610], %gather3A_607 {strides = array<i32>} : memref<16x128xf32, #tpu.memory_space<vmem>>, vector<16xf32>,
      %add3A_612 = arith.constant 168 : i32
      %add3A_613 = vector.broadcast %add3A_612 : i32 to vector<16xi32>
      %add3A_614 = arith.addi %add3A_613, %shift_right_arithmetic3A_2 : vector<16xi32>
      %gather3A_615 = tpu.vector_load_idx %arg8[%add3A_614] : memref<1024xf32, #tpu.memory_space<vmem>>[vector<16xi32>], vector<16xf32>,
      %swap3A_616 = arith.constant 2 : i32
      %swap3A_617 = arith.index_cast %swap3A_616 : i32 to index
      %swap3A_618 = arith.constant 80 : index
      %swap3A_619 = tpu.vector_load %arg10[%swap3A_617, %swap3A_618] {strides = array<i32>} : memref<16x128xf32, #tpu.memory_space<vmem>>, vector<16xf32>,
      tpu.vector_store %arg10[%swap3A_617, %swap3A_618], %gather3A_615 {strides = array<i32>} : memref<16x128xf32, #tpu.memory_space<vmem>>, vector<16xf32>,
      %add3A_620 = arith.constant 176 : i32
      %add3A_621 = vector.broadcast %add3A_620 : i32 to vector<16xi32>
      %add3A_622 = arith.addi %add3A_621, %shift_right_arithmetic3A_2 : vector<16xi32>
      %gather3A_623 = tpu.vector_load_idx %arg8[%add3A_622] : memref<1024xf32, #tpu.memory_space<vmem>>[vector<16xi32>], vector<16xf32>,
      %swap3A_624 = arith.constant 2 : i32
      %swap3A_625 = arith.index_cast %swap3A_624 : i32 to index
      %swap3A_626 = arith.constant 96 : index
      %swap3A_627 = tpu.vector_load %arg10[%swap3A_625, %swap3A_626] {strides = array<i32>} : memref<16x128xf32, #tpu.memory_space<vmem>>, vector<16xf32>,
      tpu.vector_store %arg10[%swap3A_625, %swap3A_626], %gather3A_623 {strides = array<i32>} : memref<16x128xf32, #tpu.memory_space<vmem>>, vector<16xf32>,
      %add3A_628 = arith.constant 184 : i32
      %add3A_629 = vector.broadcast %add3A_628 : i32 to vector<16xi32>
      %add3A_630 = arith.addi %add3A_629, %shift_right_arithmetic3A_2 : vector<16xi32>
      %gather3A_631 = tpu.vector_load_idx %arg8[%add3A_630] : memref<1024xf32, #tpu.memory_space<vmem>>[vector<16xi32>], vector<16xf32>,
      %swap3A_632 = arith.constant 2 : i32
      %swap3A_633 = arith.index_cast %swap3A_632 : i32 to index
      %swap3A_634 = arith.constant 112 : index
      %swap3A_635 = tpu.vector_load %arg10[%swap3A_633, %swap3A_634] {strides = array<i32>} : memref<16x128xf32, #tpu.memory_space<vmem>>, vector<16xf32>,
      tpu.vector_store %arg10[%swap3A_633, %swap3A_634], %gather3A_631 {strides = array<i32>} : memref<16x128xf32, #tpu.memory_space<vmem>>, vector<16xf32>,
      %add3A_636 = arith.constant 192 : i32
      %add3A_637 = vector.broadcast %add3A_636 : i32 to vector<16xi32>
      %add3A_638 = arith.addi %add3A_637, %shift_right_arithmetic3A_2 : vector<16xi32>
      %gather3A_639 = tpu.vector_load_idx %arg8[%add3A_638] : memref<1024xf32, #tpu.memory_space<vmem>>[vector<16xi32>], vector<16xf32>,
      %swap3A_640 = arith.constant 3 : i32
      %swap3A_641 = arith.index_cast %swap3A_640 : i32 to index
      %swap3A_642 = arith.constant 0 : index
      %swap3A_643 = tpu.vector_load %arg10[%swap3A_641, %swap3A_642] {strides = array<i32>} : memref<16x128xf32, #tpu.memory_space<vmem>>, vector<16xf32>,
      tpu.vector_store %arg10[%swap3A_641, %swap3A_642], %gather3A_639 {strides = array<i32>} : memref<16x128xf32, #tpu.memory_space<vmem>>, vector<16xf32>,
      %add3A_644 = arith.constant 200 : i32
      %add3A_645 = vector.broadcast %add3A_644 : i32 to vector<16xi32>
      %add3A_646 = arith.addi %add3A_645, %shift_right_arithmetic3A_2 : vector<16xi32>
      %gather3A_647 = tpu.vector_load_idx %arg8[%add3A_646] : memref<1024xf32, #tpu.memory_space<vmem>>[vector<16xi32>], vector<16xf32>,
      %swap3A_648 = arith.constant 3 : i32
      %swap3A_649 = arith.index_cast %swap3A_648 : i32 to index
      %swap3A_650 = arith.constant 16 : index
      %swap3A_651 = tpu.vector_load %arg10[%swap3A_649, %swap3A_650] {strides = array<i32>} : memref<16x128xf32, #tpu.memory_space<vmem>>, vector<16xf32>,
      tpu.vector_store %arg10[%swap3A_649, %swap3A_650], %gather3A_647 {strides = array<i32>} : memref<16x128xf32, #tpu.memory_space<vmem>>, vector<16xf32>,
      %add3A_652 = arith.constant 208 : i32
      %add3A_653 = vector.broadcast %add3A_652 : i32 to vector<16xi32>
      %add3A_654 = arith.addi %add3A_653, %shift_right_arithmetic3A_2 : vector<16xi32>
      %gather3A_655 = tpu.vector_load_idx %arg8[%add3A_654] : memref<1024xf32, #tpu.memory_space<vmem>>[vector<16xi32>], vector<16xf32>,
      %swap3A_656 = arith.constant 3 : i32
      %swap3A_657 = arith.index_cast %swap3A_656 : i32 to index
      %swap3A_658 = arith.constant 32 : index
      %swap3A_659 = tpu.vector_load %arg10[%swap3A_657, %swap3A_658] {strides = array<i32>} : memref<16x128xf32, #tpu.memory_space<vmem>>, vector<16xf32>,
      tpu.vector_store %arg10[%swap3A_657, %swap3A_658], %gather3A_655 {strides = array<i32>} : memref<16x128xf32, #tpu.memory_space<vmem>>, vector<16xf32>,
      %add3A_660 = arith.constant 216 : i32
      %add3A_661 = vector.broadcast %add3A_660 : i32 to vector<16xi32>
      %add3A_662 = arith.addi %add3A_661, %shift_right_arithmetic3A_2 : vector<16xi32>
      %gather3A_663 = tpu.vector_load_idx %arg8[%add3A_662] : memref<1024xf32, #tpu.memory_space<vmem>>[vector<16xi32>], vector<16xf32>,
      %swap3A_664 = arith.constant 3 : i32
      %swap3A_665 = arith.index_cast %swap3A_664 : i32 to index
      %swap3A_666 = arith.constant 48 : index
      %swap3A_667 = tpu.vector_load %arg10[%swap3A_665, %swap3A_666] {strides = array<i32>} : memref<16x128xf32, #tpu.memory_space<vmem>>, vector<16xf32>,
      tpu.vector_store %arg10[%swap3A_665, %swap3A_666], %gather3A_663 {strides = array<i32>} : memref<16x128xf32, #tpu.memory_space<vmem>>, vector<16xf32>,
      %add3A_668 = arith.constant 224 : i32
      %add3A_669 = vector.broadcast %add3A_668 : i32 to vector<16xi32>
      %add3A_670 = arith.addi %add3A_669, %shift_right_arithmetic3A_2 : vector<16xi32>
      %gather3A_671 = tpu.vector_load_idx %arg8[%add3A_670] : memref<1024xf32, #tpu.memory_space<vmem>>[vector<16xi32>], vector<16xf32>,
      %swap3A_672 = arith.constant 3 : i32
      %swap3A_673 = arith.index_cast %swap3A_672 : i32 to index
      %swap3A_674 = arith.constant 64 : index
      %swap3A_675 = tpu.vector_load %arg10[%swap3A_673, %swap3A_674] {strides = array<i32>} : memref<16x128xf32, #tpu.memory_space<vmem>>, vector<16xf32>,
      tpu.vector_store %arg10[%swap3A_673, %swap3A_674], %gather3A_671 {strides = array<i32>} : memref<16x128xf32, #tpu.memory_space<vmem>>, vector<16xf32>,
      %add3A_676 = arith.constant 232 : i32
      %add3A_677 = vector.broadcast %add3A_676 : i32 to vector<16xi32>
      %add3A_678 = arith.addi %add3A_677, %shift_right_arithmetic3A_2 : vector<16xi32>
      %gather3A_679 = tpu.vector_load_idx %arg8[%add3A_678] : memref<1024xf32, #tpu.memory_space<vmem>>[vector<16xi32>], vector<16xf32>,
      %swap3A_680 = arith.constant 3 : i32
      %swap3A_681 = arith.index_cast %swap3A_680 : i32 to index
      %swap3A_682 = arith.constant 80 : index
      %swap3A_683 = tpu.vector_load %arg10[%swap3A_681, %swap3A_682] {strides = array<i32>} : memref<16x128xf32, #tpu.memory_space<vmem>>, vector<16xf32>,
      tpu.vector_store %arg10[%swap3A_681, %swap3A_682], %gather3A_679 {strides = array<i32>} : memref<16x128xf32, #tpu.memory_space<vmem>>, vector<16xf32>,
      %add3A_684 = arith.constant 240 : i32
      %add3A_685 = vector.broadcast %add3A_684 : i32 to vector<16xi32>
      %add3A_686 = arith.addi %add3A_685, %shift_right_arithmetic3A_2 : vector<16xi32>
      %gather3A_687 = tpu.vector_load_idx %arg8[%add3A_686] : memref<1024xf32, #tpu.memory_space<vmem>>[vector<16xi32>], vector<16xf32>,
      %swap3A_688 = arith.constant 3 : i32
      %swap3A_689 = arith.index_cast %swap3A_688 : i32 to index
      %swap3A_690 = arith.constant 96 : index
      %swap3A_691 = tpu.vector_load %arg10[%swap3A_689, %swap3A_690] {strides = array<i32>} : memref<16x128xf32, #tpu.memory_space<vmem>>, vector<16xf32>,
      tpu.vector_store %arg10[%swap3A_689, %swap3A_690], %gather3A_687 {strides = array<i32>} : memref<16x128xf32, #tpu.memory_space<vmem>>, vector<16xf32>,
      %add3A_692 = arith.constant 248 : i32
      %add3A_693 = vector.broadcast %add3A_692 : i32 to vector<16xi32>
      %add3A_694 = arith.addi %add3A_693, %shift_right_arithmetic3A_2 : vector<16xi32>
      %gather3A_695 = tpu.vector_load_idx %arg8[%add3A_694] : memref<1024xf32, #tpu.memory_space<vmem>>[vector<16xi32>], vector<16xf32>,
      %swap3A_696 = arith.constant 3 : i32
      %swap3A_697 = arith.index_cast %swap3A_696 : i32 to index
      %swap3A_698 = arith.constant 112 : index
      %swap3A_699 = tpu.vector_load %arg10[%swap3A_697, %swap3A_698] {strides = array<i32>} : memref<16x128xf32, #tpu.memory_space<vmem>>, vector<16xf32>,
      tpu.vector_store %arg10[%swap3A_697, %swap3A_698], %gather3A_695 {strides = array<i32>} : memref<16x128xf32, #tpu.memory_space<vmem>>, vector<16xf32>,
      %add3A_700 = arith.constant 256 : i32
      %add3A_701 = vector.broadcast %add3A_700 : i32 to vector<16xi32>
      %add3A_702 = arith.addi %add3A_701, %shift_right_arithmetic3A_2 : vector<16xi32>
      %gather3A_703 = tpu.vector_load_idx %arg8[%add3A_702] : memref<1024xf32, #tpu.memory_space<vmem>>[vector<16xi32>], vector<16xf32>,
      %swap3A_704 = arith.constant 4 : i32
      %swap3A_705 = arith.index_cast %swap3A_704 : i32 to index
      %swap3A_706 = arith.constant 0 : index
      %swap3A_707 = tpu.vector_load %arg10[%swap3A_705, %swap3A_706] {strides = array<i32>} : memref<16x128xf32, #tpu.memory_space<vmem>>, vector<16xf32>,
      tpu.vector_store %arg10[%swap3A_705, %swap3A_706], %gather3A_703 {strides = array<i32>} : memref<16x128xf32, #tpu.memory_space<vmem>>, vector<16xf32>,
      %add3A_708 = arith.constant 264 : i32
      %add3A_709 = vector.broadcast %add3A_708 : i32 to vector<16xi32>
      %add3A_710 = arith.addi %add3A_709, %shift_right_arithmetic3A_2 : vector<16xi32>
      %gather3A_711 = tpu.vector_load_idx %arg8[%add3A_710] : memref<1024xf32, #tpu.memory_space<vmem>>[vector<16xi32>], vector<16xf32>,
      %swap3A_712 = arith.constant 4 : i32
      %swap3A_713 = arith.index_cast %swap3A_712 : i32 to index
      %swap3A_714 = arith.constant 16 : index
      %swap3A_715 = tpu.vector_load %arg10[%swap3A_713, %swap3A_714] {strides = array<i32>} : memref<16x128xf32, #tpu.memory_space<vmem>>, vector<16xf32>,
      tpu.vector_store %arg10[%swap3A_713, %swap3A_714], %gather3A_711 {strides = array<i32>} : memref<16x128xf32, #tpu.memory_space<vmem>>, vector<16xf32>,
      %add3A_716 = arith.constant 272 : i32
      %add3A_717 = vector.broadcast %add3A_716 : i32 to vector<16xi32>
      %add3A_718 = arith.addi %add3A_717, %shift_right_arithmetic3A_2 : vector<16xi32>
      %gather3A_719 = tpu.vector_load_idx %arg8[%add3A_718] : memref<1024xf32, #tpu.memory_space<vmem>>[vector<16xi32>], vector<16xf32>,
      %swap3A_720 = arith.constant 4 : i32
      %swap3A_721 = arith.index_cast %swap3A_720 : i32 to index
      %swap3A_722 = arith.constant 32 : index
      %swap3A_723 = tpu.vector_load %arg10[%swap3A_721, %swap3A_722] {strides = array<i32>} : memref<16x128xf32, #tpu.memory_space<vmem>>, vector<16xf32>,
      tpu.vector_store %arg10[%swap3A_721, %swap3A_722], %gather3A_719 {strides = array<i32>} : memref<16x128xf32, #tpu.memory_space<vmem>>, vector<16xf32>,
      %add3A_724 = arith.constant 280 : i32
      %add3A_725 = vector.broadcast %add3A_724 : i32 to vector<16xi32>
      %add3A_726 = arith.addi %add3A_725, %shift_right_arithmetic3A_2 : vector<16xi32>
      %gather3A_727 = tpu.vector_load_idx %arg8[%add3A_726] : memref<1024xf32, #tpu.memory_space<vmem>>[vector<16xi32>], vector<16xf32>,
      %swap3A_728 = arith.constant 4 : i32
      %swap3A_729 = arith.index_cast %swap3A_728 : i32 to index
      %swap3A_730 = arith.constant 48 : index
      %swap3A_731 = tpu.vector_load %arg10[%swap3A_729, %swap3A_730] {strides = array<i32>} : memref<16x128xf32, #tpu.memory_space<vmem>>, vector<16xf32>,
      tpu.vector_store %arg10[%swap3A_729, %swap3A_730], %gather3A_727 {strides = array<i32>} : memref<16x128xf32, #tpu.memory_space<vmem>>, vector<16xf32>,
      %add3A_732 = arith.constant 288 : i32
      %add3A_733 = vector.broadcast %add3A_732 : i32 to vector<16xi32>
      %add3A_734 = arith.addi %add3A_733, %shift_right_arithmetic3A_2 : vector<16xi32>
      %gather3A_735 = tpu.vector_load_idx %arg8[%add3A_734] : memref<1024xf32, #tpu.memory_space<vmem>>[vector<16xi32>], vector<16xf32>,
      %swap3A_736 = arith.constant 4 : i32
      %swap3A_737 = arith.index_cast %swap3A_736 : i32 to index
      %swap3A_738 = arith.constant 64 : index
      %swap3A_739 = tpu.vector_load %arg10[%swap3A_737, %swap3A_738] {strides = array<i32>} : memref<16x128xf32, #tpu.memory_space<vmem>>, vector<16xf32>,
      tpu.vector_store %arg10[%swap3A_737, %swap3A_738], %gather3A_735 {strides = array<i32>} : memref<16x128xf32, #tpu.memory_space<vmem>>, vector<16xf32>,
      %add3A_740 = arith.constant 296 : i32
      %add3A_741 = vector.broadcast %add3A_740 : i32 to vector<16xi32>
      %add3A_742 = arith.addi %add3A_741, %shift_right_arithmetic3A_2 : vector<16xi32>
      %gather3A_743 = tpu.vector_load_idx %arg8[%add3A_742] : memref<1024xf32, #tpu.memory_space<vmem>>[vector<16xi32>], vector<16xf32>,
      %swap3A_744 = arith.constant 4 : i32
      %swap3A_745 = arith.index_cast %swap3A_744 : i32 to index
      %swap3A_746 = arith.constant 80 : index
      %swap3A_747 = tpu.vector_load %arg10[%swap3A_745, %swap3A_746] {strides = array<i32>} : memref<16x128xf32, #tpu.memory_space<vmem>>, vector<16xf32>,
      tpu.vector_store %arg10[%swap3A_745, %swap3A_746], %gather3A_743 {strides = array<i32>} : memref<16x128xf32, #tpu.memory_space<vmem>>, vector<16xf32>,
      %add3A_748 = arith.constant 304 : i32
      %add3A_749 = vector.broadcast %add3A_748 : i32 to vector<16xi32>
      %add3A_750 = arith.addi %add3A_749, %shift_right_arithmetic3A_2 : vector<16xi32>
      %gather3A_751 = tpu.vector_load_idx %arg8[%add3A_750] : memref<1024xf32, #tpu.memory_space<vmem>>[vector<16xi32>], vector<16xf32>,
      %swap3A_752 = arith.constant 4 : i32
      %swap3A_753 = arith.index_cast %swap3A_752 : i32 to index
      %swap3A_754 = arith.constant 96 : index
      %swap3A_755 = tpu.vector_load %arg10[%swap3A_753, %swap3A_754] {strides = array<i32>} : memref<16x128xf32, #tpu.memory_space<vmem>>, vector<16xf32>,
      tpu.vector_store %arg10[%swap3A_753, %swap3A_754], %gather3A_751 {strides = array<i32>} : memref<16x128xf32, #tpu.memory_space<vmem>>, vector<16xf32>,
      %add3A_756 = arith.constant 312 : i32
      %add3A_757 = vector.broadcast %add3A_756 : i32 to vector<16xi32>
      %add3A_758 = arith.addi %add3A_757, %shift_right_arithmetic3A_2 : vector<16xi32>
      %gather3A_759 = tpu.vector_load_idx %arg8[%add3A_758] : memref<1024xf32, #tpu.memory_space<vmem>>[vector<16xi32>], vector<16xf32>,
      %swap3A_760 = arith.constant 4 : i32
      %swap3A_761 = arith.index_cast %swap3A_760 : i32 to index
      %swap3A_762 = arith.constant 112 : index
      %swap3A_763 = tpu.vector_load %arg10[%swap3A_761, %swap3A_762] {strides = array<i32>} : memref<16x128xf32, #tpu.memory_space<vmem>>, vector<16xf32>,
      tpu.vector_store %arg10[%swap3A_761, %swap3A_762], %gather3A_759 {strides = array<i32>} : memref<16x128xf32, #tpu.memory_space<vmem>>, vector<16xf32>,
      %add3A_764 = arith.constant 320 : i32
      %add3A_765 = vector.broadcast %add3A_764 : i32 to vector<16xi32>
      %add3A_766 = arith.addi %add3A_765, %shift_right_arithmetic3A_2 : vector<16xi32>
      %gather3A_767 = tpu.vector_load_idx %arg8[%add3A_766] : memref<1024xf32, #tpu.memory_space<vmem>>[vector<16xi32>], vector<16xf32>,
      %swap3A_768 = arith.constant 5 : i32
      %swap3A_769 = arith.index_cast %swap3A_768 : i32 to index
      %swap3A_770 = arith.constant 0 : index
      %swap3A_771 = tpu.vector_load %arg10[%swap3A_769, %swap3A_770] {strides = array<i32>} : memref<16x128xf32, #tpu.memory_space<vmem>>, vector<16xf32>,
      tpu.vector_store %arg10[%swap3A_769, %swap3A_770], %gather3A_767 {strides = array<i32>} : memref<16x128xf32, #tpu.memory_space<vmem>>, vector<16xf32>,
      %add3A_772 = arith.constant 328 : i32
      %add3A_773 = vector.broadcast %add3A_772 : i32 to vector<16xi32>
      %add3A_774 = arith.addi %add3A_773, %shift_right_arithmetic3A_2 : vector<16xi32>
      %gather3A_775 = tpu.vector_load_idx %arg8[%add3A_774] : memref<1024xf32, #tpu.memory_space<vmem>>[vector<16xi32>], vector<16xf32>,
      %swap3A_776 = arith.constant 5 : i32
      %swap3A_777 = arith.index_cast %swap3A_776 : i32 to index
      %swap3A_778 = arith.constant 16 : index
      %swap3A_779 = tpu.vector_load %arg10[%swap3A_777, %swap3A_778] {strides = array<i32>} : memref<16x128xf32, #tpu.memory_space<vmem>>, vector<16xf32>,
      tpu.vector_store %arg10[%swap3A_777, %swap3A_778], %gather3A_775 {strides = array<i32>} : memref<16x128xf32, #tpu.memory_space<vmem>>, vector<16xf32>,
      %add3A_780 = arith.constant 336 : i32
      %add3A_781 = vector.broadcast %add3A_780 : i32 to vector<16xi32>
      %add3A_782 = arith.addi %add3A_781, %shift_right_arithmetic3A_2 : vector<16xi32>
      %gather3A_783 = tpu.vector_load_idx %arg8[%add3A_782] : memref<1024xf32, #tpu.memory_space<vmem>>[vector<16xi32>], vector<16xf32>,
      %swap3A_784 = arith.constant 5 : i32
      %swap3A_785 = arith.index_cast %swap3A_784 : i32 to index
      %swap3A_786 = arith.constant 32 : index
      %swap3A_787 = tpu.vector_load %arg10[%swap3A_785, %swap3A_786] {strides = array<i32>} : memref<16x128xf32, #tpu.memory_space<vmem>>, vector<16xf32>,
      tpu.vector_store %arg10[%swap3A_785, %swap3A_786], %gather3A_783 {strides = array<i32>} : memref<16x128xf32, #tpu.memory_space<vmem>>, vector<16xf32>,
      %add3A_788 = arith.constant 344 : i32
      %add3A_789 = vector.broadcast %add3A_788 : i32 to vector<16xi32>
      %add3A_790 = arith.addi %add3A_789, %shift_right_arithmetic3A_2 : vector<16xi32>
      %gather3A_791 = tpu.vector_load_idx %arg8[%add3A_790] : memref<1024xf32, #tpu.memory_space<vmem>>[vector<16xi32>], vector<16xf32>,
      %swap3A_792 = arith.constant 5 : i32
      %swap3A_793 = arith.index_cast %swap3A_792 : i32 to index
      %swap3A_794 = arith.constant 48 : index
      %swap3A_795 = tpu.vector_load %arg10[%swap3A_793, %swap3A_794] {strides = array<i32>} : memref<16x128xf32, #tpu.memory_space<vmem>>, vector<16xf32>,
      tpu.vector_store %arg10[%swap3A_793, %swap3A_794], %gather3A_791 {strides = array<i32>} : memref<16x128xf32, #tpu.memory_space<vmem>>, vector<16xf32>,
      %add3A_796 = arith.constant 352 : i32
      %add3A_797 = vector.broadcast %add3A_796 : i32 to vector<16xi32>
      %add3A_798 = arith.addi %add3A_797, %shift_right_arithmetic3A_2 : vector<16xi32>
      %gather3A_799 = tpu.vector_load_idx %arg8[%add3A_798] : memref<1024xf32, #tpu.memory_space<vmem>>[vector<16xi32>], vector<16xf32>,
      %swap3A_800 = arith.constant 5 : i32
      %swap3A_801 = arith.index_cast %swap3A_800 : i32 to index
      %swap3A_802 = arith.constant 64 : index
      %swap3A_803 = tpu.vector_load %arg10[%swap3A_801, %swap3A_802] {strides = array<i32>} : memref<16x128xf32, #tpu.memory_space<vmem>>, vector<16xf32>,
      tpu.vector_store %arg10[%swap3A_801, %swap3A_802], %gather3A_799 {strides = array<i32>} : memref<16x128xf32, #tpu.memory_space<vmem>>, vector<16xf32>,
      %add3A_804 = arith.constant 360 : i32
      %add3A_805 = vector.broadcast %add3A_804 : i32 to vector<16xi32>
      %add3A_806 = arith.addi %add3A_805, %shift_right_arithmetic3A_2 : vector<16xi32>
      %gather3A_807 = tpu.vector_load_idx %arg8[%add3A_806] : memref<1024xf32, #tpu.memory_space<vmem>>[vector<16xi32>], vector<16xf32>,
      %swap3A_808 = arith.constant 5 : i32
      %swap3A_809 = arith.index_cast %swap3A_808 : i32 to index
      %swap3A_810 = arith.constant 80 : index
      %swap3A_811 = tpu.vector_load %arg10[%swap3A_809, %swap3A_810] {strides = array<i32>} : memref<16x128xf32, #tpu.memory_space<vmem>>, vector<16xf32>,
      tpu.vector_store %arg10[%swap3A_809, %swap3A_810], %gather3A_807 {strides = array<i32>} : memref<16x128xf32, #tpu.memory_space<vmem>>, vector<16xf32>,
      %add3A_812 = arith.constant 368 : i32
      %add3A_813 = vector.broadcast %add3A_812 : i32 to vector<16xi32>
      %add3A_814 = arith.addi %add3A_813, %shift_right_arithmetic3A_2 : vector<16xi32>
      %gather3A_815 = tpu.vector_load_idx %arg8[%add3A_814] : memref<1024xf32, #tpu.memory_space<vmem>>[vector<16xi32>], vector<16xf32>,
      %swap3A_816 = arith.constant 5 : i32
      %swap3A_817 = arith.index_cast %swap3A_816 : i32 to index
      %swap3A_818 = arith.constant 96 : index
      %swap3A_819 = tpu.vector_load %arg10[%swap3A_817, %swap3A_818] {strides = array<i32>} : memref<16x128xf32, #tpu.memory_space<vmem>>, vector<16xf32>,
      tpu.vector_store %arg10[%swap3A_817, %swap3A_818], %gather3A_815 {strides = array<i32>} : memref<16x128xf32, #tpu.memory_space<vmem>>, vector<16xf32>,
      %add3A_820 = arith.constant 376 : i32
      %add3A_821 = vector.broadcast %add3A_820 : i32 to vector<16xi32>
      %add3A_822 = arith.addi %add3A_821, %shift_right_arithmetic3A_2 : vector<16xi32>
      %gather3A_823 = tpu.vector_load_idx %arg8[%add3A_822] : memref<1024xf32, #tpu.memory_space<vmem>>[vector<16xi32>], vector<16xf32>,
      %swap3A_824 = arith.constant 5 : i32
      %swap3A_825 = arith.index_cast %swap3A_824 : i32 to index
      %swap3A_826 = arith.constant 112 : index
      %swap3A_827 = tpu.vector_load %arg10[%swap3A_825, %swap3A_826] {strides = array<i32>} : memref<16x128xf32, #tpu.memory_space<vmem>>, vector<16xf32>,
      tpu.vector_store %arg10[%swap3A_825, %swap3A_826], %gather3A_823 {strides = array<i32>} : memref<16x128xf32, #tpu.memory_space<vmem>>, vector<16xf32>,
      %add3A_828 = arith.constant 384 : i32
      %add3A_829 = vector.broadcast %add3A_828 : i32 to vector<16xi32>
      %add3A_830 = arith.addi %add3A_829, %shift_right_arithmetic3A_2 : vector<16xi32>
      %gather3A_831 = tpu.vector_load_idx %arg8[%add3A_830] : memref<1024xf32, #tpu.memory_space<vmem>>[vector<16xi32>], vector<16xf32>,
      %swap3A_832 = arith.constant 6 : i32
      %swap3A_833 = arith.index_cast %swap3A_832 : i32 to index
      %swap3A_834 = arith.constant 0 : index
      %swap3A_835 = tpu.vector_load %arg10[%swap3A_833, %swap3A_834] {strides = array<i32>} : memref<16x128xf32, #tpu.memory_space<vmem>>, vector<16xf32>,
      tpu.vector_store %arg10[%swap3A_833, %swap3A_834], %gather3A_831 {strides = array<i32>} : memref<16x128xf32, #tpu.memory_space<vmem>>, vector<16xf32>,
      %add3A_836 = arith.constant 392 : i32
      %add3A_837 = vector.broadcast %add3A_836 : i32 to vector<16xi32>
      %add3A_838 = arith.addi %add3A_837, %shift_right_arithmetic3A_2 : vector<16xi32>
      %gather3A_839 = tpu.vector_load_idx %arg8[%add3A_838] : memref<1024xf32, #tpu.memory_space<vmem>>[vector<16xi32>], vector<16xf32>,
      %swap3A_840 = arith.constant 6 : i32
      %swap3A_841 = arith.index_cast %swap3A_840 : i32 to index
      %swap3A_842 = arith.constant 16 : index
      %swap3A_843 = tpu.vector_load %arg10[%swap3A_841, %swap3A_842] {strides = array<i32>} : memref<16x128xf32, #tpu.memory_space<vmem>>, vector<16xf32>,
      tpu.vector_store %arg10[%swap3A_841, %swap3A_842], %gather3A_839 {strides = array<i32>} : memref<16x128xf32, #tpu.memory_space<vmem>>, vector<16xf32>,
      %add3A_844 = arith.constant 400 : i32
      %add3A_845 = vector.broadcast %add3A_844 : i32 to vector<16xi32>
      %add3A_846 = arith.addi %add3A_845, %shift_right_arithmetic3A_2 : vector<16xi32>
      %gather3A_847 = tpu.vector_load_idx %arg8[%add3A_846] : memref<1024xf32, #tpu.memory_space<vmem>>[vector<16xi32>], vector<16xf32>,
      %swap3A_848 = arith.constant 6 : i32
      %swap3A_849 = arith.index_cast %swap3A_848 : i32 to index
      %swap3A_850 = arith.constant 32 : index
      %swap3A_851 = tpu.vector_load %arg10[%swap3A_849, %swap3A_850] {strides = array<i32>} : memref<16x128xf32, #tpu.memory_space<vmem>>, vector<16xf32>,
      tpu.vector_store %arg10[%swap3A_849, %swap3A_850], %gather3A_847 {strides = array<i32>} : memref<16x128xf32, #tpu.memory_space<vmem>>, vector<16xf32>,
      %add3A_852 = arith.constant 408 : i32
      %add3A_853 = vector.broadcast %add3A_852 : i32 to vector<16xi32>
      %add3A_854 = arith.addi %add3A_853, %shift_right_arithmetic3A_2 : vector<16xi32>
      %gather3A_855 = tpu.vector_load_idx %arg8[%add3A_854] : memref<1024xf32, #tpu.memory_space<vmem>>[vector<16xi32>], vector<16xf32>,
      %swap3A_856 = arith.constant 6 : i32
      %swap3A_857 = arith.index_cast %swap3A_856 : i32 to index
      %swap3A_858 = arith.constant 48 : index
      %swap3A_859 = tpu.vector_load %arg10[%swap3A_857, %swap3A_858] {strides = array<i32>} : memref<16x128xf32, #tpu.memory_space<vmem>>, vector<16xf32>,
      tpu.vector_store %arg10[%swap3A_857, %swap3A_858], %gather3A_855 {strides = array<i32>} : memref<16x128xf32, #tpu.memory_space<vmem>>, vector<16xf32>,
      %add3A_860 = arith.constant 416 : i32
      %add3A_861 = vector.broadcast %add3A_860 : i32 to vector<16xi32>
      %add3A_862 = arith.addi %add3A_861, %shift_right_arithmetic3A_2 : vector<16xi32>
      %gather3A_863 = tpu.vector_load_idx %arg8[%add3A_862] : memref<1024xf32, #tpu.memory_space<vmem>>[vector<16xi32>], vector<16xf32>,
      %swap3A_864 = arith.constant 6 : i32
      %swap3A_865 = arith.index_cast %swap3A_864 : i32 to index
      %swap3A_866 = arith.constant 64 : index
      %swap3A_867 = tpu.vector_load %arg10[%swap3A_865, %swap3A_866] {strides = array<i32>} : memref<16x128xf32, #tpu.memory_space<vmem>>, vector<16xf32>,
      tpu.vector_store %arg10[%swap3A_865, %swap3A_866], %gather3A_863 {strides = array<i32>} : memref<16x128xf32, #tpu.memory_space<vmem>>, vector<16xf32>,
      %add3A_868 = arith.constant 424 : i32
      %add3A_869 = vector.broadcast %add3A_868 : i32 to vector<16xi32>
      %add3A_870 = arith.addi %add3A_869, %shift_right_arithmetic3A_2 : vector<16xi32>
      %gather3A_871 = tpu.vector_load_idx %arg8[%add3A_870] : memref<1024xf32, #tpu.memory_space<vmem>>[vector<16xi32>], vector<16xf32>,
      %swap3A_872 = arith.constant 6 : i32
      %swap3A_873 = arith.index_cast %swap3A_872 : i32 to index
      %swap3A_874 = arith.constant 80 : index
      %swap3A_875 = tpu.vector_load %arg10[%swap3A_873, %swap3A_874] {strides = array<i32>} : memref<16x128xf32, #tpu.memory_space<vmem>>, vector<16xf32>,
      tpu.vector_store %arg10[%swap3A_873, %swap3A_874], %gather3A_871 {strides = array<i32>} : memref<16x128xf32, #tpu.memory_space<vmem>>, vector<16xf32>,
      %add3A_876 = arith.constant 432 : i32
      %add3A_877 = vector.broadcast %add3A_876 : i32 to vector<16xi32>
      %add3A_878 = arith.addi %add3A_877, %shift_right_arithmetic3A_2 : vector<16xi32>
      %gather3A_879 = tpu.vector_load_idx %arg8[%add3A_878] : memref<1024xf32, #tpu.memory_space<vmem>>[vector<16xi32>], vector<16xf32>,
      %swap3A_880 = arith.constant 6 : i32
      %swap3A_881 = arith.index_cast %swap3A_880 : i32 to index
      %swap3A_882 = arith.constant 96 : index
      %swap3A_883 = tpu.vector_load %arg10[%swap3A_881, %swap3A_882] {strides = array<i32>} : memref<16x128xf32, #tpu.memory_space<vmem>>, vector<16xf32>,
      tpu.vector_store %arg10[%swap3A_881, %swap3A_882], %gather3A_879 {strides = array<i32>} : memref<16x128xf32, #tpu.memory_space<vmem>>, vector<16xf32>,
      %add3A_884 = arith.constant 440 : i32
      %add3A_885 = vector.broadcast %add3A_884 : i32 to vector<16xi32>
      %add3A_886 = arith.addi %add3A_885, %shift_right_arithmetic3A_2 : vector<16xi32>
      %gather3A_887 = tpu.vector_load_idx %arg8[%add3A_886] : memref<1024xf32, #tpu.memory_space<vmem>>[vector<16xi32>], vector<16xf32>,
      %swap3A_888 = arith.constant 6 : i32
      %swap3A_889 = arith.index_cast %swap3A_888 : i32 to index
      %swap3A_890 = arith.constant 112 : index
      %swap3A_891 = tpu.vector_load %arg10[%swap3A_889, %swap3A_890] {strides = array<i32>} : memref<16x128xf32, #tpu.memory_space<vmem>>, vector<16xf32>,
      tpu.vector_store %arg10[%swap3A_889, %swap3A_890], %gather3A_887 {strides = array<i32>} : memref<16x128xf32, #tpu.memory_space<vmem>>, vector<16xf32>,
      %add3A_892 = arith.constant 448 : i32
      %add3A_893 = vector.broadcast %add3A_892 : i32 to vector<16xi32>
      %add3A_894 = arith.addi %add3A_893, %shift_right_arithmetic3A_2 : vector<16xi32>
      %gather3A_895 = tpu.vector_load_idx %arg8[%add3A_894] : memref<1024xf32, #tpu.memory_space<vmem>>[vector<16xi32>], vector<16xf32>,
      %swap3A_896 = arith.constant 7 : i32
      %swap3A_897 = arith.index_cast %swap3A_896 : i32 to index
      %swap3A_898 = arith.constant 0 : index
      %swap3A_899 = tpu.vector_load %arg10[%swap3A_897, %swap3A_898] {strides = array<i32>} : memref<16x128xf32, #tpu.memory_space<vmem>>, vector<16xf32>,
      tpu.vector_store %arg10[%swap3A_897, %swap3A_898], %gather3A_895 {strides = array<i32>} : memref<16x128xf32, #tpu.memory_space<vmem>>, vector<16xf32>,
      %add3A_900 = arith.constant 456 : i32
      %add3A_901 = vector.broadcast %add3A_900 : i32 to vector<16xi32>
      %add3A_902 = arith.addi %add3A_901, %shift_right_arithmetic3A_2 : vector<16xi32>
      %gather3A_903 = tpu.vector_load_idx %arg8[%add3A_902] : memref<1024xf32, #tpu.memory_space<vmem>>[vector<16xi32>], vector<16xf32>,
      %swap3A_904 = arith.constant 7 : i32
      %swap3A_905 = arith.index_cast %swap3A_904 : i32 to index
      %swap3A_906 = arith.constant 16 : index
      %swap3A_907 = tpu.vector_load %arg10[%swap3A_905, %swap3A_906] {strides = array<i32>} : memref<16x128xf32, #tpu.memory_space<vmem>>, vector<16xf32>,
      tpu.vector_store %arg10[%swap3A_905, %swap3A_906], %gather3A_903 {strides = array<i32>} : memref<16x128xf32, #tpu.memory_space<vmem>>, vector<16xf32>,
      %add3A_908 = arith.constant 464 : i32
      %add3A_909 = vector.broadcast %add3A_908 : i32 to vector<16xi32>
      %add3A_910 = arith.addi %add3A_909, %shift_right_arithmetic3A_2 : vector<16xi32>
      %gather3A_911 = tpu.vector_load_idx %arg8[%add3A_910] : memref<1024xf32, #tpu.memory_space<vmem>>[vector<16xi32>], vector<16xf32>,
      %swap3A_912 = arith.constant 7 : i32
      %swap3A_913 = arith.index_cast %swap3A_912 : i32 to index
      %swap3A_914 = arith.constant 32 : index
      %swap3A_915 = tpu.vector_load %arg10[%swap3A_913, %swap3A_914] {strides = array<i32>} : memref<16x128xf32, #tpu.memory_space<vmem>>, vector<16xf32>,
      tpu.vector_store %arg10[%swap3A_913, %swap3A_914], %gather3A_911 {strides = array<i32>} : memref<16x128xf32, #tpu.memory_space<vmem>>, vector<16xf32>,
      %add3A_916 = arith.constant 472 : i32
      %add3A_917 = vector.broadcast %add3A_916 : i32 to vector<16xi32>
      %add3A_918 = arith.addi %add3A_917, %shift_right_arithmetic3A_2 : vector<16xi32>
      %gather3A_919 = tpu.vector_load_idx %arg8[%add3A_918] : memref<1024xf32, #tpu.memory_space<vmem>>[vector<16xi32>], vector<16xf32>,
      %swap3A_920 = arith.constant 7 : i32
      %swap3A_921 = arith.index_cast %swap3A_920 : i32 to index
      %swap3A_922 = arith.constant 48 : index
      %swap3A_923 = tpu.vector_load %arg10[%swap3A_921, %swap3A_922] {strides = array<i32>} : memref<16x128xf32, #tpu.memory_space<vmem>>, vector<16xf32>,
      tpu.vector_store %arg10[%swap3A_921, %swap3A_922], %gather3A_919 {strides = array<i32>} : memref<16x128xf32, #tpu.memory_space<vmem>>, vector<16xf32>,
      %add3A_924 = arith.constant 480 : i32
      %add3A_925 = vector.broadcast %add3A_924 : i32 to vector<16xi32>
      %add3A_926 = arith.addi %add3A_925, %shift_right_arithmetic3A_2 : vector<16xi32>
      %gather3A_927 = tpu.vector_load_idx %arg8[%add3A_926] : memref<1024xf32, #tpu.memory_space<vmem>>[vector<16xi32>], vector<16xf32>,
      %swap3A_928 = arith.constant 7 : i32
      %swap3A_929 = arith.index_cast %swap3A_928 : i32 to index
      %swap3A_930 = arith.constant 64 : index
      %swap3A_931 = tpu.vector_load %arg10[%swap3A_929, %swap3A_930] {strides = array<i32>} : memref<16x128xf32, #tpu.memory_space<vmem>>, vector<16xf32>,
      tpu.vector_store %arg10[%swap3A_929, %swap3A_930], %gather3A_927 {strides = array<i32>} : memref<16x128xf32, #tpu.memory_space<vmem>>, vector<16xf32>,
      %add3A_932 = arith.constant 488 : i32
      %add3A_933 = vector.broadcast %add3A_932 : i32 to vector<16xi32>
      %add3A_934 = arith.addi %add3A_933, %shift_right_arithmetic3A_2 : vector<16xi32>
      %gather3A_935 = tpu.vector_load_idx %arg8[%add3A_934] : memref<1024xf32, #tpu.memory_space<vmem>>[vector<16xi32>], vector<16xf32>,
      %swap3A_936 = arith.constant 7 : i32
      %swap3A_937 = arith.index_cast %swap3A_936 : i32 to index
      %swap3A_938 = arith.constant 80 : index
      %swap3A_939 = tpu.vector_load %arg10[%swap3A_937, %swap3A_938] {strides = array<i32>} : memref<16x128xf32, #tpu.memory_space<vmem>>, vector<16xf32>,
      tpu.vector_store %arg10[%swap3A_937, %swap3A_938], %gather3A_935 {strides = array<i32>} : memref<16x128xf32, #tpu.memory_space<vmem>>, vector<16xf32>,
      %add3A_940 = arith.constant 496 : i32
      %add3A_941 = vector.broadcast %add3A_940 : i32 to vector<16xi32>
      %add3A_942 = arith.addi %add3A_941, %shift_right_arithmetic3A_2 : vector<16xi32>
      %gather3A_943 = tpu.vector_load_idx %arg8[%add3A_942] : memref<1024xf32, #tpu.memory_space<vmem>>[vector<16xi32>], vector<16xf32>,
      %swap3A_944 = arith.constant 7 : i32
      %swap3A_945 = arith.index_cast %swap3A_944 : i32 to index
      %swap3A_946 = arith.constant 96 : index
      %swap3A_947 = tpu.vector_load %arg10[%swap3A_945, %swap3A_946] {strides = array<i32>} : memref<16x128xf32, #tpu.memory_space<vmem>>, vector<16xf32>,
      tpu.vector_store %arg10[%swap3A_945, %swap3A_946], %gather3A_943 {strides = array<i32>} : memref<16x128xf32, #tpu.memory_space<vmem>>, vector<16xf32>,
      %add3A_948 = arith.constant 504 : i32
      %add3A_949 = vector.broadcast %add3A_948 : i32 to vector<16xi32>
      %add3A_950 = arith.addi %add3A_949, %shift_right_arithmetic3A_2 : vector<16xi32>
      %gather3A_951 = tpu.vector_load_idx %arg8[%add3A_950] : memref<1024xf32, #tpu.memory_space<vmem>>[vector<16xi32>], vector<16xf32>,
      %swap3A_952 = arith.constant 7 : i32
      %swap3A_953 = arith.index_cast %swap3A_952 : i32 to index
      %swap3A_954 = arith.constant 112 : index
      %swap3A_955 = tpu.vector_load %arg10[%swap3A_953, %swap3A_954] {strides = array<i32>} : memref<16x128xf32, #tpu.memory_space<vmem>>, vector<16xf32>,
      tpu.vector_store %arg10[%swap3A_953, %swap3A_954], %gather3A_951 {strides = array<i32>} : memref<16x128xf32, #tpu.memory_space<vmem>>, vector<16xf32>,
      %add3A_956 = arith.constant 512 : i32
      %add3A_957 = vector.broadcast %add3A_956 : i32 to vector<16xi32>
      %add3A_958 = arith.addi %add3A_957, %shift_right_arithmetic3A_2 : vector<16xi32>
      %gather3A_959 = tpu.vector_load_idx %arg8[%add3A_958] : memref<1024xf32, #tpu.memory_space<vmem>>[vector<16xi32>], vector<16xf32>,
      %swap3A_960 = arith.constant 8 : i32
      %swap3A_961 = arith.index_cast %swap3A_960 : i32 to index
      %swap3A_962 = arith.constant 0 : index
      %swap3A_963 = tpu.vector_load %arg10[%swap3A_961, %swap3A_962] {strides = array<i32>} : memref<16x128xf32, #tpu.memory_space<vmem>>, vector<16xf32>,
      tpu.vector_store %arg10[%swap3A_961, %swap3A_962], %gather3A_959 {strides = array<i32>} : memref<16x128xf32, #tpu.memory_space<vmem>>, vector<16xf32>,
      %add3A_964 = arith.constant 520 : i32
      %add3A_965 = vector.broadcast %add3A_964 : i32 to vector<16xi32>
      %add3A_966 = arith.addi %add3A_965, %shift_right_arithmetic3A_2 : vector<16xi32>
      %gather3A_967 = tpu.vector_load_idx %arg8[%add3A_966] : memref<1024xf32, #tpu.memory_space<vmem>>[vector<16xi32>], vector<16xf32>,
      %swap3A_968 = arith.constant 8 : i32
      %swap3A_969 = arith.index_cast %swap3A_968 : i32 to index
      %swap3A_970 = arith.constant 16 : index
      %swap3A_971 = tpu.vector_load %arg10[%swap3A_969, %swap3A_970] {strides = array<i32>} : memref<16x128xf32, #tpu.memory_space<vmem>>, vector<16xf32>,
      tpu.vector_store %arg10[%swap3A_969, %swap3A_970], %gather3A_967 {strides = array<i32>} : memref<16x128xf32, #tpu.memory_space<vmem>>, vector<16xf32>,
      %add3A_972 = arith.constant 528 : i32
      %add3A_973 = vector.broadcast %add3A_972 : i32 to vector<16xi32>
      %add3A_974 = arith.addi %add3A_973, %shift_right_arithmetic3A_2 : vector<16xi32>
      %gather3A_975 = tpu.vector_load_idx %arg8[%add3A_974] : memref<1024xf32, #tpu.memory_space<vmem>>[vector<16xi32>], vector<16xf32>,
      %swap3A_976 = arith.constant 8 : i32
      %swap3A_977 = arith.index_cast %swap3A_976 : i32 to index
      %swap3A_978 = arith.constant 32 : index
      %swap3A_979 = tpu.vector_load %arg10[%swap3A_977, %swap3A_978] {strides = array<i32>} : memref<16x128xf32, #tpu.memory_space<vmem>>, vector<16xf32>,
      tpu.vector_store %arg10[%swap3A_977, %swap3A_978], %gather3A_975 {strides = array<i32>} : memref<16x128xf32, #tpu.memory_space<vmem>>, vector<16xf32>,
      %add3A_980 = arith.constant 536 : i32
      %add3A_981 = vector.broadcast %add3A_980 : i32 to vector<16xi32>
      %add3A_982 = arith.addi %add3A_981, %shift_right_arithmetic3A_2 : vector<16xi32>
      %gather3A_983 = tpu.vector_load_idx %arg8[%add3A_982] : memref<1024xf32, #tpu.memory_space<vmem>>[vector<16xi32>], vector<16xf32>,
      %swap3A_984 = arith.constant 8 : i32
      %swap3A_985 = arith.index_cast %swap3A_984 : i32 to index
      %swap3A_986 = arith.constant 48 : index
      %swap3A_987 = tpu.vector_load %arg10[%swap3A_985, %swap3A_986] {strides = array<i32>} : memref<16x128xf32, #tpu.memory_space<vmem>>, vector<16xf32>,
      tpu.vector_store %arg10[%swap3A_985, %swap3A_986], %gather3A_983 {strides = array<i32>} : memref<16x128xf32, #tpu.memory_space<vmem>>, vector<16xf32>,
      %add3A_988 = arith.constant 544 : i32
      %add3A_989 = vector.broadcast %add3A_988 : i32 to vector<16xi32>
      %add3A_990 = arith.addi %add3A_989, %shift_right_arithmetic3A_2 : vector<16xi32>
      %gather3A_991 = tpu.vector_load_idx %arg8[%add3A_990] : memref<1024xf32, #tpu.memory_space<vmem>>[vector<16xi32>], vector<16xf32>,
      %swap3A_992 = arith.constant 8 : i32
      %swap3A_993 = arith.index_cast %swap3A_992 : i32 to index
      %swap3A_994 = arith.constant 64 : index
      %swap3A_995 = tpu.vector_load %arg10[%swap3A_993, %swap3A_994] {strides = array<i32>} : memref<16x128xf32, #tpu.memory_space<vmem>>, vector<16xf32>,
      tpu.vector_store %arg10[%swap3A_993, %swap3A_994], %gather3A_991 {strides = array<i32>} : memref<16x128xf32, #tpu.memory_space<vmem>>, vector<16xf32>,
      %add3A_996 = arith.constant 552 : i32
      %add3A_997 = vector.broadcast %add3A_996 : i32 to vector<16xi32>
      %add3A_998 = arith.addi %add3A_997, %shift_right_arithmetic3A_2 : vector<16xi32>
      %gather3A_999 = tpu.vector_load_idx %arg8[%add3A_998] : memref<1024xf32, #tpu.memory_space<vmem>>[vector<16xi32>], vector<16xf32>,
      %swap3A_1000 = arith.constant 8 : i32
      %swap3A_1001 = arith.index_cast %swap3A_1000 : i32 to index
      %swap3A_1002 = arith.constant 80 : index
      %swap3A_1003 = tpu.vector_load %arg10[%swap3A_1001, %swap3A_1002] {strides = array<i32>} : memref<16x128xf32, #tpu.memory_space<vmem>>, vector<16xf32>,
      tpu.vector_store %arg10[%swap3A_1001, %swap3A_1002], %gather3A_999 {strides = array<i32>} : memref<16x128xf32, #tpu.memory_space<vmem>>, vector<16xf32>,
      %add3A_1004 = arith.constant 560 : i32
      %add3A_1005 = vector.broadcast %add3A_1004 : i32 to vector<16xi32>
      %add3A_1006 = arith.addi %add3A_1005, %shift_right_arithmetic3A_2 : vector<16xi32>
      %gather3A_1007 = tpu.vector_load_idx %arg8[%add3A_1006] : memref<1024xf32, #tpu.memory_space<vmem>>[vector<16xi32>], vector<16xf32>,
      %swap3A_1008 = arith.constant 8 : i32
      %swap3A_1009 = arith.index_cast %swap3A_1008 : i32 to index
      %swap3A_1010 = arith.constant 96 : index
      %swap3A_1011 = tpu.vector_load %arg10[%swap3A_1009, %swap3A_1010] {strides = array<i32>} : memref<16x128xf32, #tpu.memory_space<vmem>>, vector<16xf32>,
      tpu.vector_store %arg10[%swap3A_1009, %swap3A_1010], %gather3A_1007 {strides = array<i32>} : memref<16x128xf32, #tpu.memory_space<vmem>>, vector<16xf32>,
      %add3A_1012 = arith.constant 568 : i32
      %add3A_1013 = vector.broadcast %add3A_1012 : i32 to vector<16xi32>
      %add3A_1014 = arith.addi %add3A_1013, %shift_right_arithmetic3A_2 : vector<16xi32>
      %gather3A_1015 = tpu.vector_load_idx %arg8[%add3A_1014] : memref<1024xf32, #tpu.memory_space<vmem>>[vector<16xi32>], vector<16xf32>,
      %swap3A_1016 = arith.constant 8 : i32
      %swap3A_1017 = arith.index_cast %swap3A_1016 : i32 to index
      %swap3A_1018 = arith.constant 112 : index
      %swap3A_1019 = tpu.vector_load %arg10[%swap3A_1017, %swap3A_1018] {strides = array<i32>} : memref<16x128xf32, #tpu.memory_space<vmem>>, vector<16xf32>,
      tpu.vector_store %arg10[%swap3A_1017, %swap3A_1018], %gather3A_1015 {strides = array<i32>} : memref<16x128xf32, #tpu.memory_space<vmem>>, vector<16xf32>,
      %add3A_1020 = arith.constant 576 : i32
      %add3A_1021 = vector.broadcast %add3A_1020 : i32 to vector<16xi32>
      %add3A_1022 = arith.addi %add3A_1021, %shift_right_arithmetic3A_2 : vector<16xi32>
      %gather3A_1023 = tpu.vector_load_idx %arg8[%add3A_1022] : memref<1024xf32, #tpu.memory_space<vmem>>[vector<16xi32>], vector<16xf32>,
      %swap3A_1024 = arith.constant 9 : i32
      %swap3A_1025 = arith.index_cast %swap3A_1024 : i32 to index
      %swap3A_1026 = arith.constant 0 : index
      %swap3A_1027 = tpu.vector_load %arg10[%swap3A_1025, %swap3A_1026] {strides = array<i32>} : memref<16x128xf32, #tpu.memory_space<vmem>>, vector<16xf32>,
      tpu.vector_store %arg10[%swap3A_1025, %swap3A_1026], %gather3A_1023 {strides = array<i32>} : memref<16x128xf32, #tpu.memory_space<vmem>>, vector<16xf32>,
      %add3A_1028 = arith.constant 584 : i32
      %add3A_1029 = vector.broadcast %add3A_1028 : i32 to vector<16xi32>
      %add3A_1030 = arith.addi %add3A_1029, %shift_right_arithmetic3A_2 : vector<16xi32>
      %gather3A_1031 = tpu.vector_load_idx %arg8[%add3A_1030] : memref<1024xf32, #tpu.memory_space<vmem>>[vector<16xi32>], vector<16xf32>,
      %swap3A_1032 = arith.constant 9 : i32
      %swap3A_1033 = arith.index_cast %swap3A_1032 : i32 to index
      %swap3A_1034 = arith.constant 16 : index
      %swap3A_1035 = tpu.vector_load %arg10[%swap3A_1033, %swap3A_1034] {strides = array<i32>} : memref<16x128xf32, #tpu.memory_space<vmem>>, vector<16xf32>,
      tpu.vector_store %arg10[%swap3A_1033, %swap3A_1034], %gather3A_1031 {strides = array<i32>} : memref<16x128xf32, #tpu.memory_space<vmem>>, vector<16xf32>,
      %add3A_1036 = arith.constant 592 : i32
      %add3A_1037 = vector.broadcast %add3A_1036 : i32 to vector<16xi32>
      %add3A_1038 = arith.addi %add3A_1037, %shift_right_arithmetic3A_2 : vector<16xi32>
      %gather3A_1039 = tpu.vector_load_idx %arg8[%add3A_1038] : memref<1024xf32, #tpu.memory_space<vmem>>[vector<16xi32>], vector<16xf32>,
      %swap3A_1040 = arith.constant 9 : i32
      %swap3A_1041 = arith.index_cast %swap3A_1040 : i32 to index
      %swap3A_1042 = arith.constant 32 : index
      %swap3A_1043 = tpu.vector_load %arg10[%swap3A_1041, %swap3A_1042] {strides = array<i32>} : memref<16x128xf32, #tpu.memory_space<vmem>>, vector<16xf32>,
      tpu.vector_store %arg10[%swap3A_1041, %swap3A_1042], %gather3A_1039 {strides = array<i32>} : memref<16x128xf32, #tpu.memory_space<vmem>>, vector<16xf32>,
      %add3A_1044 = arith.constant 600 : i32
      %add3A_1045 = vector.broadcast %add3A_1044 : i32 to vector<16xi32>
      %add3A_1046 = arith.addi %add3A_1045, %shift_right_arithmetic3A_2 : vector<16xi32>
      %gather3A_1047 = tpu.vector_load_idx %arg8[%add3A_1046] : memref<1024xf32, #tpu.memory_space<vmem>>[vector<16xi32>], vector<16xf32>,
      %swap3A_1048 = arith.constant 9 : i32
      %swap3A_1049 = arith.index_cast %swap3A_1048 : i32 to index
      %swap3A_1050 = arith.constant 48 : index
      %swap3A_1051 = tpu.vector_load %arg10[%swap3A_1049, %swap3A_1050] {strides = array<i32>} : memref<16x128xf32, #tpu.memory_space<vmem>>, vector<16xf32>,
      tpu.vector_store %arg10[%swap3A_1049, %swap3A_1050], %gather3A_1047 {strides = array<i32>} : memref<16x128xf32, #tpu.memory_space<vmem>>, vector<16xf32>,
      %add3A_1052 = arith.constant 608 : i32
      %add3A_1053 = vector.broadcast %add3A_1052 : i32 to vector<16xi32>
      %add3A_1054 = arith.addi %add3A_1053, %shift_right_arithmetic3A_2 : vector<16xi32>
      %gather3A_1055 = tpu.vector_load_idx %arg8[%add3A_1054] : memref<1024xf32, #tpu.memory_space<vmem>>[vector<16xi32>], vector<16xf32>,
      %swap3A_1056 = arith.constant 9 : i32
      %swap3A_1057 = arith.index_cast %swap3A_1056 : i32 to index
      %swap3A_1058 = arith.constant 64 : index
      %swap3A_1059 = tpu.vector_load %arg10[%swap3A_1057, %swap3A_1058] {strides = array<i32>} : memref<16x128xf32, #tpu.memory_space<vmem>>, vector<16xf32>,
      tpu.vector_store %arg10[%swap3A_1057, %swap3A_1058], %gather3A_1055 {strides = array<i32>} : memref<16x128xf32, #tpu.memory_space<vmem>>, vector<16xf32>,
      %add3A_1060 = arith.constant 616 : i32
      %add3A_1061 = vector.broadcast %add3A_1060 : i32 to vector<16xi32>
      %add3A_1062 = arith.addi %add3A_1061, %shift_right_arithmetic3A_2 : vector<16xi32>
      %gather3A_1063 = tpu.vector_load_idx %arg8[%add3A_1062] : memref<1024xf32, #tpu.memory_space<vmem>>[vector<16xi32>], vector<16xf32>,
      %swap3A_1064 = arith.constant 9 : i32
      %swap3A_1065 = arith.index_cast %swap3A_1064 : i32 to index
      %swap3A_1066 = arith.constant 80 : index
      %swap3A_1067 = tpu.vector_load %arg10[%swap3A_1065, %swap3A_1066] {strides = array<i32>} : memref<16x128xf32, #tpu.memory_space<vmem>>, vector<16xf32>,
      tpu.vector_store %arg10[%swap3A_1065, %swap3A_1066], %gather3A_1063 {strides = array<i32>} : memref<16x128xf32, #tpu.memory_space<vmem>>, vector<16xf32>,
      %add3A_1068 = arith.constant 624 : i32
      %add3A_1069 = vector.broadcast %add3A_1068 : i32 to vector<16xi32>
      %add3A_1070 = arith.addi %add3A_1069, %shift_right_arithmetic3A_2 : vector<16xi32>
      %gather3A_1071 = tpu.vector_load_idx %arg8[%add3A_1070] : memref<1024xf32, #tpu.memory_space<vmem>>[vector<16xi32>], vector<16xf32>,
      %swap3A_1072 = arith.constant 9 : i32
      %swap3A_1073 = arith.index_cast %swap3A_1072 : i32 to index
      %swap3A_1074 = arith.constant 96 : index
      %swap3A_1075 = tpu.vector_load %arg10[%swap3A_1073, %swap3A_1074] {strides = array<i32>} : memref<16x128xf32, #tpu.memory_space<vmem>>, vector<16xf32>,
      tpu.vector_store %arg10[%swap3A_1073, %swap3A_1074], %gather3A_1071 {strides = array<i32>} : memref<16x128xf32, #tpu.memory_space<vmem>>, vector<16xf32>,
      %add3A_1076 = arith.constant 632 : i32
      %add3A_1077 = vector.broadcast %add3A_1076 : i32 to vector<16xi32>
      %add3A_1078 = arith.addi %add3A_1077, %shift_right_arithmetic3A_2 : vector<16xi32>
      %gather3A_1079 = tpu.vector_load_idx %arg8[%add3A_1078] : memref<1024xf32, #tpu.memory_space<vmem>>[vector<16xi32>], vector<16xf32>,
      %swap3A_1080 = arith.constant 9 : i32
      %swap3A_1081 = arith.index_cast %swap3A_1080 : i32 to index
      %swap3A_1082 = arith.constant 112 : index
      %swap3A_1083 = tpu.vector_load %arg10[%swap3A_1081, %swap3A_1082] {strides = array<i32>} : memref<16x128xf32, #tpu.memory_space<vmem>>, vector<16xf32>,
      tpu.vector_store %arg10[%swap3A_1081, %swap3A_1082], %gather3A_1079 {strides = array<i32>} : memref<16x128xf32, #tpu.memory_space<vmem>>, vector<16xf32>,
      %add3A_1084 = arith.constant 640 : i32
      %add3A_1085 = vector.broadcast %add3A_1084 : i32 to vector<16xi32>
      %add3A_1086 = arith.addi %add3A_1085, %shift_right_arithmetic3A_2 : vector<16xi32>
      %gather3A_1087 = tpu.vector_load_idx %arg8[%add3A_1086] : memref<1024xf32, #tpu.memory_space<vmem>>[vector<16xi32>], vector<16xf32>,
      %swap3A_1088 = arith.constant 10 : i32
      %swap3A_1089 = arith.index_cast %swap3A_1088 : i32 to index
      %swap3A_1090 = arith.constant 0 : index
      %swap3A_1091 = tpu.vector_load %arg10[%swap3A_1089, %swap3A_1090] {strides = array<i32>} : memref<16x128xf32, #tpu.memory_space<vmem>>, vector<16xf32>,
      tpu.vector_store %arg10[%swap3A_1089, %swap3A_1090], %gather3A_1087 {strides = array<i32>} : memref<16x128xf32, #tpu.memory_space<vmem>>, vector<16xf32>,
      %add3A_1092 = arith.constant 648 : i32
      %add3A_1093 = vector.broadcast %add3A_1092 : i32 to vector<16xi32>
      %add3A_1094 = arith.addi %add3A_1093, %shift_right_arithmetic3A_2 : vector<16xi32>
      %gather3A_1095 = tpu.vector_load_idx %arg8[%add3A_1094] : memref<1024xf32, #tpu.memory_space<vmem>>[vector<16xi32>], vector<16xf32>,
      %swap3A_1096 = arith.constant 10 : i32
      %swap3A_1097 = arith.index_cast %swap3A_1096 : i32 to index
      %swap3A_1098 = arith.constant 16 : index
      %swap3A_1099 = tpu.vector_load %arg10[%swap3A_1097, %swap3A_1098] {strides = array<i32>} : memref<16x128xf32, #tpu.memory_space<vmem>>, vector<16xf32>,
      tpu.vector_store %arg10[%swap3A_1097, %swap3A_1098], %gather3A_1095 {strides = array<i32>} : memref<16x128xf32, #tpu.memory_space<vmem>>, vector<16xf32>,
      %add3A_1100 = arith.constant 656 : i32
      %add3A_1101 = vector.broadcast %add3A_1100 : i32 to vector<16xi32>
      %add3A_1102 = arith.addi %add3A_1101, %shift_right_arithmetic3A_2 : vector<16xi32>
      %gather3A_1103 = tpu.vector_load_idx %arg8[%add3A_1102] : memref<1024xf32, #tpu.memory_space<vmem>>[vector<16xi32>], vector<16xf32>,
      %swap3A_1104 = arith.constant 10 : i32
      %swap3A_1105 = arith.index_cast %swap3A_1104 : i32 to index
      %swap3A_1106 = arith.constant 32 : index
      %swap3A_1107 = tpu.vector_load %arg10[%swap3A_1105, %swap3A_1106] {strides = array<i32>} : memref<16x128xf32, #tpu.memory_space<vmem>>, vector<16xf32>,
      tpu.vector_store %arg10[%swap3A_1105, %swap3A_1106], %gather3A_1103 {strides = array<i32>} : memref<16x128xf32, #tpu.memory_space<vmem>>, vector<16xf32>,
      %add3A_1108 = arith.constant 664 : i32
      %add3A_1109 = vector.broadcast %add3A_1108 : i32 to vector<16xi32>
      %add3A_1110 = arith.addi %add3A_1109, %shift_right_arithmetic3A_2 : vector<16xi32>
      %gather3A_1111 = tpu.vector_load_idx %arg8[%add3A_1110] : memref<1024xf32, #tpu.memory_space<vmem>>[vector<16xi32>], vector<16xf32>,
      %swap3A_1112 = arith.constant 10 : i32
      %swap3A_1113 = arith.index_cast %swap3A_1112 : i32 to index
      %swap3A_1114 = arith.constant 48 : index
      %swap3A_1115 = tpu.vector_load %arg10[%swap3A_1113, %swap3A_1114] {strides = array<i32>} : memref<16x128xf32, #tpu.memory_space<vmem>>, vector<16xf32>,
      tpu.vector_store %arg10[%swap3A_1113, %swap3A_1114], %gather3A_1111 {strides = array<i32>} : memref<16x128xf32, #tpu.memory_space<vmem>>, vector<16xf32>,
      %add3A_1116 = arith.constant 672 : i32
      %add3A_1117 = vector.broadcast %add3A_1116 : i32 to vector<16xi32>
      %add3A_1118 = arith.addi %add3A_1117, %shift_right_arithmetic3A_2 : vector<16xi32>
      %gather3A_1119 = tpu.vector_load_idx %arg8[%add3A_1118] : memref<1024xf32, #tpu.memory_space<vmem>>[vector<16xi32>], vector<16xf32>,
      %swap3A_1120 = arith.constant 10 : i32
      %swap3A_1121 = arith.index_cast %swap3A_1120 : i32 to index
      %swap3A_1122 = arith.constant 64 : index
      %swap3A_1123 = tpu.vector_load %arg10[%swap3A_1121, %swap3A_1122] {strides = array<i32>} : memref<16x128xf32, #tpu.memory_space<vmem>>, vector<16xf32>,
      tpu.vector_store %arg10[%swap3A_1121, %swap3A_1122], %gather3A_1119 {strides = array<i32>} : memref<16x128xf32, #tpu.memory_space<vmem>>, vector<16xf32>,
      %add3A_1124 = arith.constant 680 : i32
      %add3A_1125 = vector.broadcast %add3A_1124 : i32 to vector<16xi32>
      %add3A_1126 = arith.addi %add3A_1125, %shift_right_arithmetic3A_2 : vector<16xi32>
      %gather3A_1127 = tpu.vector_load_idx %arg8[%add3A_1126] : memref<1024xf32, #tpu.memory_space<vmem>>[vector<16xi32>], vector<16xf32>,
      %swap3A_1128 = arith.constant 10 : i32
      %swap3A_1129 = arith.index_cast %swap3A_1128 : i32 to index
      %swap3A_1130 = arith.constant 80 : index
      %swap3A_1131 = tpu.vector_load %arg10[%swap3A_1129, %swap3A_1130] {strides = array<i32>} : memref<16x128xf32, #tpu.memory_space<vmem>>, vector<16xf32>,
      tpu.vector_store %arg10[%swap3A_1129, %swap3A_1130], %gather3A_1127 {strides = array<i32>} : memref<16x128xf32, #tpu.memory_space<vmem>>, vector<16xf32>,
      %add3A_1132 = arith.constant 688 : i32
      %add3A_1133 = vector.broadcast %add3A_1132 : i32 to vector<16xi32>
      %add3A_1134 = arith.addi %add3A_1133, %shift_right_arithmetic3A_2 : vector<16xi32>
      %gather3A_1135 = tpu.vector_load_idx %arg8[%add3A_1134] : memref<1024xf32, #tpu.memory_space<vmem>>[vector<16xi32>], vector<16xf32>,
      %swap3A_1136 = arith.constant 10 : i32
      %swap3A_1137 = arith.index_cast %swap3A_1136 : i32 to index
      %swap3A_1138 = arith.constant 96 : index
      %swap3A_1139 = tpu.vector_load %arg10[%swap3A_1137, %swap3A_1138] {strides = array<i32>} : memref<16x128xf32, #tpu.memory_space<vmem>>, vector<16xf32>,
      tpu.vector_store %arg10[%swap3A_1137, %swap3A_1138], %gather3A_1135 {strides = array<i32>} : memref<16x128xf32, #tpu.memory_space<vmem>>, vector<16xf32>,
      %add3A_1140 = arith.constant 696 : i32
      %add3A_1141 = vector.broadcast %add3A_1140 : i32 to vector<16xi32>
      %add3A_1142 = arith.addi %add3A_1141, %shift_right_arithmetic3A_2 : vector<16xi32>
      %gather3A_1143 = tpu.vector_load_idx %arg8[%add3A_1142] : memref<1024xf32, #tpu.memory_space<vmem>>[vector<16xi32>], vector<16xf32>,
      %swap3A_1144 = arith.constant 10 : i32
      %swap3A_1145 = arith.index_cast %swap3A_1144 : i32 to index
      %swap3A_1146 = arith.constant 112 : index
      %swap3A_1147 = tpu.vector_load %arg10[%swap3A_1145, %swap3A_1146] {strides = array<i32>} : memref<16x128xf32, #tpu.memory_space<vmem>>, vector<16xf32>,
      tpu.vector_store %arg10[%swap3A_1145, %swap3A_1146], %gather3A_1143 {strides = array<i32>} : memref<16x128xf32, #tpu.memory_space<vmem>>, vector<16xf32>,
      %add3A_1148 = arith.constant 704 : i32
      %add3A_1149 = vector.broadcast %add3A_1148 : i32 to vector<16xi32>
      %add3A_1150 = arith.addi %add3A_1149, %shift_right_arithmetic3A_2 : vector<16xi32>
      %gather3A_1151 = tpu.vector_load_idx %arg8[%add3A_1150] : memref<1024xf32, #tpu.memory_space<vmem>>[vector<16xi32>], vector<16xf32>,
      %swap3A_1152 = arith.constant 11 : i32
      %swap3A_1153 = arith.index_cast %swap3A_1152 : i32 to index
      %swap3A_1154 = arith.constant 0 : index
      %swap3A_1155 = tpu.vector_load %arg10[%swap3A_1153, %swap3A_1154] {strides = array<i32>} : memref<16x128xf32, #tpu.memory_space<vmem>>, vector<16xf32>,
      tpu.vector_store %arg10[%swap3A_1153, %swap3A_1154], %gather3A_1151 {strides = array<i32>} : memref<16x128xf32, #tpu.memory_space<vmem>>, vector<16xf32>,
      %add3A_1156 = arith.constant 712 : i32
      %add3A_1157 = vector.broadcast %add3A_1156 : i32 to vector<16xi32>
      %add3A_1158 = arith.addi %add3A_1157, %shift_right_arithmetic3A_2 : vector<16xi32>
      %gather3A_1159 = tpu.vector_load_idx %arg8[%add3A_1158] : memref<1024xf32, #tpu.memory_space<vmem>>[vector<16xi32>], vector<16xf32>,
      %swap3A_1160 = arith.constant 11 : i32
      %swap3A_1161 = arith.index_cast %swap3A_1160 : i32 to index
      %swap3A_1162 = arith.constant 16 : index
      %swap3A_1163 = tpu.vector_load %arg10[%swap3A_1161, %swap3A_1162] {strides = array<i32>} : memref<16x128xf32, #tpu.memory_space<vmem>>, vector<16xf32>,
      tpu.vector_store %arg10[%swap3A_1161, %swap3A_1162], %gather3A_1159 {strides = array<i32>} : memref<16x128xf32, #tpu.memory_space<vmem>>, vector<16xf32>,
      %add3A_1164 = arith.constant 720 : i32
      %add3A_1165 = vector.broadcast %add3A_1164 : i32 to vector<16xi32>
      %add3A_1166 = arith.addi %add3A_1165, %shift_right_arithmetic3A_2 : vector<16xi32>
      %gather3A_1167 = tpu.vector_load_idx %arg8[%add3A_1166] : memref<1024xf32, #tpu.memory_space<vmem>>[vector<16xi32>], vector<16xf32>,
      %swap3A_1168 = arith.constant 11 : i32
      %swap3A_1169 = arith.index_cast %swap3A_1168 : i32 to index
      %swap3A_1170 = arith.constant 32 : index
      %swap3A_1171 = tpu.vector_load %arg10[%swap3A_1169, %swap3A_1170] {strides = array<i32>} : memref<16x128xf32, #tpu.memory_space<vmem>>, vector<16xf32>,
      tpu.vector_store %arg10[%swap3A_1169, %swap3A_1170], %gather3A_1167 {strides = array<i32>} : memref<16x128xf32, #tpu.memory_space<vmem>>, vector<16xf32>,
      %add3A_1172 = arith.constant 728 : i32
      %add3A_1173 = vector.broadcast %add3A_1172 : i32 to vector<16xi32>
      %add3A_1174 = arith.addi %add3A_1173, %shift_right_arithmetic3A_2 : vector<16xi32>
      %gather3A_1175 = tpu.vector_load_idx %arg8[%add3A_1174] : memref<1024xf32, #tpu.memory_space<vmem>>[vector<16xi32>], vector<16xf32>,
      %swap3A_1176 = arith.constant 11 : i32
      %swap3A_1177 = arith.index_cast %swap3A_1176 : i32 to index
      %swap3A_1178 = arith.constant 48 : index
      %swap3A_1179 = tpu.vector_load %arg10[%swap3A_1177, %swap3A_1178] {strides = array<i32>} : memref<16x128xf32, #tpu.memory_space<vmem>>, vector<16xf32>,
      tpu.vector_store %arg10[%swap3A_1177, %swap3A_1178], %gather3A_1175 {strides = array<i32>} : memref<16x128xf32, #tpu.memory_space<vmem>>, vector<16xf32>,
      %add3A_1180 = arith.constant 736 : i32
      %add3A_1181 = vector.broadcast %add3A_1180 : i32 to vector<16xi32>
      %add3A_1182 = arith.addi %add3A_1181, %shift_right_arithmetic3A_2 : vector<16xi32>
      %gather3A_1183 = tpu.vector_load_idx %arg8[%add3A_1182] : memref<1024xf32, #tpu.memory_space<vmem>>[vector<16xi32>], vector<16xf32>,
      %swap3A_1184 = arith.constant 11 : i32
      %swap3A_1185 = arith.index_cast %swap3A_1184 : i32 to index
      %swap3A_1186 = arith.constant 64 : index
      %swap3A_1187 = tpu.vector_load %arg10[%swap3A_1185, %swap3A_1186] {strides = array<i32>} : memref<16x128xf32, #tpu.memory_space<vmem>>, vector<16xf32>,
      tpu.vector_store %arg10[%swap3A_1185, %swap3A_1186], %gather3A_1183 {strides = array<i32>} : memref<16x128xf32, #tpu.memory_space<vmem>>, vector<16xf32>,
      %add3A_1188 = arith.constant 744 : i32
      %add3A_1189 = vector.broadcast %add3A_1188 : i32 to vector<16xi32>
      %add3A_1190 = arith.addi %add3A_1189, %shift_right_arithmetic3A_2 : vector<16xi32>
      %gather3A_1191 = tpu.vector_load_idx %arg8[%add3A_1190] : memref<1024xf32, #tpu.memory_space<vmem>>[vector<16xi32>], vector<16xf32>,
      %swap3A_1192 = arith.constant 11 : i32
      %swap3A_1193 = arith.index_cast %swap3A_1192 : i32 to index
      %swap3A_1194 = arith.constant 80 : index
      %swap3A_1195 = tpu.vector_load %arg10[%swap3A_1193, %swap3A_1194] {strides = array<i32>} : memref<16x128xf32, #tpu.memory_space<vmem>>, vector<16xf32>,
      tpu.vector_store %arg10[%swap3A_1193, %swap3A_1194], %gather3A_1191 {strides = array<i32>} : memref<16x128xf32, #tpu.memory_space<vmem>>, vector<16xf32>,
      %add3A_1196 = arith.constant 752 : i32
      %add3A_1197 = vector.broadcast %add3A_1196 : i32 to vector<16xi32>
      %add3A_1198 = arith.addi %add3A_1197, %shift_right_arithmetic3A_2 : vector<16xi32>
      %gather3A_1199 = tpu.vector_load_idx %arg8[%add3A_1198] : memref<1024xf32, #tpu.memory_space<vmem>>[vector<16xi32>], vector<16xf32>,
      %swap3A_1200 = arith.constant 11 : i32
      %swap3A_1201 = arith.index_cast %swap3A_1200 : i32 to index
      %swap3A_1202 = arith.constant 96 : index
      %swap3A_1203 = tpu.vector_load %arg10[%swap3A_1201, %swap3A_1202] {strides = array<i32>} : memref<16x128xf32, #tpu.memory_space<vmem>>, vector<16xf32>,
      tpu.vector_store %arg10[%swap3A_1201, %swap3A_1202], %gather3A_1199 {strides = array<i32>} : memref<16x128xf32, #tpu.memory_space<vmem>>, vector<16xf32>,
      %add3A_1204 = arith.constant 760 : i32
      %add3A_1205 = vector.broadcast %add3A_1204 : i32 to vector<16xi32>
      %add3A_1206 = arith.addi %add3A_1205, %shift_right_arithmetic3A_2 : vector<16xi32>
      %gather3A_1207 = tpu.vector_load_idx %arg8[%add3A_1206] : memref<1024xf32, #tpu.memory_space<vmem>>[vector<16xi32>], vector<16xf32>,
      %swap3A_1208 = arith.constant 11 : i32
      %swap3A_1209 = arith.index_cast %swap3A_1208 : i32 to index
      %swap3A_1210 = arith.constant 112 : index
      %swap3A_1211 = tpu.vector_load %arg10[%swap3A_1209, %swap3A_1210] {strides = array<i32>} : memref<16x128xf32, #tpu.memory_space<vmem>>, vector<16xf32>,
      tpu.vector_store %arg10[%swap3A_1209, %swap3A_1210], %gather3A_1207 {strides = array<i32>} : memref<16x128xf32, #tpu.memory_space<vmem>>, vector<16xf32>,
      %add3A_1212 = arith.constant 768 : i32
      %add3A_1213 = vector.broadcast %add3A_1212 : i32 to vector<16xi32>
      %add3A_1214 = arith.addi %add3A_1213, %shift_right_arithmetic3A_2 : vector<16xi32>
      %gather3A_1215 = tpu.vector_load_idx %arg8[%add3A_1214] : memref<1024xf32, #tpu.memory_space<vmem>>[vector<16xi32>], vector<16xf32>,
      %swap3A_1216 = arith.constant 12 : i32
      %swap3A_1217 = arith.index_cast %swap3A_1216 : i32 to index
      %swap3A_1218 = arith.constant 0 : index
      %swap3A_1219 = tpu.vector_load %arg10[%swap3A_1217, %swap3A_1218] {strides = array<i32>} : memref<16x128xf32, #tpu.memory_space<vmem>>, vector<16xf32>,
      tpu.vector_store %arg10[%swap3A_1217, %swap3A_1218], %gather3A_1215 {strides = array<i32>} : memref<16x128xf32, #tpu.memory_space<vmem>>, vector<16xf32>,
      %add3A_1220 = arith.constant 776 : i32
      %add3A_1221 = vector.broadcast %add3A_1220 : i32 to vector<16xi32>
      %add3A_1222 = arith.addi %add3A_1221, %shift_right_arithmetic3A_2 : vector<16xi32>
      %gather3A_1223 = tpu.vector_load_idx %arg8[%add3A_1222] : memref<1024xf32, #tpu.memory_space<vmem>>[vector<16xi32>], vector<16xf32>,
      %swap3A_1224 = arith.constant 12 : i32
      %swap3A_1225 = arith.index_cast %swap3A_1224 : i32 to index
      %swap3A_1226 = arith.constant 16 : index
      %swap3A_1227 = tpu.vector_load %arg10[%swap3A_1225, %swap3A_1226] {strides = array<i32>} : memref<16x128xf32, #tpu.memory_space<vmem>>, vector<16xf32>,
      tpu.vector_store %arg10[%swap3A_1225, %swap3A_1226], %gather3A_1223 {strides = array<i32>} : memref<16x128xf32, #tpu.memory_space<vmem>>, vector<16xf32>,
      %add3A_1228 = arith.constant 784 : i32
      %add3A_1229 = vector.broadcast %add3A_1228 : i32 to vector<16xi32>
      %add3A_1230 = arith.addi %add3A_1229, %shift_right_arithmetic3A_2 : vector<16xi32>
      %gather3A_1231 = tpu.vector_load_idx %arg8[%add3A_1230] : memref<1024xf32, #tpu.memory_space<vmem>>[vector<16xi32>], vector<16xf32>,
      %swap3A_1232 = arith.constant 12 : i32
      %swap3A_1233 = arith.index_cast %swap3A_1232 : i32 to index
      %swap3A_1234 = arith.constant 32 : index
      %swap3A_1235 = tpu.vector_load %arg10[%swap3A_1233, %swap3A_1234] {strides = array<i32>} : memref<16x128xf32, #tpu.memory_space<vmem>>, vector<16xf32>,
      tpu.vector_store %arg10[%swap3A_1233, %swap3A_1234], %gather3A_1231 {strides = array<i32>} : memref<16x128xf32, #tpu.memory_space<vmem>>, vector<16xf32>,
      %add3A_1236 = arith.constant 792 : i32
      %add3A_1237 = vector.broadcast %add3A_1236 : i32 to vector<16xi32>
      %add3A_1238 = arith.addi %add3A_1237, %shift_right_arithmetic3A_2 : vector<16xi32>
      %gather3A_1239 = tpu.vector_load_idx %arg8[%add3A_1238] : memref<1024xf32, #tpu.memory_space<vmem>>[vector<16xi32>], vector<16xf32>,
      %swap3A_1240 = arith.constant 12 : i32
      %swap3A_1241 = arith.index_cast %swap3A_1240 : i32 to index
      %swap3A_1242 = arith.constant 48 : index
      %swap3A_1243 = tpu.vector_load %arg10[%swap3A_1241, %swap3A_1242] {strides = array<i32>} : memref<16x128xf32, #tpu.memory_space<vmem>>, vector<16xf32>,
      tpu.vector_store %arg10[%swap3A_1241, %swap3A_1242], %gather3A_1239 {strides = array<i32>} : memref<16x128xf32, #tpu.memory_space<vmem>>, vector<16xf32>,
      %add3A_1244 = arith.constant 800 : i32
      %add3A_1245 = vector.broadcast %add3A_1244 : i32 to vector<16xi32>
      %add3A_1246 = arith.addi %add3A_1245, %shift_right_arithmetic3A_2 : vector<16xi32>
      %gather3A_1247 = tpu.vector_load_idx %arg8[%add3A_1246] : memref<1024xf32, #tpu.memory_space<vmem>>[vector<16xi32>], vector<16xf32>,
      %swap3A_1248 = arith.constant 12 : i32
      %swap3A_1249 = arith.index_cast %swap3A_1248 : i32 to index
      %swap3A_1250 = arith.constant 64 : index
      %swap3A_1251 = tpu.vector_load %arg10[%swap3A_1249, %swap3A_1250] {strides = array<i32>} : memref<16x128xf32, #tpu.memory_space<vmem>>, vector<16xf32>,
      tpu.vector_store %arg10[%swap3A_1249, %swap3A_1250], %gather3A_1247 {strides = array<i32>} : memref<16x128xf32, #tpu.memory_space<vmem>>, vector<16xf32>,
      %add3A_1252 = arith.constant 808 : i32
      %add3A_1253 = vector.broadcast %add3A_1252 : i32 to vector<16xi32>
      %add3A_1254 = arith.addi %add3A_1253, %shift_right_arithmetic3A_2 : vector<16xi32>
      %gather3A_1255 = tpu.vector_load_idx %arg8[%add3A_1254] : memref<1024xf32, #tpu.memory_space<vmem>>[vector<16xi32>], vector<16xf32>,
      %swap3A_1256 = arith.constant 12 : i32
      %swap3A_1257 = arith.index_cast %swap3A_1256 : i32 to index
      %swap3A_1258 = arith.constant 80 : index
      %swap3A_1259 = tpu.vector_load %arg10[%swap3A_1257, %swap3A_1258] {strides = array<i32>} : memref<16x128xf32, #tpu.memory_space<vmem>>, vector<16xf32>,
      tpu.vector_store %arg10[%swap3A_1257, %swap3A_1258], %gather3A_1255 {strides = array<i32>} : memref<16x128xf32, #tpu.memory_space<vmem>>, vector<16xf32>,
      %add3A_1260 = arith.constant 816 : i32
      %add3A_1261 = vector.broadcast %add3A_1260 : i32 to vector<16xi32>
      %add3A_1262 = arith.addi %add3A_1261, %shift_right_arithmetic3A_2 : vector<16xi32>
      %gather3A_1263 = tpu.vector_load_idx %arg8[%add3A_1262] : memref<1024xf32, #tpu.memory_space<vmem>>[vector<16xi32>], vector<16xf32>,
      %swap3A_1264 = arith.constant 12 : i32
      %swap3A_1265 = arith.index_cast %swap3A_1264 : i32 to index
      %swap3A_1266 = arith.constant 96 : index
      %swap3A_1267 = tpu.vector_load %arg10[%swap3A_1265, %swap3A_1266] {strides = array<i32>} : memref<16x128xf32, #tpu.memory_space<vmem>>, vector<16xf32>,
      tpu.vector_store %arg10[%swap3A_1265, %swap3A_1266], %gather3A_1263 {strides = array<i32>} : memref<16x128xf32, #tpu.memory_space<vmem>>, vector<16xf32>,
      %add3A_1268 = arith.constant 824 : i32
      %add3A_1269 = vector.broadcast %add3A_1268 : i32 to vector<16xi32>
      %add3A_1270 = arith.addi %add3A_1269, %shift_right_arithmetic3A_2 : vector<16xi32>
      %gather3A_1271 = tpu.vector_load_idx %arg8[%add3A_1270] : memref<1024xf32, #tpu.memory_space<vmem>>[vector<16xi32>], vector<16xf32>,
      %swap3A_1272 = arith.constant 12 : i32
      %swap3A_1273 = arith.index_cast %swap3A_1272 : i32 to index
      %swap3A_1274 = arith.constant 112 : index
      %swap3A_1275 = tpu.vector_load %arg10[%swap3A_1273, %swap3A_1274] {strides = array<i32>} : memref<16x128xf32, #tpu.memory_space<vmem>>, vector<16xf32>,
      tpu.vector_store %arg10[%swap3A_1273, %swap3A_1274], %gather3A_1271 {strides = array<i32>} : memref<16x128xf32, #tpu.memory_space<vmem>>, vector<16xf32>,
      %add3A_1276 = arith.constant 832 : i32
      %add3A_1277 = vector.broadcast %add3A_1276 : i32 to vector<16xi32>
      %add3A_1278 = arith.addi %add3A_1277, %shift_right_arithmetic3A_2 : vector<16xi32>
      %gather3A_1279 = tpu.vector_load_idx %arg8[%add3A_1278] : memref<1024xf32, #tpu.memory_space<vmem>>[vector<16xi32>], vector<16xf32>,
      %swap3A_1280 = arith.constant 13 : i32
      %swap3A_1281 = arith.index_cast %swap3A_1280 : i32 to index
      %swap3A_1282 = arith.constant 0 : index
      %swap3A_1283 = tpu.vector_load %arg10[%swap3A_1281, %swap3A_1282] {strides = array<i32>} : memref<16x128xf32, #tpu.memory_space<vmem>>, vector<16xf32>,
      tpu.vector_store %arg10[%swap3A_1281, %swap3A_1282], %gather3A_1279 {strides = array<i32>} : memref<16x128xf32, #tpu.memory_space<vmem>>, vector<16xf32>,
      %add3A_1284 = arith.constant 840 : i32
      %add3A_1285 = vector.broadcast %add3A_1284 : i32 to vector<16xi32>
      %add3A_1286 = arith.addi %add3A_1285, %shift_right_arithmetic3A_2 : vector<16xi32>
      %gather3A_1287 = tpu.vector_load_idx %arg8[%add3A_1286] : memref<1024xf32, #tpu.memory_space<vmem>>[vector<16xi32>], vector<16xf32>,
      %swap3A_1288 = arith.constant 13 : i32
      %swap3A_1289 = arith.index_cast %swap3A_1288 : i32 to index
      %swap3A_1290 = arith.constant 16 : index
      %swap3A_1291 = tpu.vector_load %arg10[%swap3A_1289, %swap3A_1290] {strides = array<i32>} : memref<16x128xf32, #tpu.memory_space<vmem>>, vector<16xf32>,
      tpu.vector_store %arg10[%swap3A_1289, %swap3A_1290], %gather3A_1287 {strides = array<i32>} : memref<16x128xf32, #tpu.memory_space<vmem>>, vector<16xf32>,
      %add3A_1292 = arith.constant 848 : i32
      %add3A_1293 = vector.broadcast %add3A_1292 : i32 to vector<16xi32>
      %add3A_1294 = arith.addi %add3A_1293, %shift_right_arithmetic3A_2 : vector<16xi32>
      %gather3A_1295 = tpu.vector_load_idx %arg8[%add3A_1294] : memref<1024xf32, #tpu.memory_space<vmem>>[vector<16xi32>], vector<16xf32>,
      %swap3A_1296 = arith.constant 13 : i32
      %swap3A_1297 = arith.index_cast %swap3A_1296 : i32 to index
      %swap3A_1298 = arith.constant 32 : index
      %swap3A_1299 = tpu.vector_load %arg10[%swap3A_1297, %swap3A_1298] {strides = array<i32>} : memref<16x128xf32, #tpu.memory_space<vmem>>, vector<16xf32>,
      tpu.vector_store %arg10[%swap3A_1297, %swap3A_1298], %gather3A_1295 {strides = array<i32>} : memref<16x128xf32, #tpu.memory_space<vmem>>, vector<16xf32>,
      %add3A_1300 = arith.constant 856 : i32
      %add3A_1301 = vector.broadcast %add3A_1300 : i32 to vector<16xi32>
      %add3A_1302 = arith.addi %add3A_1301, %shift_right_arithmetic3A_2 : vector<16xi32>
      %gather3A_1303 = tpu.vector_load_idx %arg8[%add3A_1302] : memref<1024xf32, #tpu.memory_space<vmem>>[vector<16xi32>], vector<16xf32>,
      %swap3A_1304 = arith.constant 13 : i32
      %swap3A_1305 = arith.index_cast %swap3A_1304 : i32 to index
      %swap3A_1306 = arith.constant 48 : index
      %swap3A_1307 = tpu.vector_load %arg10[%swap3A_1305, %swap3A_1306] {strides = array<i32>} : memref<16x128xf32, #tpu.memory_space<vmem>>, vector<16xf32>,
      tpu.vector_store %arg10[%swap3A_1305, %swap3A_1306], %gather3A_1303 {strides = array<i32>} : memref<16x128xf32, #tpu.memory_space<vmem>>, vector<16xf32>,
      %add3A_1308 = arith.constant 864 : i32
      %add3A_1309 = vector.broadcast %add3A_1308 : i32 to vector<16xi32>
      %add3A_1310 = arith.addi %add3A_1309, %shift_right_arithmetic3A_2 : vector<16xi32>
      %gather3A_1311 = tpu.vector_load_idx %arg8[%add3A_1310] : memref<1024xf32, #tpu.memory_space<vmem>>[vector<16xi32>], vector<16xf32>,
      %swap3A_1312 = arith.constant 13 : i32
      %swap3A_1313 = arith.index_cast %swap3A_1312 : i32 to index
      %swap3A_1314 = arith.constant 64 : index
      %swap3A_1315 = tpu.vector_load %arg10[%swap3A_1313, %swap3A_1314] {strides = array<i32>} : memref<16x128xf32, #tpu.memory_space<vmem>>, vector<16xf32>,
      tpu.vector_store %arg10[%swap3A_1313, %swap3A_1314], %gather3A_1311 {strides = array<i32>} : memref<16x128xf32, #tpu.memory_space<vmem>>, vector<16xf32>,
      %add3A_1316 = arith.constant 872 : i32
      %add3A_1317 = vector.broadcast %add3A_1316 : i32 to vector<16xi32>
      %add3A_1318 = arith.addi %add3A_1317, %shift_right_arithmetic3A_2 : vector<16xi32>
      %gather3A_1319 = tpu.vector_load_idx %arg8[%add3A_1318] : memref<1024xf32, #tpu.memory_space<vmem>>[vector<16xi32>], vector<16xf32>,
      %swap3A_1320 = arith.constant 13 : i32
      %swap3A_1321 = arith.index_cast %swap3A_1320 : i32 to index
      %swap3A_1322 = arith.constant 80 : index
      %swap3A_1323 = tpu.vector_load %arg10[%swap3A_1321, %swap3A_1322] {strides = array<i32>} : memref<16x128xf32, #tpu.memory_space<vmem>>, vector<16xf32>,
      tpu.vector_store %arg10[%swap3A_1321, %swap3A_1322], %gather3A_1319 {strides = array<i32>} : memref<16x128xf32, #tpu.memory_space<vmem>>, vector<16xf32>,
      %add3A_1324 = arith.constant 880 : i32
      %add3A_1325 = vector.broadcast %add3A_1324 : i32 to vector<16xi32>
      %add3A_1326 = arith.addi %add3A_1325, %shift_right_arithmetic3A_2 : vector<16xi32>
      %gather3A_1327 = tpu.vector_load_idx %arg8[%add3A_1326] : memref<1024xf32, #tpu.memory_space<vmem>>[vector<16xi32>], vector<16xf32>,
      %swap3A_1328 = arith.constant 13 : i32
      %swap3A_1329 = arith.index_cast %swap3A_1328 : i32 to index
      %swap3A_1330 = arith.constant 96 : index
      %swap3A_1331 = tpu.vector_load %arg10[%swap3A_1329, %swap3A_1330] {strides = array<i32>} : memref<16x128xf32, #tpu.memory_space<vmem>>, vector<16xf32>,
      tpu.vector_store %arg10[%swap3A_1329, %swap3A_1330], %gather3A_1327 {strides = array<i32>} : memref<16x128xf32, #tpu.memory_space<vmem>>, vector<16xf32>,
      %add3A_1332 = arith.constant 888 : i32
      %add3A_1333 = vector.broadcast %add3A_1332 : i32 to vector<16xi32>
      %add3A_1334 = arith.addi %add3A_1333, %shift_right_arithmetic3A_2 : vector<16xi32>
      %gather3A_1335 = tpu.vector_load_idx %arg8[%add3A_1334] : memref<1024xf32, #tpu.memory_space<vmem>>[vector<16xi32>], vector<16xf32>,
      %swap3A_1336 = arith.constant 13 : i32
      %swap3A_1337 = arith.index_cast %swap3A_1336 : i32 to index
      %swap3A_1338 = arith.constant 112 : index
      %swap3A_1339 = tpu.vector_load %arg10[%swap3A_1337, %swap3A_1338] {strides = array<i32>} : memref<16x128xf32, #tpu.memory_space<vmem>>, vector<16xf32>,
      tpu.vector_store %arg10[%swap3A_1337, %swap3A_1338], %gather3A_1335 {strides = array<i32>} : memref<16x128xf32, #tpu.memory_space<vmem>>, vector<16xf32>,
      %add3A_1340 = arith.constant 896 : i32
      %add3A_1341 = vector.broadcast %add3A_1340 : i32 to vector<16xi32>
      %add3A_1342 = arith.addi %add3A_1341, %shift_right_arithmetic3A_2 : vector<16xi32>
      %gather3A_1343 = tpu.vector_load_idx %arg8[%add3A_1342] : memref<1024xf32, #tpu.memory_space<vmem>>[vector<16xi32>], vector<16xf32>,
      %swap3A_1344 = arith.constant 14 : i32
      %swap3A_1345 = arith.index_cast %swap3A_1344 : i32 to index
      %swap3A_1346 = arith.constant 0 : index
      %swap3A_1347 = tpu.vector_load %arg10[%swap3A_1345, %swap3A_1346] {strides = array<i32>} : memref<16x128xf32, #tpu.memory_space<vmem>>, vector<16xf32>,
      tpu.vector_store %arg10[%swap3A_1345, %swap3A_1346], %gather3A_1343 {strides = array<i32>} : memref<16x128xf32, #tpu.memory_space<vmem>>, vector<16xf32>,
      %add3A_1348 = arith.constant 904 : i32
      %add3A_1349 = vector.broadcast %add3A_1348 : i32 to vector<16xi32>
      %add3A_1350 = arith.addi %add3A_1349, %shift_right_arithmetic3A_2 : vector<16xi32>
      %gather3A_1351 = tpu.vector_load_idx %arg8[%add3A_1350] : memref<1024xf32, #tpu.memory_space<vmem>>[vector<16xi32>], vector<16xf32>,
      %swap3A_1352 = arith.constant 14 : i32
      %swap3A_1353 = arith.index_cast %swap3A_1352 : i32 to index
      %swap3A_1354 = arith.constant 16 : index
      %swap3A_1355 = tpu.vector_load %arg10[%swap3A_1353, %swap3A_1354] {strides = array<i32>} : memref<16x128xf32, #tpu.memory_space<vmem>>, vector<16xf32>,
      tpu.vector_store %arg10[%swap3A_1353, %swap3A_1354], %gather3A_1351 {strides = array<i32>} : memref<16x128xf32, #tpu.memory_space<vmem>>, vector<16xf32>,
      %add3A_1356 = arith.constant 912 : i32
      %add3A_1357 = vector.broadcast %add3A_1356 : i32 to vector<16xi32>
      %add3A_1358 = arith.addi %add3A_1357, %shift_right_arithmetic3A_2 : vector<16xi32>
      %gather3A_1359 = tpu.vector_load_idx %arg8[%add3A_1358] : memref<1024xf32, #tpu.memory_space<vmem>>[vector<16xi32>], vector<16xf32>,
      %swap3A_1360 = arith.constant 14 : i32
      %swap3A_1361 = arith.index_cast %swap3A_1360 : i32 to index
      %swap3A_1362 = arith.constant 32 : index
      %swap3A_1363 = tpu.vector_load %arg10[%swap3A_1361, %swap3A_1362] {strides = array<i32>} : memref<16x128xf32, #tpu.memory_space<vmem>>, vector<16xf32>,
      tpu.vector_store %arg10[%swap3A_1361, %swap3A_1362], %gather3A_1359 {strides = array<i32>} : memref<16x128xf32, #tpu.memory_space<vmem>>, vector<16xf32>,
      %add3A_1364 = arith.constant 920 : i32
      %add3A_1365 = vector.broadcast %add3A_1364 : i32 to vector<16xi32>
      %add3A_1366 = arith.addi %add3A_1365, %shift_right_arithmetic3A_2 : vector<16xi32>
      %gather3A_1367 = tpu.vector_load_idx %arg8[%add3A_1366] : memref<1024xf32, #tpu.memory_space<vmem>>[vector<16xi32>], vector<16xf32>,
      %swap3A_1368 = arith.constant 14 : i32
      %swap3A_1369 = arith.index_cast %swap3A_1368 : i32 to index
      %swap3A_1370 = arith.constant 48 : index
      %swap3A_1371 = tpu.vector_load %arg10[%swap3A_1369, %swap3A_1370] {strides = array<i32>} : memref<16x128xf32, #tpu.memory_space<vmem>>, vector<16xf32>,
      tpu.vector_store %arg10[%swap3A_1369, %swap3A_1370], %gather3A_1367 {strides = array<i32>} : memref<16x128xf32, #tpu.memory_space<vmem>>, vector<16xf32>,
      %add3A_1372 = arith.constant 928 : i32
      %add3A_1373 = vector.broadcast %add3A_1372 : i32 to vector<16xi32>
      %add3A_1374 = arith.addi %add3A_1373, %shift_right_arithmetic3A_2 : vector<16xi32>
      %gather3A_1375 = tpu.vector_load_idx %arg8[%add3A_1374] : memref<1024xf32, #tpu.memory_space<vmem>>[vector<16xi32>], vector<16xf32>,
      %swap3A_1376 = arith.constant 14 : i32
      %swap3A_1377 = arith.index_cast %swap3A_1376 : i32 to index
      %swap3A_1378 = arith.constant 64 : index
      %swap3A_1379 = tpu.vector_load %arg10[%swap3A_1377, %swap3A_1378] {strides = array<i32>} : memref<16x128xf32, #tpu.memory_space<vmem>>, vector<16xf32>,
      tpu.vector_store %arg10[%swap3A_1377, %swap3A_1378], %gather3A_1375 {strides = array<i32>} : memref<16x128xf32, #tpu.memory_space<vmem>>, vector<16xf32>,
      %add3A_1380 = arith.constant 936 : i32
      %add3A_1381 = vector.broadcast %add3A_1380 : i32 to vector<16xi32>
      %add3A_1382 = arith.addi %add3A_1381, %shift_right_arithmetic3A_2 : vector<16xi32>
      %gather3A_1383 = tpu.vector_load_idx %arg8[%add3A_1382] : memref<1024xf32, #tpu.memory_space<vmem>>[vector<16xi32>], vector<16xf32>,
      %swap3A_1384 = arith.constant 14 : i32
      %swap3A_1385 = arith.index_cast %swap3A_1384 : i32 to index
      %swap3A_1386 = arith.constant 80 : index
      %swap3A_1387 = tpu.vector_load %arg10[%swap3A_1385, %swap3A_1386] {strides = array<i32>} : memref<16x128xf32, #tpu.memory_space<vmem>>, vector<16xf32>,
      tpu.vector_store %arg10[%swap3A_1385, %swap3A_1386], %gather3A_1383 {strides = array<i32>} : memref<16x128xf32, #tpu.memory_space<vmem>>, vector<16xf32>,
      %add3A_1388 = arith.constant 944 : i32
      %add3A_1389 = vector.broadcast %add3A_1388 : i32 to vector<16xi32>
      %add3A_1390 = arith.addi %add3A_1389, %shift_right_arithmetic3A_2 : vector<16xi32>
      %gather3A_1391 = tpu.vector_load_idx %arg8[%add3A_1390] : memref<1024xf32, #tpu.memory_space<vmem>>[vector<16xi32>], vector<16xf32>,
      %swap3A_1392 = arith.constant 14 : i32
      %swap3A_1393 = arith.index_cast %swap3A_1392 : i32 to index
      %swap3A_1394 = arith.constant 96 : index
      %swap3A_1395 = tpu.vector_load %arg10[%swap3A_1393, %swap3A_1394] {strides = array<i32>} : memref<16x128xf32, #tpu.memory_space<vmem>>, vector<16xf32>,
      tpu.vector_store %arg10[%swap3A_1393, %swap3A_1394], %gather3A_1391 {strides = array<i32>} : memref<16x128xf32, #tpu.memory_space<vmem>>, vector<16xf32>,
      %add3A_1396 = arith.constant 952 : i32
      %add3A_1397 = vector.broadcast %add3A_1396 : i32 to vector<16xi32>
      %add3A_1398 = arith.addi %add3A_1397, %shift_right_arithmetic3A_2 : vector<16xi32>
      %gather3A_1399 = tpu.vector_load_idx %arg8[%add3A_1398] : memref<1024xf32, #tpu.memory_space<vmem>>[vector<16xi32>], vector<16xf32>,
      %swap3A_1400 = arith.constant 14 : i32
      %swap3A_1401 = arith.index_cast %swap3A_1400 : i32 to index
      %swap3A_1402 = arith.constant 112 : index
      %swap3A_1403 = tpu.vector_load %arg10[%swap3A_1401, %swap3A_1402] {strides = array<i32>} : memref<16x128xf32, #tpu.memory_space<vmem>>, vector<16xf32>,
      tpu.vector_store %arg10[%swap3A_1401, %swap3A_1402], %gather3A_1399 {strides = array<i32>} : memref<16x128xf32, #tpu.memory_space<vmem>>, vector<16xf32>,
      %add3A_1404 = arith.constant 960 : i32
      %add3A_1405 = vector.broadcast %add3A_1404 : i32 to vector<16xi32>
      %add3A_1406 = arith.addi %add3A_1405, %shift_right_arithmetic3A_2 : vector<16xi32>
      %gather3A_1407 = tpu.vector_load_idx %arg8[%add3A_1406] : memref<1024xf32, #tpu.memory_space<vmem>>[vector<16xi32>], vector<16xf32>,
      %swap3A_1408 = arith.constant 15 : i32
      %swap3A_1409 = arith.index_cast %swap3A_1408 : i32 to index
      %swap3A_1410 = arith.constant 0 : index
      %swap3A_1411 = tpu.vector_load %arg10[%swap3A_1409, %swap3A_1410] {strides = array<i32>} : memref<16x128xf32, #tpu.memory_space<vmem>>, vector<16xf32>,
      tpu.vector_store %arg10[%swap3A_1409, %swap3A_1410], %gather3A_1407 {strides = array<i32>} : memref<16x128xf32, #tpu.memory_space<vmem>>, vector<16xf32>,
      %add3A_1412 = arith.constant 968 : i32
      %add3A_1413 = vector.broadcast %add3A_1412 : i32 to vector<16xi32>
      %add3A_1414 = arith.addi %add3A_1413, %shift_right_arithmetic3A_2 : vector<16xi32>
      %gather3A_1415 = tpu.vector_load_idx %arg8[%add3A_1414] : memref<1024xf32, #tpu.memory_space<vmem>>[vector<16xi32>], vector<16xf32>,
      %swap3A_1416 = arith.constant 15 : i32
      %swap3A_1417 = arith.index_cast %swap3A_1416 : i32 to index
      %swap3A_1418 = arith.constant 16 : index
      %swap3A_1419 = tpu.vector_load %arg10[%swap3A_1417, %swap3A_1418] {strides = array<i32>} : memref<16x128xf32, #tpu.memory_space<vmem>>, vector<16xf32>,
      tpu.vector_store %arg10[%swap3A_1417, %swap3A_1418], %gather3A_1415 {strides = array<i32>} : memref<16x128xf32, #tpu.memory_space<vmem>>, vector<16xf32>,
      %add3A_1420 = arith.constant 976 : i32
      %add3A_1421 = vector.broadcast %add3A_1420 : i32 to vector<16xi32>
      %add3A_1422 = arith.addi %add3A_1421, %shift_right_arithmetic3A_2 : vector<16xi32>
      %gather3A_1423 = tpu.vector_load_idx %arg8[%add3A_1422] : memref<1024xf32, #tpu.memory_space<vmem>>[vector<16xi32>], vector<16xf32>,
      %swap3A_1424 = arith.constant 15 : i32
      %swap3A_1425 = arith.index_cast %swap3A_1424 : i32 to index
      %swap3A_1426 = arith.constant 32 : index
      %swap3A_1427 = tpu.vector_load %arg10[%swap3A_1425, %swap3A_1426] {strides = array<i32>} : memref<16x128xf32, #tpu.memory_space<vmem>>, vector<16xf32>,
      tpu.vector_store %arg10[%swap3A_1425, %swap3A_1426], %gather3A_1423 {strides = array<i32>} : memref<16x128xf32, #tpu.memory_space<vmem>>, vector<16xf32>,
      %add3A_1428 = arith.constant 984 : i32
      %add3A_1429 = vector.broadcast %add3A_1428 : i32 to vector<16xi32>
      %add3A_1430 = arith.addi %add3A_1429, %shift_right_arithmetic3A_2 : vector<16xi32>
      %gather3A_1431 = tpu.vector_load_idx %arg8[%add3A_1430] : memref<1024xf32, #tpu.memory_space<vmem>>[vector<16xi32>], vector<16xf32>,
      %swap3A_1432 = arith.constant 15 : i32
      %swap3A_1433 = arith.index_cast %swap3A_1432 : i32 to index
      %swap3A_1434 = arith.constant 48 : index
      %swap3A_1435 = tpu.vector_load %arg10[%swap3A_1433, %swap3A_1434] {strides = array<i32>} : memref<16x128xf32, #tpu.memory_space<vmem>>, vector<16xf32>,
      tpu.vector_store %arg10[%swap3A_1433, %swap3A_1434], %gather3A_1431 {strides = array<i32>} : memref<16x128xf32, #tpu.memory_space<vmem>>, vector<16xf32>,
      %add3A_1436 = arith.constant 992 : i32
      %add3A_1437 = vector.broadcast %add3A_1436 : i32 to vector<16xi32>
      %add3A_1438 = arith.addi %add3A_1437, %shift_right_arithmetic3A_2 : vector<16xi32>
      %gather3A_1439 = tpu.vector_load_idx %arg8[%add3A_1438] : memref<1024xf32, #tpu.memory_space<vmem>>[vector<16xi32>], vector<16xf32>,
      %swap3A_1440 = arith.constant 15 : i32
      %swap3A_1441 = arith.index_cast %swap3A_1440 : i32 to index
      %swap3A_1442 = arith.constant 64 : index
      %swap3A_1443 = tpu.vector_load %arg10[%swap3A_1441, %swap3A_1442] {strides = array<i32>} : memref<16x128xf32, #tpu.memory_space<vmem>>, vector<16xf32>,
      tpu.vector_store %arg10[%swap3A_1441, %swap3A_1442], %gather3A_1439 {strides = array<i32>} : memref<16x128xf32, #tpu.memory_space<vmem>>, vector<16xf32>,
      %add3A_1444 = arith.constant 1000 : i32
      %add3A_1445 = vector.broadcast %add3A_1444 : i32 to vector<16xi32>
      %add3A_1446 = arith.addi %add3A_1445, %shift_right_arithmetic3A_2 : vector<16xi32>
      %gather3A_1447 = tpu.vector_load_idx %arg8[%add3A_1446] : memref<1024xf32, #tpu.memory_space<vmem>>[vector<16xi32>], vector<16xf32>,
      %swap3A_1448 = arith.constant 15 : i32
      %swap3A_1449 = arith.index_cast %swap3A_1448 : i32 to index
      %swap3A_1450 = arith.constant 80 : index
      %swap3A_1451 = tpu.vector_load %arg10[%swap3A_1449, %swap3A_1450] {strides = array<i32>} : memref<16x128xf32, #tpu.memory_space<vmem>>, vector<16xf32>,
      tpu.vector_store %arg10[%swap3A_1449, %swap3A_1450], %gather3A_1447 {strides = array<i32>} : memref<16x128xf32, #tpu.memory_space<vmem>>, vector<16xf32>,
      %add3A_1452 = arith.constant 1008 : i32
      %add3A_1453 = vector.broadcast %add3A_1452 : i32 to vector<16xi32>
      %add3A_1454 = arith.addi %add3A_1453, %shift_right_arithmetic3A_2 : vector<16xi32>
      %gather3A_1455 = tpu.vector_load_idx %arg8[%add3A_1454] : memref<1024xf32, #tpu.memory_space<vmem>>[vector<16xi32>], vector<16xf32>,
      %swap3A_1456 = arith.constant 15 : i32
      %swap3A_1457 = arith.index_cast %swap3A_1456 : i32 to index
      %swap3A_1458 = arith.constant 96 : index
      %swap3A_1459 = tpu.vector_load %arg10[%swap3A_1457, %swap3A_1458] {strides = array<i32>} : memref<16x128xf32, #tpu.memory_space<vmem>>, vector<16xf32>,
      tpu.vector_store %arg10[%swap3A_1457, %swap3A_1458], %gather3A_1455 {strides = array<i32>} : memref<16x128xf32, #tpu.memory_space<vmem>>, vector<16xf32>,
      %add3A_1460 = arith.constant 1016 : i32
      %add3A_1461 = vector.broadcast %add3A_1460 : i32 to vector<16xi32>
      %add3A_1462 = arith.addi %add3A_1461, %shift_right_arithmetic3A_2 : vector<16xi32>
      %gather3A_1463 = tpu.vector_load_idx %arg8[%add3A_1462] : memref<1024xf32, #tpu.memory_space<vmem>>[vector<16xi32>], vector<16xf32>,
      %swap3A_1464 = arith.constant 15 : i32
      %swap3A_1465 = arith.index_cast %swap3A_1464 : i32 to index
      %swap3A_1466 = arith.constant 112 : index
      %swap3A_1467 = tpu.vector_load %arg10[%swap3A_1465, %swap3A_1466] {strides = array<i32>} : memref<16x128xf32, #tpu.memory_space<vmem>>, vector<16xf32>,
      tpu.vector_store %arg10[%swap3A_1465, %swap3A_1466], %gather3A_1463 {strides = array<i32>} : memref<16x128xf32, #tpu.memory_space<vmem>>, vector<16xf32>,
      %dma_wait3A = arith.constant 0 : i32
      %dma_wait3A_1468 = arith.constant 0 : i32
      %dma_wait3A_1469 = tpu.memref_slice %arg9[%dma_wait3A, %dma_wait3A_1468] : memref<16x128xi32, #tpu.memory_space<vmem>> -> memref<1x128xi32, #tpu.memory_space<vmem>>
      %dma_wait3A_1470 = tpu.memref_squeeze %dma_wait3A_1469 : memref<1x128xi32, #tpu.memory_space<vmem>> -> memref<128xi32, #tpu.memory_space<vmem>>
      %dma_wait3A_1471 = arith.constant 0 : i32
      %dma_wait3A_1472 = tpu.memref_slice %arg7[%dma_wait3A_1471] : memref<2048xi32, #tpu.memory_space<vmem>> -> memref<128xi32, #tpu.memory_space<vmem>>
      %dma_wait3A_1473 = arith.constant 0 : i32
      %dma_wait3A_1474 = tpu.memref_slice %arg4[%dma_wait3A_1473] : memref<2000000xi32, #tpu.memory_space<hbm>> -> memref<2000000xi32, #tpu.memory_space<hbm>>
      tpu.wait_indirect_dma semaphore(%arg12 : memref<!tpu.dma_semaphore, #tpu.memory_space<semaphore_mem>>) src(%dma_wait3A_1474 : memref<2000000xi32, #tpu.memory_space<hbm>>) dst(%dma_wait3A_1470 : memref<128xi32, #tpu.memory_space<vmem>>)
      %dma_wait3A_1475 = arith.constant 1 : i32
      %dma_wait3A_1476 = arith.constant 0 : i32
      %dma_wait3A_1477 = tpu.memref_slice %arg9[%dma_wait3A_1475, %dma_wait3A_1476] : memref<16x128xi32, #tpu.memory_space<vmem>> -> memref<1x128xi32, #tpu.memory_space<vmem>>
      %dma_wait3A_1478 = tpu.memref_squeeze %dma_wait3A_1477 : memref<1x128xi32, #tpu.memory_space<vmem>> -> memref<128xi32, #tpu.memory_space<vmem>>
      %dma_wait3A_1479 = arith.constant 128 : i32
      %dma_wait3A_1480 = tpu.memref_slice %arg7[%dma_wait3A_1479] : memref<2048xi32, #tpu.memory_space<vmem>> -> memref<128xi32, #tpu.memory_space<vmem>>
      %dma_wait3A_1481 = arith.constant 0 : i32
      %dma_wait3A_1482 = tpu.memref_slice %arg4[%dma_wait3A_1481] : memref<2000000xi32, #tpu.memory_space<hbm>> -> memref<2000000xi32, #tpu.memory_space<hbm>>
      tpu.wait_indirect_dma semaphore(%arg12 : memref<!tpu.dma_semaphore, #tpu.memory_space<semaphore_mem>>) src(%dma_wait3A_1482 : memref<2000000xi32, #tpu.memory_space<hbm>>) dst(%dma_wait3A_1478 : memref<128xi32, #tpu.memory_space<vmem>>)
      %dma_wait3A_1483 = arith.constant 2 : i32
      %dma_wait3A_1484 = arith.constant 0 : i32
      %dma_wait3A_1485 = tpu.memref_slice %arg9[%dma_wait3A_1483, %dma_wait3A_1484] : memref<16x128xi32, #tpu.memory_space<vmem>> -> memref<1x128xi32, #tpu.memory_space<vmem>>
      %dma_wait3A_1486 = tpu.memref_squeeze %dma_wait3A_1485 : memref<1x128xi32, #tpu.memory_space<vmem>> -> memref<128xi32, #tpu.memory_space<vmem>>
      %dma_wait3A_1487 = arith.constant 256 : i32
      %dma_wait3A_1488 = tpu.memref_slice %arg7[%dma_wait3A_1487] : memref<2048xi32, #tpu.memory_space<vmem>> -> memref<128xi32, #tpu.memory_space<vmem>>
      %dma_wait3A_1489 = arith.constant 0 : i32
      %dma_wait3A_1490 = tpu.memref_slice %arg4[%dma_wait3A_1489] : memref<2000000xi32, #tpu.memory_space<hbm>> -> memref<2000000xi32, #tpu.memory_space<hbm>>
      tpu.wait_indirect_dma semaphore(%arg12 : memref<!tpu.dma_semaphore, #tpu.memory_space<semaphore_mem>>) src(%dma_wait3A_1490 : memref<2000000xi32, #tpu.memory_space<hbm>>) dst(%dma_wait3A_1486 : memref<128xi32, #tpu.memory_space<vmem>>)
      %dma_wait3A_1491 = arith.constant 3 : i32
      %dma_wait3A_1492 = arith.constant 0 : i32
      %dma_wait3A_1493 = tpu.memref_slice %arg9[%dma_wait3A_1491, %dma_wait3A_1492] : memref<16x128xi32, #tpu.memory_space<vmem>> -> memref<1x128xi32, #tpu.memory_space<vmem>>
      %dma_wait3A_1494 = tpu.memref_squeeze %dma_wait3A_1493 : memref<1x128xi32, #tpu.memory_space<vmem>> -> memref<128xi32, #tpu.memory_space<vmem>>
      %dma_wait3A_1495 = arith.constant 384 : i32
      %dma_wait3A_1496 = tpu.memref_slice %arg7[%dma_wait3A_1495] : memref<2048xi32, #tpu.memory_space<vmem>> -> memref<128xi32, #tpu.memory_space<vmem>>
      %dma_wait3A_1497 = arith.constant 0 : i32
      %dma_wait3A_1498 = tpu.memref_slice %arg4[%dma_wait3A_1497] : memref<2000000xi32, #tpu.memory_space<hbm>> -> memref<2000000xi32, #tpu.memory_space<hbm>>
      tpu.wait_indirect_dma semaphore(%arg12 : memref<!tpu.dma_semaphore, #tpu.memory_space<semaphore_mem>>) src(%dma_wait3A_1498 : memref<2000000xi32, #tpu.memory_space<hbm>>) dst(%dma_wait3A_1494 : memref<128xi32, #tpu.memory_space<vmem>>)
      %dma_wait3A_1499 = arith.constant 4 : i32
      %dma_wait3A_1500 = arith.constant 0 : i32
      %dma_wait3A_1501 = tpu.memref_slice %arg9[%dma_wait3A_1499, %dma_wait3A_1500] : memref<16x128xi32, #tpu.memory_space<vmem>> -> memref<1x128xi32, #tpu.memory_space<vmem>>
      %dma_wait3A_1502 = tpu.memref_squeeze %dma_wait3A_1501 : memref<1x128xi32, #tpu.memory_space<vmem>> -> memref<128xi32, #tpu.memory_space<vmem>>
      %dma_wait3A_1503 = arith.constant 512 : i32
      %dma_wait3A_1504 = tpu.memref_slice %arg7[%dma_wait3A_1503] : memref<2048xi32, #tpu.memory_space<vmem>> -> memref<128xi32, #tpu.memory_space<vmem>>
      %dma_wait3A_1505 = arith.constant 0 : i32
      %dma_wait3A_1506 = tpu.memref_slice %arg4[%dma_wait3A_1505] : memref<2000000xi32, #tpu.memory_space<hbm>> -> memref<2000000xi32, #tpu.memory_space<hbm>>
      tpu.wait_indirect_dma semaphore(%arg12 : memref<!tpu.dma_semaphore, #tpu.memory_space<semaphore_mem>>) src(%dma_wait3A_1506 : memref<2000000xi32, #tpu.memory_space<hbm>>) dst(%dma_wait3A_1502 : memref<128xi32, #tpu.memory_space<vmem>>)
      %dma_wait3A_1507 = arith.constant 5 : i32
      %dma_wait3A_1508 = arith.constant 0 : i32
      %dma_wait3A_1509 = tpu.memref_slice %arg9[%dma_wait3A_1507, %dma_wait3A_1508] : memref<16x128xi32, #tpu.memory_space<vmem>> -> memref<1x128xi32, #tpu.memory_space<vmem>>
      %dma_wait3A_1510 = tpu.memref_squeeze %dma_wait3A_1509 : memref<1x128xi32, #tpu.memory_space<vmem>> -> memref<128xi32, #tpu.memory_space<vmem>>
      %dma_wait3A_1511 = arith.constant 640 : i32
      %dma_wait3A_1512 = tpu.memref_slice %arg7[%dma_wait3A_1511] : memref<2048xi32, #tpu.memory_space<vmem>> -> memref<128xi32, #tpu.memory_space<vmem>>
      %dma_wait3A_1513 = arith.constant 0 : i32
      %dma_wait3A_1514 = tpu.memref_slice %arg4[%dma_wait3A_1513] : memref<2000000xi32, #tpu.memory_space<hbm>> -> memref<2000000xi32, #tpu.memory_space<hbm>>
      tpu.wait_indirect_dma semaphore(%arg12 : memref<!tpu.dma_semaphore, #tpu.memory_space<semaphore_mem>>) src(%dma_wait3A_1514 : memref<2000000xi32, #tpu.memory_space<hbm>>) dst(%dma_wait3A_1510 : memref<128xi32, #tpu.memory_space<vmem>>)
      %dma_wait3A_1515 = arith.constant 6 : i32
      %dma_wait3A_1516 = arith.constant 0 : i32
      %dma_wait3A_1517 = tpu.memref_slice %arg9[%dma_wait3A_1515, %dma_wait3A_1516] : memref<16x128xi32, #tpu.memory_space<vmem>> -> memref<1x128xi32, #tpu.memory_space<vmem>>
      %dma_wait3A_1518 = tpu.memref_squeeze %dma_wait3A_1517 : memref<1x128xi32, #tpu.memory_space<vmem>> -> memref<128xi32, #tpu.memory_space<vmem>>
      %dma_wait3A_1519 = arith.constant 768 : i32
      %dma_wait3A_1520 = tpu.memref_slice %arg7[%dma_wait3A_1519] : memref<2048xi32, #tpu.memory_space<vmem>> -> memref<128xi32, #tpu.memory_space<vmem>>
      %dma_wait3A_1521 = arith.constant 0 : i32
      %dma_wait3A_1522 = tpu.memref_slice %arg4[%dma_wait3A_1521] : memref<2000000xi32, #tpu.memory_space<hbm>> -> memref<2000000xi32, #tpu.memory_space<hbm>>
      tpu.wait_indirect_dma semaphore(%arg12 : memref<!tpu.dma_semaphore, #tpu.memory_space<semaphore_mem>>) src(%dma_wait3A_1522 : memref<2000000xi32, #tpu.memory_space<hbm>>) dst(%dma_wait3A_1518 : memref<128xi32, #tpu.memory_space<vmem>>)
      %dma_wait3A_1523 = arith.constant 7 : i32
      %dma_wait3A_1524 = arith.constant 0 : i32
      %dma_wait3A_1525 = tpu.memref_slice %arg9[%dma_wait3A_1523, %dma_wait3A_1524] : memref<16x128xi32, #tpu.memory_space<vmem>> -> memref<1x128xi32, #tpu.memory_space<vmem>>
      %dma_wait3A_1526 = tpu.memref_squeeze %dma_wait3A_1525 : memref<1x128xi32, #tpu.memory_space<vmem>> -> memref<128xi32, #tpu.memory_space<vmem>>
      %dma_wait3A_1527 = arith.constant 896 : i32
      %dma_wait3A_1528 = tpu.memref_slice %arg7[%dma_wait3A_1527] : memref<2048xi32, #tpu.memory_space<vmem>> -> memref<128xi32, #tpu.memory_space<vmem>>
      %dma_wait3A_1529 = arith.constant 0 : i32
      %dma_wait3A_1530 = tpu.memref_slice %arg4[%dma_wait3A_1529] : memref<2000000xi32, #tpu.memory_space<hbm>> -> memref<2000000xi32, #tpu.memory_space<hbm>>
      tpu.wait_indirect_dma semaphore(%arg12 : memref<!tpu.dma_semaphore, #tpu.memory_space<semaphore_mem>>) src(%dma_wait3A_1530 : memref<2000000xi32, #tpu.memory_space<hbm>>) dst(%dma_wait3A_1526 : memref<128xi32, #tpu.memory_space<vmem>>)
      %dma_wait3A_1531 = arith.constant 8 : i32
      %dma_wait3A_1532 = arith.constant 0 : i32
      %dma_wait3A_1533 = tpu.memref_slice %arg9[%dma_wait3A_1531, %dma_wait3A_1532] : memref<16x128xi32, #tpu.memory_space<vmem>> -> memref<1x128xi32, #tpu.memory_space<vmem>>
      %dma_wait3A_1534 = tpu.memref_squeeze %dma_wait3A_1533 : memref<1x128xi32, #tpu.memory_space<vmem>> -> memref<128xi32, #tpu.memory_space<vmem>>
      %dma_wait3A_1535 = arith.constant 1024 : i32
      %dma_wait3A_1536 = tpu.memref_slice %arg7[%dma_wait3A_1535] : memref<2048xi32, #tpu.memory_space<vmem>> -> memref<128xi32, #tpu.memory_space<vmem>>
      %dma_wait3A_1537 = arith.constant 0 : i32
      %dma_wait3A_1538 = tpu.memref_slice %arg4[%dma_wait3A_1537] : memref<2000000xi32, #tpu.memory_space<hbm>> -> memref<2000000xi32, #tpu.memory_space<hbm>>
      tpu.wait_indirect_dma semaphore(%arg12 : memref<!tpu.dma_semaphore, #tpu.memory_space<semaphore_mem>>) src(%dma_wait3A_1538 : memref<2000000xi32, #tpu.memory_space<hbm>>) dst(%dma_wait3A_1534 : memref<128xi32, #tpu.memory_space<vmem>>)
      %dma_wait3A_1539 = arith.constant 9 : i32
      %dma_wait3A_1540 = arith.constant 0 : i32
      %dma_wait3A_1541 = tpu.memref_slice %arg9[%dma_wait3A_1539, %dma_wait3A_1540] : memref<16x128xi32, #tpu.memory_space<vmem>> -> memref<1x128xi32, #tpu.memory_space<vmem>>
      %dma_wait3A_1542 = tpu.memref_squeeze %dma_wait3A_1541 : memref<1x128xi32, #tpu.memory_space<vmem>> -> memref<128xi32, #tpu.memory_space<vmem>>
      %dma_wait3A_1543 = arith.constant 1152 : i32
      %dma_wait3A_1544 = tpu.memref_slice %arg7[%dma_wait3A_1543] : memref<2048xi32, #tpu.memory_space<vmem>> -> memref<128xi32, #tpu.memory_space<vmem>>
      %dma_wait3A_1545 = arith.constant 0 : i32
      %dma_wait3A_1546 = tpu.memref_slice %arg4[%dma_wait3A_1545] : memref<2000000xi32, #tpu.memory_space<hbm>> -> memref<2000000xi32, #tpu.memory_space<hbm>>
      tpu.wait_indirect_dma semaphore(%arg12 : memref<!tpu.dma_semaphore, #tpu.memory_space<semaphore_mem>>) src(%dma_wait3A_1546 : memref<2000000xi32, #tpu.memory_space<hbm>>) dst(%dma_wait3A_1542 : memref<128xi32, #tpu.memory_space<vmem>>)
      %dma_wait3A_1547 = arith.constant 10 : i32
      %dma_wait3A_1548 = arith.constant 0 : i32
      %dma_wait3A_1549 = tpu.memref_slice %arg9[%dma_wait3A_1547, %dma_wait3A_1548] : memref<16x128xi32, #tpu.memory_space<vmem>> -> memref<1x128xi32, #tpu.memory_space<vmem>>
      %dma_wait3A_1550 = tpu.memref_squeeze %dma_wait3A_1549 : memref<1x128xi32, #tpu.memory_space<vmem>> -> memref<128xi32, #tpu.memory_space<vmem>>
      %dma_wait3A_1551 = arith.constant 1280 : i32
      %dma_wait3A_1552 = tpu.memref_slice %arg7[%dma_wait3A_1551] : memref<2048xi32, #tpu.memory_space<vmem>> -> memref<128xi32, #tpu.memory_space<vmem>>
      %dma_wait3A_1553 = arith.constant 0 : i32
      %dma_wait3A_1554 = tpu.memref_slice %arg4[%dma_wait3A_1553] : memref<2000000xi32, #tpu.memory_space<hbm>> -> memref<2000000xi32, #tpu.memory_space<hbm>>
      tpu.wait_indirect_dma semaphore(%arg12 : memref<!tpu.dma_semaphore, #tpu.memory_space<semaphore_mem>>) src(%dma_wait3A_1554 : memref<2000000xi32, #tpu.memory_space<hbm>>) dst(%dma_wait3A_1550 : memref<128xi32, #tpu.memory_space<vmem>>)
      %dma_wait3A_1555 = arith.constant 11 : i32
      %dma_wait3A_1556 = arith.constant 0 : i32
      %dma_wait3A_1557 = tpu.memref_slice %arg9[%dma_wait3A_1555, %dma_wait3A_1556] : memref<16x128xi32, #tpu.memory_space<vmem>> -> memref<1x128xi32, #tpu.memory_space<vmem>>
      %dma_wait3A_1558 = tpu.memref_squeeze %dma_wait3A_1557 : memref<1x128xi32, #tpu.memory_space<vmem>> -> memref<128xi32, #tpu.memory_space<vmem>>
      %dma_wait3A_1559 = arith.constant 1408 : i32
      %dma_wait3A_1560 = tpu.memref_slice %arg7[%dma_wait3A_1559] : memref<2048xi32, #tpu.memory_space<vmem>> -> memref<128xi32, #tpu.memory_space<vmem>>
      %dma_wait3A_1561 = arith.constant 0 : i32
      %dma_wait3A_1562 = tpu.memref_slice %arg4[%dma_wait3A_1561] : memref<2000000xi32, #tpu.memory_space<hbm>> -> memref<2000000xi32, #tpu.memory_space<hbm>>
      tpu.wait_indirect_dma semaphore(%arg12 : memref<!tpu.dma_semaphore, #tpu.memory_space<semaphore_mem>>) src(%dma_wait3A_1562 : memref<2000000xi32, #tpu.memory_space<hbm>>) dst(%dma_wait3A_1558 : memref<128xi32, #tpu.memory_space<vmem>>)
      %dma_wait3A_1563 = arith.constant 12 : i32
      %dma_wait3A_1564 = arith.constant 0 : i32
      %dma_wait3A_1565 = tpu.memref_slice %arg9[%dma_wait3A_1563, %dma_wait3A_1564] : memref<16x128xi32, #tpu.memory_space<vmem>> -> memref<1x128xi32, #tpu.memory_space<vmem>>
      %dma_wait3A_1566 = tpu.memref_squeeze %dma_wait3A_1565 : memref<1x128xi32, #tpu.memory_space<vmem>> -> memref<128xi32, #tpu.memory_space<vmem>>
      %dma_wait3A_1567 = arith.constant 1536 : i32
      %dma_wait3A_1568 = tpu.memref_slice %arg7[%dma_wait3A_1567] : memref<2048xi32, #tpu.memory_space<vmem>> -> memref<128xi32, #tpu.memory_space<vmem>>
      %dma_wait3A_1569 = arith.constant 0 : i32
      %dma_wait3A_1570 = tpu.memref_slice %arg4[%dma_wait3A_1569] : memref<2000000xi32, #tpu.memory_space<hbm>> -> memref<2000000xi32, #tpu.memory_space<hbm>>
      tpu.wait_indirect_dma semaphore(%arg12 : memref<!tpu.dma_semaphore, #tpu.memory_space<semaphore_mem>>) src(%dma_wait3A_1570 : memref<2000000xi32, #tpu.memory_space<hbm>>) dst(%dma_wait3A_1566 : memref<128xi32, #tpu.memory_space<vmem>>)
      %dma_wait3A_1571 = arith.constant 13 : i32
      %dma_wait3A_1572 = arith.constant 0 : i32
      %dma_wait3A_1573 = tpu.memref_slice %arg9[%dma_wait3A_1571, %dma_wait3A_1572] : memref<16x128xi32, #tpu.memory_space<vmem>> -> memref<1x128xi32, #tpu.memory_space<vmem>>
      %dma_wait3A_1574 = tpu.memref_squeeze %dma_wait3A_1573 : memref<1x128xi32, #tpu.memory_space<vmem>> -> memref<128xi32, #tpu.memory_space<vmem>>
      %dma_wait3A_1575 = arith.constant 1664 : i32
      %dma_wait3A_1576 = tpu.memref_slice %arg7[%dma_wait3A_1575] : memref<2048xi32, #tpu.memory_space<vmem>> -> memref<128xi32, #tpu.memory_space<vmem>>
      %dma_wait3A_1577 = arith.constant 0 : i32
      %dma_wait3A_1578 = tpu.memref_slice %arg4[%dma_wait3A_1577] : memref<2000000xi32, #tpu.memory_space<hbm>> -> memref<2000000xi32, #tpu.memory_space<hbm>>
      tpu.wait_indirect_dma semaphore(%arg12 : memref<!tpu.dma_semaphore, #tpu.memory_space<semaphore_mem>>) src(%dma_wait3A_1578 : memref<2000000xi32, #tpu.memory_space<hbm>>) dst(%dma_wait3A_1574 : memref<128xi32, #tpu.memory_space<vmem>>)
      %dma_wait3A_1579 = arith.constant 14 : i32
      %dma_wait3A_1580 = arith.constant 0 : i32
      %dma_wait3A_1581 = tpu.memref_slice %arg9[%dma_wait3A_1579, %dma_wait3A_1580] : memref<16x128xi32, #tpu.memory_space<vmem>> -> memref<1x128xi32, #tpu.memory_space<vmem>>
      %dma_wait3A_1582 = tpu.memref_squeeze %dma_wait3A_1581 : memref<1x128xi32, #tpu.memory_space<vmem>> -> memref<128xi32, #tpu.memory_space<vmem>>
      %dma_wait3A_1583 = arith.constant 1792 : i32
      %dma_wait3A_1584 = tpu.memref_slice %arg7[%dma_wait3A_1583] : memref<2048xi32, #tpu.memory_space<vmem>> -> memref<128xi32, #tpu.memory_space<vmem>>
      %dma_wait3A_1585 = arith.constant 0 : i32
      %dma_wait3A_1586 = tpu.memref_slice %arg4[%dma_wait3A_1585] : memref<2000000xi32, #tpu.memory_space<hbm>> -> memref<2000000xi32, #tpu.memory_space<hbm>>
      tpu.wait_indirect_dma semaphore(%arg12 : memref<!tpu.dma_semaphore, #tpu.memory_space<semaphore_mem>>) src(%dma_wait3A_1586 : memref<2000000xi32, #tpu.memory_space<hbm>>) dst(%dma_wait3A_1582 : memref<128xi32, #tpu.memory_space<vmem>>)
      %dma_wait3A_1587 = arith.constant 15 : i32
      %dma_wait3A_1588 = arith.constant 0 : i32
      %dma_wait3A_1589 = tpu.memref_slice %arg9[%dma_wait3A_1587, %dma_wait3A_1588] : memref<16x128xi32, #tpu.memory_space<vmem>> -> memref<1x128xi32, #tpu.memory_space<vmem>>
      %dma_wait3A_1590 = tpu.memref_squeeze %dma_wait3A_1589 : memref<1x128xi32, #tpu.memory_space<vmem>> -> memref<128xi32, #tpu.memory_space<vmem>>
      %dma_wait3A_1591 = arith.constant 1920 : i32
      %dma_wait3A_1592 = tpu.memref_slice %arg7[%dma_wait3A_1591] : memref<2048xi32, #tpu.memory_space<vmem>> -> memref<128xi32, #tpu.memory_space<vmem>>
      %dma_wait3A_1593 = arith.constant 0 : i32
      %dma_wait3A_1594 = tpu.memref_slice %arg4[%dma_wait3A_1593] : memref<2000000xi32, #tpu.memory_space<hbm>> -> memref<2000000xi32, #tpu.memory_space<hbm>>
      tpu.wait_indirect_dma semaphore(%arg12 : memref<!tpu.dma_semaphore, #tpu.memory_space<semaphore_mem>>) src(%dma_wait3A_1594 : memref<2000000xi32, #tpu.memory_space<hbm>>) dst(%dma_wait3A_1590 : memref<128xi32, #tpu.memory_space<vmem>>)
      %run_scoped3A = arith.constant 0 : i32
      %run_scoped3A_1595 = arith.constant 0 : i32
      "tpu.region"() ({
        %run_scoped3A_1626 = tpu.sem_alloc : memref<!tpu.dma_semaphore, #tpu.memory_space<semaphore_mem>>
        %dma_start3A_1627 = arith.constant 0 : i32
        %dma_start3A_1628 = tpu.memref_slice %arg10[%run_scoped3A, %dma_start3A_1627] : memref<16x128xf32, #tpu.memory_space<vmem>> -> memref<1x128xf32, #tpu.memory_space<vmem>>
        %dma_start3A_1629 = tpu.memref_squeeze %dma_start3A_1628 : memref<1x128xf32, #tpu.memory_space<vmem>> -> memref<128xf32, #tpu.memory_space<vmem>>
        %dma_start3A_1630 = arith.constant 0 : i32
        %dma_start3A_1631 = tpu.memref_slice %arg9[%run_scoped3A_1595, %dma_start3A_1630] : memref<16x128xi32, #tpu.memory_space<vmem>> -> memref<1x128xi32, #tpu.memory_space<vmem>>
        %dma_start3A_1632 = tpu.memref_squeeze %dma_start3A_1631 : memref<1x128xi32, #tpu.memory_space<vmem>> -> memref<128xi32, #tpu.memory_space<vmem>>
        %dma_start3A_1633 = arith.constant 0 : i32
        %dma_start3A_1634 = tpu.memref_slice %arg6[%dma_start3A_1633] : memref<524288xf32, #tpu.memory_space<vmem_shared>> -> memref<524288xf32, #tpu.memory_space<vmem_shared>>
        tpu.enqueue_indirect_dma source(%dma_start3A_1629 : memref<128xf32, #tpu.memory_space<vmem>>) target(%dma_start3A_1634 : memref<524288xf32, #tpu.memory_space<vmem_shared>>) offsets(%dma_start3A_1632 : memref<128xi32, #tpu.memory_space<vmem>>) semaphore(%run_scoped3A_1626 : memref<!tpu.dma_semaphore, #tpu.memory_space<semaphore_mem>>) {add = true}
        %dma_wait3A_1635 = arith.constant 0 : i32
        %dma_wait3A_1636 = tpu.memref_slice %arg10[%run_scoped3A, %dma_wait3A_1635] : memref<16x128xf32, #tpu.memory_space<vmem>> -> memref<1x128xf32, #tpu.memory_space<vmem>>
        %dma_wait3A_1637 = tpu.memref_squeeze %dma_wait3A_1636 : memref<1x128xf32, #tpu.memory_space<vmem>> -> memref<128xf32, #tpu.memory_space<vmem>>
        %dma_wait3A_1638 = arith.constant 0 : i32
        %dma_wait3A_1639 = tpu.memref_slice %arg9[%run_scoped3A_1595, %dma_wait3A_1638] : memref<16x128xi32, #tpu.memory_space<vmem>> -> memref<1x128xi32, #tpu.memory_space<vmem>>
        %dma_wait3A_1640 = tpu.memref_squeeze %dma_wait3A_1639 : memref<1x128xi32, #tpu.memory_space<vmem>> -> memref<128xi32, #tpu.memory_space<vmem>>
        %dma_wait3A_1641 = arith.constant 0 : i32
        %dma_wait3A_1642 = tpu.memref_slice %arg6[%dma_wait3A_1641] : memref<524288xf32, #tpu.memory_space<vmem_shared>> -> memref<524288xf32, #tpu.memory_space<vmem_shared>>
        tpu.wait_indirect_dma semaphore(%run_scoped3A_1626 : memref<!tpu.dma_semaphore, #tpu.memory_space<semaphore_mem>>) src(%dma_wait3A_1637 : memref<128xf32, #tpu.memory_space<vmem>>) dst(%dma_wait3A_1642 : memref<524288xf32, #tpu.memory_space<vmem_shared>>)
        tpu.yield
      }) : () -> ()
      %run_scoped3A_1596 = arith.constant 1 : i32
      %run_scoped3A_1597 = arith.constant 1 : i32
      "tpu.region"() ({
        %run_scoped3A_1626 = tpu.sem_alloc : memref<!tpu.dma_semaphore, #tpu.memory_space<semaphore_mem>>
        %dma_start3A_1627 = arith.constant 0 : i32
        %dma_start3A_1628 = tpu.memref_slice %arg10[%run_scoped3A_1596, %dma_start3A_1627] : memref<16x128xf32, #tpu.memory_space<vmem>> -> memref<1x128xf32, #tpu.memory_space<vmem>>
        %dma_start3A_1629 = tpu.memref_squeeze %dma_start3A_1628 : memref<1x128xf32, #tpu.memory_space<vmem>> -> memref<128xf32, #tpu.memory_space<vmem>>
        %dma_start3A_1630 = arith.constant 0 : i32
        %dma_start3A_1631 = tpu.memref_slice %arg9[%run_scoped3A_1597, %dma_start3A_1630] : memref<16x128xi32, #tpu.memory_space<vmem>> -> memref<1x128xi32, #tpu.memory_space<vmem>>
        %dma_start3A_1632 = tpu.memref_squeeze %dma_start3A_1631 : memref<1x128xi32, #tpu.memory_space<vmem>> -> memref<128xi32, #tpu.memory_space<vmem>>
        %dma_start3A_1633 = arith.constant 0 : i32
        %dma_start3A_1634 = tpu.memref_slice %arg6[%dma_start3A_1633] : memref<524288xf32, #tpu.memory_space<vmem_shared>> -> memref<524288xf32, #tpu.memory_space<vmem_shared>>
        tpu.enqueue_indirect_dma source(%dma_start3A_1629 : memref<128xf32, #tpu.memory_space<vmem>>) target(%dma_start3A_1634 : memref<524288xf32, #tpu.memory_space<vmem_shared>>) offsets(%dma_start3A_1632 : memref<128xi32, #tpu.memory_space<vmem>>) semaphore(%run_scoped3A_1626 : memref<!tpu.dma_semaphore, #tpu.memory_space<semaphore_mem>>) {add = true}
        %dma_wait3A_1635 = arith.constant 0 : i32
        %dma_wait3A_1636 = tpu.memref_slice %arg10[%run_scoped3A_1596, %dma_wait3A_1635] : memref<16x128xf32, #tpu.memory_space<vmem>> -> memref<1x128xf32, #tpu.memory_space<vmem>>
        %dma_wait3A_1637 = tpu.memref_squeeze %dma_wait3A_1636 : memref<1x128xf32, #tpu.memory_space<vmem>> -> memref<128xf32, #tpu.memory_space<vmem>>
        %dma_wait3A_1638 = arith.constant 0 : i32
        %dma_wait3A_1639 = tpu.memref_slice %arg9[%run_scoped3A_1597, %dma_wait3A_1638] : memref<16x128xi32, #tpu.memory_space<vmem>> -> memref<1x128xi32, #tpu.memory_space<vmem>>
        %dma_wait3A_1640 = tpu.memref_squeeze %dma_wait3A_1639 : memref<1x128xi32, #tpu.memory_space<vmem>> -> memref<128xi32, #tpu.memory_space<vmem>>
        %dma_wait3A_1641 = arith.constant 0 : i32
        %dma_wait3A_1642 = tpu.memref_slice %arg6[%dma_wait3A_1641] : memref<524288xf32, #tpu.memory_space<vmem_shared>> -> memref<524288xf32, #tpu.memory_space<vmem_shared>>
        tpu.wait_indirect_dma semaphore(%run_scoped3A_1626 : memref<!tpu.dma_semaphore, #tpu.memory_space<semaphore_mem>>) src(%dma_wait3A_1637 : memref<128xf32, #tpu.memory_space<vmem>>) dst(%dma_wait3A_1642 : memref<524288xf32, #tpu.memory_space<vmem_shared>>)
        tpu.yield
      }) : () -> ()
      %run_scoped3A_1598 = arith.constant 2 : i32
      %run_scoped3A_1599 = arith.constant 2 : i32
      "tpu.region"() ({
        %run_scoped3A_1626 = tpu.sem_alloc : memref<!tpu.dma_semaphore, #tpu.memory_space<semaphore_mem>>
        %dma_start3A_1627 = arith.constant 0 : i32
        %dma_start3A_1628 = tpu.memref_slice %arg10[%run_scoped3A_1598, %dma_start3A_1627] : memref<16x128xf32, #tpu.memory_space<vmem>> -> memref<1x128xf32, #tpu.memory_space<vmem>>
        %dma_start3A_1629 = tpu.memref_squeeze %dma_start3A_1628 : memref<1x128xf32, #tpu.memory_space<vmem>> -> memref<128xf32, #tpu.memory_space<vmem>>
        %dma_start3A_1630 = arith.constant 0 : i32
        %dma_start3A_1631 = tpu.memref_slice %arg9[%run_scoped3A_1599, %dma_start3A_1630] : memref<16x128xi32, #tpu.memory_space<vmem>> -> memref<1x128xi32, #tpu.memory_space<vmem>>
        %dma_start3A_1632 = tpu.memref_squeeze %dma_start3A_1631 : memref<1x128xi32, #tpu.memory_space<vmem>> -> memref<128xi32, #tpu.memory_space<vmem>>
        %dma_start3A_1633 = arith.constant 0 : i32
        %dma_start3A_1634 = tpu.memref_slice %arg6[%dma_start3A_1633] : memref<524288xf32, #tpu.memory_space<vmem_shared>> -> memref<524288xf32, #tpu.memory_space<vmem_shared>>
        tpu.enqueue_indirect_dma source(%dma_start3A_1629 : memref<128xf32, #tpu.memory_space<vmem>>) target(%dma_start3A_1634 : memref<524288xf32, #tpu.memory_space<vmem_shared>>) offsets(%dma_start3A_1632 : memref<128xi32, #tpu.memory_space<vmem>>) semaphore(%run_scoped3A_1626 : memref<!tpu.dma_semaphore, #tpu.memory_space<semaphore_mem>>) {add = true}
        %dma_wait3A_1635 = arith.constant 0 : i32
        %dma_wait3A_1636 = tpu.memref_slice %arg10[%run_scoped3A_1598, %dma_wait3A_1635] : memref<16x128xf32, #tpu.memory_space<vmem>> -> memref<1x128xf32, #tpu.memory_space<vmem>>
        %dma_wait3A_1637 = tpu.memref_squeeze %dma_wait3A_1636 : memref<1x128xf32, #tpu.memory_space<vmem>> -> memref<128xf32, #tpu.memory_space<vmem>>
        %dma_wait3A_1638 = arith.constant 0 : i32
        %dma_wait3A_1639 = tpu.memref_slice %arg9[%run_scoped3A_1599, %dma_wait3A_1638] : memref<16x128xi32, #tpu.memory_space<vmem>> -> memref<1x128xi32, #tpu.memory_space<vmem>>
        %dma_wait3A_1640 = tpu.memref_squeeze %dma_wait3A_1639 : memref<1x128xi32, #tpu.memory_space<vmem>> -> memref<128xi32, #tpu.memory_space<vmem>>
        %dma_wait3A_1641 = arith.constant 0 : i32
        %dma_wait3A_1642 = tpu.memref_slice %arg6[%dma_wait3A_1641] : memref<524288xf32, #tpu.memory_space<vmem_shared>> -> memref<524288xf32, #tpu.memory_space<vmem_shared>>
        tpu.wait_indirect_dma semaphore(%run_scoped3A_1626 : memref<!tpu.dma_semaphore, #tpu.memory_space<semaphore_mem>>) src(%dma_wait3A_1637 : memref<128xf32, #tpu.memory_space<vmem>>) dst(%dma_wait3A_1642 : memref<524288xf32, #tpu.memory_space<vmem_shared>>)
        tpu.yield
      }) : () -> ()
      %run_scoped3A_1600 = arith.constant 3 : i32
      %run_scoped3A_1601 = arith.constant 3 : i32
      "tpu.region"() ({
        %run_scoped3A_1626 = tpu.sem_alloc : memref<!tpu.dma_semaphore, #tpu.memory_space<semaphore_mem>>
        %dma_start3A_1627 = arith.constant 0 : i32
        %dma_start3A_1628 = tpu.memref_slice %arg10[%run_scoped3A_1600, %dma_start3A_1627] : memref<16x128xf32, #tpu.memory_space<vmem>> -> memref<1x128xf32, #tpu.memory_space<vmem>>
        %dma_start3A_1629 = tpu.memref_squeeze %dma_start3A_1628 : memref<1x128xf32, #tpu.memory_space<vmem>> -> memref<128xf32, #tpu.memory_space<vmem>>
        %dma_start3A_1630 = arith.constant 0 : i32
        %dma_start3A_1631 = tpu.memref_slice %arg9[%run_scoped3A_1601, %dma_start3A_1630] : memref<16x128xi32, #tpu.memory_space<vmem>> -> memref<1x128xi32, #tpu.memory_space<vmem>>
        %dma_start3A_1632 = tpu.memref_squeeze %dma_start3A_1631 : memref<1x128xi32, #tpu.memory_space<vmem>> -> memref<128xi32, #tpu.memory_space<vmem>>
        %dma_start3A_1633 = arith.constant 0 : i32
        %dma_start3A_1634 = tpu.memref_slice %arg6[%dma_start3A_1633] : memref<524288xf32, #tpu.memory_space<vmem_shared>> -> memref<524288xf32, #tpu.memory_space<vmem_shared>>
        tpu.enqueue_indirect_dma source(%dma_start3A_1629 : memref<128xf32, #tpu.memory_space<vmem>>) target(%dma_start3A_1634 : memref<524288xf32, #tpu.memory_space<vmem_shared>>) offsets(%dma_start3A_1632 : memref<128xi32, #tpu.memory_space<vmem>>) semaphore(%run_scoped3A_1626 : memref<!tpu.dma_semaphore, #tpu.memory_space<semaphore_mem>>) {add = true}
        %dma_wait3A_1635 = arith.constant 0 : i32
        %dma_wait3A_1636 = tpu.memref_slice %arg10[%run_scoped3A_1600, %dma_wait3A_1635] : memref<16x128xf32, #tpu.memory_space<vmem>> -> memref<1x128xf32, #tpu.memory_space<vmem>>
        %dma_wait3A_1637 = tpu.memref_squeeze %dma_wait3A_1636 : memref<1x128xf32, #tpu.memory_space<vmem>> -> memref<128xf32, #tpu.memory_space<vmem>>
        %dma_wait3A_1638 = arith.constant 0 : i32
        %dma_wait3A_1639 = tpu.memref_slice %arg9[%run_scoped3A_1601, %dma_wait3A_1638] : memref<16x128xi32, #tpu.memory_space<vmem>> -> memref<1x128xi32, #tpu.memory_space<vmem>>
        %dma_wait3A_1640 = tpu.memref_squeeze %dma_wait3A_1639 : memref<1x128xi32, #tpu.memory_space<vmem>> -> memref<128xi32, #tpu.memory_space<vmem>>
        %dma_wait3A_1641 = arith.constant 0 : i32
        %dma_wait3A_1642 = tpu.memref_slice %arg6[%dma_wait3A_1641] : memref<524288xf32, #tpu.memory_space<vmem_shared>> -> memref<524288xf32, #tpu.memory_space<vmem_shared>>
        tpu.wait_indirect_dma semaphore(%run_scoped3A_1626 : memref<!tpu.dma_semaphore, #tpu.memory_space<semaphore_mem>>) src(%dma_wait3A_1637 : memref<128xf32, #tpu.memory_space<vmem>>) dst(%dma_wait3A_1642 : memref<524288xf32, #tpu.memory_space<vmem_shared>>)
        tpu.yield
      }) : () -> ()
      %run_scoped3A_1602 = arith.constant 4 : i32
      %run_scoped3A_1603 = arith.constant 4 : i32
      "tpu.region"() ({
        %run_scoped3A_1626 = tpu.sem_alloc : memref<!tpu.dma_semaphore, #tpu.memory_space<semaphore_mem>>
        %dma_start3A_1627 = arith.constant 0 : i32
        %dma_start3A_1628 = tpu.memref_slice %arg10[%run_scoped3A_1602, %dma_start3A_1627] : memref<16x128xf32, #tpu.memory_space<vmem>> -> memref<1x128xf32, #tpu.memory_space<vmem>>
        %dma_start3A_1629 = tpu.memref_squeeze %dma_start3A_1628 : memref<1x128xf32, #tpu.memory_space<vmem>> -> memref<128xf32, #tpu.memory_space<vmem>>
        %dma_start3A_1630 = arith.constant 0 : i32
        %dma_start3A_1631 = tpu.memref_slice %arg9[%run_scoped3A_1603, %dma_start3A_1630] : memref<16x128xi32, #tpu.memory_space<vmem>> -> memref<1x128xi32, #tpu.memory_space<vmem>>
        %dma_start3A_1632 = tpu.memref_squeeze %dma_start3A_1631 : memref<1x128xi32, #tpu.memory_space<vmem>> -> memref<128xi32, #tpu.memory_space<vmem>>
        %dma_start3A_1633 = arith.constant 0 : i32
        %dma_start3A_1634 = tpu.memref_slice %arg6[%dma_start3A_1633] : memref<524288xf32, #tpu.memory_space<vmem_shared>> -> memref<524288xf32, #tpu.memory_space<vmem_shared>>
        tpu.enqueue_indirect_dma source(%dma_start3A_1629 : memref<128xf32, #tpu.memory_space<vmem>>) target(%dma_start3A_1634 : memref<524288xf32, #tpu.memory_space<vmem_shared>>) offsets(%dma_start3A_1632 : memref<128xi32, #tpu.memory_space<vmem>>) semaphore(%run_scoped3A_1626 : memref<!tpu.dma_semaphore, #tpu.memory_space<semaphore_mem>>) {add = true}
        %dma_wait3A_1635 = arith.constant 0 : i32
        %dma_wait3A_1636 = tpu.memref_slice %arg10[%run_scoped3A_1602, %dma_wait3A_1635] : memref<16x128xf32, #tpu.memory_space<vmem>> -> memref<1x128xf32, #tpu.memory_space<vmem>>
        %dma_wait3A_1637 = tpu.memref_squeeze %dma_wait3A_1636 : memref<1x128xf32, #tpu.memory_space<vmem>> -> memref<128xf32, #tpu.memory_space<vmem>>
        %dma_wait3A_1638 = arith.constant 0 : i32
        %dma_wait3A_1639 = tpu.memref_slice %arg9[%run_scoped3A_1603, %dma_wait3A_1638] : memref<16x128xi32, #tpu.memory_space<vmem>> -> memref<1x128xi32, #tpu.memory_space<vmem>>
        %dma_wait3A_1640 = tpu.memref_squeeze %dma_wait3A_1639 : memref<1x128xi32, #tpu.memory_space<vmem>> -> memref<128xi32, #tpu.memory_space<vmem>>
        %dma_wait3A_1641 = arith.constant 0 : i32
        %dma_wait3A_1642 = tpu.memref_slice %arg6[%dma_wait3A_1641] : memref<524288xf32, #tpu.memory_space<vmem_shared>> -> memref<524288xf32, #tpu.memory_space<vmem_shared>>
        tpu.wait_indirect_dma semaphore(%run_scoped3A_1626 : memref<!tpu.dma_semaphore, #tpu.memory_space<semaphore_mem>>) src(%dma_wait3A_1637 : memref<128xf32, #tpu.memory_space<vmem>>) dst(%dma_wait3A_1642 : memref<524288xf32, #tpu.memory_space<vmem_shared>>)
        tpu.yield
      }) : () -> ()
      %run_scoped3A_1604 = arith.constant 5 : i32
      %run_scoped3A_1605 = arith.constant 5 : i32
      "tpu.region"() ({
        %run_scoped3A_1626 = tpu.sem_alloc : memref<!tpu.dma_semaphore, #tpu.memory_space<semaphore_mem>>
        %dma_start3A_1627 = arith.constant 0 : i32
        %dma_start3A_1628 = tpu.memref_slice %arg10[%run_scoped3A_1604, %dma_start3A_1627] : memref<16x128xf32, #tpu.memory_space<vmem>> -> memref<1x128xf32, #tpu.memory_space<vmem>>
        %dma_start3A_1629 = tpu.memref_squeeze %dma_start3A_1628 : memref<1x128xf32, #tpu.memory_space<vmem>> -> memref<128xf32, #tpu.memory_space<vmem>>
        %dma_start3A_1630 = arith.constant 0 : i32
        %dma_start3A_1631 = tpu.memref_slice %arg9[%run_scoped3A_1605, %dma_start3A_1630] : memref<16x128xi32, #tpu.memory_space<vmem>> -> memref<1x128xi32, #tpu.memory_space<vmem>>
        %dma_start3A_1632 = tpu.memref_squeeze %dma_start3A_1631 : memref<1x128xi32, #tpu.memory_space<vmem>> -> memref<128xi32, #tpu.memory_space<vmem>>
        %dma_start3A_1633 = arith.constant 0 : i32
        %dma_start3A_1634 = tpu.memref_slice %arg6[%dma_start3A_1633] : memref<524288xf32, #tpu.memory_space<vmem_shared>> -> memref<524288xf32, #tpu.memory_space<vmem_shared>>
        tpu.enqueue_indirect_dma source(%dma_start3A_1629 : memref<128xf32, #tpu.memory_space<vmem>>) target(%dma_start3A_1634 : memref<524288xf32, #tpu.memory_space<vmem_shared>>) offsets(%dma_start3A_1632 : memref<128xi32, #tpu.memory_space<vmem>>) semaphore(%run_scoped3A_1626 : memref<!tpu.dma_semaphore, #tpu.memory_space<semaphore_mem>>) {add = true}
        %dma_wait3A_1635 = arith.constant 0 : i32
        %dma_wait3A_1636 = tpu.memref_slice %arg10[%run_scoped3A_1604, %dma_wait3A_1635] : memref<16x128xf32, #tpu.memory_space<vmem>> -> memref<1x128xf32, #tpu.memory_space<vmem>>
        %dma_wait3A_1637 = tpu.memref_squeeze %dma_wait3A_1636 : memref<1x128xf32, #tpu.memory_space<vmem>> -> memref<128xf32, #tpu.memory_space<vmem>>
        %dma_wait3A_1638 = arith.constant 0 : i32
        %dma_wait3A_1639 = tpu.memref_slice %arg9[%run_scoped3A_1605, %dma_wait3A_1638] : memref<16x128xi32, #tpu.memory_space<vmem>> -> memref<1x128xi32, #tpu.memory_space<vmem>>
        %dma_wait3A_1640 = tpu.memref_squeeze %dma_wait3A_1639 : memref<1x128xi32, #tpu.memory_space<vmem>> -> memref<128xi32, #tpu.memory_space<vmem>>
        %dma_wait3A_1641 = arith.constant 0 : i32
        %dma_wait3A_1642 = tpu.memref_slice %arg6[%dma_wait3A_1641] : memref<524288xf32, #tpu.memory_space<vmem_shared>> -> memref<524288xf32, #tpu.memory_space<vmem_shared>>
        tpu.wait_indirect_dma semaphore(%run_scoped3A_1626 : memref<!tpu.dma_semaphore, #tpu.memory_space<semaphore_mem>>) src(%dma_wait3A_1637 : memref<128xf32, #tpu.memory_space<vmem>>) dst(%dma_wait3A_1642 : memref<524288xf32, #tpu.memory_space<vmem_shared>>)
        tpu.yield
      }) : () -> ()
      %run_scoped3A_1606 = arith.constant 6 : i32
      %run_scoped3A_1607 = arith.constant 6 : i32
      "tpu.region"() ({
        %run_scoped3A_1626 = tpu.sem_alloc : memref<!tpu.dma_semaphore, #tpu.memory_space<semaphore_mem>>
        %dma_start3A_1627 = arith.constant 0 : i32
        %dma_start3A_1628 = tpu.memref_slice %arg10[%run_scoped3A_1606, %dma_start3A_1627] : memref<16x128xf32, #tpu.memory_space<vmem>> -> memref<1x128xf32, #tpu.memory_space<vmem>>
        %dma_start3A_1629 = tpu.memref_squeeze %dma_start3A_1628 : memref<1x128xf32, #tpu.memory_space<vmem>> -> memref<128xf32, #tpu.memory_space<vmem>>
        %dma_start3A_1630 = arith.constant 0 : i32
        %dma_start3A_1631 = tpu.memref_slice %arg9[%run_scoped3A_1607, %dma_start3A_1630] : memref<16x128xi32, #tpu.memory_space<vmem>> -> memref<1x128xi32, #tpu.memory_space<vmem>>
        %dma_start3A_1632 = tpu.memref_squeeze %dma_start3A_1631 : memref<1x128xi32, #tpu.memory_space<vmem>> -> memref<128xi32, #tpu.memory_space<vmem>>
        %dma_start3A_1633 = arith.constant 0 : i32
        %dma_start3A_1634 = tpu.memref_slice %arg6[%dma_start3A_1633] : memref<524288xf32, #tpu.memory_space<vmem_shared>> -> memref<524288xf32, #tpu.memory_space<vmem_shared>>
        tpu.enqueue_indirect_dma source(%dma_start3A_1629 : memref<128xf32, #tpu.memory_space<vmem>>) target(%dma_start3A_1634 : memref<524288xf32, #tpu.memory_space<vmem_shared>>) offsets(%dma_start3A_1632 : memref<128xi32, #tpu.memory_space<vmem>>) semaphore(%run_scoped3A_1626 : memref<!tpu.dma_semaphore, #tpu.memory_space<semaphore_mem>>) {add = true}
        %dma_wait3A_1635 = arith.constant 0 : i32
        %dma_wait3A_1636 = tpu.memref_slice %arg10[%run_scoped3A_1606, %dma_wait3A_1635] : memref<16x128xf32, #tpu.memory_space<vmem>> -> memref<1x128xf32, #tpu.memory_space<vmem>>
        %dma_wait3A_1637 = tpu.memref_squeeze %dma_wait3A_1636 : memref<1x128xf32, #tpu.memory_space<vmem>> -> memref<128xf32, #tpu.memory_space<vmem>>
        %dma_wait3A_1638 = arith.constant 0 : i32
        %dma_wait3A_1639 = tpu.memref_slice %arg9[%run_scoped3A_1607, %dma_wait3A_1638] : memref<16x128xi32, #tpu.memory_space<vmem>> -> memref<1x128xi32, #tpu.memory_space<vmem>>
        %dma_wait3A_1640 = tpu.memref_squeeze %dma_wait3A_1639 : memref<1x128xi32, #tpu.memory_space<vmem>> -> memref<128xi32, #tpu.memory_space<vmem>>
        %dma_wait3A_1641 = arith.constant 0 : i32
        %dma_wait3A_1642 = tpu.memref_slice %arg6[%dma_wait3A_1641] : memref<524288xf32, #tpu.memory_space<vmem_shared>> -> memref<524288xf32, #tpu.memory_space<vmem_shared>>
        tpu.wait_indirect_dma semaphore(%run_scoped3A_1626 : memref<!tpu.dma_semaphore, #tpu.memory_space<semaphore_mem>>) src(%dma_wait3A_1637 : memref<128xf32, #tpu.memory_space<vmem>>) dst(%dma_wait3A_1642 : memref<524288xf32, #tpu.memory_space<vmem_shared>>)
        tpu.yield
      }) : () -> ()
      %run_scoped3A_1608 = arith.constant 7 : i32
      %run_scoped3A_1609 = arith.constant 7 : i32
      "tpu.region"() ({
        %run_scoped3A_1626 = tpu.sem_alloc : memref<!tpu.dma_semaphore, #tpu.memory_space<semaphore_mem>>
        %dma_start3A_1627 = arith.constant 0 : i32
        %dma_start3A_1628 = tpu.memref_slice %arg10[%run_scoped3A_1608, %dma_start3A_1627] : memref<16x128xf32, #tpu.memory_space<vmem>> -> memref<1x128xf32, #tpu.memory_space<vmem>>
        %dma_start3A_1629 = tpu.memref_squeeze %dma_start3A_1628 : memref<1x128xf32, #tpu.memory_space<vmem>> -> memref<128xf32, #tpu.memory_space<vmem>>
        %dma_start3A_1630 = arith.constant 0 : i32
        %dma_start3A_1631 = tpu.memref_slice %arg9[%run_scoped3A_1609, %dma_start3A_1630] : memref<16x128xi32, #tpu.memory_space<vmem>> -> memref<1x128xi32, #tpu.memory_space<vmem>>
        %dma_start3A_1632 = tpu.memref_squeeze %dma_start3A_1631 : memref<1x128xi32, #tpu.memory_space<vmem>> -> memref<128xi32, #tpu.memory_space<vmem>>
        %dma_start3A_1633 = arith.constant 0 : i32
        %dma_start3A_1634 = tpu.memref_slice %arg6[%dma_start3A_1633] : memref<524288xf32, #tpu.memory_space<vmem_shared>> -> memref<524288xf32, #tpu.memory_space<vmem_shared>>
        tpu.enqueue_indirect_dma source(%dma_start3A_1629 : memref<128xf32, #tpu.memory_space<vmem>>) target(%dma_start3A_1634 : memref<524288xf32, #tpu.memory_space<vmem_shared>>) offsets(%dma_start3A_1632 : memref<128xi32, #tpu.memory_space<vmem>>) semaphore(%run_scoped3A_1626 : memref<!tpu.dma_semaphore, #tpu.memory_space<semaphore_mem>>) {add = true}
        %dma_wait3A_1635 = arith.constant 0 : i32
        %dma_wait3A_1636 = tpu.memref_slice %arg10[%run_scoped3A_1608, %dma_wait3A_1635] : memref<16x128xf32, #tpu.memory_space<vmem>> -> memref<1x128xf32, #tpu.memory_space<vmem>>
        %dma_wait3A_1637 = tpu.memref_squeeze %dma_wait3A_1636 : memref<1x128xf32, #tpu.memory_space<vmem>> -> memref<128xf32, #tpu.memory_space<vmem>>
        %dma_wait3A_1638 = arith.constant 0 : i32
        %dma_wait3A_1639 = tpu.memref_slice %arg9[%run_scoped3A_1609, %dma_wait3A_1638] : memref<16x128xi32, #tpu.memory_space<vmem>> -> memref<1x128xi32, #tpu.memory_space<vmem>>
        %dma_wait3A_1640 = tpu.memref_squeeze %dma_wait3A_1639 : memref<1x128xi32, #tpu.memory_space<vmem>> -> memref<128xi32, #tpu.memory_space<vmem>>
        %dma_wait3A_1641 = arith.constant 0 : i32
        %dma_wait3A_1642 = tpu.memref_slice %arg6[%dma_wait3A_1641] : memref<524288xf32, #tpu.memory_space<vmem_shared>> -> memref<524288xf32, #tpu.memory_space<vmem_shared>>
        tpu.wait_indirect_dma semaphore(%run_scoped3A_1626 : memref<!tpu.dma_semaphore, #tpu.memory_space<semaphore_mem>>) src(%dma_wait3A_1637 : memref<128xf32, #tpu.memory_space<vmem>>) dst(%dma_wait3A_1642 : memref<524288xf32, #tpu.memory_space<vmem_shared>>)
        tpu.yield
      }) : () -> ()
      %run_scoped3A_1610 = arith.constant 8 : i32
      %run_scoped3A_1611 = arith.constant 8 : i32
      "tpu.region"() ({
        %run_scoped3A_1626 = tpu.sem_alloc : memref<!tpu.dma_semaphore, #tpu.memory_space<semaphore_mem>>
        %dma_start3A_1627 = arith.constant 0 : i32
        %dma_start3A_1628 = tpu.memref_slice %arg10[%run_scoped3A_1610, %dma_start3A_1627] : memref<16x128xf32, #tpu.memory_space<vmem>> -> memref<1x128xf32, #tpu.memory_space<vmem>>
        %dma_start3A_1629 = tpu.memref_squeeze %dma_start3A_1628 : memref<1x128xf32, #tpu.memory_space<vmem>> -> memref<128xf32, #tpu.memory_space<vmem>>
        %dma_start3A_1630 = arith.constant 0 : i32
        %dma_start3A_1631 = tpu.memref_slice %arg9[%run_scoped3A_1611, %dma_start3A_1630] : memref<16x128xi32, #tpu.memory_space<vmem>> -> memref<1x128xi32, #tpu.memory_space<vmem>>
        %dma_start3A_1632 = tpu.memref_squeeze %dma_start3A_1631 : memref<1x128xi32, #tpu.memory_space<vmem>> -> memref<128xi32, #tpu.memory_space<vmem>>
        %dma_start3A_1633 = arith.constant 0 : i32
        %dma_start3A_1634 = tpu.memref_slice %arg6[%dma_start3A_1633] : memref<524288xf32, #tpu.memory_space<vmem_shared>> -> memref<524288xf32, #tpu.memory_space<vmem_shared>>
        tpu.enqueue_indirect_dma source(%dma_start3A_1629 : memref<128xf32, #tpu.memory_space<vmem>>) target(%dma_start3A_1634 : memref<524288xf32, #tpu.memory_space<vmem_shared>>) offsets(%dma_start3A_1632 : memref<128xi32, #tpu.memory_space<vmem>>) semaphore(%run_scoped3A_1626 : memref<!tpu.dma_semaphore, #tpu.memory_space<semaphore_mem>>) {add = true}
        %dma_wait3A_1635 = arith.constant 0 : i32
        %dma_wait3A_1636 = tpu.memref_slice %arg10[%run_scoped3A_1610, %dma_wait3A_1635] : memref<16x128xf32, #tpu.memory_space<vmem>> -> memref<1x128xf32, #tpu.memory_space<vmem>>
        %dma_wait3A_1637 = tpu.memref_squeeze %dma_wait3A_1636 : memref<1x128xf32, #tpu.memory_space<vmem>> -> memref<128xf32, #tpu.memory_space<vmem>>
        %dma_wait3A_1638 = arith.constant 0 : i32
        %dma_wait3A_1639 = tpu.memref_slice %arg9[%run_scoped3A_1611, %dma_wait3A_1638] : memref<16x128xi32, #tpu.memory_space<vmem>> -> memref<1x128xi32, #tpu.memory_space<vmem>>
        %dma_wait3A_1640 = tpu.memref_squeeze %dma_wait3A_1639 : memref<1x128xi32, #tpu.memory_space<vmem>> -> memref<128xi32, #tpu.memory_space<vmem>>
        %dma_wait3A_1641 = arith.constant 0 : i32
        %dma_wait3A_1642 = tpu.memref_slice %arg6[%dma_wait3A_1641] : memref<524288xf32, #tpu.memory_space<vmem_shared>> -> memref<524288xf32, #tpu.memory_space<vmem_shared>>
        tpu.wait_indirect_dma semaphore(%run_scoped3A_1626 : memref<!tpu.dma_semaphore, #tpu.memory_space<semaphore_mem>>) src(%dma_wait3A_1637 : memref<128xf32, #tpu.memory_space<vmem>>) dst(%dma_wait3A_1642 : memref<524288xf32, #tpu.memory_space<vmem_shared>>)
        tpu.yield
      }) : () -> ()
      %run_scoped3A_1612 = arith.constant 9 : i32
      %run_scoped3A_1613 = arith.constant 9 : i32
      "tpu.region"() ({
        %run_scoped3A_1626 = tpu.sem_alloc : memref<!tpu.dma_semaphore, #tpu.memory_space<semaphore_mem>>
        %dma_start3A_1627 = arith.constant 0 : i32
        %dma_start3A_1628 = tpu.memref_slice %arg10[%run_scoped3A_1612, %dma_start3A_1627] : memref<16x128xf32, #tpu.memory_space<vmem>> -> memref<1x128xf32, #tpu.memory_space<vmem>>
        %dma_start3A_1629 = tpu.memref_squeeze %dma_start3A_1628 : memref<1x128xf32, #tpu.memory_space<vmem>> -> memref<128xf32, #tpu.memory_space<vmem>>
        %dma_start3A_1630 = arith.constant 0 : i32
        %dma_start3A_1631 = tpu.memref_slice %arg9[%run_scoped3A_1613, %dma_start3A_1630] : memref<16x128xi32, #tpu.memory_space<vmem>> -> memref<1x128xi32, #tpu.memory_space<vmem>>
        %dma_start3A_1632 = tpu.memref_squeeze %dma_start3A_1631 : memref<1x128xi32, #tpu.memory_space<vmem>> -> memref<128xi32, #tpu.memory_space<vmem>>
        %dma_start3A_1633 = arith.constant 0 : i32
        %dma_start3A_1634 = tpu.memref_slice %arg6[%dma_start3A_1633] : memref<524288xf32, #tpu.memory_space<vmem_shared>> -> memref<524288xf32, #tpu.memory_space<vmem_shared>>
        tpu.enqueue_indirect_dma source(%dma_start3A_1629 : memref<128xf32, #tpu.memory_space<vmem>>) target(%dma_start3A_1634 : memref<524288xf32, #tpu.memory_space<vmem_shared>>) offsets(%dma_start3A_1632 : memref<128xi32, #tpu.memory_space<vmem>>) semaphore(%run_scoped3A_1626 : memref<!tpu.dma_semaphore, #tpu.memory_space<semaphore_mem>>) {add = true}
        %dma_wait3A_1635 = arith.constant 0 : i32
        %dma_wait3A_1636 = tpu.memref_slice %arg10[%run_scoped3A_1612, %dma_wait3A_1635] : memref<16x128xf32, #tpu.memory_space<vmem>> -> memref<1x128xf32, #tpu.memory_space<vmem>>
        %dma_wait3A_1637 = tpu.memref_squeeze %dma_wait3A_1636 : memref<1x128xf32, #tpu.memory_space<vmem>> -> memref<128xf32, #tpu.memory_space<vmem>>
        %dma_wait3A_1638 = arith.constant 0 : i32
        %dma_wait3A_1639 = tpu.memref_slice %arg9[%run_scoped3A_1613, %dma_wait3A_1638] : memref<16x128xi32, #tpu.memory_space<vmem>> -> memref<1x128xi32, #tpu.memory_space<vmem>>
        %dma_wait3A_1640 = tpu.memref_squeeze %dma_wait3A_1639 : memref<1x128xi32, #tpu.memory_space<vmem>> -> memref<128xi32, #tpu.memory_space<vmem>>
        %dma_wait3A_1641 = arith.constant 0 : i32
        %dma_wait3A_1642 = tpu.memref_slice %arg6[%dma_wait3A_1641] : memref<524288xf32, #tpu.memory_space<vmem_shared>> -> memref<524288xf32, #tpu.memory_space<vmem_shared>>
        tpu.wait_indirect_dma semaphore(%run_scoped3A_1626 : memref<!tpu.dma_semaphore, #tpu.memory_space<semaphore_mem>>) src(%dma_wait3A_1637 : memref<128xf32, #tpu.memory_space<vmem>>) dst(%dma_wait3A_1642 : memref<524288xf32, #tpu.memory_space<vmem_shared>>)
        tpu.yield
      }) : () -> ()
      %run_scoped3A_1614 = arith.constant 10 : i32
      %run_scoped3A_1615 = arith.constant 10 : i32
      "tpu.region"() ({
        %run_scoped3A_1626 = tpu.sem_alloc : memref<!tpu.dma_semaphore, #tpu.memory_space<semaphore_mem>>
        %dma_start3A_1627 = arith.constant 0 : i32
        %dma_start3A_1628 = tpu.memref_slice %arg10[%run_scoped3A_1614, %dma_start3A_1627] : memref<16x128xf32, #tpu.memory_space<vmem>> -> memref<1x128xf32, #tpu.memory_space<vmem>>
        %dma_start3A_1629 = tpu.memref_squeeze %dma_start3A_1628 : memref<1x128xf32, #tpu.memory_space<vmem>> -> memref<128xf32, #tpu.memory_space<vmem>>
        %dma_start3A_1630 = arith.constant 0 : i32
        %dma_start3A_1631 = tpu.memref_slice %arg9[%run_scoped3A_1615, %dma_start3A_1630] : memref<16x128xi32, #tpu.memory_space<vmem>> -> memref<1x128xi32, #tpu.memory_space<vmem>>
        %dma_start3A_1632 = tpu.memref_squeeze %dma_start3A_1631 : memref<1x128xi32, #tpu.memory_space<vmem>> -> memref<128xi32, #tpu.memory_space<vmem>>
        %dma_start3A_1633 = arith.constant 0 : i32
        %dma_start3A_1634 = tpu.memref_slice %arg6[%dma_start3A_1633] : memref<524288xf32, #tpu.memory_space<vmem_shared>> -> memref<524288xf32, #tpu.memory_space<vmem_shared>>
        tpu.enqueue_indirect_dma source(%dma_start3A_1629 : memref<128xf32, #tpu.memory_space<vmem>>) target(%dma_start3A_1634 : memref<524288xf32, #tpu.memory_space<vmem_shared>>) offsets(%dma_start3A_1632 : memref<128xi32, #tpu.memory_space<vmem>>) semaphore(%run_scoped3A_1626 : memref<!tpu.dma_semaphore, #tpu.memory_space<semaphore_mem>>) {add = true}
        %dma_wait3A_1635 = arith.constant 0 : i32
        %dma_wait3A_1636 = tpu.memref_slice %arg10[%run_scoped3A_1614, %dma_wait3A_1635] : memref<16x128xf32, #tpu.memory_space<vmem>> -> memref<1x128xf32, #tpu.memory_space<vmem>>
        %dma_wait3A_1637 = tpu.memref_squeeze %dma_wait3A_1636 : memref<1x128xf32, #tpu.memory_space<vmem>> -> memref<128xf32, #tpu.memory_space<vmem>>
        %dma_wait3A_1638 = arith.constant 0 : i32
        %dma_wait3A_1639 = tpu.memref_slice %arg9[%run_scoped3A_1615, %dma_wait3A_1638] : memref<16x128xi32, #tpu.memory_space<vmem>> -> memref<1x128xi32, #tpu.memory_space<vmem>>
        %dma_wait3A_1640 = tpu.memref_squeeze %dma_wait3A_1639 : memref<1x128xi32, #tpu.memory_space<vmem>> -> memref<128xi32, #tpu.memory_space<vmem>>
        %dma_wait3A_1641 = arith.constant 0 : i32
        %dma_wait3A_1642 = tpu.memref_slice %arg6[%dma_wait3A_1641] : memref<524288xf32, #tpu.memory_space<vmem_shared>> -> memref<524288xf32, #tpu.memory_space<vmem_shared>>
        tpu.wait_indirect_dma semaphore(%run_scoped3A_1626 : memref<!tpu.dma_semaphore, #tpu.memory_space<semaphore_mem>>) src(%dma_wait3A_1637 : memref<128xf32, #tpu.memory_space<vmem>>) dst(%dma_wait3A_1642 : memref<524288xf32, #tpu.memory_space<vmem_shared>>)
        tpu.yield
      }) : () -> ()
      %run_scoped3A_1616 = arith.constant 11 : i32
      %run_scoped3A_1617 = arith.constant 11 : i32
      "tpu.region"() ({
        %run_scoped3A_1626 = tpu.sem_alloc : memref<!tpu.dma_semaphore, #tpu.memory_space<semaphore_mem>>
        %dma_start3A_1627 = arith.constant 0 : i32
        %dma_start3A_1628 = tpu.memref_slice %arg10[%run_scoped3A_1616, %dma_start3A_1627] : memref<16x128xf32, #tpu.memory_space<vmem>> -> memref<1x128xf32, #tpu.memory_space<vmem>>
        %dma_start3A_1629 = tpu.memref_squeeze %dma_start3A_1628 : memref<1x128xf32, #tpu.memory_space<vmem>> -> memref<128xf32, #tpu.memory_space<vmem>>
        %dma_start3A_1630 = arith.constant 0 : i32
        %dma_start3A_1631 = tpu.memref_slice %arg9[%run_scoped3A_1617, %dma_start3A_1630] : memref<16x128xi32, #tpu.memory_space<vmem>> -> memref<1x128xi32, #tpu.memory_space<vmem>>
        %dma_start3A_1632 = tpu.memref_squeeze %dma_start3A_1631 : memref<1x128xi32, #tpu.memory_space<vmem>> -> memref<128xi32, #tpu.memory_space<vmem>>
        %dma_start3A_1633 = arith.constant 0 : i32
        %dma_start3A_1634 = tpu.memref_slice %arg6[%dma_start3A_1633] : memref<524288xf32, #tpu.memory_space<vmem_shared>> -> memref<524288xf32, #tpu.memory_space<vmem_shared>>
        tpu.enqueue_indirect_dma source(%dma_start3A_1629 : memref<128xf32, #tpu.memory_space<vmem>>) target(%dma_start3A_1634 : memref<524288xf32, #tpu.memory_space<vmem_shared>>) offsets(%dma_start3A_1632 : memref<128xi32, #tpu.memory_space<vmem>>) semaphore(%run_scoped3A_1626 : memref<!tpu.dma_semaphore, #tpu.memory_space<semaphore_mem>>) {add = true}
        %dma_wait3A_1635 = arith.constant 0 : i32
        %dma_wait3A_1636 = tpu.memref_slice %arg10[%run_scoped3A_1616, %dma_wait3A_1635] : memref<16x128xf32, #tpu.memory_space<vmem>> -> memref<1x128xf32, #tpu.memory_space<vmem>>
        %dma_wait3A_1637 = tpu.memref_squeeze %dma_wait3A_1636 : memref<1x128xf32, #tpu.memory_space<vmem>> -> memref<128xf32, #tpu.memory_space<vmem>>
        %dma_wait3A_1638 = arith.constant 0 : i32
        %dma_wait3A_1639 = tpu.memref_slice %arg9[%run_scoped3A_1617, %dma_wait3A_1638] : memref<16x128xi32, #tpu.memory_space<vmem>> -> memref<1x128xi32, #tpu.memory_space<vmem>>
        %dma_wait3A_1640 = tpu.memref_squeeze %dma_wait3A_1639 : memref<1x128xi32, #tpu.memory_space<vmem>> -> memref<128xi32, #tpu.memory_space<vmem>>
        %dma_wait3A_1641 = arith.constant 0 : i32
        %dma_wait3A_1642 = tpu.memref_slice %arg6[%dma_wait3A_1641] : memref<524288xf32, #tpu.memory_space<vmem_shared>> -> memref<524288xf32, #tpu.memory_space<vmem_shared>>
        tpu.wait_indirect_dma semaphore(%run_scoped3A_1626 : memref<!tpu.dma_semaphore, #tpu.memory_space<semaphore_mem>>) src(%dma_wait3A_1637 : memref<128xf32, #tpu.memory_space<vmem>>) dst(%dma_wait3A_1642 : memref<524288xf32, #tpu.memory_space<vmem_shared>>)
        tpu.yield
      }) : () -> ()
      %run_scoped3A_1618 = arith.constant 12 : i32
      %run_scoped3A_1619 = arith.constant 12 : i32
      "tpu.region"() ({
        %run_scoped3A_1626 = tpu.sem_alloc : memref<!tpu.dma_semaphore, #tpu.memory_space<semaphore_mem>>
        %dma_start3A_1627 = arith.constant 0 : i32
        %dma_start3A_1628 = tpu.memref_slice %arg10[%run_scoped3A_1618, %dma_start3A_1627] : memref<16x128xf32, #tpu.memory_space<vmem>> -> memref<1x128xf32, #tpu.memory_space<vmem>>
        %dma_start3A_1629 = tpu.memref_squeeze %dma_start3A_1628 : memref<1x128xf32, #tpu.memory_space<vmem>> -> memref<128xf32, #tpu.memory_space<vmem>>
        %dma_start3A_1630 = arith.constant 0 : i32
        %dma_start3A_1631 = tpu.memref_slice %arg9[%run_scoped3A_1619, %dma_start3A_1630] : memref<16x128xi32, #tpu.memory_space<vmem>> -> memref<1x128xi32, #tpu.memory_space<vmem>>
        %dma_start3A_1632 = tpu.memref_squeeze %dma_start3A_1631 : memref<1x128xi32, #tpu.memory_space<vmem>> -> memref<128xi32, #tpu.memory_space<vmem>>
        %dma_start3A_1633 = arith.constant 0 : i32
        %dma_start3A_1634 = tpu.memref_slice %arg6[%dma_start3A_1633] : memref<524288xf32, #tpu.memory_space<vmem_shared>> -> memref<524288xf32, #tpu.memory_space<vmem_shared>>
        tpu.enqueue_indirect_dma source(%dma_start3A_1629 : memref<128xf32, #tpu.memory_space<vmem>>) target(%dma_start3A_1634 : memref<524288xf32, #tpu.memory_space<vmem_shared>>) offsets(%dma_start3A_1632 : memref<128xi32, #tpu.memory_space<vmem>>) semaphore(%run_scoped3A_1626 : memref<!tpu.dma_semaphore, #tpu.memory_space<semaphore_mem>>) {add = true}
        %dma_wait3A_1635 = arith.constant 0 : i32
        %dma_wait3A_1636 = tpu.memref_slice %arg10[%run_scoped3A_1618, %dma_wait3A_1635] : memref<16x128xf32, #tpu.memory_space<vmem>> -> memref<1x128xf32, #tpu.memory_space<vmem>>
        %dma_wait3A_1637 = tpu.memref_squeeze %dma_wait3A_1636 : memref<1x128xf32, #tpu.memory_space<vmem>> -> memref<128xf32, #tpu.memory_space<vmem>>
        %dma_wait3A_1638 = arith.constant 0 : i32
        %dma_wait3A_1639 = tpu.memref_slice %arg9[%run_scoped3A_1619, %dma_wait3A_1638] : memref<16x128xi32, #tpu.memory_space<vmem>> -> memref<1x128xi32, #tpu.memory_space<vmem>>
        %dma_wait3A_1640 = tpu.memref_squeeze %dma_wait3A_1639 : memref<1x128xi32, #tpu.memory_space<vmem>> -> memref<128xi32, #tpu.memory_space<vmem>>
        %dma_wait3A_1641 = arith.constant 0 : i32
        %dma_wait3A_1642 = tpu.memref_slice %arg6[%dma_wait3A_1641] : memref<524288xf32, #tpu.memory_space<vmem_shared>> -> memref<524288xf32, #tpu.memory_space<vmem_shared>>
        tpu.wait_indirect_dma semaphore(%run_scoped3A_1626 : memref<!tpu.dma_semaphore, #tpu.memory_space<semaphore_mem>>) src(%dma_wait3A_1637 : memref<128xf32, #tpu.memory_space<vmem>>) dst(%dma_wait3A_1642 : memref<524288xf32, #tpu.memory_space<vmem_shared>>)
        tpu.yield
      }) : () -> ()
      %run_scoped3A_1620 = arith.constant 13 : i32
      %run_scoped3A_1621 = arith.constant 13 : i32
      "tpu.region"() ({
        %run_scoped3A_1626 = tpu.sem_alloc : memref<!tpu.dma_semaphore, #tpu.memory_space<semaphore_mem>>
        %dma_start3A_1627 = arith.constant 0 : i32
        %dma_start3A_1628 = tpu.memref_slice %arg10[%run_scoped3A_1620, %dma_start3A_1627] : memref<16x128xf32, #tpu.memory_space<vmem>> -> memref<1x128xf32, #tpu.memory_space<vmem>>
        %dma_start3A_1629 = tpu.memref_squeeze %dma_start3A_1628 : memref<1x128xf32, #tpu.memory_space<vmem>> -> memref<128xf32, #tpu.memory_space<vmem>>
        %dma_start3A_1630 = arith.constant 0 : i32
        %dma_start3A_1631 = tpu.memref_slice %arg9[%run_scoped3A_1621, %dma_start3A_1630] : memref<16x128xi32, #tpu.memory_space<vmem>> -> memref<1x128xi32, #tpu.memory_space<vmem>>
        %dma_start3A_1632 = tpu.memref_squeeze %dma_start3A_1631 : memref<1x128xi32, #tpu.memory_space<vmem>> -> memref<128xi32, #tpu.memory_space<vmem>>
        %dma_start3A_1633 = arith.constant 0 : i32
        %dma_start3A_1634 = tpu.memref_slice %arg6[%dma_start3A_1633] : memref<524288xf32, #tpu.memory_space<vmem_shared>> -> memref<524288xf32, #tpu.memory_space<vmem_shared>>
        tpu.enqueue_indirect_dma source(%dma_start3A_1629 : memref<128xf32, #tpu.memory_space<vmem>>) target(%dma_start3A_1634 : memref<524288xf32, #tpu.memory_space<vmem_shared>>) offsets(%dma_start3A_1632 : memref<128xi32, #tpu.memory_space<vmem>>) semaphore(%run_scoped3A_1626 : memref<!tpu.dma_semaphore, #tpu.memory_space<semaphore_mem>>) {add = true}
        %dma_wait3A_1635 = arith.constant 0 : i32
        %dma_wait3A_1636 = tpu.memref_slice %arg10[%run_scoped3A_1620, %dma_wait3A_1635] : memref<16x128xf32, #tpu.memory_space<vmem>> -> memref<1x128xf32, #tpu.memory_space<vmem>>
        %dma_wait3A_1637 = tpu.memref_squeeze %dma_wait3A_1636 : memref<1x128xf32, #tpu.memory_space<vmem>> -> memref<128xf32, #tpu.memory_space<vmem>>
        %dma_wait3A_1638 = arith.constant 0 : i32
        %dma_wait3A_1639 = tpu.memref_slice %arg9[%run_scoped3A_1621, %dma_wait3A_1638] : memref<16x128xi32, #tpu.memory_space<vmem>> -> memref<1x128xi32, #tpu.memory_space<vmem>>
        %dma_wait3A_1640 = tpu.memref_squeeze %dma_wait3A_1639 : memref<1x128xi32, #tpu.memory_space<vmem>> -> memref<128xi32, #tpu.memory_space<vmem>>
        %dma_wait3A_1641 = arith.constant 0 : i32
        %dma_wait3A_1642 = tpu.memref_slice %arg6[%dma_wait3A_1641] : memref<524288xf32, #tpu.memory_space<vmem_shared>> -> memref<524288xf32, #tpu.memory_space<vmem_shared>>
        tpu.wait_indirect_dma semaphore(%run_scoped3A_1626 : memref<!tpu.dma_semaphore, #tpu.memory_space<semaphore_mem>>) src(%dma_wait3A_1637 : memref<128xf32, #tpu.memory_space<vmem>>) dst(%dma_wait3A_1642 : memref<524288xf32, #tpu.memory_space<vmem_shared>>)
        tpu.yield
      }) : () -> ()
      %run_scoped3A_1622 = arith.constant 14 : i32
      %run_scoped3A_1623 = arith.constant 14 : i32
      "tpu.region"() ({
        %run_scoped3A_1626 = tpu.sem_alloc : memref<!tpu.dma_semaphore, #tpu.memory_space<semaphore_mem>>
        %dma_start3A_1627 = arith.constant 0 : i32
        %dma_start3A_1628 = tpu.memref_slice %arg10[%run_scoped3A_1622, %dma_start3A_1627] : memref<16x128xf32, #tpu.memory_space<vmem>> -> memref<1x128xf32, #tpu.memory_space<vmem>>
        %dma_start3A_1629 = tpu.memref_squeeze %dma_start3A_1628 : memref<1x128xf32, #tpu.memory_space<vmem>> -> memref<128xf32, #tpu.memory_space<vmem>>
        %dma_start3A_1630 = arith.constant 0 : i32
        %dma_start3A_1631 = tpu.memref_slice %arg9[%run_scoped3A_1623, %dma_start3A_1630] : memref<16x128xi32, #tpu.memory_space<vmem>> -> memref<1x128xi32, #tpu.memory_space<vmem>>
        %dma_start3A_1632 = tpu.memref_squeeze %dma_start3A_1631 : memref<1x128xi32, #tpu.memory_space<vmem>> -> memref<128xi32, #tpu.memory_space<vmem>>
        %dma_start3A_1633 = arith.constant 0 : i32
        %dma_start3A_1634 = tpu.memref_slice %arg6[%dma_start3A_1633] : memref<524288xf32, #tpu.memory_space<vmem_shared>> -> memref<524288xf32, #tpu.memory_space<vmem_shared>>
        tpu.enqueue_indirect_dma source(%dma_start3A_1629 : memref<128xf32, #tpu.memory_space<vmem>>) target(%dma_start3A_1634 : memref<524288xf32, #tpu.memory_space<vmem_shared>>) offsets(%dma_start3A_1632 : memref<128xi32, #tpu.memory_space<vmem>>) semaphore(%run_scoped3A_1626 : memref<!tpu.dma_semaphore, #tpu.memory_space<semaphore_mem>>) {add = true}
        %dma_wait3A_1635 = arith.constant 0 : i32
        %dma_wait3A_1636 = tpu.memref_slice %arg10[%run_scoped3A_1622, %dma_wait3A_1635] : memref<16x128xf32, #tpu.memory_space<vmem>> -> memref<1x128xf32, #tpu.memory_space<vmem>>
        %dma_wait3A_1637 = tpu.memref_squeeze %dma_wait3A_1636 : memref<1x128xf32, #tpu.memory_space<vmem>> -> memref<128xf32, #tpu.memory_space<vmem>>
        %dma_wait3A_1638 = arith.constant 0 : i32
        %dma_wait3A_1639 = tpu.memref_slice %arg9[%run_scoped3A_1623, %dma_wait3A_1638] : memref<16x128xi32, #tpu.memory_space<vmem>> -> memref<1x128xi32, #tpu.memory_space<vmem>>
        %dma_wait3A_1640 = tpu.memref_squeeze %dma_wait3A_1639 : memref<1x128xi32, #tpu.memory_space<vmem>> -> memref<128xi32, #tpu.memory_space<vmem>>
        %dma_wait3A_1641 = arith.constant 0 : i32
        %dma_wait3A_1642 = tpu.memref_slice %arg6[%dma_wait3A_1641] : memref<524288xf32, #tpu.memory_space<vmem_shared>> -> memref<524288xf32, #tpu.memory_space<vmem_shared>>
        tpu.wait_indirect_dma semaphore(%run_scoped3A_1626 : memref<!tpu.dma_semaphore, #tpu.memory_space<semaphore_mem>>) src(%dma_wait3A_1637 : memref<128xf32, #tpu.memory_space<vmem>>) dst(%dma_wait3A_1642 : memref<524288xf32, #tpu.memory_space<vmem_shared>>)
        tpu.yield
      }) : () -> ()
      %run_scoped3A_1624 = arith.constant 15 : i32
      %run_scoped3A_1625 = arith.constant 15 : i32
      "tpu.region"() ({
        %run_scoped3A_1626 = tpu.sem_alloc : memref<!tpu.dma_semaphore, #tpu.memory_space<semaphore_mem>>
        %dma_start3A_1627 = arith.constant 0 : i32
        %dma_start3A_1628 = tpu.memref_slice %arg10[%run_scoped3A_1624, %dma_start3A_1627] : memref<16x128xf32, #tpu.memory_space<vmem>> -> memref<1x128xf32, #tpu.memory_space<vmem>>
        %dma_start3A_1629 = tpu.memref_squeeze %dma_start3A_1628 : memref<1x128xf32, #tpu.memory_space<vmem>> -> memref<128xf32, #tpu.memory_space<vmem>>
        %dma_start3A_1630 = arith.constant 0 : i32
        %dma_start3A_1631 = tpu.memref_slice %arg9[%run_scoped3A_1625, %dma_start3A_1630] : memref<16x128xi32, #tpu.memory_space<vmem>> -> memref<1x128xi32, #tpu.memory_space<vmem>>
        %dma_start3A_1632 = tpu.memref_squeeze %dma_start3A_1631 : memref<1x128xi32, #tpu.memory_space<vmem>> -> memref<128xi32, #tpu.memory_space<vmem>>
        %dma_start3A_1633 = arith.constant 0 : i32
        %dma_start3A_1634 = tpu.memref_slice %arg6[%dma_start3A_1633] : memref<524288xf32, #tpu.memory_space<vmem_shared>> -> memref<524288xf32, #tpu.memory_space<vmem_shared>>
        tpu.enqueue_indirect_dma source(%dma_start3A_1629 : memref<128xf32, #tpu.memory_space<vmem>>) target(%dma_start3A_1634 : memref<524288xf32, #tpu.memory_space<vmem_shared>>) offsets(%dma_start3A_1632 : memref<128xi32, #tpu.memory_space<vmem>>) semaphore(%run_scoped3A_1626 : memref<!tpu.dma_semaphore, #tpu.memory_space<semaphore_mem>>) {add = true}
        %dma_wait3A_1635 = arith.constant 0 : i32
        %dma_wait3A_1636 = tpu.memref_slice %arg10[%run_scoped3A_1624, %dma_wait3A_1635] : memref<16x128xf32, #tpu.memory_space<vmem>> -> memref<1x128xf32, #tpu.memory_space<vmem>>
        %dma_wait3A_1637 = tpu.memref_squeeze %dma_wait3A_1636 : memref<1x128xf32, #tpu.memory_space<vmem>> -> memref<128xf32, #tpu.memory_space<vmem>>
        %dma_wait3A_1638 = arith.constant 0 : i32
        %dma_wait3A_1639 = tpu.memref_slice %arg9[%run_scoped3A_1625, %dma_wait3A_1638] : memref<16x128xi32, #tpu.memory_space<vmem>> -> memref<1x128xi32, #tpu.memory_space<vmem>>
        %dma_wait3A_1640 = tpu.memref_squeeze %dma_wait3A_1639 : memref<1x128xi32, #tpu.memory_space<vmem>> -> memref<128xi32, #tpu.memory_space<vmem>>
        %dma_wait3A_1641 = arith.constant 0 : i32
        %dma_wait3A_1642 = tpu.memref_slice %arg6[%dma_wait3A_1641] : memref<524288xf32, #tpu.memory_space<vmem_shared>> -> memref<524288xf32, #tpu.memory_space<vmem_shared>>
        tpu.wait_indirect_dma semaphore(%run_scoped3A_1626 : memref<!tpu.dma_semaphore, #tpu.memory_space<semaphore_mem>>) src(%dma_wait3A_1637 : memref<128xf32, #tpu.memory_space<vmem>>) dst(%dma_wait3A_1642 : memref<524288xf32, #tpu.memory_space<vmem_shared>>)
        tpu.yield
      }) : () -> ()
    }
    %scan3A_305 = arith.constant 61 : i32
    %lt3A_306 = arith.constant 18 : i32
    %lt3A_307 = arith.cmpi slt, %add3A, %lt3A_306 : i32
    %convert_element_type3A = arith.extui %lt3A_307 : i1 to i32
    %cond3A = arith.constant 0 : i32
    %cond3A_308 = arith.cmpi ne, %convert_element_type3A, %cond3A : i32
    scf.if %cond3A_308 {
      %add3A_310 = arith.constant 976 : i32
      %add3A_311 = arith.addi %select_n3A, %add3A_310 : i32
      %mul3A_312 = arith.constant 64 : i32
      %mul3A_313 = arith.muli %add3A_311, %mul3A_312 : i32
      %multiple_of3A = tpu.assume_multiple %mul3A_313, 64 : i32
      %mul3A_314 = arith.constant 2 : i32
      %mul3A_315 = arith.muli %multiple_of3A, %mul3A_314 : i32
      "tpu.region"() ({
        %run_scoped3A_394 = tpu.sem_alloc : memref<!tpu.dma_semaphore, #tpu.memory_space<semaphore_mem>>
        %dma_start3A_395 = arith.constant 0 : i32
        %dma_start3A_396 = tpu.memref_slice %arg7[%dma_start3A_395] : memref<2048xi32, #tpu.memory_space<vmem>> -> memref<128xi32, #tpu.memory_space<vmem>>
        %dma_start3A_397 = tpu.memref_slice %arg3[%mul3A_315] : memref<4000000xi32, #tpu.memory_space<hbm>> -> memref<128xi32, #tpu.memory_space<hbm>>
        %dma_start3A_398 = arith.constant 0 : i32
        %dma_start3A_399 = tpu.memref_slice %arg7[%dma_start3A_398] : memref<2048xi32, #tpu.memory_space<vmem>> -> memref<128xi32, #tpu.memory_space<vmem>>
        %dma_start3A_400 = tpu.memref_slice %arg3[%mul3A_315] : memref<4000000xi32, #tpu.memory_space<hbm>> -> memref<128xi32, #tpu.memory_space<hbm>>
        tpu.enqueue_dma source(%dma_start3A_400 : memref<128xi32, #tpu.memory_space<hbm>>) target(%dma_start3A_399 : memref<128xi32, #tpu.memory_space<vmem>>) target_semaphore(%run_scoped3A_394 : memref<!tpu.dma_semaphore, #tpu.memory_space<semaphore_mem>>)
        %dma_wait3A_401 = arith.constant 0 : i32
        %dma_wait3A_402 = tpu.memref_slice %arg7[%dma_wait3A_401] : memref<2048xi32, #tpu.memory_space<vmem>> -> memref<128xi32, #tpu.memory_space<vmem>>
        %dma_wait3A_403 = tpu.memref_slice %arg3[%mul3A_315] : memref<4000000xi32, #tpu.memory_space<hbm>> -> memref<128xi32, #tpu.memory_space<hbm>>
        %dma_wait3A_404 = arith.constant 0 : i32
        %dma_wait3A_405 = tpu.memref_slice %arg7[%dma_wait3A_404] : memref<2048xi32, #tpu.memory_space<vmem>> -> memref<128xi32, #tpu.memory_space<vmem>>
        %dma_wait3A_406 = tpu.memref_slice %arg3[%mul3A_315] : memref<4000000xi32, #tpu.memory_space<hbm>> -> memref<128xi32, #tpu.memory_space<hbm>>
        tpu.wait_dma2 semaphore(%run_scoped3A_394 : memref<!tpu.dma_semaphore, #tpu.memory_space<semaphore_mem>>) src(%dma_wait3A_406 : memref<128xi32, #tpu.memory_space<hbm>>) dst(%dma_wait3A_405 : memref<128xi32, #tpu.memory_space<vmem>>)
        tpu.yield
      }) : () -> ()
      "tpu.region"() ({
        %run_scoped3A_394 = tpu.sem_alloc : memref<!tpu.dma_semaphore, #tpu.memory_space<semaphore_mem>>
        %dma_start3A_395 = arith.constant 0 : i32
        %dma_start3A_396 = tpu.memref_slice %arg8[%dma_start3A_395] : memref<1024xf32, #tpu.memory_space<vmem>> -> memref<64xf32, #tpu.memory_space<vmem>>
        %dma_start3A_397 = tpu.memref_slice %arg2[%multiple_of3A] : memref<2000000xf32, #tpu.memory_space<hbm>> -> memref<64xf32, #tpu.memory_space<hbm>>
        %dma_start3A_398 = arith.constant 0 : i32
        %dma_start3A_399 = tpu.memref_slice %arg8[%dma_start3A_398] : memref<1024xf32, #tpu.memory_space<vmem>> -> memref<64xf32, #tpu.memory_space<vmem>>
        %dma_start3A_400 = tpu.memref_slice %arg2[%multiple_of3A] : memref<2000000xf32, #tpu.memory_space<hbm>> -> memref<64xf32, #tpu.memory_space<hbm>>
        tpu.enqueue_dma source(%dma_start3A_400 : memref<64xf32, #tpu.memory_space<hbm>>) target(%dma_start3A_399 : memref<64xf32, #tpu.memory_space<vmem>>) target_semaphore(%run_scoped3A_394 : memref<!tpu.dma_semaphore, #tpu.memory_space<semaphore_mem>>)
        %dma_wait3A_401 = arith.constant 0 : i32
        %dma_wait3A_402 = tpu.memref_slice %arg8[%dma_wait3A_401] : memref<1024xf32, #tpu.memory_space<vmem>> -> memref<64xf32, #tpu.memory_space<vmem>>
        %dma_wait3A_403 = tpu.memref_slice %arg2[%multiple_of3A] : memref<2000000xf32, #tpu.memory_space<hbm>> -> memref<64xf32, #tpu.memory_space<hbm>>
        %dma_wait3A_404 = arith.constant 0 : i32
        %dma_wait3A_405 = tpu.memref_slice %arg8[%dma_wait3A_404] : memref<1024xf32, #tpu.memory_space<vmem>> -> memref<64xf32, #tpu.memory_space<vmem>>
        %dma_wait3A_406 = tpu.memref_slice %arg2[%multiple_of3A] : memref<2000000xf32, #tpu.memory_space<hbm>> -> memref<64xf32, #tpu.memory_space<hbm>>
        tpu.wait_dma2 semaphore(%run_scoped3A_394 : memref<!tpu.dma_semaphore, #tpu.memory_space<semaphore_mem>>) src(%dma_wait3A_406 : memref<64xf32, #tpu.memory_space<hbm>>) dst(%dma_wait3A_405 : memref<64xf32, #tpu.memory_space<vmem>>)
        tpu.yield
      }) : () -> ()
      %dma_start3A = arith.constant 0 : i32
      %dma_start3A_316 = arith.constant 0 : i32
      %dma_start3A_317 = tpu.memref_slice %arg9[%dma_start3A, %dma_start3A_316] : memref<16x128xi32, #tpu.memory_space<vmem>> -> memref<1x128xi32, #tpu.memory_space<vmem>>
      %dma_start3A_318 = tpu.memref_squeeze %dma_start3A_317 : memref<1x128xi32, #tpu.memory_space<vmem>> -> memref<128xi32, #tpu.memory_space<vmem>>
      %dma_start3A_319 = arith.constant 0 : i32
      %dma_start3A_320 = tpu.memref_slice %arg7[%dma_start3A_319] : memref<2048xi32, #tpu.memory_space<vmem>> -> memref<128xi32, #tpu.memory_space<vmem>>
      %dma_start3A_321 = arith.constant 0 : i32
      %dma_start3A_322 = tpu.memref_slice %arg4[%dma_start3A_321] : memref<2000000xi32, #tpu.memory_space<hbm>> -> memref<2000000xi32, #tpu.memory_space<hbm>>
      tpu.enqueue_indirect_dma source(%dma_start3A_322 : memref<2000000xi32, #tpu.memory_space<hbm>>) target(%dma_start3A_318 : memref<128xi32, #tpu.memory_space<vmem>>) offsets(%dma_start3A_320 : memref<128xi32, #tpu.memory_space<vmem>>) semaphore(%arg12 : memref<!tpu.dma_semaphore, #tpu.memory_space<semaphore_mem>>)
      %add3A_323 = arith.constant 0 : i32
      %add3A_324 = vector.broadcast %add3A_323 : i32 to vector<16xi32>
      %add3A_325 = arith.addi %add3A_324, %shift_right_arithmetic3A_2 : vector<16xi32>
      %gather3A = tpu.vector_load_idx %arg8[%add3A_325] : memref<1024xf32, #tpu.memory_space<vmem>>[vector<16xi32>], vector<16xf32>,
      %swap3A_326 = arith.constant 0 : i32
      %swap3A_327 = arith.index_cast %swap3A_326 : i32 to index
      %swap3A_328 = arith.constant 0 : index
      %swap3A_329 = tpu.vector_load %arg10[%swap3A_327, %swap3A_328] {strides = array<i32>} : memref<16x128xf32, #tpu.memory_space<vmem>>, vector<16xf32>,
      tpu.vector_store %arg10[%swap3A_327, %swap3A_328], %gather3A {strides = array<i32>} : memref<16x128xf32, #tpu.memory_space<vmem>>, vector<16xf32>,
      %add3A_330 = arith.constant 8 : i32
      %add3A_331 = vector.broadcast %add3A_330 : i32 to vector<16xi32>
      %add3A_332 = arith.addi %add3A_331, %shift_right_arithmetic3A_2 : vector<16xi32>
      %gather3A_333 = tpu.vector_load_idx %arg8[%add3A_332] : memref<1024xf32, #tpu.memory_space<vmem>>[vector<16xi32>], vector<16xf32>,
      %swap3A_334 = arith.constant 0 : i32
      %swap3A_335 = arith.index_cast %swap3A_334 : i32 to index
      %swap3A_336 = arith.constant 16 : index
      %swap3A_337 = tpu.vector_load %arg10[%swap3A_335, %swap3A_336] {strides = array<i32>} : memref<16x128xf32, #tpu.memory_space<vmem>>, vector<16xf32>,
      tpu.vector_store %arg10[%swap3A_335, %swap3A_336], %gather3A_333 {strides = array<i32>} : memref<16x128xf32, #tpu.memory_space<vmem>>, vector<16xf32>,
      %add3A_338 = arith.constant 16 : i32
      %add3A_339 = vector.broadcast %add3A_338 : i32 to vector<16xi32>
      %add3A_340 = arith.addi %add3A_339, %shift_right_arithmetic3A_2 : vector<16xi32>
      %gather3A_341 = tpu.vector_load_idx %arg8[%add3A_340] : memref<1024xf32, #tpu.memory_space<vmem>>[vector<16xi32>], vector<16xf32>,
      %swap3A_342 = arith.constant 0 : i32
      %swap3A_343 = arith.index_cast %swap3A_342 : i32 to index
      %swap3A_344 = arith.constant 32 : index
      %swap3A_345 = tpu.vector_load %arg10[%swap3A_343, %swap3A_344] {strides = array<i32>} : memref<16x128xf32, #tpu.memory_space<vmem>>, vector<16xf32>,
      tpu.vector_store %arg10[%swap3A_343, %swap3A_344], %gather3A_341 {strides = array<i32>} : memref<16x128xf32, #tpu.memory_space<vmem>>, vector<16xf32>,
      %add3A_346 = arith.constant 24 : i32
      %add3A_347 = vector.broadcast %add3A_346 : i32 to vector<16xi32>
      %add3A_348 = arith.addi %add3A_347, %shift_right_arithmetic3A_2 : vector<16xi32>
      %gather3A_349 = tpu.vector_load_idx %arg8[%add3A_348] : memref<1024xf32, #tpu.memory_space<vmem>>[vector<16xi32>], vector<16xf32>,
      %swap3A_350 = arith.constant 0 : i32
      %swap3A_351 = arith.index_cast %swap3A_350 : i32 to index
      %swap3A_352 = arith.constant 48 : index
      %swap3A_353 = tpu.vector_load %arg10[%swap3A_351, %swap3A_352] {strides = array<i32>} : memref<16x128xf32, #tpu.memory_space<vmem>>, vector<16xf32>,
      tpu.vector_store %arg10[%swap3A_351, %swap3A_352], %gather3A_349 {strides = array<i32>} : memref<16x128xf32, #tpu.memory_space<vmem>>, vector<16xf32>,
      %add3A_354 = arith.constant 32 : i32
      %add3A_355 = vector.broadcast %add3A_354 : i32 to vector<16xi32>
      %add3A_356 = arith.addi %add3A_355, %shift_right_arithmetic3A_2 : vector<16xi32>
      %gather3A_357 = tpu.vector_load_idx %arg8[%add3A_356] : memref<1024xf32, #tpu.memory_space<vmem>>[vector<16xi32>], vector<16xf32>,
      %swap3A_358 = arith.constant 0 : i32
      %swap3A_359 = arith.index_cast %swap3A_358 : i32 to index
      %swap3A_360 = arith.constant 64 : index
      %swap3A_361 = tpu.vector_load %arg10[%swap3A_359, %swap3A_360] {strides = array<i32>} : memref<16x128xf32, #tpu.memory_space<vmem>>, vector<16xf32>,
      tpu.vector_store %arg10[%swap3A_359, %swap3A_360], %gather3A_357 {strides = array<i32>} : memref<16x128xf32, #tpu.memory_space<vmem>>, vector<16xf32>,
      %add3A_362 = arith.constant 40 : i32
      %add3A_363 = vector.broadcast %add3A_362 : i32 to vector<16xi32>
      %add3A_364 = arith.addi %add3A_363, %shift_right_arithmetic3A_2 : vector<16xi32>
      %gather3A_365 = tpu.vector_load_idx %arg8[%add3A_364] : memref<1024xf32, #tpu.memory_space<vmem>>[vector<16xi32>], vector<16xf32>,
      %swap3A_366 = arith.constant 0 : i32
      %swap3A_367 = arith.index_cast %swap3A_366 : i32 to index
      %swap3A_368 = arith.constant 80 : index
      %swap3A_369 = tpu.vector_load %arg10[%swap3A_367, %swap3A_368] {strides = array<i32>} : memref<16x128xf32, #tpu.memory_space<vmem>>, vector<16xf32>,
      tpu.vector_store %arg10[%swap3A_367, %swap3A_368], %gather3A_365 {strides = array<i32>} : memref<16x128xf32, #tpu.memory_space<vmem>>, vector<16xf32>,
      %add3A_370 = arith.constant 48 : i32
      %add3A_371 = vector.broadcast %add3A_370 : i32 to vector<16xi32>
      %add3A_372 = arith.addi %add3A_371, %shift_right_arithmetic3A_2 : vector<16xi32>
      %gather3A_373 = tpu.vector_load_idx %arg8[%add3A_372] : memref<1024xf32, #tpu.memory_space<vmem>>[vector<16xi32>], vector<16xf32>,
      %swap3A_374 = arith.constant 0 : i32
      %swap3A_375 = arith.index_cast %swap3A_374 : i32 to index
      %swap3A_376 = arith.constant 96 : index
      %swap3A_377 = tpu.vector_load %arg10[%swap3A_375, %swap3A_376] {strides = array<i32>} : memref<16x128xf32, #tpu.memory_space<vmem>>, vector<16xf32>,
      tpu.vector_store %arg10[%swap3A_375, %swap3A_376], %gather3A_373 {strides = array<i32>} : memref<16x128xf32, #tpu.memory_space<vmem>>, vector<16xf32>,
      %add3A_378 = arith.constant 56 : i32
      %add3A_379 = vector.broadcast %add3A_378 : i32 to vector<16xi32>
      %add3A_380 = arith.addi %add3A_379, %shift_right_arithmetic3A_2 : vector<16xi32>
      %gather3A_381 = tpu.vector_load_idx %arg8[%add3A_380] : memref<1024xf32, #tpu.memory_space<vmem>>[vector<16xi32>], vector<16xf32>,
      %swap3A_382 = arith.constant 0 : i32
      %swap3A_383 = arith.index_cast %swap3A_382 : i32 to index
      %swap3A_384 = arith.constant 112 : index
      %swap3A_385 = tpu.vector_load %arg10[%swap3A_383, %swap3A_384] {strides = array<i32>} : memref<16x128xf32, #tpu.memory_space<vmem>>, vector<16xf32>,
      tpu.vector_store %arg10[%swap3A_383, %swap3A_384], %gather3A_381 {strides = array<i32>} : memref<16x128xf32, #tpu.memory_space<vmem>>, vector<16xf32>,
      %dma_wait3A = arith.constant 0 : i32
      %dma_wait3A_386 = arith.constant 0 : i32
      %dma_wait3A_387 = tpu.memref_slice %arg9[%dma_wait3A, %dma_wait3A_386] : memref<16x128xi32, #tpu.memory_space<vmem>> -> memref<1x128xi32, #tpu.memory_space<vmem>>
      %dma_wait3A_388 = tpu.memref_squeeze %dma_wait3A_387 : memref<1x128xi32, #tpu.memory_space<vmem>> -> memref<128xi32, #tpu.memory_space<vmem>>
      %dma_wait3A_389 = arith.constant 0 : i32
      %dma_wait3A_390 = tpu.memref_slice %arg7[%dma_wait3A_389] : memref<2048xi32, #tpu.memory_space<vmem>> -> memref<128xi32, #tpu.memory_space<vmem>>
      %dma_wait3A_391 = arith.constant 0 : i32
      %dma_wait3A_392 = tpu.memref_slice %arg4[%dma_wait3A_391] : memref<2000000xi32, #tpu.memory_space<hbm>> -> memref<2000000xi32, #tpu.memory_space<hbm>>
      tpu.wait_indirect_dma semaphore(%arg12 : memref<!tpu.dma_semaphore, #tpu.memory_space<semaphore_mem>>) src(%dma_wait3A_392 : memref<2000000xi32, #tpu.memory_space<hbm>>) dst(%dma_wait3A_388 : memref<128xi32, #tpu.memory_space<vmem>>)
      %run_scoped3A = arith.constant 0 : i32
      %run_scoped3A_393 = arith.constant 0 : i32
      "tpu.region"() ({
        %run_scoped3A_394 = tpu.sem_alloc : memref<!tpu.dma_semaphore, #tpu.memory_space<semaphore_mem>>
        %dma_start3A_395 = arith.constant 0 : i32
        %dma_start3A_396 = tpu.memref_slice %arg10[%run_scoped3A, %dma_start3A_395] : memref<16x128xf32, #tpu.memory_space<vmem>> -> memref<1x128xf32, #tpu.memory_space<vmem>>
        %dma_start3A_397 = tpu.memref_squeeze %dma_start3A_396 : memref<1x128xf32, #tpu.memory_space<vmem>> -> memref<128xf32, #tpu.memory_space<vmem>>
        %dma_start3A_398 = arith.constant 0 : i32
        %dma_start3A_399 = tpu.memref_slice %arg9[%run_scoped3A_393, %dma_start3A_398] : memref<16x128xi32, #tpu.memory_space<vmem>> -> memref<1x128xi32, #tpu.memory_space<vmem>>
        %dma_start3A_400 = tpu.memref_squeeze %dma_start3A_399 : memref<1x128xi32, #tpu.memory_space<vmem>> -> memref<128xi32, #tpu.memory_space<vmem>>
        %dma_start3A_401 = arith.constant 0 : i32
        %dma_start3A_402 = tpu.memref_slice %arg6[%dma_start3A_401] : memref<524288xf32, #tpu.memory_space<vmem_shared>> -> memref<524288xf32, #tpu.memory_space<vmem_shared>>
        tpu.enqueue_indirect_dma source(%dma_start3A_397 : memref<128xf32, #tpu.memory_space<vmem>>) target(%dma_start3A_402 : memref<524288xf32, #tpu.memory_space<vmem_shared>>) offsets(%dma_start3A_400 : memref<128xi32, #tpu.memory_space<vmem>>) semaphore(%run_scoped3A_394 : memref<!tpu.dma_semaphore, #tpu.memory_space<semaphore_mem>>) {add = true}
        %dma_wait3A_403 = arith.constant 0 : i32
        %dma_wait3A_404 = tpu.memref_slice %arg10[%run_scoped3A, %dma_wait3A_403] : memref<16x128xf32, #tpu.memory_space<vmem>> -> memref<1x128xf32, #tpu.memory_space<vmem>>
        %dma_wait3A_405 = tpu.memref_squeeze %dma_wait3A_404 : memref<1x128xf32, #tpu.memory_space<vmem>> -> memref<128xf32, #tpu.memory_space<vmem>>
        %dma_wait3A_406 = arith.constant 0 : i32
        %dma_wait3A_407 = tpu.memref_slice %arg9[%run_scoped3A_393, %dma_wait3A_406] : memref<16x128xi32, #tpu.memory_space<vmem>> -> memref<1x128xi32, #tpu.memory_space<vmem>>
        %dma_wait3A_408 = tpu.memref_squeeze %dma_wait3A_407 : memref<1x128xi32, #tpu.memory_space<vmem>> -> memref<128xi32, #tpu.memory_space<vmem>>
        %dma_wait3A_409 = arith.constant 0 : i32
        %dma_wait3A_410 = tpu.memref_slice %arg6[%dma_wait3A_409] : memref<524288xf32, #tpu.memory_space<vmem_shared>> -> memref<524288xf32, #tpu.memory_space<vmem_shared>>
        tpu.wait_indirect_dma semaphore(%run_scoped3A_394 : memref<!tpu.dma_semaphore, #tpu.memory_space<semaphore_mem>>) src(%dma_wait3A_405 : memref<128xf32, #tpu.memory_space<vmem>>) dst(%dma_wait3A_410 : memref<524288xf32, #tpu.memory_space<vmem_shared>>)
        tpu.yield
      }) : () -> ()
    } else {
    }
    %barrier3A_309 = arith.constant 0 : index
    tpu.barrier barrier_id(%barrier3A_309)
    "tpu.region"() ({
      %run_scoped3A = tpu.sem_alloc : memref<!tpu.dma_semaphore, #tpu.memory_space<semaphore_mem>>
      %dma_start3A = arith.constant 0 : i32
      %dma_start3A_310 = tpu.memref_slice %arg5[%arg0, %dma_start3A] : memref<2x524288xf32, #tpu.memory_space<hbm>> -> memref<1x524288xf32, #tpu.memory_space<hbm>>
      %dma_start3A_311 = tpu.memref_squeeze %dma_start3A_310 : memref<1x524288xf32, #tpu.memory_space<hbm>> -> memref<524288xf32, #tpu.memory_space<hbm>>
      %dma_start3A_312 = tpu.memref_slice %dma_start3A_311[%mul3A_260] : memref<524288xf32, #tpu.memory_space<hbm>> -> memref<32768xf32, #tpu.memory_space<hbm>>
      %dma_start3A_313 = tpu.memref_slice %arg6[%mul3A_260] : memref<524288xf32, #tpu.memory_space<vmem_shared>> -> memref<32768xf32, #tpu.memory_space<vmem_shared>>
      tpu.enqueue_dma source(%dma_start3A_313 : memref<32768xf32, #tpu.memory_space<vmem_shared>>) target(%dma_start3A_312 : memref<32768xf32, #tpu.memory_space<hbm>>) target_semaphore(%run_scoped3A : memref<!tpu.dma_semaphore, #tpu.memory_space<semaphore_mem>>)
      %dma_wait3A = arith.constant 0 : i32
      %dma_wait3A_314 = tpu.memref_slice %arg5[%arg0, %dma_wait3A] : memref<2x524288xf32, #tpu.memory_space<hbm>> -> memref<1x524288xf32, #tpu.memory_space<hbm>>
      %dma_wait3A_315 = tpu.memref_squeeze %dma_wait3A_314 : memref<1x524288xf32, #tpu.memory_space<hbm>> -> memref<524288xf32, #tpu.memory_space<hbm>>
      %dma_wait3A_316 = tpu.memref_slice %dma_wait3A_315[%mul3A_260] : memref<524288xf32, #tpu.memory_space<hbm>> -> memref<32768xf32, #tpu.memory_space<hbm>>
      %dma_wait3A_317 = tpu.memref_slice %arg6[%mul3A_260] : memref<524288xf32, #tpu.memory_space<vmem_shared>> -> memref<32768xf32, #tpu.memory_space<vmem_shared>>
      tpu.wait_dma2 semaphore(%run_scoped3A : memref<!tpu.dma_semaphore, #tpu.memory_space<semaphore_mem>>) src(%dma_wait3A_317 : memref<32768xf32, #tpu.memory_space<vmem_shared>>) dst(%dma_wait3A_316 : memref<32768xf32, #tpu.memory_space<hbm>>)
      tpu.yield
    }) : () -> ()
    return
  }
}

</mosaic_0001>

<sc_bundles>
// kernel: _sc_scatter.3.cloned.1.call-start
scs
__scs_entry_jumppad:
0x0: {  	(pc) =	sbr.rel $0x88, $3  }
0x1: {  	(tag) =	ssettag $0x0;
	lr =	simm.s32 $0x1  }
0x2: {  	[smem:$0x3F9E] =	sst lr;
	_ =	strace $0xD0000000  }
0x3: {  	_ = 	snop  }
0x4: {  	_ = 	snop  }
0x5: {  	_ = 	snop  }
0x6: {  	_ = 	snop  }
0x7: {  	_ = 	snop  }
__scs_overlays_trampoline_lowered:
0x8: {  	[smem:$0x3FAD] =	sst s0  }
0x9: {  	[smem:$0x3FAE] =	sst s1  }
0xa: {  	[smem:$0x3FAF] =	sst s2  }
0xb: {  	[smem:$0x3FB0] =	sst s3  }
0xc: {  	[smem:$0x3FB1] =	sst s4  }
0xd: {  	[smem:$0x3FB2] =	sst s5  }
0xe: {  	[smem:$0x3FB3] =	sst s6  }
0xf: {  	[smem:$0x3FB4] =	sst s7  }
0x10: {  	[smem:$0x3FB5] =	sst s8  }
0x11: {  	[smem:$0x3FB6] =	sst s9;
	s0 =	simm.s32 @!p0 $0x0  }
0x12: {  	s1 =	sld [smem:$0x3F9C];
	s0 =	simm.s32 @p0 $0x1  }
0x13: {  	[smem:$0x3FB7] =	sst s0;
	s0 =	simm.s32 @!p1 $0x0  }
0x14: {  	s2 =	sld [smem:$0x3F9B];
	s0 =	simm.s32 @p1 $0x1  }
0x15: {  	[smem:$0x3FB8] =	sst s0;
	s0 =	simm.s32 @!p2 $0x0  }
0x16: {  	s3 =	sld [smem:$0x3FDB];
	s0 =	simm.s32 @p2 $0x1  }
0x17: {  	s4 =	simm.s32 $0x1BF5;
	[smem:$0x3FBA] =	sst s0  }
0x18: {  	s0 =	sld [smem:$0x3F9D];
	_ =	swait.ge [sflag:s4], $0x0  }
0x19: {  	s7 =	sld [smem:$0x3F9E]  }
0x1a: {  	s8 =	sadd.s32 $0xFFFFE003, lr  }
0x1b: {  	s9 =	sadd.s32 $0xFFFFFEF7, lr;
	s5 =	simm.s32 $0xFFFFFFFF;
	p2 =	slt.u32 s8, $0xFFFFF086  }
0x1c: {  	p1 =	slt.u32 s9, $0xF7A;
	s5 =	simm.s32 @!p2 $0x0  }
0x1d: {  	s5 =	simm.s32 @p1 $0x1;
	p0 =	seq.s32 s7, s2  }
0x1e: {  	s7 =	smul.u32 @!p0 $0xF7A, s2;
	p2 =	seq.s32 @!p0 s5, $0x0  }
0x1f: {  	s9 =	smul.u32 $0xF7A, s1;
	s8 =	simm.s32 @!p0 $0x1BF5;
	p2 =	por !p2, p0  }
0x20: {  	[sflag:s8] =	ssyncset.s32 @!p0 $0xFFFFF086;
	s6 =	sadd.s32 @!p0 s3, s7;
	s7 =	simm.s32 @!p0 $0x108  }
0x21: {  	s3 =	sadd.s32 s3, s9;
	s6 =	sadd.s32 @!p0 $0x88, s6;
	s7 =	simm.s32 @p2 $0x1082  }
0x22: {  	[simem:s7], [sflag:s8] =	dma.local @!p0 [hbm:s6], $0xF7A  }
0x23: {  	s9 =	sor.u32 $0xD0000000, s2;
	s6 =	simm.s32 $0x108;
	_ =	swait.ge @!p0 [sflag:s8], $0x0  }
0x24: {  	s3 =	sadd.s32 $0x88, s3;
	s6 =	simm.s32 @!p1 $0x1082;
	[sflag:s4] =	ssyncset.s32 $0xFFFFF086  }
0x25: {  	[simem:s6], [sflag:s4] =	dma.local [hbm:s3], $0xF7A  }
0x26: {  	[smem:$0x3F9E] =	sst s1;
	(tag) =	ssettag s2;
	_ =	strace s9  }
0x27: {  	s1 =	sld [smem:$0x3FAE]  }
0x28: {  	s2 =	sld [smem:$0x3FAF]  }
0x29: {  	s4 =	sld [smem:$0x3FB1]  }
0x2a: {  	p0 =	seq.s32 s5, $0x0;
	s5 =	sld [smem:$0x3FB2]  }
0x2b: {  	s6 =	sld [smem:$0x3FB3]  }
0x2c: {  	s7 =	sld [smem:$0x3FB4]  }
0x2d: {  	s3 =	simm.s32 $0x108;
	s8 =	sld [smem:$0x3FB5]  }
0x2e: {  	s3 =	simm.s32 @!p0 $0x1082;
	s9 =	sld [smem:$0x3FB6]  }
0x2f: {  	lr =	sadd.s32 s0, s3;
	s0 =	sld [smem:$0x3FAD]  }
0x30: {  	s3 =	sld [smem:$0x3FB0]  }
0x31: {  	[smem:$0x3FB9] =	sst s10  }
0x32: {  	s10 =	sld [smem:$0x3FB7];
	_ =	sdelay $0x3  }
0x33: {  	p0 =	seq.s32 s10, $0x1;
	s10 =	sld [smem:$0x3FB9];
	_ =	sdelay $0x3  }
0x34: {  	[smem:$0x3FB9] =	sst s10  }
0x35: {  	s10 =	sld [smem:$0x3FB8];
	_ =	sdelay $0x3  }
0x36: {  	p1 =	seq.s32 s10, $0x1;
	s10 =	sld [smem:$0x3FB9];
	_ =	sdelay $0x3  }
0x37: {  	[smem:$0x3FB9] =	sst s10  }
0x38: {  	s10 =	sld [smem:$0x3FBA]  }
0x39: {  	_ = 	snop;
	(pc) =	sbr.ind lr, $3  }
0x3a: {  	_ = 	snop  }
0x3b: {  	_ = 	snop  }
0x3c: {  	p2 =	seq.s32 s10, $0x1;
	s10 =	sld [smem:$0x3FB9]  }
0x3d: {  	_ =	shalt  }
0x3e: {  	_ =	shalt  }
0x3f: {  	_ =	shalt  }
0x40: {  	_ =	shalt  }
0x41: {  	_ =	shalt  }
0x42: {  	_ =	shalt  }
0x43: {  	_ =	shalt  }
0x44: {  	_ =	shalt  }
0x45: {  	_ =	shalt  }
0x46: {  	_ =	shalt  }
0x47: {  	_ =	shalt  }
0x48: {  	_ =	shalt  }
0x49: {  	_ =	shalt  }
0x4a: {  	_ =	shalt  }
0x4b: {  	_ =	shalt  }
0x4c: {  	_ =	shalt  }
0x4d: {  	_ =	shalt  }
0x4e: {  	_ =	shalt  }
0x4f: {  	_ =	shalt  }
0x50: {  	_ =	shalt  }
0x51: {  	_ =	shalt  }
0x52: {  	_ =	shalt  }
0x53: {  	_ =	shalt  }
0x54: {  	_ =	shalt  }
0x55: {  	_ =	shalt  }
0x56: {  	_ =	shalt  }
0x57: {  	_ =	shalt  }
0x58: {  	_ =	shalt  }
0x59: {  	_ =	shalt  }
0x5a: {  	_ =	shalt  }
0x5b: {  	_ =	shalt  }
0x5c: {  	_ =	shalt  }
0x5d: {  	_ =	shalt  }
0x5e: {  	_ =	shalt  }
0x5f: {  	_ =	shalt  }
0x60: {  	_ =	shalt  }
0x61: {  	_ =	shalt  }
0x62: {  	_ =	shalt  }
0x63: {  	_ =	shalt  }
0x64: {  	_ =	shalt  }
0x65: {  	_ =	shalt  }
0x66: {  	_ =	shalt  }
0x67: {  	_ =	shalt  }
0x68: {  	_ =	shalt  }
0x69: {  	_ =	shalt  }
0x6a: {  	_ =	shalt  }
0x6b: {  	_ =	shalt  }
0x6c: {  	_ =	shalt  }
0x6d: {  	_ =	shalt  }
0x6e: {  	_ =	shalt  }
0x6f: {  	_ =	shalt  }
0x70: {  	_ =	shalt  }
0x71: {  	_ =	shalt  }
0x72: {  	_ =	shalt  }
0x73: {  	_ =	shalt  }
0x74: {  	_ =	shalt  }
0x75: {  	_ =	shalt  }
0x76: {  	_ =	shalt  }
0x77: {  	_ =	shalt  }
0x78: {  	_ =	shalt  }
0x79: {  	_ =	shalt  }
0x7a: {  	_ =	shalt  }
0x7b: {  	_ =	shalt  }
0x7c: {  	_ =	shalt  }
0x7d: {  	_ =	shalt  }
0x7e: {  	_ =	shalt  }
0x7f: {  	_ =	shalt  }
0x80: {  	_ =	shalt  }
0x81: {  	_ =	shalt  }
0x82: {  	_ =	shalt  }
0x83: {  	_ =	shalt  }
0x84: {  	_ =	shalt  }
0x85: {  	_ =	shalt  }
0x86: {  	_ =	shalt  }
0x87: {  	_ =	shalt  }
.Lfunc_end0:
.L_simem_size_0:
called_computation_lowered:
.L_overlay_start_0:
0x88: {  	s2 =	sld [smem:$0x3FD9]  }
0x89: {  	s3 =	sld [smem:$0x3FFE];
	_ =	sdelay $0x1  }
0x8a: {  	s1 =	srdreg.scid  }
0x8b: {  	s0 =	sand.u32 $0x1, s1  }
0x8c: {  	s18 =	sshll.u32 s0, $0xA;
	s2 =	sadd.s32 s3, s2  }
0x8d: {  	s2 =	sadd.s32 s2, s18  }
0x8e: {  	[smem:$0x3FC5] =	sst s2  }
0x8f: {  	_ = 	snop  }
0x90: {  	s2 =	sld [smem:$0x3FC9]  }
0x91: {  	s19 =	sld [smem:$0x3FC8]  }
0x92: {  	s4 =	sld [smem:$0x3FC7]  }
0x93: {  	s5 =	sld [smem:$0x3FD0];
	(tm) =	ssettm $0x1  }
0x94: {  	s6 =	sld [smem:$0x3FFB];
	_ =	sdelay $0x3  }
0x95: {  	_ =	strace s6  }
0x96: {  	s6 =	sld [smem:$0x3FFC];
	_ =	sdelay $0x3  }
0x97: {  	_ =	strace s6  }
0x98: {  	s6 =	sld [smem:$0x3FFD];
	_ =	sdelay $0x3  }
0x99: {  	_ =	strace s6  }
0x9a: {  	_ =	strace $0x8FFFFFFF  }
0x9b: {  	s20 =	sld [smem:$0x3FDB];
	_ =	sdelay $0x1  }
0x9c: {  	s7 =	simm.s32 $_scs_section_size  }
0x9d: {  	s8 =	simm.s32 $_size__tile_overlayer_lowered;
	s9 =	simm.s32 $_tile_overlayer_lowered  }
0x9e: {  	s23 =	simm.s32 $0x1BFF;
	s22 =	sshll.u32 s9, $0x1;
	s6 =	sadd.s32 s7, s20  }
0x9f: {  	s10 =	simm.s32 $0x0;
	s21 =	sshll.u32 s8, $0x1;
	s8 =	sadd.s32 s22, s6  }
0xa0: {  	[timem:s10], [sflag:s23] =	dma.local [hbm:s8], s21  }
0xa1: {  	_ =	swait.ge [sflag:s23], s21  }
0xa2: {  	s7 =	ssub.s32 $0x0, s21;
	[sflag:s23] =	ssyncset.done $0x0  }
0xa3: {  	[sflag:s23] =	ssyncadd.s32 s7;
	_ =	sdelay $0x1  }
0xa4: {  	s24 =	simm.s32 $0x1B8B  }
0xa5: {  	_ =	swait.ge [sflag:s24], $0x1  }
0xa6: {  	[sflag:s24] =	ssyncset.done $0x0  }
0xa7: {  	s25 =	simm.s32 $0x1B8E;
	[sflag:s24] =	ssyncadd.s32 $0xFFFFFFFF  }
0xa8: {  	s26 =	simm.s32 $execute0_lowered;
	[smem:$0x3FD2] =	sst s25  }
0xa9: {  	s7 =	sshll.u32 s26, $0x1;
	_ =	strace $0x80000046;
	[dreg:$0x1] =	wrdreg $0xFFFFFFFF  }
0xaa: {  	s28 =	simm.s32 $_size_execute0_lowered;
	s6 =	sadd.s32 s6, s7;
	[dreg:$0x0] =	wrdreg $0x0  }
0xab: {  	s7 =	sshll.u32 s28, $0x1;
	[dreg:$0x2] =	wrdreg s6  }
0xac: {  	[dreg:$0x3] =	wrdreg s7  }
0xad: {  	[dreg:$0x4] =	wrdreg $0xC0  }
0xae: {  	_ =	task [dreg:s10], $0x5FFFF  }
0xaf: {  	[dreg:$0x1] =	wrdreg $0xFFFFFFFF  }
0xb0: {  	[dreg:$0x0] =	wrdreg $0x60  }
0xb1: {  	[dreg:$0x2] =	wrdreg s2  }
0xb2: {  	[dreg:$0x3] =	wrdreg s19  }
0xb3: {  	[dreg:$0x4] =	wrdreg s4  }
0xb4: {  	[dreg:$0x5] =	wrdreg s5  }
0xb5: {  	[dreg:$0x6] =	wrdreg $0x0  }
0xb6: {  	[dreg:$0x7] =	wrdreg $0x9  }
0xb7: {  	_ =	task.clear_ibuf [dreg:s10], $0x8FFFF;
	_ =	strace $0x90000046  }
0xb8: {  	s29 =	simm.s32 $0x9;
	_ =	strace $0x80000048  }
0xb9: {  	_ =	swait.ge [sflag:s29], $0x1  }
0xba: {  	[sflag:s29] =	ssyncadd.s32 $0xFFFFFFFF  }
0xbb: {  	_ =	strace $0x90000048  }
0xbc: {  	_ =	sfence  }
0xbd: {  	s30 =	sld [smem:$0x0];
	_ =	sdelay $0x2  }
0xbe: {  	s31 =	sshll.u32 s1, $0xD;
	s1 =	sshrl.u32 s1, $0x2  }
0xbf: {  	s3 =	sand.u32 $0x4000, s31;
	s1 =	sadd.s32 s1, s30  }
0xc0: {  	s0 =	sor.u32 s3, s0;
	s1 =	sshll.u32 s1, $0x11  }
0xc1: {  	s0 =	sor.u32 s1, s0  }
0xc2: {  	s0 =	sadd.s32 $0x8F2B, s0  }
0xc3: {  	[sflag:s0] =	ssyncadd.remote.s32 $0x1  }
0xc4: {  	_ =	sfence.sel $0xFFFF  }
0xc5: {  	[dreg:$0x0] =	wrdreg $0xFFFFFFFF;
	(pc) =	sbr.abs _section_cstart, $3  }
0xc6: {  	[dreg:$0x1] =	wrdreg $0xFFFFFFFF  }
0xc7: {  	_ =	task.clear_ibuf [dreg:s10], $0x2FFFF;
	_ =	strace $0x9FFFFFFF  }
0xc8: {  	(tm) =	ssettm $0x7FFFFFFF  }
0xc9: {  	_ =	shalt  }
tec
execute0_lowered:
.L_overlay_start_1:
0x0: {  	(tag) =	ssettag $0x1  }
0x1: {  	s9 =	rddreg [dreg:$0x0]  }
0x2: {  	s0 =	srdreg.scid;
	s7 =	rddreg [dreg:$0x3]  }
0x3: {  	s13 =	stileid.u32;
	s3 =	rddreg [dreg:$0x4]  }
0x4: {  	s4 =	simm.s32 $0x0;
	s8 =	sand.u32 $0x1, s0;
	s0 =	rddreg [dreg:$0x1]  }
0x5: {  	s1 =	sshll.u32 s13, $0x1;
	[smem:$0x7FF] =	sst s4  }
0x6: {  	s17 =	simm.s32 $0x8080;
	s10 =	sor.u32 s8, s1;
	s1 =	rddreg [dreg:$0x2]  }
0x7: {  	s12 =	simm.s32 $0x8100;
	_ =	strace $0x80000047;
	[dreg:$0x7] =	wrdreg s17  }
0x8: {  	s18 =	simm.s32 $0x8180;
	[dreg:$0x8] =	wrdreg s12  }
0x9: {  	s20 =	simm.s32 $0x8200;
	[dreg:$0x9] =	wrdreg s18  }
0xa: {  	s21 =	simm.s32 $0x8280;
	[dreg:$0xa] =	wrdreg s20  }
0xb: {  	s23 =	simm.s32 $0x8300;
	[dreg:$0xb] =	wrdreg s21  }
0xc: {  	s26 =	simm.s32 $0x8380;
	[dreg:$0xc] =	wrdreg s23  }
0xd: {  	s14 =	simm.s32 $0x8400;
	v0 =	vlaneseq.u32;
	[dreg:$0xd] =	wrdreg s26  }
0xe: {  	v0 =	vshrl.u32 v0, $0x1;
	[dreg:$0xe] =	wrdreg s14;
	s18 =	simm.s32 $0x8500  }
0xf: {  	s19 =	sshll.u32 s13, $0xF;
	s20 =	simm.s32 $0x8580;
	v2 =	vor.u32 $0x8, v0;
	[dreg:$0x10] =	wrdreg s18  }
0x10: {  	s24 =	sadd.s32 s19, s3;
	v24 =	vor.u32 $0xA8, v0;
	[dreg:$0x11] =	wrdreg s20;
	[tilespmem:$0x1FD40] =	vst v2  }
0x11: {  	s22 =	sadd.s32 $0x800, s24;
	v2 =	vor.u32 $0x10, v0;
	[smem:$0x7FD] =	sst s24;
	[tilespmem:$0x1FFF0] =	vst v24  }
0x12: {  	s25 =	sadd.s32 $0x1000, s24;
	[smem:$0x7E5] =	sst s22;
	[tilespmem:$0x1FD50] =	vst v2;
	v2 =	vor.u32 $0xB0, v0  }
0x13: {  	s12 =	sadd.s32 $0x1800, s24;
	[smem:$0x7E6] =	sst s25;
	[tilespmem:$0x1FD60] =	vst v2;
	v2 =	vor.u32 $0xB8, v0  }
0x14: {  	s17 =	sadd.s32 $0x2800, s24;
	[smem:$0x7E7] =	sst s12;
	[tilespmem:$0x1FD70] =	vst v2;
	v2 =	vor.u32 $0xC0, v0  }
0x15: {  	s19 =	sadd.s32 $0x3000, s24;
	[smem:$0x7E9] =	sst s17;
	[tilespmem:$0x1FD80] =	vst v2;
	v2 =	vor.u32 $0xC8, v0  }
0x16: {  	s21 =	sadd.s32 $0x3800, s24;
	[smem:$0x7EA] =	sst s19;
	[tilespmem:$0x1FD90] =	vst v2;
	v2 =	vor.u32 $0xD0, v0  }
0x17: {  	s28 =	simm.s32 $0x2;
	s23 =	sadd.s32 $0x4000, s24;
	[smem:$0x7EB] =	sst s21;
	[tilespmem:$0x1FDA0] =	vst v2;
	v2 =	vor.u32 $0xD8, v0  }
0x18: {  	s29 =	simm.s32 $0x8000;
	s26 =	sadd.s32 $0x4800, s24;
	[smem:$0x7EC] =	sst s23;
	[tilespmem:$0x1FDB0] =	vst v2;
	v2 =	vor.u32 $0xE0, v0  }
0x19: {  	s30 =	simm.s32 $0x8800;
	s14 =	sadd.s32 $0x5000, s24;
	[smem:$0x7ED] =	sst s26;
	[tilespmem:$0x1FDC0] =	vst v2;
	v2 =	vor.u32 $0xE8, v0  }
0x1a: {  	s31 =	simm.s32 $0x80;
	s18 =	simm.s32 $0x9480;
	[smem:$0x7EE] =	sst s14;
	[tilespmem:$0x1FDD0] =	vst v2;
	v2 =	vor.u32 $0xF0, v0  }
0x1b: {  	p0 =	slt.u32 s13, $0x9;
	s22 =	simm.s32 $0x8600;
	[dreg:$0x17] =	wrdreg s18;
	[tilespmem:$0x1FDE0] =	vst v2;
	v2 =	vor.u32 $0xF8, v0  }
0x1c: {  	s16 =	ssub.s32 $0x2, s8;
	s25 =	simm.s32 $0x8680;
	[dreg:$0x12] =	wrdreg s22;
	[tilespmem:$0x1FDF0] =	vst v2;
	v2 =	vor.u32 $0x100, v0  }
0x1d: {  	s8 =	sshll.u32 s8, $0x4;
	s12 =	simm.s32 $0x8700;
	[dreg:$0x13] =	wrdreg s25;
	[tilespmem:$0x1FE00] =	vst v2;
	v2 =	vor.u32 $0x108, v0  }
0x1e: {  	s2 =	smul.u32 $0x3D0, s10;
	s17 =	sadd.s32 $0x5800, s24;
	[dreg:$0x14] =	wrdreg s12;
	[tilespmem:$0x1FE10] =	vst v2;
	v2 =	vor.u32 $0x110, v0  }
0x1f: {  	s5 =	smul.u32 $0x3D1, s10;
	s19 =	simm.s32 $0x9500;
	[smem:$0x7EF] =	sst s17;
	[tilespmem:$0x1FE20] =	vst v2;
	v2 =	vor.u32 $0x118, v0  }
0x20: {  	s11 =	sshrl.u32 s16, $0x1;
	s21 =	simm.s32 $0x9580;
	[dreg:$0x18] =	wrdreg s19;
	[tilespmem:$0x1FE30] =	vst v2;
	v2 =	vor.u32 $0x120, v0  }
0x21: {  	s10 =	smul.u32 $0xF440, s10;
	s23 =	simm.s32 $0x9600;
	[dreg:$0x19] =	wrdreg s21;
	[tilespmem:$0x1FE40] =	vst v2;
	v2 =	vor.u32 $0x128, v0  }
0x22: {  	s7 =	sadd.s32 s7, s8;
	s26 =	simm.s32 $0x9680;
	[dreg:$0x1a] =	wrdreg s23;
	[tilespmem:$0x1FE50] =	vst v2;
	v2 =	vor.u32 $0x130, v0  }
0x23: {  	s8 =	simm.s32 $0x8E00;
	s18 =	simm.s32 $0x9980;
	[dreg:$0x1b] =	wrdreg s26;
	[tilespmem:$0x1FE60] =	vst v2;
	v2 =	vor.u32 $0x138, v0  }
0x24: {  	s6 =	sadd.s32 $0x12, s2;
	s25 =	sadd.s32 $0x6000, s24;
	[smem:$0x7F6] =	sst s18;
	[tilespmem:$0x1FE70] =	vst v2;
	v2 =	vor.u32 $0x140, v0  }
0x25: {  	s10 =	sadd.s32 $0xF400, s10;
	s12 =	simm.s32 $0x9800;
	[smem:$0x7F1] =	sst s25;
	[tilespmem:$0x1FE80] =	vst v2;
	v2 =	vor.u32 $0x148, v0  }
0x26: {  	s17 =	simm.s32 $0x9900;
	s19 =	simm.s32 $0x9A00;
	[dreg:$0x1e] =	wrdreg s12;
	[tilespmem:$0x1FE90] =	vst v2;
	v2 =	vor.u32 $0x150, v0  }
0x27: {  	s21 =	simm.s32 $0x9A80;
	s18 =	simm.s32 $0x9300;
	[smem:$0x7F4] =	sst s17;
	[tilespmem:$0x1FEA0] =	vst v2;
	v2 =	vor.u32 $0x158, v0  }
0x28: {  	s6 =	smov.u32 @p0 s5;
	s20 =	sshrl.u32 s10, $0x3;
	[smem:$0x7F7] =	sst s19;
	[tilespmem:$0x1FEB0] =	vst v2;
	v2 =	vor.u32 $0x160, v0  }
0x29: {  	s5 =	simm.s32 $0x9700;
	s14 =	sshrl.u32 s10, $0x2;
	[smem:$0x7F8] =	sst s21;
	[tilespmem:$0x1FEC0] =	vst v2;
	v2 =	vor.u32 $0x168, v0  }
0x2a: {  	s25 =	sadd.s32 $0x7800, s24;
	p0 =	sgt.u32 s13, $0x8;
	s10 =	simm.s32 $0x8F00;
	[tilespmem:$0x1FED0] =	vst v2;
	v2 =	vor.u32 $0x170, v0  }
0x2b: {  	s12 =	simm.s32 $0x9000;
	s17 =	simm.s32 $0x9280;
	s19 =	simm.s32 $0x9380;
	[tilespmem:$0x1FEE0] =	vst v2;
	v2 =	vor.u32 $0x178, v0  }
0x2c: {  	s21 =	simm.s32 $0x9B00;
	s15 =	sshll.u32 s6, $0x3;
	[dreg:$0x1c] =	wrdreg s5;
	[tilespmem:$0x1FEF0] =	vst v2;
	v2 =	vor.u32 $0x180, v0  }
0x2d: {  	s22 =	sadd.s32 s9, s20;
	s6 =	sshll.u32 s6, $0x4;
	[smem:$0x7FB] =	sst s25;
	[tilespmem:$0x1FF00] =	vst v2;
	v2 =	vor.u32 $0x188, v0  }
0x2e: {  	s20 =	sshll.u32 s13, $0xD;
	s2 =	sadd.s32 s15, s9;
	[smem:$0x7F0] =	sst s22;
	[tilespmem:$0x1FF10] =	vst v2;
	v2 =	vor.u32 $0x190, v0  }
0x2f: {  	s13 =	simm.s32 $0x9080;
	s15 =	sadd.s32 $0x2000, s24;
	[dreg:$0x6] =	wrdreg s2;
	[tilespmem:$0x1FF20] =	vst v2;
	v2 =	vor.u32 $0x198, v0  }
0x30: {  	s9 =	simm.s32 $0x9780;
	s22 =	sadd.s32 $0x7000, s24;
	[smem:$0x7E8] =	sst s15;
	[tilespmem:$0x1FF30] =	vst v2;
	v2 =	vor.u32 $0x1A0, v0  }
0x31: {  	v6 =	vor.u32 $0x18, v0;
	s23 =	sadd.s32 s20, s7;
	s7 =	simm.s32 $0x8D80;
	[dreg:$0x1d] =	wrdreg s9;
	[tilespmem:$0x1FF40] =	vst v2;
	v2 =	vor.u32 $0x1A8, v0  }
0x32: {  	v7 =	vor.u32 $0x20, v0;
	v8 =	vor.u32 $0x28, v0;
	s20 =	simm.s32 $0x1;
	s2 =	ssub.s32 s16, s11;
	[smem:$0x7F9] =	sst s22;
	[tilespmem:$0x1FF50] =	vst v2;
	v2 =	vor.u32 $0x1B0, v0  }
0x33: {  	v9 =	vor.u32 $0x30, v0;
	s16 =	simm.s32 $0x8480;
	s15 =	simm.s32 $0x8780;
	[smem:$0x7FA] =	sst s23;
	[tilespmem:$0x1FF60] =	vst v2;
	v2 =	vor.u32 $0x1B8, v0  }
0x34: {  	v10 =	vor.u32 $0x38, v0;
	v11 =	vor.u32 $0x40, v0;
	s11 =	sadd.s32 $0x6800, s24;
	s9 =	simm.s32 $0x8E80;
	[dreg:$0xf] =	wrdreg s16;
	[tilespmem:$0x1FF70] =	vst v2;
	v2 =	vor.u32 $0x1C0, v0  }
0x35: {  	v12 =	vor.u32 $0x48, v0;
	v13 =	vor.u32 $0x50, v0;
	s22 =	simm.s32 $0x9B80;
	s23 =	simm.s32 $0x0;
	[dreg:$0x15] =	wrdreg s15;
	[tilespmem:$0x1FF80] =	vst v2;
	v2 =	vor.u32 $0x1C8, v0  }
0x36: {  	v14 =	vor.u32 $0x58, v0;
	s16 =	simm.s32 $0x9400;
	[smem:$0x7F2] =	sst s11;
	s15 =	simm.s32 $0x9880;
	[tilespmem:$0x1FF90] =	vst v2;
	v2 =	vor.u32 $0x1D0, v0  }
0x37: {  	v15 =	vor.u32 $0x60, v0;
	v16 =	vor.u32 $0x68, v0;
	s26 =	smax.u32 s2, $0x1;
	s2 =	simm.s32 $0x8C00;
	[dreg:$0x16] =	wrdreg s16;
	[tilespmem:$0x1FFA0] =	vst v2;
	v2 =	vor.u32 $0x1D8, v0  }
0x38: {  	v17 =	vor.u32 $0x70, v0;
	v18 =	vor.u32 $0x78, v0;
	s11 =	simm.s32 $0x8F80;
	s16 =	sadd.s32 s0, s14;
	[dreg:$0x1f] =	wrdreg s15;
	[tilespmem:$0x1FFB0] =	vst v2;
	v2 =	vor.u32 $0x1E0, v0  }
0x39: {  	v19 =	vor.u32 $0x80, v0;
	v20 =	vor.u32 $0x88, v0;
	s0 =	sadd.s32 s6, s0;
	[smem:$0x7FC] =	sst s26;
	s6 =	simm.s32 $0x8D00;
	[tilespmem:$0x1FFC0] =	vst v2;
	v2 =	vor.u32 $0x1E8, v0  }
0x3a: {  	v21 =	vor.u32 $0x90, v0;
	s14 =	simm.s32 $0x9100;
	s15 =	simm.s32 $0x9180;
	[smem:$0x7F3] =	sst s16;
	[tilespmem:$0x1FFD0] =	vst v2;
	v2 =	vor.u32 $0x1F0, v0  }
0x3b: {  	v1 =	vimm.f32 $0.0e+00;
	v22 =	vor.u32 $0x98, v0;
	v23 =	vor.u32 $0xA0, v0;
	[smem:$0x7F5] =	sst s0;
	s0 =	simm.s32 $0x8C80;
	s16 =	simm.s32 $0x9200;
	[tilespmem:$0x1FFE0] =	vst v2  }
.LBB2_1:
0x3c: {  	[tilespmem:$0x9C00] =	vst v1  }
0x3d: {  	[tilespmem:$0x9C10] =	vst v1  }
0x3e: {  	[tilespmem:$0x9C20] =	vst v1  }
0x3f: {  	[tilespmem:$0x9C30] =	vst v1  }
0x40: {  	[tilespmem:$0x9C40] =	vst v1  }
0x41: {  	[tilespmem:$0x9C50] =	vst v1  }
0x42: {  	[tilespmem:$0x9C60] =	vst v1  }
0x43: {  	[tilespmem:$0x9C70] =	vst v1  }
0x44: {  	[tilespmem:$0x9C80] =	vst v1  }
0x45: {  	[tilespmem:$0x9C90] =	vst v1  }
0x46: {  	[tilespmem:$0x9CA0] =	vst v1  }
0x47: {  	[tilespmem:$0x9CB0] =	vst v1  }
0x48: {  	[tilespmem:$0x9CC0] =	vst v1  }
0x49: {  	[tilespmem:$0x9CD0] =	vst v1  }
0x4a: {  	[tilespmem:$0x9CE0] =	vst v1  }
0x4b: {  	[tilespmem:$0x9CF0] =	vst v1  }
0x4c: {  	[tilespmem:$0x9D00] =	vst v1  }
0x4d: {  	[tilespmem:$0x9D10] =	vst v1  }
0x4e: {  	[tilespmem:$0x9D20] =	vst v1  }
0x4f: {  	[tilespmem:$0x9D30] =	vst v1  }
0x50: {  	[tilespmem:$0x9D40] =	vst v1  }
0x51: {  	[tilespmem:$0x9D50] =	vst v1  }
0x52: {  	[tilespmem:$0x9D60] =	vst v1  }
0x53: {  	[tilespmem:$0x9D70] =	vst v1  }
0x54: {  	[tilespmem:$0x9D80] =	vst v1  }
0x55: {  	[tilespmem:$0x9D90] =	vst v1  }
0x56: {  	[tilespmem:$0x9DA0] =	vst v1  }
0x57: {  	[tilespmem:$0x9DB0] =	vst v1  }
0x58: {  	[tilespmem:$0x9DC0] =	vst v1  }
0x59: {  	[tilespmem:$0x9DD0] =	vst v1  }
0x5a: {  	[tilespmem:$0x9DE0] =	vst v1  }
0x5b: {  	[tilespmem:$0x9DF0] =	vst v1  }
0x5c: {  	[tilespmem:$0x9E00] =	vst v1  }
0x5d: {  	[tilespmem:$0x9E10] =	vst v1  }
0x5e: {  	[tilespmem:$0x9E20] =	vst v1  }
0x5f: {  	[tilespmem:$0x9E30] =	vst v1  }
0x60: {  	[tilespmem:$0x9E40] =	vst v1  }
0x61: {  	[tilespmem:$0x9E50] =	vst v1  }
0x62: {  	[tilespmem:$0x9E60] =	vst v1  }
0x63: {  	[tilespmem:$0x9E70] =	vst v1  }
0x64: {  	[tilespmem:$0x9E80] =	vst v1  }
0x65: {  	[tilespmem:$0x9E90] =	vst v1  }
0x66: {  	[tilespmem:$0x9EA0] =	vst v1  }
0x67: {  	[tilespmem:$0x9EB0] =	vst v1  }
0x68: {  	[tilespmem:$0x9EC0] =	vst v1  }
0x69: {  	[tilespmem:$0x9ED0] =	vst v1  }
0x6a: {  	[tilespmem:$0x9EE0] =	vst v1  }
0x6b: {  	[tilespmem:$0x9EF0] =	vst v1  }
0x6c: {  	[tilespmem:$0x9F00] =	vst v1  }
0x6d: {  	[tilespmem:$0x9F10] =	vst v1  }
0x6e: {  	[tilespmem:$0x9F20] =	vst v1  }
0x6f: {  	[tilespmem:$0x9F30] =	vst v1  }
0x70: {  	[tilespmem:$0x9F40] =	vst v1  }
0x71: {  	[tilespmem:$0x9F50] =	vst v1  }
0x72: {  	[tilespmem:$0x9F60] =	vst v1  }
0x73: {  	[tilespmem:$0x9F70] =	vst v1  }
0x74: {  	[tilespmem:$0x9F80] =	vst v1  }
0x75: {  	[tilespmem:$0x9F90] =	vst v1  }
0x76: {  	[tilespmem:$0x9FA0] =	vst v1  }
0x77: {  	[tilespmem:$0x9FB0] =	vst v1  }
0x78: {  	[tilespmem:$0x9FC0] =	vst v1  }
0x79: {  	[tilespmem:$0x9FD0] =	vst v1  }
0x7a: {  	[tilespmem:$0x9FE0] =	vst v1  }
0x7b: {  	[tilespmem:$0x9FF0] =	vst v1  }
0x7c: {  	[tilespmem:$0xA000] =	vst v1  }
0x7d: {  	[tilespmem:$0xA010] =	vst v1  }
0x7e: {  	[tilespmem:$0xA020] =	vst v1  }
0x7f: {  	[tilespmem:$0xA030] =	vst v1  }
0x80: {  	[tilespmem:$0xA040] =	vst v1  }
0x81: {  	[tilespmem:$0xA050] =	vst v1  }
0x82: {  	[tilespmem:$0xA060] =	vst v1  }
0x83: {  	[tilespmem:$0xA070] =	vst v1  }
0x84: {  	[tilespmem:$0xA080] =	vst v1  }
0x85: {  	[tilespmem:$0xA090] =	vst v1  }
0x86: {  	[tilespmem:$0xA0A0] =	vst v1  }
0x87: {  	[tilespmem:$0xA0B0] =	vst v1  }
0x88: {  	[tilespmem:$0xA0C0] =	vst v1  }
0x89: {  	[tilespmem:$0xA0D0] =	vst v1  }
0x8a: {  	[tilespmem:$0xA0E0] =	vst v1  }
0x8b: {  	[tilespmem:$0xA0F0] =	vst v1  }
0x8c: {  	[tilespmem:$0xA100] =	vst v1  }
0x8d: {  	[tilespmem:$0xA110] =	vst v1  }
0x8e: {  	[tilespmem:$0xA120] =	vst v1  }
0x8f: {  	[tilespmem:$0xA130] =	vst v1  }
0x90: {  	[tilespmem:$0xA140] =	vst v1  }
0x91: {  	[tilespmem:$0xA150] =	vst v1  }
0x92: {  	[tilespmem:$0xA160] =	vst v1  }
0x93: {  	[tilespmem:$0xA170] =	vst v1  }
0x94: {  	[tilespmem:$0xA180] =	vst v1  }
0x95: {  	[tilespmem:$0xA190] =	vst v1  }
0x96: {  	[tilespmem:$0xA1A0] =	vst v1  }
0x97: {  	[tilespmem:$0xA1B0] =	vst v1  }
0x98: {  	[tilespmem:$0xA1C0] =	vst v1  }
0x99: {  	[tilespmem:$0xA1D0] =	vst v1  }
0x9a: {  	[tilespmem:$0xA1E0] =	vst v1  }
0x9b: {  	[tilespmem:$0xA1F0] =	vst v1  }
0x9c: {  	[tilespmem:$0xA200] =	vst v1  }
0x9d: {  	[tilespmem:$0xA210] =	vst v1  }
0x9e: {  	[tilespmem:$0xA220] =	vst v1  }
0x9f: {  	[tilespmem:$0xA230] =	vst v1  }
0xa0: {  	[tilespmem:$0xA240] =	vst v1  }
0xa1: {  	[tilespmem:$0xA250] =	vst v1  }
0xa2: {  	[tilespmem:$0xA260] =	vst v1  }
0xa3: {  	[tilespmem:$0xA270] =	vst v1  }
0xa4: {  	[tilespmem:$0xA280] =	vst v1  }
0xa5: {  	[tilespmem:$0xA290] =	vst v1  }
0xa6: {  	[tilespmem:$0xA2A0] =	vst v1  }
0xa7: {  	[tilespmem:$0xA2B0] =	vst v1  }
0xa8: {  	[tilespmem:$0xA2C0] =	vst v1  }
0xa9: {  	[tilespmem:$0xA2D0] =	vst v1  }
0xaa: {  	[tilespmem:$0xA2E0] =	vst v1  }
0xab: {  	[tilespmem:$0xA2F0] =	vst v1  }
0xac: {  	[tilespmem:$0xA300] =	vst v1  }
0xad: {  	[tilespmem:$0xA310] =	vst v1  }
0xae: {  	[tilespmem:$0xA320] =	vst v1  }
0xaf: {  	[tilespmem:$0xA330] =	vst v1  }
0xb0: {  	[tilespmem:$0xA340] =	vst v1  }
0xb1: {  	[tilespmem:$0xA350] =	vst v1  }
0xb2: {  	[tilespmem:$0xA360] =	vst v1  }
0xb3: {  	[tilespmem:$0xA370] =	vst v1  }
0xb4: {  	[tilespmem:$0xA380] =	vst v1  }
0xb5: {  	[tilespmem:$0xA390] =	vst v1  }
0xb6: {  	[tilespmem:$0xA3A0] =	vst v1  }
0xb7: {  	[tilespmem:$0xA3B0] =	vst v1  }
0xb8: {  	[tilespmem:$0xA3C0] =	vst v1  }
0xb9: {  	[tilespmem:$0xA3D0] =	vst v1  }
0xba: {  	[tilespmem:$0xA3E0] =	vst v1  }
0xbb: {  	[smem:$0x7E4] =	sst s23;
	[tilespmem:$0xA3F0] =	vst v1;
	s23 =	simm.s32 $0x9C00  }
0xbc: {  	[spmem:s24] =	stream.linear.scatter [tilespmem:s23], [sflag:$0x2], $0x800, $0x38;
	[tilespmem:$0xA400] =	vst v63  }
0xbd: {  	_ =	swait.ge [sflag:s28], $0x800  }
0xbe: {  	s5 =	sld [smem:$0x7E5]  }
0xbf: {  	[sflag:s28] =	ssyncset.done $0x0  }
0xc0: {  	[sflag:s28] =	ssyncadd.s32 $0xFFFFF800  }
0xc1: {  	[spmem:s5] =	stream.linear.scatter [tilespmem:s23], [sflag:$0x2], $0x800, $0x38;
	[tilespmem:$0xA400] =	vst v63  }
0xc2: {  	_ =	swait.ge [sflag:s28], $0x800  }
0xc3: {  	s25 =	sld [smem:$0x7E6]  }
0xc4: {  	[sflag:s28] =	ssyncset.done $0x0  }
0xc5: {  	[sflag:s28] =	ssyncadd.s32 $0xFFFFF800  }
0xc6: {  	[spmem:s25] =	stream.linear.scatter [tilespmem:s23], [sflag:$0x2], $0x800, $0x38;
	[tilespmem:$0xA400] =	vst v63  }
0xc7: {  	_ =	swait.ge [sflag:s28], $0x800  }
0xc8: {  	s26 =	sld [smem:$0x7E7]  }
0xc9: {  	[sflag:s28] =	ssyncset.done $0x0  }
0xca: {  	[sflag:s28] =	ssyncadd.s32 $0xFFFFF800  }
0xcb: {  	[spmem:s26] =	stream.linear.scatter [tilespmem:s23], [sflag:$0x2], $0x800, $0x38;
	[tilespmem:$0xA400] =	vst v63  }
0xcc: {  	_ =	swait.ge [sflag:s28], $0x800  }
0xcd: {  	s24 =	sld [smem:$0x7E8]  }
0xce: {  	[sflag:s28] =	ssyncset.done $0x0  }
0xcf: {  	[sflag:s28] =	ssyncadd.s32 $0xFFFFF800  }
0xd0: {  	[spmem:s24] =	stream.linear.scatter [tilespmem:s23], [sflag:$0x2], $0x800, $0x38;
	[tilespmem:$0xA400] =	vst v63  }
0xd1: {  	_ =	swait.ge [sflag:s28], $0x800  }
0xd2: {  	s25 =	sld [smem:$0x7E9]  }
0xd3: {  	[sflag:s28] =	ssyncset.done $0x0  }
0xd4: {  	[sflag:s28] =	ssyncadd.s32 $0xFFFFF800  }
0xd5: {  	[spmem:s25] =	stream.linear.scatter [tilespmem:s23], [sflag:$0x2], $0x800, $0x38;
	[tilespmem:$0xA400] =	vst v63  }
0xd6: {  	_ =	swait.ge [sflag:s28], $0x800  }
0xd7: {  	s26 =	sld [smem:$0x7EA]  }
0xd8: {  	[sflag:s28] =	ssyncset.done $0x0  }
0xd9: {  	[sflag:s28] =	ssyncadd.s32 $0xFFFFF800  }
0xda: {  	[spmem:s26] =	stream.linear.scatter [tilespmem:s23], [sflag:$0x2], $0x800, $0x38;
	[tilespmem:$0xA400] =	vst v63  }
0xdb: {  	_ =	swait.ge [sflag:s28], $0x800  }
0xdc: {  	s24 =	sld [smem:$0x7EB]  }
0xdd: {  	[sflag:s28] =	ssyncset.done $0x0  }
0xde: {  	[sflag:s28] =	ssyncadd.s32 $0xFFFFF800  }
0xdf: {  	[spmem:s24] =	stream.linear.scatter [tilespmem:s23], [sflag:$0x2], $0x800, $0x38;
	[tilespmem:$0xA400] =	vst v63  }
0xe0: {  	_ =	swait.ge [sflag:s28], $0x800  }
0xe1: {  	s25 =	sld [smem:$0x7EC]  }
0xe2: {  	[sflag:s28] =	ssyncset.done $0x0  }
0xe3: {  	[sflag:s28] =	ssyncadd.s32 $0xFFFFF800  }
0xe4: {  	[spmem:s25] =	stream.linear.scatter [tilespmem:s23], [sflag:$0x2], $0x800, $0x38;
	[tilespmem:$0xA400] =	vst v63  }
0xe5: {  	_ =	swait.ge [sflag:s28], $0x800  }
0xe6: {  	s26 =	sld [smem:$0x7ED]  }
0xe7: {  	[sflag:s28] =	ssyncset.done $0x0  }
0xe8: {  	[sflag:s28] =	ssyncadd.s32 $0xFFFFF800  }
0xe9: {  	[spmem:s26] =	stream.linear.scatter [tilespmem:s23], [sflag:$0x2], $0x800, $0x38;
	[tilespmem:$0xA400] =	vst v63  }
0xea: {  	_ =	swait.ge [sflag:s28], $0x800  }
0xeb: {  	s24 =	sld [smem:$0x7EE]  }
0xec: {  	[sflag:s28] =	ssyncset.done $0x0  }
0xed: {  	[sflag:s28] =	ssyncadd.s32 $0xFFFFF800  }
0xee: {  	[spmem:s24] =	stream.linear.scatter [tilespmem:s23], [sflag:$0x2], $0x800, $0x38;
	[tilespmem:$0xA400] =	vst v63  }
0xef: {  	_ =	swait.ge [sflag:s28], $0x800  }
0xf0: {  	s25 =	sld [smem:$0x7EF]  }
0xf1: {  	[sflag:s28] =	ssyncset.done $0x0  }
0xf2: {  	[sflag:s28] =	ssyncadd.s32 $0xFFFFF800  }
0xf3: {  	[spmem:s25] =	stream.linear.scatter [tilespmem:s23], [sflag:$0x2], $0x800, $0x38;
	[tilespmem:$0xA400] =	vst v63  }
0xf4: {  	_ =	swait.ge [sflag:s28], $0x800  }
0xf5: {  	s26 =	sld [smem:$0x7F1]  }
0xf6: {  	[sflag:s28] =	ssyncset.done $0x0  }
0xf7: {  	[sflag:s28] =	ssyncadd.s32 $0xFFFFF800  }
0xf8: {  	[spmem:s26] =	stream.linear.scatter [tilespmem:s23], [sflag:$0x2], $0x800, $0x38;
	[tilespmem:$0xA400] =	vst v63  }
0xf9: {  	_ =	swait.ge [sflag:s28], $0x800  }
0xfa: {  	s24 =	sld [smem:$0x7F2]  }
0xfb: {  	[sflag:s28] =	ssyncset.done $0x0  }
0xfc: {  	[sflag:s28] =	ssyncadd.s32 $0xFFFFF800  }
0xfd: {  	[spmem:s24] =	stream.linear.scatter [tilespmem:s23], [sflag:$0x2], $0x800, $0x38;
	[tilespmem:$0xA400] =	vst v63  }
0xfe: {  	_ =	swait.ge [sflag:s28], $0x800  }
0xff: {  	s25 =	sld [smem:$0x7F9]  }
0x100: {  	[sflag:s28] =	ssyncset.done $0x0  }
0x101: {  	[sflag:s28] =	ssyncadd.s32 $0xFFFFF800  }
0x102: {  	[spmem:s25] =	stream.linear.scatter [tilespmem:s23], [sflag:$0x2], $0x800, $0x38;
	[tilespmem:$0xA400] =	vst v63  }
0x103: {  	_ =	swait.ge [sflag:s28], $0x800  }
0x104: {  	s26 =	sld [smem:$0x7FB]  }
0x105: {  	[sflag:s28] =	ssyncset.done $0x0  }
0x106: {  	[sflag:s28] =	ssyncadd.s32 $0xFFFFF800  }
0x107: {  	[spmem:s26] =	stream.linear.scatter [tilespmem:s23], [sflag:$0x2], $0x800, $0x38;
	[tilespmem:$0xA400] =	vst v63  }
0x108: {  	_ =	swait.ge [sflag:s28], $0x800  }
0x109: {  	[sflag:s28] =	ssyncset.done $0x0  }
0x10a: {  	[sflag:s28] =	ssyncadd.s32 $0xFFFFF800  }
0x10b: {  	[bflag:$0x0] =	sbarrier.arrive $0xFFFF  }
0x10c: {  	v25 =	vld [tilespmem:$0x1FD60]  }
0x10d: {  	v26 =	vld [tilespmem:$0x1FD70]  }
0x10e: {  	v27 =	vld [tilespmem:$0x1FD80]  }
0x10f: {  	v28 =	vld [tilespmem:$0x1FD90]  }
0x110: {  	v29 =	vld [tilespmem:$0x1FDA0]  }
0x111: {  	v30 =	vld [tilespmem:$0x1FDB0]  }
0x112: {  	v31 =	vld [tilespmem:$0x1FDC0]  }
0x113: {  	v32 =	vld [tilespmem:$0x1FDD0]  }
0x114: {  	v33 =	vld [tilespmem:$0x1FDE0]  }
0x115: {  	v34 =	vld [tilespmem:$0x1FDF0]  }
0x116: {  	v35 =	vld [tilespmem:$0x1FE00]  }
0x117: {  	v36 =	vld [tilespmem:$0x1FE10]  }
0x118: {  	v37 =	vld [tilespmem:$0x1FE20]  }
0x119: {  	v38 =	vld [tilespmem:$0x1FE30]  }
0x11a: {  	v39 =	vld [tilespmem:$0x1FE40]  }
0x11b: {  	v40 =	vld [tilespmem:$0x1FE50]  }
0x11c: {  	v41 =	vld [tilespmem:$0x1FE60]  }
0x11d: {  	v42 =	vld [tilespmem:$0x1FE80]  }
0x11e: {  	v43 =	vld [tilespmem:$0x1FE70]  }
0x11f: {  	v44 =	vld [tilespmem:$0x1FE90]  }
0x120: {  	v45 =	vld [tilespmem:$0x1FEA0]  }
0x121: {  	v46 =	vld [tilespmem:$0x1FEB0]  }
0x122: {  	v47 =	vld [tilespmem:$0x1FEC0]  }
0x123: {  	v48 =	vld [tilespmem:$0x1FED0]  }
0x124: {  	v49 =	vld [tilespmem:$0x1FEE0]  }
0x125: {  	v50 =	vld [tilespmem:$0x1FEF0]  }
0x126: {  	v51 =	vld [tilespmem:$0x1FF00]  }
0x127: {  	v52 =	vld [tilespmem:$0x1FF10]  }
0x128: {  	v53 =	vld [tilespmem:$0x1FF20]  }
0x129: {  	v54 =	vld [tilespmem:$0x1FF30]  }
0x12a: {  	v55 =	vld [tilespmem:$0x1FF40]  }
0x12b: {  	v56 =	vld [tilespmem:$0x1FF50]  }
0x12c: {  	v57 =	vld [tilespmem:$0x1FF60]  }
0x12d: {  	v58 =	vld [tilespmem:$0x1FF70]  }
0x12e: {  	v59 =	vld [tilespmem:$0x1FF80]  }
0x12f: {  	v60 =	vld [tilespmem:$0x1FF90]  }
0x130: {  	v61 =	vld [tilespmem:$0x1FFA0]  }
0x131: {  	v62 =	vld [tilespmem:$0x1FFB0]  }
0x132: {  	s24 =	sld [smem:$0x7F5];
	v63 =	vld [tilespmem:$0x1FFC0]  }
0x133: {  	v4 =	vld [tilespmem:$0x1FFD0]  }
0x134: {  	s25 =	simm.s32 $0x0;
	v5 =	vld [tilespmem:$0x1FFE0]  }
.LBB2_2:
0x135: {  	[tilespmem:s29], [sflag:$0x2] =	stream.linear.gather [hbm4b:s24+s4], $0x800, $0x38;
	[tilespmem:$0xA400] =	vst v63  }
0x136: {  	_ =	swait.ge [sflag:s28], $0x800  }
0x137: {  	s5 =	rddreg [dreg:$0x6];
	[sflag:s28] =	ssyncset.done $0x0  }
0x138: {  	[sflag:s28] =	ssyncadd.s32 $0xFFFFF800;
	s5 =	sadd.s32 s25, s5  }
0x139: {  	[tilespmem:s30], [sflag:$0x2] =	stream.linear.gather [hbm4b:s5+s4], $0x400, $0x38;
	[tilespmem:$0xA400] =	vst v63  }
0x13a: {  	_ =	swait.ge [sflag:s28], $0x400  }
0x13b: {  	[sflag:s28] =	ssyncset.done $0x0  }
0x13c: {  	[sflag:s28] =	ssyncadd.s32 $0xFFFFFC00  }
0x13d: {  	[tilespmem:s2], [sflag:$0x1] =	stream.indirect.gather [hbm4b:s1+s31], $0x1, s29, s31, $0xb8;
	[tilespmem:$0xA400] =	vst v63  }
0x13e: {  	s26 =	rddreg [dreg:$0x7]  }
0x13f: {  	[tilespmem:s0], [sflag:$0x1] =	stream.indirect.gather [hbm4b:s1+s31], $0x1, s26, s31, $0xb8;
	[tilespmem:$0xA400] =	vst v63  }
0x140: {  	s23 =	rddreg [dreg:$0x8]  }
0x141: {  	[tilespmem:s6], [sflag:$0x1] =	stream.indirect.gather [hbm4b:s1+s31], $0x1, s23, s31, $0xb8;
	[tilespmem:$0xA400] =	vst v63  }
0x142: {  	s26 =	rddreg [dreg:$0x9]  }
0x143: {  	[tilespmem:s7], [sflag:$0x1] =	stream.indirect.gather [hbm4b:s1+s31], $0x1, s26, s31, $0xb8;
	[tilespmem:$0xA400] =	vst v63  }
0x144: {  	s23 =	rddreg [dreg:$0xa]  }
0x145: {  	[tilespmem:s8], [sflag:$0x1] =	stream.indirect.gather [hbm4b:s1+s31], $0x1, s23, s31, $0xb8;
	[tilespmem:$0xA400] =	vst v63  }
0x146: {  	s26 =	rddreg [dreg:$0xb]  }
0x147: {  	[tilespmem:s9], [sflag:$0x1] =	stream.indirect.gather [hbm4b:s1+s31], $0x1, s26, s31, $0xb8;
	[tilespmem:$0xA400] =	vst v63  }
0x148: {  	s23 =	rddreg [dreg:$0xc]  }
0x149: {  	[tilespmem:s10], [sflag:$0x1] =	stream.indirect.gather [hbm4b:s1+s31], $0x1, s23, s31, $0xb8;
	[tilespmem:$0xA400] =	vst v63  }
0x14a: {  	s26 =	rddreg [dreg:$0xd]  }
0x14b: {  	[tilespmem:s11], [sflag:$0x1] =	stream.indirect.gather [hbm4b:s1+s31], $0x1, s26, s31, $0xb8;
	[tilespmem:$0xA400] =	vst v63  }
0x14c: {  	s23 =	rddreg [dreg:$0xe]  }
0x14d: {  	[tilespmem:s12], [sflag:$0x1] =	stream.indirect.gather [hbm4b:s1+s31], $0x1, s23, s31, $0xb8;
	[tilespmem:$0xA400] =	vst v63  }
0x14e: {  	s26 =	rddreg [dreg:$0xf]  }
0x14f: {  	[tilespmem:s13], [sflag:$0x1] =	stream.indirect.gather [hbm4b:s1+s31], $0x1, s26, s31, $0xb8;
	[tilespmem:$0xA400] =	vst v63  }
0x150: {  	s23 =	rddreg [dreg:$0x10]  }
0x151: {  	[tilespmem:s14], [sflag:$0x1] =	stream.indirect.gather [hbm4b:s1+s31], $0x1, s23, s31, $0xb8;
	[tilespmem:$0xA400] =	vst v63  }
0x152: {  	s26 =	rddreg [dreg:$0x11]  }
0x153: {  	[tilespmem:s15], [sflag:$0x1] =	stream.indirect.gather [hbm4b:s1+s31], $0x1, s26, s31, $0xb8;
	[tilespmem:$0xA400] =	vst v63  }
0x154: {  	s23 =	rddreg [dreg:$0x12]  }
0x155: {  	[tilespmem:s16], [sflag:$0x1] =	stream.indirect.gather [hbm4b:s1+s31], $0x1, s23, s31, $0xb8;
	[tilespmem:$0xA400] =	vst v63  }
0x156: {  	s26 =	rddreg [dreg:$0x13]  }
0x157: {  	[tilespmem:s17], [sflag:$0x1] =	stream.indirect.gather [hbm4b:s1+s31], $0x1, s26, s31, $0xb8;
	[tilespmem:$0xA400] =	vst v63  }
0x158: {  	s23 =	rddreg [dreg:$0x14]  }
0x159: {  	[tilespmem:s18], [sflag:$0x1] =	stream.indirect.gather [hbm4b:s1+s31], $0x1, s23, s31, $0xb8;
	[tilespmem:$0xA400] =	vst v63  }
0x15a: {  	s26 =	rddreg [dreg:$0x15]  }
0x15b: {  	[tilespmem:s19], [sflag:$0x1] =	stream.indirect.gather [hbm4b:s1+s31], $0x1, s26, s31, $0xb8;
	[tilespmem:$0xA400] =	vst v63  }
0x15c: {  	v2 =	vld.idx.msk [tilespmem:v0+s30+$0x0], $0xffff;
	_ =	sdelay $0x4  }
0x15d: {  	[tilespmem:$0x9400] =	vst v2;
	v2 =	vld [tilespmem:$0x1FD40];
	_ =	sdelay $0x7  }
0x15e: {  	v2 =	vld.idx.msk [tilespmem:v2+s30+$0x0], $0xffff;
	_ =	sdelay $0x4  }
0x15f: {  	[tilespmem:$0x9410] =	vst v2;
	v2 =	vld [tilespmem:$0x1FD50];
	_ =	sdelay $0x7  }
0x160: {  	v2 =	vld.idx.msk [tilespmem:v2+s30+$0x0], $0xffff;
	_ =	sdelay $0x4  }
0x161: {  	[tilespmem:$0x9420] =	vst v2  }
0x162: {  	v2 =	vld.idx.msk [tilespmem:v6+s30+$0x0], $0xffff;
	_ =	sdelay $0x4  }
0x163: {  	[tilespmem:$0x9430] =	vst v2  }
0x164: {  	v2 =	vld.idx.msk [tilespmem:v7+s30+$0x0], $0xffff;
	_ =	sdelay $0x4  }
0x165: {  	[tilespmem:$0x9440] =	vst v2  }
0x166: {  	v2 =	vld.idx.msk [tilespmem:v8+s30+$0x0], $0xffff;
	_ =	sdelay $0x4  }
0x167: {  	[tilespmem:$0x9450] =	vst v2  }
0x168: {  	v2 =	vld.idx.msk [tilespmem:v9+s30+$0x0], $0xffff;
	_ =	sdelay $0x4  }
0x169: {  	[tilespmem:$0x9460] =	vst v2  }
0x16a: {  	v2 =	vld.idx.msk [tilespmem:v10+s30+$0x0], $0xffff;
	_ =	sdelay $0x4  }
0x16b: {  	[tilespmem:$0x9470] =	vst v2  }
0x16c: {  	v2 =	vld.idx.msk [tilespmem:v11+s30+$0x0], $0xffff;
	_ =	sdelay $0x4  }
0x16d: {  	[tilespmem:$0x9480] =	vst v2  }
0x16e: {  	v2 =	vld.idx.msk [tilespmem:v12+s30+$0x0], $0xffff;
	_ =	sdelay $0x4  }
0x16f: {  	[tilespmem:$0x9490] =	vst v2  }
0x170: {  	v2 =	vld.idx.msk [tilespmem:v13+s30+$0x0], $0xffff;
	_ =	sdelay $0x4  }
0x171: {  	[tilespmem:$0x94A0] =	vst v2  }
0x172: {  	v2 =	vld.idx.msk [tilespmem:v14+s30+$0x0], $0xffff;
	_ =	sdelay $0x4  }
0x173: {  	[tilespmem:$0x94B0] =	vst v2  }
0x174: {  	v2 =	vld.idx.msk [tilespmem:v15+s30+$0x0], $0xffff;
	_ =	sdelay $0x4  }
0x175: {  	[tilespmem:$0x94C0] =	vst v2  }
0x176: {  	v2 =	vld.idx.msk [tilespmem:v16+s30+$0x0], $0xffff;
	_ =	sdelay $0x4  }
0x177: {  	[tilespmem:$0x94D0] =	vst v2  }
0x178: {  	v2 =	vld.idx.msk [tilespmem:v17+s30+$0x0], $0xffff;
	_ =	sdelay $0x4  }
0x179: {  	[tilespmem:$0x94E0] =	vst v2  }
0x17a: {  	v2 =	vld.idx.msk [tilespmem:v18+s30+$0x0], $0xffff;
	_ =	sdelay $0x4  }
0x17b: {  	[tilespmem:$0x94F0] =	vst v2  }
0x17c: {  	v2 =	vld.idx.msk [tilespmem:v19+s30+$0x0], $0xffff;
	_ =	sdelay $0x4  }
0x17d: {  	[tilespmem:$0x9500] =	vst v2  }
0x17e: {  	v2 =	vld.idx.msk [tilespmem:v20+s30+$0x0], $0xffff;
	_ =	sdelay $0x4  }
0x17f: {  	[tilespmem:$0x9510] =	vst v2  }
0x180: {  	v2 =	vld.idx.msk [tilespmem:v21+s30+$0x0], $0xffff;
	_ =	sdelay $0x4  }
0x181: {  	[tilespmem:$0x9520] =	vst v2  }
0x182: {  	v2 =	vld.idx.msk [tilespmem:v22+s30+$0x0], $0xffff;
	_ =	sdelay $0x4  }
0x183: {  	[tilespmem:$0x9530] =	vst v2  }
0x184: {  	v2 =	vld.idx.msk [tilespmem:v23+s30+$0x0], $0xffff;
	_ =	sdelay $0x4  }
0x185: {  	[tilespmem:$0x9540] =	vst v2  }
0x186: {  	v2 =	vld.idx.msk [tilespmem:v24+s30+$0x0], $0xffff;
	_ =	sdelay $0x4  }
0x187: {  	[tilespmem:$0x9550] =	vst v2  }
0x188: {  	v2 =	vld.idx.msk [tilespmem:v25+s30+$0x0], $0xffff;
	_ =	sdelay $0x4  }
0x189: {  	[tilespmem:$0x9560] =	vst v2  }
0x18a: {  	v2 =	vld.idx.msk [tilespmem:v26+s30+$0x0], $0xffff;
	_ =	sdelay $0x4  }
0x18b: {  	[tilespmem:$0x9570] =	vst v2  }
0x18c: {  	v2 =	vld.idx.msk [tilespmem:v27+s30+$0x0], $0xffff;
	_ =	sdelay $0x4  }
0x18d: {  	[tilespmem:$0x9580] =	vst v2  }
0x18e: {  	v2 =	vld.idx.msk [tilespmem:v28+s30+$0x0], $0xffff;
	_ =	sdelay $0x4  }
0x18f: {  	[tilespmem:$0x9590] =	vst v2  }
0x190: {  	v2 =	vld.idx.msk [tilespmem:v29+s30+$0x0], $0xffff;
	_ =	sdelay $0x4  }
0x191: {  	[tilespmem:$0x95A0] =	vst v2  }
0x192: {  	v2 =	vld.idx.msk [tilespmem:v30+s30+$0x0], $0xffff;
	_ =	sdelay $0x4  }
0x193: {  	[tilespmem:$0x95B0] =	vst v2  }
0x194: {  	v2 =	vld.idx.msk [tilespmem:v31+s30+$0x0], $0xffff;
	_ =	sdelay $0x4  }
0x195: {  	[tilespmem:$0x95C0] =	vst v2  }
0x196: {  	v2 =	vld.idx.msk [tilespmem:v32+s30+$0x0], $0xffff;
	_ =	sdelay $0x4  }
0x197: {  	[tilespmem:$0x95D0] =	vst v2  }
0x198: {  	v2 =	vld.idx.msk [tilespmem:v33+s30+$0x0], $0xffff;
	_ =	sdelay $0x4  }
0x199: {  	[tilespmem:$0x95E0] =	vst v2  }
0x19a: {  	v2 =	vld.idx.msk [tilespmem:v34+s30+$0x0], $0xffff;
	_ =	sdelay $0x4  }
0x19b: {  	[tilespmem:$0x95F0] =	vst v2  }
0x19c: {  	v2 =	vld.idx.msk [tilespmem:v35+s30+$0x0], $0xffff;
	_ =	sdelay $0x4  }
0x19d: {  	[tilespmem:$0x9600] =	vst v2  }
0x19e: {  	v2 =	vld.idx.msk [tilespmem:v36+s30+$0x0], $0xffff;
	_ =	sdelay $0x4  }
0x19f: {  	[tilespmem:$0x9610] =	vst v2  }
0x1a0: {  	v2 =	vld.idx.msk [tilespmem:v37+s30+$0x0], $0xffff;
	_ =	sdelay $0x4  }
0x1a1: {  	[tilespmem:$0x9620] =	vst v2  }
0x1a2: {  	v2 =	vld.idx.msk [tilespmem:v38+s30+$0x0], $0xffff;
	_ =	sdelay $0x4  }
0x1a3: {  	[tilespmem:$0x9630] =	vst v2  }
0x1a4: {  	v2 =	vld.idx.msk [tilespmem:v39+s30+$0x0], $0xffff;
	_ =	sdelay $0x4  }
0x1a5: {  	[tilespmem:$0x9640] =	vst v2  }
0x1a6: {  	v2 =	vld.idx.msk [tilespmem:v40+s30+$0x0], $0xffff;
	_ =	sdelay $0x4  }
0x1a7: {  	[tilespmem:$0x9650] =	vst v2  }
0x1a8: {  	v2 =	vld.idx.msk [tilespmem:v41+s30+$0x0], $0xffff;
	_ =	sdelay $0x4  }
0x1a9: {  	[tilespmem:$0x9660] =	vst v2  }
0x1aa: {  	v2 =	vld.idx.msk [tilespmem:v43+s30+$0x0], $0xffff;
	_ =	sdelay $0x4  }
0x1ab: {  	[tilespmem:$0x9670] =	vst v2  }
0x1ac: {  	v2 =	vld.idx.msk [tilespmem:v42+s30+$0x0], $0xffff;
	_ =	sdelay $0x4  }
0x1ad: {  	[tilespmem:$0x9680] =	vst v2  }
0x1ae: {  	v2 =	vld.idx.msk [tilespmem:v44+s30+$0x0], $0xffff;
	_ =	sdelay $0x4  }
0x1af: {  	[tilespmem:$0x9690] =	vst v2  }
0x1b0: {  	v2 =	vld.idx.msk [tilespmem:v45+s30+$0x0], $0xffff;
	_ =	sdelay $0x4  }
0x1b1: {  	[tilespmem:$0x96A0] =	vst v2  }
0x1b2: {  	v2 =	vld.idx.msk [tilespmem:v46+s30+$0x0], $0xffff;
	_ =	sdelay $0x4  }
0x1b3: {  	[tilespmem:$0x96B0] =	vst v2  }
0x1b4: {  	v2 =	vld.idx.msk [tilespmem:v47+s30+$0x0], $0xffff;
	_ =	sdelay $0x4  }
0x1b5: {  	[tilespmem:$0x96C0] =	vst v2  }
0x1b6: {  	v2 =	vld.idx.msk [tilespmem:v48+s30+$0x0], $0xffff;
	_ =	sdelay $0x4  }
0x1b7: {  	[tilespmem:$0x96D0] =	vst v2  }
0x1b8: {  	v2 =	vld.idx.msk [tilespmem:v49+s30+$0x0], $0xffff;
	_ =	sdelay $0x4  }
0x1b9: {  	[tilespmem:$0x96E0] =	vst v2  }
0x1ba: {  	v2 =	vld.idx.msk [tilespmem:v50+s30+$0x0], $0xffff;
	_ =	sdelay $0x4  }
0x1bb: {  	[tilespmem:$0x96F0] =	vst v2  }
0x1bc: {  	v2 =	vld.idx.msk [tilespmem:v51+s30+$0x0], $0xffff;
	_ =	sdelay $0x4  }
0x1bd: {  	[tilespmem:$0x9700] =	vst v2  }
0x1be: {  	v2 =	vld.idx.msk [tilespmem:v52+s30+$0x0], $0xffff;
	_ =	sdelay $0x4  }
0x1bf: {  	[tilespmem:$0x9710] =	vst v2  }
0x1c0: {  	v2 =	vld.idx.msk [tilespmem:v53+s30+$0x0], $0xffff;
	_ =	sdelay $0x4  }
0x1c1: {  	[tilespmem:$0x9720] =	vst v2  }
0x1c2: {  	v2 =	vld.idx.msk [tilespmem:v54+s30+$0x0], $0xffff;
	_ =	sdelay $0x4  }
0x1c3: {  	[tilespmem:$0x9730] =	vst v2  }
0x1c4: {  	v2 =	vld.idx.msk [tilespmem:v55+s30+$0x0], $0xffff;
	_ =	sdelay $0x4  }
0x1c5: {  	[tilespmem:$0x9740] =	vst v2  }
0x1c6: {  	v2 =	vld.idx.msk [tilespmem:v56+s30+$0x0], $0xffff;
	_ =	sdelay $0x4  }
0x1c7: {  	[tilespmem:$0x9750] =	vst v2  }
0x1c8: {  	v2 =	vld.idx.msk [tilespmem:v57+s30+$0x0], $0xffff;
	_ =	sdelay $0x4  }
0x1c9: {  	[tilespmem:$0x9760] =	vst v2  }
0x1ca: {  	v2 =	vld.idx.msk [tilespmem:v58+s30+$0x0], $0xffff;
	_ =	sdelay $0x4  }
0x1cb: {  	[tilespmem:$0x9770] =	vst v2  }
0x1cc: {  	v2 =	vld.idx.msk [tilespmem:v59+s30+$0x0], $0xffff;
	_ =	sdelay $0x4  }
0x1cd: {  	[tilespmem:$0x9780] =	vst v2  }
0x1ce: {  	v2 =	vld.idx.msk [tilespmem:v60+s30+$0x0], $0xffff;
	_ =	sdelay $0x4  }
0x1cf: {  	[tilespmem:$0x9790] =	vst v2  }
0x1d0: {  	v2 =	vld.idx.msk [tilespmem:v61+s30+$0x0], $0xffff;
	_ =	sdelay $0x4  }
0x1d1: {  	[tilespmem:$0x97A0] =	vst v2  }
0x1d2: {  	v2 =	vld.idx.msk [tilespmem:v62+s30+$0x0], $0xffff;
	_ =	sdelay $0x4  }
0x1d3: {  	[tilespmem:$0x97B0] =	vst v2  }
0x1d4: {  	v2 =	vld.idx.msk [tilespmem:v63+s30+$0x0], $0xffff;
	_ =	sdelay $0x4  }
0x1d5: {  	[tilespmem:$0x97C0] =	vst v2  }
0x1d6: {  	v2 =	vld.idx.msk [tilespmem:v4+s30+$0x0], $0xffff;
	_ =	sdelay $0x4  }
0x1d7: {  	[tilespmem:$0x97D0] =	vst v2  }
0x1d8: {  	v2 =	vld.idx.msk [tilespmem:v5+s30+$0x0], $0xffff  }
0x1d9: {  	v3 =	vor.u32 $0x1F8, v0;
	_ =	sdelay $0x3  }
0x1da: {  	[tilespmem:$0x97E0] =	vst v2  }
0x1db: {  	v2 =	vld.idx.msk [tilespmem:v3+s30+$0x0], $0xffff  }
0x1dc: {  	v3 =	vor.u32 $0x200, v0;
	_ =	sdelay $0x3  }
0x1dd: {  	[tilespmem:$0x97F0] =	vst v2  }
0x1de: {  	v2 =	vld.idx.msk [tilespmem:v3+s30+$0x0], $0xffff  }
0x1df: {  	v3 =	vor.u32 $0x208, v0;
	_ =	sdelay $0x3  }
0x1e0: {  	[tilespmem:$0x9800] =	vst v2  }
0x1e1: {  	v2 =	vld.idx.msk [tilespmem:v3+s30+$0x0], $0xffff  }
0x1e2: {  	v3 =	vor.u32 $0x210, v0;
	_ =	sdelay $0x3  }
0x1e3: {  	[tilespmem:$0x9810] =	vst v2  }
0x1e4: {  	v2 =	vld.idx.msk [tilespmem:v3+s30+$0x0], $0xffff  }
0x1e5: {  	v3 =	vor.u32 $0x218, v0;
	_ =	sdelay $0x3  }
0x1e6: {  	[tilespmem:$0x9820] =	vst v2  }
0x1e7: {  	v2 =	vld.idx.msk [tilespmem:v3+s30+$0x0], $0xffff  }
0x1e8: {  	v3 =	vor.u32 $0x220, v0;
	_ =	sdelay $0x3  }
0x1e9: {  	[tilespmem:$0x9830] =	vst v2  }
0x1ea: {  	v2 =	vld.idx.msk [tilespmem:v3+s30+$0x0], $0xffff  }
0x1eb: {  	v3 =	vor.u32 $0x228, v0;
	_ =	sdelay $0x3  }
0x1ec: {  	[tilespmem:$0x9840] =	vst v2  }
0x1ed: {  	v2 =	vld.idx.msk [tilespmem:v3+s30+$0x0], $0xffff  }
0x1ee: {  	v3 =	vor.u32 $0x230, v0;
	_ =	sdelay $0x3  }
0x1ef: {  	[tilespmem:$0x9850] =	vst v2  }
0x1f0: {  	v2 =	vld.idx.msk [tilespmem:v3+s30+$0x0], $0xffff  }
0x1f1: {  	v3 =	vor.u32 $0x238, v0;
	_ =	sdelay $0x3  }
0x1f2: {  	[tilespmem:$0x9860] =	vst v2  }
0x1f3: {  	v2 =	vld.idx.msk [tilespmem:v3+s30+$0x0], $0xffff  }
0x1f4: {  	v3 =	vor.u32 $0x240, v0;
	_ =	sdelay $0x3  }
0x1f5: {  	[tilespmem:$0x9870] =	vst v2  }
0x1f6: {  	v2 =	vld.idx.msk [tilespmem:v3+s30+$0x0], $0xffff  }
0x1f7: {  	v3 =	vor.u32 $0x248, v0;
	_ =	sdelay $0x3  }
0x1f8: {  	[tilespmem:$0x9880] =	vst v2  }
0x1f9: {  	v2 =	vld.idx.msk [tilespmem:v3+s30+$0x0], $0xffff  }
0x1fa: {  	v3 =	vor.u32 $0x250, v0;
	_ =	sdelay $0x3  }
0x1fb: {  	[tilespmem:$0x9890] =	vst v2  }
0x1fc: {  	v2 =	vld.idx.msk [tilespmem:v3+s30+$0x0], $0xffff  }
0x1fd: {  	v3 =	vor.u32 $0x258, v0;
	_ =	sdelay $0x3  }
0x1fe: {  	[tilespmem:$0x98A0] =	vst v2  }
0x1ff: {  	v2 =	vld.idx.msk [tilespmem:v3+s30+$0x0], $0xffff  }
0x200: {  	v3 =	vor.u32 $0x260, v0;
	_ =	sdelay $0x3  }
0x201: {  	[tilespmem:$0x98B0] =	vst v2  }
0x202: {  	v2 =	vld.idx.msk [tilespmem:v3+s30+$0x0], $0xffff  }
0x203: {  	v3 =	vor.u32 $0x268, v0;
	_ =	sdelay $0x3  }
0x204: {  	[tilespmem:$0x98C0] =	vst v2  }
0x205: {  	v2 =	vld.idx.msk [tilespmem:v3+s30+$0x0], $0xffff  }
0x206: {  	v3 =	vor.u32 $0x270, v0;
	_ =	sdelay $0x3  }
0x207: {  	[tilespmem:$0x98D0] =	vst v2  }
0x208: {  	v2 =	vld.idx.msk [tilespmem:v3+s30+$0x0], $0xffff  }
0x209: {  	v3 =	vor.u32 $0x278, v0;
	_ =	sdelay $0x3  }
0x20a: {  	[tilespmem:$0x98E0] =	vst v2  }
0x20b: {  	v2 =	vld.idx.msk [tilespmem:v3+s30+$0x0], $0xffff  }
0x20c: {  	v3 =	vor.u32 $0x280, v0;
	_ =	sdelay $0x3  }
0x20d: {  	[tilespmem:$0x98F0] =	vst v2  }
0x20e: {  	v2 =	vld.idx.msk [tilespmem:v3+s30+$0x0], $0xffff  }
0x20f: {  	v3 =	vor.u32 $0x288, v0;
	_ =	sdelay $0x3  }
0x210: {  	[tilespmem:$0x9900] =	vst v2  }
0x211: {  	v2 =	vld.idx.msk [tilespmem:v3+s30+$0x0], $0xffff  }
0x212: {  	v3 =	vor.u32 $0x290, v0;
	_ =	sdelay $0x3  }
0x213: {  	[tilespmem:$0x9910] =	vst v2  }
0x214: {  	v2 =	vld.idx.msk [tilespmem:v3+s30+$0x0], $0xffff  }
0x215: {  	v3 =	vor.u32 $0x298, v0;
	_ =	sdelay $0x3  }
0x216: {  	[tilespmem:$0x9920] =	vst v2  }
0x217: {  	v2 =	vld.idx.msk [tilespmem:v3+s30+$0x0], $0xffff  }
0x218: {  	v3 =	vor.u32 $0x2A0, v0;
	_ =	sdelay $0x3  }
0x219: {  	[tilespmem:$0x9930] =	vst v2  }
0x21a: {  	v2 =	vld.idx.msk [tilespmem:v3+s30+$0x0], $0xffff  }
0x21b: {  	v3 =	vor.u32 $0x2A8, v0;
	_ =	sdelay $0x3  }
0x21c: {  	[tilespmem:$0x9940] =	vst v2  }
0x21d: {  	v2 =	vld.idx.msk [tilespmem:v3+s30+$0x0], $0xffff  }
0x21e: {  	v3 =	vor.u32 $0x2B0, v0;
	_ =	sdelay $0x3  }
0x21f: {  	[tilespmem:$0x9950] =	vst v2  }
0x220: {  	v2 =	vld.idx.msk [tilespmem:v3+s30+$0x0], $0xffff  }
0x221: {  	v3 =	vor.u32 $0x2B8, v0;
	_ =	sdelay $0x3  }
0x222: {  	[tilespmem:$0x9960] =	vst v2  }
0x223: {  	v2 =	vld.idx.msk [tilespmem:v3+s30+$0x0], $0xffff  }
0x224: {  	v3 =	vor.u32 $0x2C0, v0;
	_ =	sdelay $0x3  }
0x225: {  	[tilespmem:$0x9970] =	vst v2  }
0x226: {  	v2 =	vld.idx.msk [tilespmem:v3+s30+$0x0], $0xffff  }
0x227: {  	v3 =	vor.u32 $0x2C8, v0;
	_ =	sdelay $0x3  }
0x228: {  	[tilespmem:$0x9980] =	vst v2  }
0x229: {  	v2 =	vld.idx.msk [tilespmem:v3+s30+$0x0], $0xffff  }
0x22a: {  	v3 =	vor.u32 $0x2D0, v0;
	_ =	sdelay $0x3  }
0x22b: {  	[tilespmem:$0x9990] =	vst v2  }
0x22c: {  	v2 =	vld.idx.msk [tilespmem:v3+s30+$0x0], $0xffff  }
0x22d: {  	v3 =	vor.u32 $0x2D8, v0;
	_ =	sdelay $0x3  }
0x22e: {  	[tilespmem:$0x99A0] =	vst v2  }
0x22f: {  	v2 =	vld.idx.msk [tilespmem:v3+s30+$0x0], $0xffff  }
0x230: {  	v3 =	vor.u32 $0x2E0, v0;
	_ =	sdelay $0x3  }
0x231: {  	[tilespmem:$0x99B0] =	vst v2  }
0x232: {  	v2 =	vld.idx.msk [tilespmem:v3+s30+$0x0], $0xffff  }
0x233: {  	v3 =	vor.u32 $0x2E8, v0;
	_ =	sdelay $0x3  }
0x234: {  	[tilespmem:$0x99C0] =	vst v2  }
0x235: {  	v2 =	vld.idx.msk [tilespmem:v3+s30+$0x0], $0xffff  }
0x236: {  	v3 =	vor.u32 $0x2F0, v0;
	_ =	sdelay $0x3  }
0x237: {  	[tilespmem:$0x99D0] =	vst v2  }
0x238: {  	v2 =	vld.idx.msk [tilespmem:v3+s30+$0x0], $0xffff  }
0x239: {  	v3 =	vor.u32 $0x2F8, v0;
	_ =	sdelay $0x3  }
0x23a: {  	[tilespmem:$0x99E0] =	vst v2  }
0x23b: {  	v2 =	vld.idx.msk [tilespmem:v3+s30+$0x0], $0xffff  }
0x23c: {  	v3 =	vor.u32 $0x300, v0;
	_ =	sdelay $0x3  }
0x23d: {  	[tilespmem:$0x99F0] =	vst v2  }
0x23e: {  	v2 =	vld.idx.msk [tilespmem:v3+s30+$0x0], $0xffff  }
0x23f: {  	v3 =	vor.u32 $0x308, v0;
	_ =	sdelay $0x3  }
0x240: {  	[tilespmem:$0x9A00] =	vst v2  }
0x241: {  	v2 =	vld.idx.msk [tilespmem:v3+s30+$0x0], $0xffff  }
0x242: {  	v3 =	vor.u32 $0x310, v0;
	_ =	sdelay $0x3  }
0x243: {  	[tilespmem:$0x9A10] =	vst v2  }
0x244: {  	v2 =	vld.idx.msk [tilespmem:v3+s30+$0x0], $0xffff  }
0x245: {  	v3 =	vor.u32 $0x318, v0;
	_ =	sdelay $0x3  }
0x246: {  	[tilespmem:$0x9A20] =	vst v2  }
0x247: {  	v2 =	vld.idx.msk [tilespmem:v3+s30+$0x0], $0xffff  }
0x248: {  	v3 =	vor.u32 $0x320, v0;
	_ =	sdelay $0x3  }
0x249: {  	[tilespmem:$0x9A30] =	vst v2  }
0x24a: {  	v2 =	vld.idx.msk [tilespmem:v3+s30+$0x0], $0xffff  }
0x24b: {  	v3 =	vor.u32 $0x328, v0;
	_ =	sdelay $0x3  }
0x24c: {  	[tilespmem:$0x9A40] =	vst v2  }
0x24d: {  	v2 =	vld.idx.msk [tilespmem:v3+s30+$0x0], $0xffff  }
0x24e: {  	v3 =	vor.u32 $0x330, v0;
	_ =	sdelay $0x3  }
0x24f: {  	[tilespmem:$0x9A50] =	vst v2  }
0x250: {  	v2 =	vld.idx.msk [tilespmem:v3+s30+$0x0], $0xffff  }
0x251: {  	v3 =	vor.u32 $0x338, v0;
	_ =	sdelay $0x3  }
0x252: {  	[tilespmem:$0x9A60] =	vst v2  }
0x253: {  	v2 =	vld.idx.msk [tilespmem:v3+s30+$0x0], $0xffff  }
0x254: {  	v3 =	vor.u32 $0x340, v0;
	_ =	sdelay $0x3  }
0x255: {  	[tilespmem:$0x9A70] =	vst v2  }
0x256: {  	v2 =	vld.idx.msk [tilespmem:v3+s30+$0x0], $0xffff  }
0x257: {  	v3 =	vor.u32 $0x348, v0;
	_ =	sdelay $0x3  }
0x258: {  	[tilespmem:$0x9A80] =	vst v2  }
0x259: {  	v2 =	vld.idx.msk [tilespmem:v3+s30+$0x0], $0xffff  }
0x25a: {  	v3 =	vor.u32 $0x350, v0;
	_ =	sdelay $0x3  }
0x25b: {  	[tilespmem:$0x9A90] =	vst v2  }
0x25c: {  	v2 =	vld.idx.msk [tilespmem:v3+s30+$0x0], $0xffff  }
0x25d: {  	v3 =	vor.u32 $0x358, v0;
	_ =	sdelay $0x3  }
0x25e: {  	[tilespmem:$0x9AA0] =	vst v2  }
0x25f: {  	v2 =	vld.idx.msk [tilespmem:v3+s30+$0x0], $0xffff  }
0x260: {  	v3 =	vor.u32 $0x360, v0;
	_ =	sdelay $0x3  }
0x261: {  	[tilespmem:$0x9AB0] =	vst v2  }
0x262: {  	v2 =	vld.idx.msk [tilespmem:v3+s30+$0x0], $0xffff  }
0x263: {  	v3 =	vor.u32 $0x368, v0;
	_ =	sdelay $0x3  }
0x264: {  	[tilespmem:$0x9AC0] =	vst v2  }
0x265: {  	v2 =	vld.idx.msk [tilespmem:v3+s30+$0x0], $0xffff  }
0x266: {  	v3 =	vor.u32 $0x370, v0;
	_ =	sdelay $0x3  }
0x267: {  	[tilespmem:$0x9AD0] =	vst v2  }
0x268: {  	v2 =	vld.idx.msk [tilespmem:v3+s30+$0x0], $0xffff  }
0x269: {  	v3 =	vor.u32 $0x378, v0;
	_ =	sdelay $0x3  }
0x26a: {  	[tilespmem:$0x9AE0] =	vst v2  }
0x26b: {  	v2 =	vld.idx.msk [tilespmem:v3+s30+$0x0], $0xffff  }
0x26c: {  	v3 =	vor.u32 $0x380, v0;
	_ =	sdelay $0x3  }
0x26d: {  	[tilespmem:$0x9AF0] =	vst v2  }
0x26e: {  	v2 =	vld.idx.msk [tilespmem:v3+s30+$0x0], $0xffff  }
0x26f: {  	v3 =	vor.u32 $0x388, v0;
	_ =	sdelay $0x3  }
0x270: {  	[tilespmem:$0x9B00] =	vst v2  }
0x271: {  	v2 =	vld.idx.msk [tilespmem:v3+s30+$0x0], $0xffff  }
0x272: {  	v3 =	vor.u32 $0x390, v0;
	_ =	sdelay $0x3  }
0x273: {  	[tilespmem:$0x9B10] =	vst v2  }
0x274: {  	v2 =	vld.idx.msk [tilespmem:v3+s30+$0x0], $0xffff  }
0x275: {  	v3 =	vor.u32 $0x398, v0;
	_ =	sdelay $0x3  }
0x276: {  	[tilespmem:$0x9B20] =	vst v2  }
0x277: {  	v2 =	vld.idx.msk [tilespmem:v3+s30+$0x0], $0xffff  }
0x278: {  	v3 =	vor.u32 $0x3A0, v0;
	_ =	sdelay $0x3  }
0x279: {  	[tilespmem:$0x9B30] =	vst v2  }
0x27a: {  	v2 =	vld.idx.msk [tilespmem:v3+s30+$0x0], $0xffff  }
0x27b: {  	v3 =	vor.u32 $0x3A8, v0;
	_ =	sdelay $0x3  }
0x27c: {  	[tilespmem:$0x9B40] =	vst v2  }
0x27d: {  	v2 =	vld.idx.msk [tilespmem:v3+s30+$0x0], $0xffff  }
0x27e: {  	v3 =	vor.u32 $0x3B0, v0;
	_ =	sdelay $0x3  }
0x27f: {  	[tilespmem:$0x9B50] =	vst v2  }
0x280: {  	v2 =	vld.idx.msk [tilespmem:v3+s30+$0x0], $0xffff  }
0x281: {  	v3 =	vor.u32 $0x3B8, v0;
	_ =	sdelay $0x3  }
0x282: {  	[tilespmem:$0x9B60] =	vst v2  }
0x283: {  	v2 =	vld.idx.msk [tilespmem:v3+s30+$0x0], $0xffff  }
0x284: {  	v3 =	vor.u32 $0x3C0, v0;
	_ =	sdelay $0x3  }
0x285: {  	[tilespmem:$0x9B70] =	vst v2  }
0x286: {  	v2 =	vld.idx.msk [tilespmem:v3+s30+$0x0], $0xffff  }
0x287: {  	v3 =	vor.u32 $0x3C8, v0;
	_ =	sdelay $0x3  }
0x288: {  	[tilespmem:$0x9B80] =	vst v2  }
0x289: {  	v2 =	vld.idx.msk [tilespmem:v3+s30+$0x0], $0xffff  }
0x28a: {  	v3 =	vor.u32 $0x3D0, v0;
	_ =	sdelay $0x3  }
0x28b: {  	[tilespmem:$0x9B90] =	vst v2  }
0x28c: {  	v2 =	vld.idx.msk [tilespmem:v3+s30+$0x0], $0xffff  }
0x28d: {  	v3 =	vor.u32 $0x3D8, v0;
	_ =	sdelay $0x3  }
0x28e: {  	[tilespmem:$0x9BA0] =	vst v2  }
0x28f: {  	v2 =	vld.idx.msk [tilespmem:v3+s30+$0x0], $0xffff  }
0x290: {  	v3 =	vor.u32 $0x3E0, v0;
	_ =	sdelay $0x3  }
0x291: {  	[tilespmem:$0x9BB0] =	vst v2  }
0x292: {  	v2 =	vld.idx.msk [tilespmem:v3+s30+$0x0], $0xffff  }
0x293: {  	v3 =	vor.u32 $0x3E8, v0;
	_ =	sdelay $0x3  }
0x294: {  	[tilespmem:$0x9BC0] =	vst v2  }
0x295: {  	v2 =	vld.idx.msk [tilespmem:v3+s30+$0x0], $0xffff  }
0x296: {  	v3 =	vor.u32 $0x3F0, v0;
	_ =	sdelay $0x3  }
0x297: {  	[tilespmem:$0x9BD0] =	vst v2  }
0x298: {  	v2 =	vld.idx.msk [tilespmem:v3+s30+$0x0], $0xffff  }
0x299: {  	v3 =	vor.u32 $0x3F8, v0;
	_ =	sdelay $0x3  }
0x29a: {  	[tilespmem:$0x9BE0] =	vst v2  }
0x29b: {  	v2 =	vld.idx.msk [tilespmem:v3+s30+$0x0], $0xffff;
	_ =	sdelay $0x4  }
0x29c: {  	[tilespmem:$0x9BF0] =	vst v2  }
0x29d: {  	_ =	swait.ge [sflag:s20], $0x80  }
0x29e: {  	[sflag:s20] =	ssyncset.done $0x0  }
0x29f: {  	[sflag:s20] =	ssyncadd.s32 $0xFFFFFF80  }
0x2a0: {  	_ =	swait.ge [sflag:s20], $0x80  }
0x2a1: {  	[sflag:s20] =	ssyncset.done $0x0  }
0x2a2: {  	[sflag:s20] =	ssyncadd.s32 $0xFFFFFF80  }
0x2a3: {  	_ =	swait.ge [sflag:s20], $0x80  }
0x2a4: {  	[sflag:s20] =	ssyncset.done $0x0  }
0x2a5: {  	[sflag:s20] =	ssyncadd.s32 $0xFFFFFF80  }
0x2a6: {  	_ =	swait.ge [sflag:s20], $0x80  }
0x2a7: {  	[sflag:s20] =	ssyncset.done $0x0  }
0x2a8: {  	[sflag:s20] =	ssyncadd.s32 $0xFFFFFF80  }
0x2a9: {  	_ =	swait.ge [sflag:s20], $0x80  }
0x2aa: {  	[sflag:s20] =	ssyncset.done $0x0  }
0x2ab: {  	[sflag:s20] =	ssyncadd.s32 $0xFFFFFF80  }
0x2ac: {  	_ =	swait.ge [sflag:s20], $0x80  }
0x2ad: {  	[sflag:s20] =	ssyncset.done $0x0  }
0x2ae: {  	[sflag:s20] =	ssyncadd.s32 $0xFFFFFF80  }
0x2af: {  	_ =	swait.ge [sflag:s20], $0x80  }
0x2b0: {  	[sflag:s20] =	ssyncset.done $0x0  }
0x2b1: {  	[sflag:s20] =	ssyncadd.s32 $0xFFFFFF80  }
0x2b2: {  	_ =	swait.ge [sflag:s20], $0x80  }
0x2b3: {  	[sflag:s20] =	ssyncset.done $0x0  }
0x2b4: {  	[sflag:s20] =	ssyncadd.s32 $0xFFFFFF80  }
0x2b5: {  	_ =	swait.ge [sflag:s20], $0x80  }
0x2b6: {  	[sflag:s20] =	ssyncset.done $0x0  }
0x2b7: {  	[sflag:s20] =	ssyncadd.s32 $0xFFFFFF80  }
0x2b8: {  	_ =	swait.ge [sflag:s20], $0x80  }
0x2b9: {  	[sflag:s20] =	ssyncset.done $0x0  }
0x2ba: {  	[sflag:s20] =	ssyncadd.s32 $0xFFFFFF80  }
0x2bb: {  	_ =	swait.ge [sflag:s20], $0x80  }
0x2bc: {  	[sflag:s20] =	ssyncset.done $0x0  }
0x2bd: {  	[sflag:s20] =	ssyncadd.s32 $0xFFFFFF80  }
0x2be: {  	_ =	swait.ge [sflag:s20], $0x80  }
0x2bf: {  	[sflag:s20] =	ssyncset.done $0x0  }
0x2c0: {  	[sflag:s20] =	ssyncadd.s32 $0xFFFFFF80  }
0x2c1: {  	_ =	swait.ge [sflag:s20], $0x80  }
0x2c2: {  	[sflag:s20] =	ssyncset.done $0x0  }
0x2c3: {  	[sflag:s20] =	ssyncadd.s32 $0xFFFFFF80  }
0x2c4: {  	_ =	swait.ge [sflag:s20], $0x80  }
0x2c5: {  	[sflag:s20] =	ssyncset.done $0x0  }
0x2c6: {  	[sflag:s20] =	ssyncadd.s32 $0xFFFFFF80  }
0x2c7: {  	_ =	swait.ge [sflag:s20], $0x80  }
0x2c8: {  	[sflag:s20] =	ssyncset.done $0x0  }
0x2c9: {  	[sflag:s20] =	ssyncadd.s32 $0xFFFFFF80  }
0x2ca: {  	_ =	swait.ge [sflag:s20], $0x80  }
0x2cb: {  	[sflag:s20] =	ssyncset.done $0x0  }
0x2cc: {  	s23 =	rddreg [dreg:$0x16];
	[sflag:s20] =	ssyncadd.s32 $0xFFFFFF80  }
0x2cd: {  	[spmem:s3] =	stream.indirect.scatter.add.f32 [tilespmem:s23], [sflag:$0x2], $0x1, s2, s31, $0xb8;
	[tilespmem:$0xA400] =	vst v63  }
0x2ce: {  	_ =	swait.ge [sflag:s28], $0x80  }
0x2cf: {  	[sflag:s28] =	ssyncset.done $0x0  }
0x2d0: {  	s26 =	rddreg [dreg:$0x17];
	[sflag:s28] =	ssyncadd.s32 $0xFFFFFF80  }
0x2d1: {  	[spmem:s3] =	stream.indirect.scatter.add.f32 [tilespmem:s26], [sflag:$0x2], $0x1, s0, s31, $0xb8;
	[tilespmem:$0xA400] =	vst v63  }
0x2d2: {  	_ =	swait.ge [sflag:s28], $0x80  }
0x2d3: {  	[sflag:s28] =	ssyncset.done $0x0  }
0x2d4: {  	s23 =	rddreg [dreg:$0x18];
	[sflag:s28] =	ssyncadd.s32 $0xFFFFFF80  }
0x2d5: {  	[spmem:s3] =	stream.indirect.scatter.add.f32 [tilespmem:s23], [sflag:$0x2], $0x1, s6, s31, $0xb8;
	[tilespmem:$0xA400] =	vst v63  }
0x2d6: {  	_ =	swait.ge [sflag:s28], $0x80  }
0x2d7: {  	[sflag:s28] =	ssyncset.done $0x0  }
0x2d8: {  	s26 =	rddreg [dreg:$0x19];
	[sflag:s28] =	ssyncadd.s32 $0xFFFFFF80  }
0x2d9: {  	[spmem:s3] =	stream.indirect.scatter.add.f32 [tilespmem:s26], [sflag:$0x2], $0x1, s7, s31, $0xb8;
	[tilespmem:$0xA400] =	vst v63  }
0x2da: {  	_ =	swait.ge [sflag:s28], $0x80  }
0x2db: {  	[sflag:s28] =	ssyncset.done $0x0  }
0x2dc: {  	s23 =	rddreg [dreg:$0x1a];
	[sflag:s28] =	ssyncadd.s32 $0xFFFFFF80  }
0x2dd: {  	[spmem:s3] =	stream.indirect.scatter.add.f32 [tilespmem:s23], [sflag:$0x2], $0x1, s8, s31, $0xb8;
	[tilespmem:$0xA400] =	vst v63  }
0x2de: {  	_ =	swait.ge [sflag:s28], $0x80  }
0x2df: {  	[sflag:s28] =	ssyncset.done $0x0  }
0x2e0: {  	s26 =	rddreg [dreg:$0x1b];
	[sflag:s28] =	ssyncadd.s32 $0xFFFFFF80  }
0x2e1: {  	[spmem:s3] =	stream.indirect.scatter.add.f32 [tilespmem:s26], [sflag:$0x2], $0x1, s9, s31, $0xb8;
	[tilespmem:$0xA400] =	vst v63  }
0x2e2: {  	_ =	swait.ge [sflag:s28], $0x80  }
0x2e3: {  	[sflag:s28] =	ssyncset.done $0x0  }
0x2e4: {  	s23 =	rddreg [dreg:$0x1c];
	[sflag:s28] =	ssyncadd.s32 $0xFFFFFF80  }
0x2e5: {  	[spmem:s3] =	stream.indirect.scatter.add.f32 [tilespmem:s23], [sflag:$0x2], $0x1, s10, s31, $0xb8;
	[tilespmem:$0xA400] =	vst v63  }
0x2e6: {  	_ =	swait.ge [sflag:s28], $0x80  }
0x2e7: {  	[sflag:s28] =	ssyncset.done $0x0  }
0x2e8: {  	s26 =	rddreg [dreg:$0x1d];
	[sflag:s28] =	ssyncadd.s32 $0xFFFFFF80  }
0x2e9: {  	[spmem:s3] =	stream.indirect.scatter.add.f32 [tilespmem:s26], [sflag:$0x2], $0x1, s11, s31, $0xb8;
	[tilespmem:$0xA400] =	vst v63  }
0x2ea: {  	_ =	swait.ge [sflag:s28], $0x80  }
0x2eb: {  	[sflag:s28] =	ssyncset.done $0x0  }
0x2ec: {  	s23 =	rddreg [dreg:$0x1e];
	[sflag:s28] =	ssyncadd.s32 $0xFFFFFF80  }
0x2ed: {  	[spmem:s3] =	stream.indirect.scatter.add.f32 [tilespmem:s23], [sflag:$0x2], $0x1, s12, s31, $0xb8;
	[tilespmem:$0xA400] =	vst v63  }
0x2ee: {  	_ =	swait.ge [sflag:s28], $0x80  }
0x2ef: {  	[sflag:s28] =	ssyncset.done $0x0  }
0x2f0: {  	s26 =	rddreg [dreg:$0x1f];
	[sflag:s28] =	ssyncadd.s32 $0xFFFFFF80  }
0x2f1: {  	[spmem:s3] =	stream.indirect.scatter.add.f32 [tilespmem:s26], [sflag:$0x2], $0x1, s13, s31, $0xb8;
	[tilespmem:$0xA400] =	vst v63  }
0x2f2: {  	_ =	swait.ge [sflag:s28], $0x80  }
0x2f3: {  	s23 =	sld [smem:$0x7F4]  }
0x2f4: {  	[sflag:s28] =	ssyncset.done $0x0  }
0x2f5: {  	[sflag:s28] =	ssyncadd.s32 $0xFFFFFF80  }
0x2f6: {  	[spmem:s3] =	stream.indirect.scatter.add.f32 [tilespmem:s23], [sflag:$0x2], $0x1, s14, s31, $0xb8;
	[tilespmem:$0xA400] =	vst v63  }
0x2f7: {  	_ =	swait.ge [sflag:s28], $0x80  }
0x2f8: {  	s26 =	sld [smem:$0x7F6]  }
0x2f9: {  	[sflag:s28] =	ssyncset.done $0x0  }
0x2fa: {  	[sflag:s28] =	ssyncadd.s32 $0xFFFFFF80  }
0x2fb: {  	[spmem:s3] =	stream.indirect.scatter.add.f32 [tilespmem:s26], [sflag:$0x2], $0x1, s15, s31, $0xb8;
	[tilespmem:$0xA400] =	vst v63  }
0x2fc: {  	_ =	swait.ge [sflag:s28], $0x80  }
0x2fd: {  	s23 =	sld [smem:$0x7F7]  }
0x2fe: {  	[sflag:s28] =	ssyncset.done $0x0  }
0x2ff: {  	[sflag:s28] =	ssyncadd.s32 $0xFFFFFF80  }
0x300: {  	[spmem:s3] =	stream.indirect.scatter.add.f32 [tilespmem:s23], [sflag:$0x2], $0x1, s16, s31, $0xb8;
	[tilespmem:$0xA400] =	vst v63  }
0x301: {  	_ =	swait.ge [sflag:s28], $0x80  }
0x302: {  	s26 =	sld [smem:$0x7F8]  }
0x303: {  	[sflag:s28] =	ssyncset.done $0x0  }
0x304: {  	[sflag:s28] =	ssyncadd.s32 $0xFFFFFF80  }
0x305: {  	[spmem:s3] =	stream.indirect.scatter.add.f32 [tilespmem:s26], [sflag:$0x2], $0x1, s17, s31, $0xb8;
	[tilespmem:$0xA400] =	vst v63  }
0x306: {  	_ =	swait.ge [sflag:s28], $0x80  }
0x307: {  	[sflag:s28] =	ssyncset.done $0x0  }
0x308: {  	[sflag:s28] =	ssyncadd.s32 $0xFFFFFF80  }
0x309: {  	[spmem:s3] =	stream.indirect.scatter.add.f32 [tilespmem:s21], [sflag:$0x2], $0x1, s18, s31, $0xb8;
	[tilespmem:$0xA400] =	vst v63  }
0x30a: {  	_ =	swait.ge [sflag:s28], $0x80  }
0x30b: {  	p1 =	sne.s32 s25, $0x1E00;
	[sflag:s28] =	ssyncset.done $0x0  }
.Ltmp0:
0x30c: {  	[sflag:s28] =	ssyncadd.s32 $0xFFFFFF80;
	(pc) =	sbr.rel @p1 .LBB2_2-.Ltmp0, $4  }
0x30d: {  	[spmem:s3] =	stream.indirect.scatter.add.f32 [tilespmem:s22], [sflag:$0x2], $0x1, s19, s31, $0xb8;
	[tilespmem:$0xA400] =	vst v63  }
0x30e: {  	_ =	swait.ge [sflag:s28], $0x80  }
0x30f: {  	[sflag:s28] =	ssyncset.done $0x0  }
0x310: {  	s24 =	sadd.s32 $0x100, s24;
	s25 =	sadd.s32 $0x80, s25;
	[sflag:s28] =	ssyncadd.s32 $0xFFFFFF80  }
0x311: {  	s24 =	sld [smem:$0x7F3];
	_ =	sdelay $0x1  }
0x312: {  	s5 =	simm.s32 @!p0 $0x0;
	s23 =	simm.s32 @!p0 $0x8000  }
0x313: {  	[tilespmem:s23], [sflag:$0x2] =	stream.linear.gather @!p0 [hbm4b:s24+s5], $0x80, $0x38;
	[tilespmem:$0xA400] =	vst v63  }
0x314: {  	s24 =	simm.s32 @!p0 $0x2  }
0x315: {  	_ =	swait.ge @!p0 [sflag:s24], $0x80  }
0x316: {  	s26 =	sld [smem:$0x7F0]  }
0x317: {  	[sflag:s24] =	ssyncset.done @!p0 $0x0  }
0x318: {  	s25 =	simm.s32 @!p0 $0x8800;
	v2 =	vlaneseq.u32 @!p0;
	[sflag:s24] =	ssyncadd.s32 @!p0 $0xFFFFFF80  }
0x319: {  	v2 =	vshrl.u32 @!p0 v2, $0x1;
	[tilespmem:s25], [sflag:$0x2] =	stream.linear.gather @!p0 [hbm4b:s26+s5], $0x40, $0x38;
	[tilespmem:$0xA400] =	vst v63  }
0x31a: {  	_ =	swait.ge @!p0 [sflag:s24], $0x40  }
0x31b: {  	[sflag:s24] =	ssyncset.done @!p0 $0x0  }
0x31c: {  	s5 =	simm.s32 @!p0 $0x80;
	s26 =	simm.s32 @!p0 $0x8C00;
	[sflag:s24] =	ssyncadd.s32 @!p0 $0xFFFFFFC0  }
0x31d: {  	[tilespmem:s26], [sflag:$0x1] =	stream.indirect.gather @!p0 [hbm4b:s1+s5], $0x1, s23, s5, $0xb8;
	[tilespmem:$0xA400] =	vst v63  }
0x31e: {  	v3 =	vld.idx.msk @!p0 [tilespmem:v2+s25+$0x0], $0xffff  }
0x31f: {  	v4 =	vor.u32 @!p0 $0x8, v2;
	_ =	sdelay $0x3  }
0x320: {  	[tilespmem:$0x9400] =	vst @!p0 v3  }
0x321: {  	v3 =	vld.idx.msk @!p0 [tilespmem:v4+s25+$0x0], $0xffff  }
0x322: {  	v4 =	vor.u32 @!p0 $0x10, v2;
	_ =	sdelay $0x3  }
0x323: {  	[tilespmem:$0x9410] =	vst @!p0 v3  }
0x324: {  	v3 =	vld.idx.msk @!p0 [tilespmem:v4+s25+$0x0], $0xffff  }
0x325: {  	v4 =	vor.u32 @!p0 $0x18, v2;
	_ =	sdelay $0x3  }
0x326: {  	[tilespmem:$0x9420] =	vst @!p0 v3  }
0x327: {  	v3 =	vld.idx.msk @!p0 [tilespmem:v4+s25+$0x0], $0xffff  }
0x328: {  	v4 =	vor.u32 @!p0 $0x20, v2;
	_ =	sdelay $0x3  }
0x329: {  	[tilespmem:$0x9430] =	vst @!p0 v3  }
0x32a: {  	v3 =	vld.idx.msk @!p0 [tilespmem:v4+s25+$0x0], $0xffff  }
0x32b: {  	v4 =	vor.u32 @!p0 $0x28, v2;
	_ =	sdelay $0x3  }
0x32c: {  	[tilespmem:$0x9440] =	vst @!p0 v3  }
0x32d: {  	v3 =	vld.idx.msk @!p0 [tilespmem:v4+s25+$0x0], $0xffff  }
0x32e: {  	v4 =	vor.u32 @!p0 $0x30, v2;
	_ =	sdelay $0x3  }
0x32f: {  	[tilespmem:$0x9450] =	vst @!p0 v3  }
0x330: {  	v3 =	vld.idx.msk @!p0 [tilespmem:v4+s25+$0x0], $0xffff  }
0x331: {  	v2 =	vor.u32 @!p0 $0x38, v2;
	_ =	sdelay $0x2  }
0x332: {  	v24 =	vmov v23  }
0x333: {  	v23 =	vmovc v22;
	v22 =	vmovc v21;
	v21 =	vmov v20;
	v20 =	vmov v19;
	v19 =	vmov v18;
	[tilespmem:$0x9460] =	vst @!p0 v3  }
0x334: {  	v18 =	vmovc v17;
	v17 =	vmovc v16;
	v16 =	vmov v15;
	v15 =	vmov v14;
	v14 =	vmov v13;
	v2 =	vld.idx.msk @!p0 [tilespmem:v2+s25+$0x0], $0xffff  }
0x335: {  	v13 =	vmovc v12;
	v12 =	vmovc v11;
	v11 =	vmov v10;
	v10 =	vmov v9;
	v9 =	vmov v8;
	_ =	sdelay $0x1  }
0x336: {  	v8 =	vmov v9  }
0x337: {  	v9 =	vmovc v10;
	v10 =	vmovc v11;
	v11 =	vmov v12;
	v12 =	vmov v13;
	v13 =	vmov v14  }
0x338: {  	v14 =	vmovc v15;
	v15 =	vmovc v16;
	v16 =	vmov v17;
	v17 =	vmov v18;
	v18 =	vmov v19;
	s23 =	simm.s32 @!p0 $0x1;
	[tilespmem:$0x9470] =	vst @!p0 v2  }
0x339: {  	v19 =	vmovc v20;
	v20 =	vmovc v21;
	v21 =	vmov v22;
	v22 =	vmov v23;
	v23 =	vmov v24;
	v24 =	vld [tilespmem:$0x1FFF0];
	_ =	swait.ge @!p0 [sflag:s23], $0x80  }
0x33a: {  	[sflag:s23] =	ssyncset.done @!p0 $0x0  }
0x33b: {  	[sflag:s23] =	ssyncadd.s32 @!p0 $0xFFFFFF80;
	s23 =	simm.s32 @!p0 $0x9400  }
0x33c: {  	[spmem:s3] =	stream.indirect.scatter.add.f32 @!p0 [tilespmem:s23], [sflag:$0x2], $0x1, s26, s5, $0xb8;
	[tilespmem:$0xA400] =	vst v63  }
0x33d: {  	_ =	swait.ge @!p0 [sflag:s24], $0x80  }
0x33e: {  	[sflag:s24] =	ssyncset.done @!p0 $0x0  }
0x33f: {  	[sflag:s24] =	ssyncadd.s32 @!p0 $0xFFFFFF80  }
0x340: {  	[bflag:$0x0] =	sbarrier.arrive $0xFFFF  }
0x341: {  	s21 =	sld [smem:$0x7FD]  }
0x342: {  	s24 =	stileid.u32;
	s25 =	sld [smem:$0x7FA]  }
0x343: {  	s26 =	simm.s32 $0x20;
	s5 =	sshll.u32 s24, $0x6  }
0x344: {  	s24 =	simm.s32 $0x10;
	s5 =	sor.u32 $0x1C02, s5;
	s23 =	sshrl.u32 s21, $0x3  }
0x345: {  	[hbm:s25@s26], [sflag:s5] =	dma.strided [spmem:s23@s24], $0x1000, s20, $0x10   }
0x346: {  	_ =	swait.ge [sflag:s28], $0x1000  }
0x347: {  	s25 =	sld [smem:$0x7E4]  }
0x348: {  	s26 =	sld [smem:$0x7FC];
	_ =	sdelay $0x1  }
0x349: {  	s23 =	sadd.s32 $0x1, s25  }
0x34a: {  	p1 =	sne.s32 s23, s26  }
.Ltmp1:
0x34b: {  	_ = 	snop;
	(pc) =	sbr.rel @p1 .LBB2_1-.Ltmp1, $3  }
0x34c: {  	_ =	sdelay $0x1  }
0x34d: {  	[sflag:s28] =	ssyncset.done $0x0  }
0x34e: {  	s24 =	smov.u32 s21;
	s21 =	simm.s32 $0x9B00;
	[sflag:s28] =	ssyncadd.s32 $0xFFFFF000  }
0x34f: {  	_ =	sfence.sel $0x180000  }
0x350: {  	[bflag:$0x0] =	sbarrier.arrive $0xFFFF  }
0x351: {  	_ =	strace $0x90000047  }
0x352: {  	s0 =	stileid.u32;
	[bflag:$0x2] =	sbarrier.arrive $0xFFFF  }
0x353: {  	p0 =	sne.s32 s0, $0x0;
	s0 =	rddreg [dreg:$0x5]  }
0x354: {  	s0 =	sadd.s32 @!p0 $0x100000, s0  }
0x355: {  	[sflag:s0] =	ssyncadd.tile.s32 @!p0 $0x1;
	_ =	shalt  }
.Lfunc_end2:
_tile_overlayer_lowered:
.L_overlay_start_2:
0x356: {  	(tag) =	ssettag $0x2  }
0x357: {  	s0 =	rddreg [dreg:$0x0];
	s2 =	stileid.u32  }
0x358: {  	s1 =	rddreg [dreg:$0x1];
	p0 =	sne.s32 s2, $0x0  }
0x359: {  	s3 =	rddreg [dreg:$0x2];
	[bflag:$0x3] =	sbarrier.arrive $0xFFFF;
	s2 =	simm.s32 @!p0 $0x1C02  }
0x35a: {  	[timem:s3], [sflag:s2] =	dma.local @!p0 [hbm:s0], s1  }
0x35b: {  	s0 =	simm.s32 @!p0 $0x2  }
0x35c: {  	_ =	swait.ge @!p0 [sflag:s0], s1  }
0x35d: {  	s1 =	ssub.s32 @!p0 $0x0, s1;
	[sflag:s0] =	ssyncset.done @!p0 $0x0  }
0x35e: {  	[sflag:s0] =	ssyncadd.s32 @!p0 s1  }
0x35f: {  	[bflag:$0x3] =	sbarrier.arrive $0xFFFF  }
0x360: {  	_ =	shalt  }

</sc_bundles>
